<compile_context>
chip_gen: v7x
topology: tpu7x:2x2x1
jax: 0.10.2.dev20260603
libtpu: 0.0.44.dev20260713+nightly
codegen_flags: <defaults>
</compile_context>

<pallas_src>
import functools

import jax
import jax.numpy as jnp
from jax import lax
from jax.experimental import pallas as pl
from jax.experimental.pallas import tpu as pltpu
from jax.experimental.pallas import tpu_sc as plsc

N = 10000
E = 320000
D_IN = 128
D_HID = 64
D_OUT = 10
D_OUT_PAD = 16

NC = 2
NS = 16
NW = NC * NS
CH = 128
NCHUNKS = E // CH
CPT = NCHUNKS // NW
REM = NCHUNKS - CPT * NW
NCH = CPT + 1

RPT = 632
N_ACC = RPT * NS
DPT = 640
N_DEG = DPT * NS


def _mesh():
    return plsc.VectorSubcoreMesh(core_axis_name="c", subcore_axis_name="s")


@functools.partial(
    pl.kernel,
    mesh=_mesh(),
    compiler_params=pltpu.CompilerParams(use_tc_tiling_on_sc=False),
    out_type=jax.ShapeDtypeStruct((NC * N_DEG,), jnp.float32),
    scratch_types=[
        pltpu.VMEM((NCH, CH), jnp.int32),
        pltpu.VMEM((CH,), jnp.float32),
        pltpu.VMEM((DPT,), jnp.float32),
        pltpu.VMEM_SHARED((N_DEG,), jnp.float32),
        pltpu.SemaphoreType.DMA,
        pltpu.SemaphoreType.DMA,
        pltpu.SemaphoreType.DMA,
        pltpu.SemaphoreType.DMA,
    ],
)
def _deg_kernel(ei3_hbm, out_hbm, idx_v, ones_v, zb_v, acc_sh,
                d0, d1, d2, d3):
    cid = lax.axis_index("c")
    sid = lax.axis_index("s")
    w = sid * NC + cid
    pltpu.sync_copy(ei3_hbm.at[1, pl.ds(w * CPT, CPT)],
                    idx_v.at[pl.ds(0, CPT)])

    @pl.when(w < REM)
    def _():
        pltpu.sync_copy(ei3_hbm.at[1, pl.ds(NW * CPT + w, 1)],
                        idx_v.at[pl.ds(CPT, 1)])

    nch = CPT + jnp.where(w < REM, 1, 0)
    for i in range(CH // 16):
        ones_v[pl.ds(i * 16, 16)] = jnp.ones((16,), jnp.float32)
    for i in range(DPT // 16):
        zb_v[pl.ds(i * 16, 16)] = jnp.zeros((16,), jnp.float32)
    pltpu.sync_copy(zb_v, acc_sh.at[pl.ds(sid * DPT, DPT)])
    plsc.subcore_barrier()

    dsem = (d0, d1, d2, d3)

    def body(g, carry):
        for b in range(4):
            c = g * 4 + b

            @pl.when(c < nch)
            def _():
                @pl.when(c >= 4)
                def _():
                    pltpu.make_async_copy(
                        ones_v, acc_sh.at[idx_v.at[c - 4]], dsem[b]).wait()

                pltpu.async_copy(
                    ones_v, acc_sh.at[idx_v.at[c]], dsem[b], add=True)
        return carry

    lax.fori_loop(0, (NCH + 3) // 4, body, 0)

    @pl.when(w < REM)
    def _():
        for k in range(4):
            cc = NCH - 4 + k
            pltpu.make_async_copy(
                ones_v, acc_sh.at[idx_v.at[cc]], dsem[cc % 4]).wait()

    @pl.when(w >= REM)
    def _():
        for k in range(4):
            cc = CPT - 4 + k
            pltpu.make_async_copy(
                ones_v, acc_sh.at[idx_v.at[cc]], dsem[cc % 4]).wait()

    plsc.subcore_barrier()
    pltpu.sync_copy(acc_sh.at[pl.ds(sid * DPT, DPT)],
                    out_hbm.at[pl.ds(cid * N_DEG + sid * DPT, DPT)])


def _make_agg(d, nb, la):
    scratch = (
        [pltpu.VMEM((NCH, CH), jnp.int32)] * 2
        + [pltpu.VMEM((CH, d), jnp.float32)] * nb
        + [pltpu.VMEM_SHARED((N_ACC, d), jnp.float32)]
        + [pltpu.SemaphoreType.DMA] * (2 * nb)
    )

    @functools.partial(
        pl.kernel,
        mesh=_mesh(),
        compiler_params=pltpu.CompilerParams(use_tc_tiling_on_sc=False),
        out_type=jax.ShapeDtypeStruct((NC, N_ACC, d), jnp.float32),
        scratch_types=scratch,
    )
    def agg(h_hbm, ei3_hbm, zeros_hbm, out_hbm, *scr):
        src_v, dst_v = scr[0], scr[1]
        rows = scr[2:2 + nb]
        acc_sh = scr[2 + nb]
        gs = scr[3 + nb:3 + 2 * nb]
        ss = scr[3 + 2 * nb:3 + 3 * nb]
        cid = lax.axis_index("c")
        sid = lax.axis_index("s")
        w = sid * NC + cid
        pltpu.sync_copy(ei3_hbm.at[0, pl.ds(w * CPT, CPT)],
                        src_v.at[pl.ds(0, CPT)])
        pltpu.sync_copy(ei3_hbm.at[1, pl.ds(w * CPT, CPT)],
                        dst_v.at[pl.ds(0, CPT)])

        @pl.when(w < REM)
        def _():
            pltpu.sync_copy(ei3_hbm.at[0, pl.ds(NW * CPT + w, 1)],
                            src_v.at[pl.ds(CPT, 1)])
            pltpu.sync_copy(ei3_hbm.at[1, pl.ds(NW * CPT + w, 1)],
                            dst_v.at[pl.ds(CPT, 1)])

        nch = CPT + jnp.where(w < REM, 1, 0)
        pltpu.sync_copy(zeros_hbm, acc_sh.at[pl.ds(sid * RPT, RPT)])
        plsc.subcore_barrier()

        for b in range(la):
            pltpu.async_copy(h_hbm.at[src_v.at[b]], rows[b], gs[b])

        def body(g, carry):
            for b in range(nb):
                c = g * nb + b

                @pl.when(c < nch)
                def _():
                    bn = (b + la) % nb
                    pltpu.make_async_copy(
                        h_hbm.at[src_v.at[c]], rows[b], gs[b]).wait()
                    pltpu.async_copy(
                        rows[b], acc_sh.at[dst_v.at[c]], ss[b], add=True)

                    @pl.when(c >= la)
                    def _():
                        pltpu.make_async_copy(
                            rows[bn], acc_sh.at[dst_v.at[c - la]],
                            ss[bn]).wait()

                    @pl.when(c + la < nch)
                    def _():
                        pltpu.async_copy(
                            h_hbm.at[src_v.at[c + la]], rows[bn], gs[bn])
            return carry

        lax.fori_loop(0, (NCH + nb - 1) // nb, body, 0)

        @pl.when(w < REM)
        def _():
            for k in range(la):
                cc = NCH - la + k
                pltpu.make_async_copy(
                    rows[cc % nb], acc_sh.at[dst_v.at[cc]], ss[cc % nb]).wait()

        @pl.when(w >= REM)
        def _():
            for k in range(la):
                cc = CPT - la + k
                pltpu.make_async_copy(
                    rows[cc % nb], acc_sh.at[dst_v.at[cc]], ss[cc % nb]).wait()

        plsc.subcore_barrier()
        pltpu.sync_copy(acc_sh.at[pl.ds(sid * RPT, RPT)],
                        out_hbm.at[cid, pl.ds(sid * RPT, RPT)])

    return agg


_agg64 = _make_agg(D_HID, 8, 4)
_agg16 = _make_agg(D_OUT_PAD, 12, 6)


def _k2a_body(deg_ref, dinv_ref):
    deg = deg_ref[pl.ds(0, N)] + deg_ref[pl.ds(N_DEG, N)] + 1.0
    dinv_ref[...] = lax.rsqrt(deg)


def _k2m_body(xp_ref, w1bd_ref, hup_ref):
    hup_ref[...] = jnp.dot(xp_ref[...], w1bd_ref[...],
                           preferred_element_type=jnp.float32)


def _k2s_body(hup_ref, dp_ref, h1p_ref):
    h1p_ref[...] = hup_ref[...] * dp_ref[...]


def _k4a_body(s1p_ref, h1p_ref, dp_ref, b1p_ref, o1d_ref):
    s = s1p_ref[0, :N // 2, :] + s1p_ref[1, :N // 2, :] + h1p_ref[...]
    dp = dp_ref[...]
    o1 = jnp.maximum(s * dp + b1p_ref[...][None, :], 0.0)
    o1d_ref[...] = o1 * dp


def _k4b_body(o1d8_ref, w2bd_ref, h2p_ref):
    h2p_ref[...] = jnp.dot(o1d8_ref[...], w2bd_ref[...],
                           preferred_element_type=jnp.float32)


def _k6_body(s2p_ref, h2p_ref, dp_ref, b2p_ref, outp_ref):
    s = s2p_ref[0, :N // 8, :] + s2p_ref[1, :N // 8, :] + h2p_ref[...]
    outp_ref[...] = s * dp_ref[...] + b2p_ref[...][None, :]


def kernel(x, edge_index, W1, b1, W2, b2):
    ei3 = jnp.reshape(edge_index, (2, NCHUNKS, CH))
    z64 = jnp.zeros((RPT, D_HID), jnp.float32)
    z16 = jnp.zeros((RPT, D_OUT_PAD), jnp.float32)

    deg2 = _deg_kernel(ei3)

    dinv = pl.pallas_call(
        _k2a_body,
        out_shape=jax.ShapeDtypeStruct((N,), jnp.float32),
    )(deg2)

    dp64 = jnp.reshape(jnp.broadcast_to(dinv[:, None], (N, D_HID)),
                       (N // 2, 128))
    dp16 = jnp.reshape(jnp.broadcast_to(dinv[:, None], (N, D_OUT_PAD)),
                       (N // 8, 128))
    w1bd = jnp.kron(jnp.eye(2, dtype=jnp.float32), W1)
    w2p = jnp.pad(W2, ((0, 0), (0, D_OUT_PAD - D_OUT)))
    w2bd = jnp.kron(jnp.eye(8, dtype=jnp.float32), w2p)
    b1p = jnp.tile(b1, 2)
    b2p = jnp.tile(jnp.pad(b2, (0, D_OUT_PAD - D_OUT)), 8)

    xp = jnp.reshape(x, (N // 2, 2 * D_IN))
    h1p2u = pl.pallas_call(
        _k2m_body,
        out_shape=jax.ShapeDtypeStruct((N // 2, 128), jnp.float32),
    )(xp, w1bd)
    h1p2 = pl.pallas_call(
        _k2s_body,
        out_shape=jax.ShapeDtypeStruct((N // 2, 128), jnp.float32),
    )(h1p2u, dp64)

    s1 = _agg64(jnp.reshape(h1p2, (N, D_HID)), ei3, z64)

    o1d2 = pl.pallas_call(
        _k4a_body,
        out_shape=jax.ShapeDtypeStruct((N // 2, 128), jnp.float32),
    )(jnp.reshape(s1, (NC, N_ACC // 2, 128)), h1p2, dp64, b1p)

    h2p = pl.pallas_call(
        _k4b_body,
        out_shape=jax.ShapeDtypeStruct((N // 8, 128), jnp.float32),
    )(jnp.reshape(o1d2, (N // 8, 512)), w2bd)

    s2 = _agg16(jnp.reshape(h2p, (N, D_OUT_PAD)), ei3, z16)

    outp = pl.pallas_call(
        _k6_body,
        out_shape=jax.ShapeDtypeStruct((N // 8, 128), jnp.float32),
    )(jnp.reshape(s2, (NC, N_ACC // 8, 128)), h2p, dp16, b2p)

    return jnp.reshape(outp, (N, D_OUT_PAD))[:, :D_OUT]

# --- scband reference (transcript-rebuilt; emitter-appended) ---
"""Pipeline reference for scband-gcn-22866405884174 (READ-ONLY COPY).

The authoritative reference and input builder live on the scoring server;
editing this copy changes nothing except your own understanding.
"""

import jax, jax.numpy as jnp
import numpy as np

N = 10000
E = 320000
D_IN = 128
D_HID = 64
D_OUT = 10


def gcn_conv(x, edge_index, W, b):
    # PyG GCNConv: add self-loops, symmetric normalization D^-1/2 (A+I) D^-1/2 X W + b
    src = edge_index[0]
    dst = edge_index[1]
    loop = jnp.arange(N, dtype=edge_index.dtype)
    src = jnp.concatenate([src, loop])
    dst = jnp.concatenate([dst, loop])
    deg = jnp.zeros((N,), dtype=x.dtype).at[dst].add(1.0)
    dinv = jnp.where(deg > 0, jax.lax.rsqrt(deg), 0.0)
    norm = dinv[src] * dinv[dst]
    h = x @ W
    msg = h[src] * norm[:, None]
    out = jnp.zeros((N, W.shape[1]), dtype=x.dtype).at[dst].add(msg)
    return out + b


def setup_inputs(seed: int = 0) -> dict:
    key = jax.random.key(seed)
    ks = jax.random.split(key, 6)
    x = jax.random.normal(ks[0], (N, D_IN), dtype=jnp.float32)
    edge_index = jax.random.randint(ks[1], (2, E), 0, N, dtype=jnp.int32)
    W1 = jax.random.normal(ks[2], (D_IN, D_HID), dtype=jnp.float32) * (1.0 / np.sqrt(D_IN))
    b1 = jnp.zeros((D_HID,), dtype=jnp.float32)
    W2 = jax.random.normal(ks[3], (D_HID, D_OUT), dtype=jnp.float32) * (1.0 / np.sqrt(D_HID))
    b2 = jnp.zeros((D_OUT,), dtype=jnp.float32)
    return {"x": x, "edge_index": edge_index, "W1": W1, "b1": b1, "W2": W2, "b2": b2}


def reference(x, edge_index, W1, b1, W2, b2):
    h = jax.nn.relu(gcn_conv(x, edge_index, W1, b1))
    # F.dropout(training=False) -> identity in eval mode
    out = gcn_conv(h, edge_index, W2, b2)
    return out

if __name__ == "__main__":
    import jax
    _d = setup_inputs()
    print(jax.jit(kernel)(*tuple(_d.values())))

</pallas_src>

<mosaic_0001>
#map = affine_map<(d0, d1) -> (0, 0, 0)>
#map1 = affine_map<(d0, d1) -> (0)>
module attributes {stable_mosaic.version = 14 : i64} {
  func.func @_deg_kernel(%arg0: i32, %arg1: i32, %arg2: memref<2x2500x128xi32, #tpu.memory_space<hbm>>, %arg3: memref<20480xf32, #tpu.memory_space<hbm>>, %arg4: memref<79x128xi32, #tpu.memory_space<vmem>>, %arg5: memref<128xf32, #tpu.memory_space<vmem>>, %arg6: memref<640xf32, #tpu.memory_space<vmem>>, %arg7: memref<10240xf32, #tpu.memory_space<vmem_shared>>, %arg8: memref<!tpu.dma_semaphore, #tpu.memory_space<semaphore_mem>>, %arg9: memref<!tpu.dma_semaphore, #tpu.memory_space<semaphore_mem>>, %arg10: memref<!tpu.dma_semaphore, #tpu.memory_space<semaphore_mem>>, %arg11: memref<!tpu.dma_semaphore, #tpu.memory_space<semaphore_mem>>) attributes {dimension_semantics = [#tpu.dimension_semantics<core_parallel>, #tpu.dimension_semantics<subcore_parallel>], iteration_bounds = array<i64: 2, 16>, scalar_prefetch = 0 : i64, scratch_operands = 8 : i64, tpu.core_type = #tpu.core_type<sc_vector_subcore>, window_params = [{transform_indices = #map}, {transform_indices = #map1}]} {
    %mul3A = arith.constant 2 : i32
    %mul3A_0 = arith.muli %arg1, %mul3A : i32
    %add3A = arith.addi %mul3A_0, %arg0 : i32
    %mul3A_1 = arith.constant 78 : i32
    %mul3A_2 = arith.muli %add3A, %mul3A_1 : i32
    %run_scoped3A = arith.constant 1 : i32
    "tpu.region"() ({
      %run_scoped3A_320 = tpu.sem_alloc : memref<!tpu.dma_semaphore, #tpu.memory_space<semaphore_mem>>
      %dma_start3A = arith.constant 0 : i32
      %dma_start3A_321 = arith.constant 0 : i32
      %dma_start3A_322 = tpu.memref_slice %arg4[%dma_start3A, %dma_start3A_321] : memref<79x128xi32, #tpu.memory_space<vmem>> -> memref<78x128xi32, #tpu.memory_space<vmem>>
      %dma_start3A_323 = arith.constant 0 : i32
      %dma_start3A_324 = tpu.memref_slice %arg2[%run_scoped3A, %mul3A_2, %dma_start3A_323] : memref<2x2500x128xi32, #tpu.memory_space<hbm>> -> memref<1x78x128xi32, #tpu.memory_space<hbm>>
      %dma_start3A_325 = tpu.memref_squeeze %dma_start3A_324 : memref<1x78x128xi32, #tpu.memory_space<hbm>> -> memref<78x128xi32, #tpu.memory_space<hbm>>
      %dma_start3A_326 = arith.constant 0 : i32
      %dma_start3A_327 = arith.constant 0 : i32
      %dma_start3A_328 = tpu.memref_slice %arg4[%dma_start3A_326, %dma_start3A_327] : memref<79x128xi32, #tpu.memory_space<vmem>> -> memref<78x128xi32, #tpu.memory_space<vmem>>
      %dma_start3A_329 = arith.constant 0 : i32
      %dma_start3A_330 = tpu.memref_slice %arg2[%run_scoped3A, %mul3A_2, %dma_start3A_329] : memref<2x2500x128xi32, #tpu.memory_space<hbm>> -> memref<1x78x128xi32, #tpu.memory_space<hbm>>
      %dma_start3A_331 = tpu.memref_squeeze %dma_start3A_330 : memref<1x78x128xi32, #tpu.memory_space<hbm>> -> memref<78x128xi32, #tpu.memory_space<hbm>>
      tpu.enqueue_dma source(%dma_start3A_331 : memref<78x128xi32, #tpu.memory_space<hbm>>) target(%dma_start3A_328 : memref<78x128xi32, #tpu.memory_space<vmem>>) target_semaphore(%run_scoped3A_320 : memref<!tpu.dma_semaphore, #tpu.memory_space<semaphore_mem>>)
      %dma_wait3A = arith.constant 0 : i32
      %dma_wait3A_332 = arith.constant 0 : i32
      %dma_wait3A_333 = tpu.memref_slice %arg4[%dma_wait3A, %dma_wait3A_332] : memref<79x128xi32, #tpu.memory_space<vmem>> -> memref<78x128xi32, #tpu.memory_space<vmem>>
      %dma_wait3A_334 = arith.constant 0 : i32
      %dma_wait3A_335 = tpu.memref_slice %arg2[%run_scoped3A, %mul3A_2, %dma_wait3A_334] : memref<2x2500x128xi32, #tpu.memory_space<hbm>> -> memref<1x78x128xi32, #tpu.memory_space<hbm>>
      %dma_wait3A_336 = tpu.memref_squeeze %dma_wait3A_335 : memref<1x78x128xi32, #tpu.memory_space<hbm>> -> memref<78x128xi32, #tpu.memory_space<hbm>>
      %dma_wait3A_337 = arith.constant 0 : i32
      %dma_wait3A_338 = arith.constant 0 : i32
      %dma_wait3A_339 = tpu.memref_slice %arg4[%dma_wait3A_337, %dma_wait3A_338] : memref<79x128xi32, #tpu.memory_space<vmem>> -> memref<78x128xi32, #tpu.memory_space<vmem>>
      %dma_wait3A_340 = arith.constant 0 : i32
      %dma_wait3A_341 = tpu.memref_slice %arg2[%run_scoped3A, %mul3A_2, %dma_wait3A_340] : memref<2x2500x128xi32, #tpu.memory_space<hbm>> -> memref<1x78x128xi32, #tpu.memory_space<hbm>>
      %dma_wait3A_342 = tpu.memref_squeeze %dma_wait3A_341 : memref<1x78x128xi32, #tpu.memory_space<hbm>> -> memref<78x128xi32, #tpu.memory_space<hbm>>
      tpu.wait_dma2 semaphore(%run_scoped3A_320 : memref<!tpu.dma_semaphore, #tpu.memory_space<semaphore_mem>>) src(%dma_wait3A_342 : memref<78x128xi32, #tpu.memory_space<hbm>>) dst(%dma_wait3A_339 : memref<78x128xi32, #tpu.memory_space<vmem>>)
      tpu.yield
    }) : () -> ()
    %lt3A = arith.constant 4 : i32
    %lt3A_3 = arith.cmpi slt, %add3A, %lt3A : i32
    %convert_element_type3A = arith.extui %lt3A_3 : i1 to i32
    %cond3A = arith.constant 0 : i32
    %cond3A_4 = arith.cmpi ne, %convert_element_type3A, %cond3A : i32
    scf.if %cond3A_4 {
      %add3A_320 = arith.constant 2496 : i32
      %add3A_321 = arith.addi %add3A_320, %add3A : i32
      %run_scoped3A_322 = arith.constant 1 : i32
      "tpu.region"() ({
        %run_scoped3A_323 = tpu.sem_alloc : memref<!tpu.dma_semaphore, #tpu.memory_space<semaphore_mem>>
        %dma_start3A = arith.constant 78 : i32
        %dma_start3A_324 = arith.constant 0 : i32
        %dma_start3A_325 = tpu.memref_slice %arg4[%dma_start3A, %dma_start3A_324] : memref<79x128xi32, #tpu.memory_space<vmem>> -> memref<1x128xi32, #tpu.memory_space<vmem>>
        %dma_start3A_326 = arith.constant 0 : i32
        %dma_start3A_327 = tpu.memref_slice %arg2[%run_scoped3A_322, %add3A_321, %dma_start3A_326] : memref<2x2500x128xi32, #tpu.memory_space<hbm>> -> memref<1x1x128xi32, #tpu.memory_space<hbm>>
        %dma_start3A_328 = tpu.memref_squeeze %dma_start3A_327 : memref<1x1x128xi32, #tpu.memory_space<hbm>> -> memref<1x128xi32, #tpu.memory_space<hbm>>
        %dma_start3A_329 = arith.constant 78 : i32
        %dma_start3A_330 = arith.constant 0 : i32
        %dma_start3A_331 = tpu.memref_slice %arg4[%dma_start3A_329, %dma_start3A_330] : memref<79x128xi32, #tpu.memory_space<vmem>> -> memref<1x128xi32, #tpu.memory_space<vmem>>
        %dma_start3A_332 = arith.constant 0 : i32
        %dma_start3A_333 = tpu.memref_slice %arg2[%run_scoped3A_322, %add3A_321, %dma_start3A_332] : memref<2x2500x128xi32, #tpu.memory_space<hbm>> -> memref<1x1x128xi32, #tpu.memory_space<hbm>>
        %dma_start3A_334 = tpu.memref_squeeze %dma_start3A_333 : memref<1x1x128xi32, #tpu.memory_space<hbm>> -> memref<1x128xi32, #tpu.memory_space<hbm>>
        tpu.enqueue_dma source(%dma_start3A_334 : memref<1x128xi32, #tpu.memory_space<hbm>>) target(%dma_start3A_331 : memref<1x128xi32, #tpu.memory_space<vmem>>) target_semaphore(%run_scoped3A_323 : memref<!tpu.dma_semaphore, #tpu.memory_space<semaphore_mem>>)
        %dma_wait3A = arith.constant 78 : i32
        %dma_wait3A_335 = arith.constant 0 : i32
        %dma_wait3A_336 = tpu.memref_slice %arg4[%dma_wait3A, %dma_wait3A_335] : memref<79x128xi32, #tpu.memory_space<vmem>> -> memref<1x128xi32, #tpu.memory_space<vmem>>
        %dma_wait3A_337 = arith.constant 0 : i32
        %dma_wait3A_338 = tpu.memref_slice %arg2[%run_scoped3A_322, %add3A_321, %dma_wait3A_337] : memref<2x2500x128xi32, #tpu.memory_space<hbm>> -> memref<1x1x128xi32, #tpu.memory_space<hbm>>
        %dma_wait3A_339 = tpu.memref_squeeze %dma_wait3A_338 : memref<1x1x128xi32, #tpu.memory_space<hbm>> -> memref<1x128xi32, #tpu.memory_space<hbm>>
        %dma_wait3A_340 = arith.constant 78 : i32
        %dma_wait3A_341 = arith.constant 0 : i32
        %dma_wait3A_342 = tpu.memref_slice %arg4[%dma_wait3A_340, %dma_wait3A_341] : memref<79x128xi32, #tpu.memory_space<vmem>> -> memref<1x128xi32, #tpu.memory_space<vmem>>
        %dma_wait3A_343 = arith.constant 0 : i32
        %dma_wait3A_344 = tpu.memref_slice %arg2[%run_scoped3A_322, %add3A_321, %dma_wait3A_343] : memref<2x2500x128xi32, #tpu.memory_space<hbm>> -> memref<1x1x128xi32, #tpu.memory_space<hbm>>
        %dma_wait3A_345 = tpu.memref_squeeze %dma_wait3A_344 : memref<1x1x128xi32, #tpu.memory_space<hbm>> -> memref<1x128xi32, #tpu.memory_space<hbm>>
        tpu.wait_dma2 semaphore(%run_scoped3A_323 : memref<!tpu.dma_semaphore, #tpu.memory_space<semaphore_mem>>) src(%dma_wait3A_345 : memref<1x128xi32, #tpu.memory_space<hbm>>) dst(%dma_wait3A_342 : memref<1x128xi32, #tpu.memory_space<vmem>>)
        tpu.yield
      }) : () -> ()
    } else {
    }
    %lt3A_5 = arith.constant 4 : i32
    %lt3A_6 = arith.cmpi slt, %add3A, %lt3A_5 : i32
    %jit3A = arith.constant 1 : i32
    %jit3A_7 = arith.constant 0 : i32
    %select_n3A = arith.select %lt3A_6, %jit3A, %jit3A_7 : i32
    %add3A_8 = arith.constant 78 : i32
    %add3A_9 = arith.addi %add3A_8, %select_n3A : i32
    %broadcast_in_dim3A = arith.constant 1.000000e+00 : f32
    %broadcast_in_dim3A_10 = vector.broadcast %broadcast_in_dim3A : f32 to vector<16xf32>
    %swap3A = arith.constant 0 : index
    %swap3A_11 = tpu.vector_load %arg5[%swap3A] {strides = array<i32>} : memref<128xf32, #tpu.memory_space<vmem>>, vector<16xf32>,
    %swap3A_12 = vector.shape_cast %swap3A_11 : vector<16xf32> to vector<16xf32>
    %swap3A_13 = vector.shape_cast %broadcast_in_dim3A_10 : vector<16xf32> to vector<16xf32>
    tpu.vector_store %arg5[%swap3A], %swap3A_13 {strides = array<i32>} : memref<128xf32, #tpu.memory_space<vmem>>, vector<16xf32>,
    %broadcast_in_dim3A_14 = arith.constant 1.000000e+00 : f32
    %broadcast_in_dim3A_15 = vector.broadcast %broadcast_in_dim3A_14 : f32 to vector<16xf32>
    %swap3A_16 = arith.constant 16 : index
    %swap3A_17 = tpu.vector_load %arg5[%swap3A_16] {strides = array<i32>} : memref<128xf32, #tpu.memory_space<vmem>>, vector<16xf32>,
    %swap3A_18 = vector.shape_cast %swap3A_17 : vector<16xf32> to vector<16xf32>
    %swap3A_19 = vector.shape_cast %broadcast_in_dim3A_15 : vector<16xf32> to vector<16xf32>
    tpu.vector_store %arg5[%swap3A_16], %swap3A_19 {strides = array<i32>} : memref<128xf32, #tpu.memory_space<vmem>>, vector<16xf32>,
    %broadcast_in_dim3A_20 = arith.constant 1.000000e+00 : f32
    %broadcast_in_dim3A_21 = vector.broadcast %broadcast_in_dim3A_20 : f32 to vector<16xf32>
    %swap3A_22 = arith.constant 32 : index
    %swap3A_23 = tpu.vector_load %arg5[%swap3A_22] {strides = array<i32>} : memref<128xf32, #tpu.memory_space<vmem>>, vector<16xf32>,
    %swap3A_24 = vector.shape_cast %swap3A_23 : vector<16xf32> to vector<16xf32>
    %swap3A_25 = vector.shape_cast %broadcast_in_dim3A_21 : vector<16xf32> to vector<16xf32>
    tpu.vector_store %arg5[%swap3A_22], %swap3A_25 {strides = array<i32>} : memref<128xf32, #tpu.memory_space<vmem>>, vector<16xf32>,
    %broadcast_in_dim3A_26 = arith.constant 1.000000e+00 : f32
    %broadcast_in_dim3A_27 = vector.broadcast %broadcast_in_dim3A_26 : f32 to vector<16xf32>
    %swap3A_28 = arith.constant 48 : index
    %swap3A_29 = tpu.vector_load %arg5[%swap3A_28] {strides = array<i32>} : memref<128xf32, #tpu.memory_space<vmem>>, vector<16xf32>,
    %swap3A_30 = vector.shape_cast %swap3A_29 : vector<16xf32> to vector<16xf32>
    %swap3A_31 = vector.shape_cast %broadcast_in_dim3A_27 : vector<16xf32> to vector<16xf32>
    tpu.vector_store %arg5[%swap3A_28], %swap3A_31 {strides = array<i32>} : memref<128xf32, #tpu.memory_space<vmem>>, vector<16xf32>,
    %broadcast_in_dim3A_32 = arith.constant 1.000000e+00 : f32
    %broadcast_in_dim3A_33 = vector.broadcast %broadcast_in_dim3A_32 : f32 to vector<16xf32>
    %swap3A_34 = arith.constant 64 : index
    %swap3A_35 = tpu.vector_load %arg5[%swap3A_34] {strides = array<i32>} : memref<128xf32, #tpu.memory_space<vmem>>, vector<16xf32>,
    %swap3A_36 = vector.shape_cast %swap3A_35 : vector<16xf32> to vector<16xf32>
    %swap3A_37 = vector.shape_cast %broadcast_in_dim3A_33 : vector<16xf32> to vector<16xf32>
    tpu.vector_store %arg5[%swap3A_34], %swap3A_37 {strides = array<i32>} : memref<128xf32, #tpu.memory_space<vmem>>, vector<16xf32>,
    %broadcast_in_dim3A_38 = arith.constant 1.000000e+00 : f32
    %broadcast_in_dim3A_39 = vector.broadcast %broadcast_in_dim3A_38 : f32 to vector<16xf32>
    %swap3A_40 = arith.constant 80 : index
    %swap3A_41 = tpu.vector_load %arg5[%swap3A_40] {strides = array<i32>} : memref<128xf32, #tpu.memory_space<vmem>>, vector<16xf32>,
    %swap3A_42 = vector.shape_cast %swap3A_41 : vector<16xf32> to vector<16xf32>
    %swap3A_43 = vector.shape_cast %broadcast_in_dim3A_39 : vector<16xf32> to vector<16xf32>
    tpu.vector_store %arg5[%swap3A_40], %swap3A_43 {strides = array<i32>} : memref<128xf32, #tpu.memory_space<vmem>>, vector<16xf32>,
    %broadcast_in_dim3A_44 = arith.constant 1.000000e+00 : f32
    %broadcast_in_dim3A_45 = vector.broadcast %broadcast_in_dim3A_44 : f32 to vector<16xf32>
    %swap3A_46 = arith.constant 96 : index
    %swap3A_47 = tpu.vector_load %arg5[%swap3A_46] {strides = array<i32>} : memref<128xf32, #tpu.memory_space<vmem>>, vector<16xf32>,
    %swap3A_48 = vector.shape_cast %swap3A_47 : vector<16xf32> to vector<16xf32>
    %swap3A_49 = vector.shape_cast %broadcast_in_dim3A_45 : vector<16xf32> to vector<16xf32>
    tpu.vector_store %arg5[%swap3A_46], %swap3A_49 {strides = array<i32>} : memref<128xf32, #tpu.memory_space<vmem>>, vector<16xf32>,
    %broadcast_in_dim3A_50 = arith.constant 1.000000e+00 : f32
    %broadcast_in_dim3A_51 = vector.broadcast %broadcast_in_dim3A_50 : f32 to vector<16xf32>
    %swap3A_52 = arith.constant 112 : index
    %swap3A_53 = tpu.vector_load %arg5[%swap3A_52] {strides = array<i32>} : memref<128xf32, #tpu.memory_space<vmem>>, vector<16xf32>,
    %swap3A_54 = vector.shape_cast %swap3A_53 : vector<16xf32> to vector<16xf32>
    %swap3A_55 = vector.shape_cast %broadcast_in_dim3A_51 : vector<16xf32> to vector<16xf32>
    tpu.vector_store %arg5[%swap3A_52], %swap3A_55 {strides = array<i32>} : memref<128xf32, #tpu.memory_space<vmem>>, vector<16xf32>,
    %broadcast_in_dim3A_56 = arith.constant 0.000000e+00 : f32
    %broadcast_in_dim3A_57 = vector.broadcast %broadcast_in_dim3A_56 : f32 to vector<16xf32>
    %swap3A_58 = arith.constant 0 : index
    %swap3A_59 = tpu.vector_load %arg6[%swap3A_58] {strides = array<i32>} : memref<640xf32, #tpu.memory_space<vmem>>, vector<16xf32>,
    %swap3A_60 = vector.shape_cast %swap3A_59 : vector<16xf32> to vector<16xf32>
    %swap3A_61 = vector.shape_cast %broadcast_in_dim3A_57 : vector<16xf32> to vector<16xf32>
    tpu.vector_store %arg6[%swap3A_58], %swap3A_61 {strides = array<i32>} : memref<640xf32, #tpu.memory_space<vmem>>, vector<16xf32>,
    %broadcast_in_dim3A_62 = arith.constant 0.000000e+00 : f32
    %broadcast_in_dim3A_63 = vector.broadcast %broadcast_in_dim3A_62 : f32 to vector<16xf32>
    %swap3A_64 = arith.constant 16 : index
    %swap3A_65 = tpu.vector_load %arg6[%swap3A_64] {strides = array<i32>} : memref<640xf32, #tpu.memory_space<vmem>>, vector<16xf32>,
    %swap3A_66 = vector.shape_cast %swap3A_65 : vector<16xf32> to vector<16xf32>
    %swap3A_67 = vector.shape_cast %broadcast_in_dim3A_63 : vector<16xf32> to vector<16xf32>
    tpu.vector_store %arg6[%swap3A_64], %swap3A_67 {strides = array<i32>} : memref<640xf32, #tpu.memory_space<vmem>>, vector<16xf32>,
    %broadcast_in_dim3A_68 = arith.constant 0.000000e+00 : f32
    %broadcast_in_dim3A_69 = vector.broadcast %broadcast_in_dim3A_68 : f32 to vector<16xf32>
    %swap3A_70 = arith.constant 32 : index
    %swap3A_71 = tpu.vector_load %arg6[%swap3A_70] {strides = array<i32>} : memref<640xf32, #tpu.memory_space<vmem>>, vector<16xf32>,
    %swap3A_72 = vector.shape_cast %swap3A_71 : vector<16xf32> to vector<16xf32>
    %swap3A_73 = vector.shape_cast %broadcast_in_dim3A_69 : vector<16xf32> to vector<16xf32>
    tpu.vector_store %arg6[%swap3A_70], %swap3A_73 {strides = array<i32>} : memref<640xf32, #tpu.memory_space<vmem>>, vector<16xf32>,
    %broadcast_in_dim3A_74 = arith.constant 0.000000e+00 : f32
    %broadcast_in_dim3A_75 = vector.broadcast %broadcast_in_dim3A_74 : f32 to vector<16xf32>
    %swap3A_76 = arith.constant 48 : index
    %swap3A_77 = tpu.vector_load %arg6[%swap3A_76] {strides = array<i32>} : memref<640xf32, #tpu.memory_space<vmem>>, vector<16xf32>,
    %swap3A_78 = vector.shape_cast %swap3A_77 : vector<16xf32> to vector<16xf32>
    %swap3A_79 = vector.shape_cast %broadcast_in_dim3A_75 : vector<16xf32> to vector<16xf32>
    tpu.vector_store %arg6[%swap3A_76], %swap3A_79 {strides = array<i32>} : memref<640xf32, #tpu.memory_space<vmem>>, vector<16xf32>,
    %broadcast_in_dim3A_80 = arith.constant 0.000000e+00 : f32
    %broadcast_in_dim3A_81 = vector.broadcast %broadcast_in_dim3A_80 : f32 to vector<16xf32>
    %swap3A_82 = arith.constant 64 : index
    %swap3A_83 = tpu.vector_load %arg6[%swap3A_82] {strides = array<i32>} : memref<640xf32, #tpu.memory_space<vmem>>, vector<16xf32>,
    %swap3A_84 = vector.shape_cast %swap3A_83 : vector<16xf32> to vector<16xf32>
    %swap3A_85 = vector.shape_cast %broadcast_in_dim3A_81 : vector<16xf32> to vector<16xf32>
    tpu.vector_store %arg6[%swap3A_82], %swap3A_85 {strides = array<i32>} : memref<640xf32, #tpu.memory_space<vmem>>, vector<16xf32>,
    %broadcast_in_dim3A_86 = arith.constant 0.000000e+00 : f32
    %broadcast_in_dim3A_87 = vector.broadcast %broadcast_in_dim3A_86 : f32 to vector<16xf32>
    %swap3A_88 = arith.constant 80 : index
    %swap3A_89 = tpu.vector_load %arg6[%swap3A_88] {strides = array<i32>} : memref<640xf32, #tpu.memory_space<vmem>>, vector<16xf32>,
    %swap3A_90 = vector.shape_cast %swap3A_89 : vector<16xf32> to vector<16xf32>
    %swap3A_91 = vector.shape_cast %broadcast_in_dim3A_87 : vector<16xf32> to vector<16xf32>
    tpu.vector_store %arg6[%swap3A_88], %swap3A_91 {strides = array<i32>} : memref<640xf32, #tpu.memory_space<vmem>>, vector<16xf32>,
    %broadcast_in_dim3A_92 = arith.constant 0.000000e+00 : f32
    %broadcast_in_dim3A_93 = vector.broadcast %broadcast_in_dim3A_92 : f32 to vector<16xf32>
    %swap3A_94 = arith.constant 96 : index
    %swap3A_95 = tpu.vector_load %arg6[%swap3A_94] {strides = array<i32>} : memref<640xf32, #tpu.memory_space<vmem>>, vector<16xf32>,
    %swap3A_96 = vector.shape_cast %swap3A_95 : vector<16xf32> to vector<16xf32>
    %swap3A_97 = vector.shape_cast %broadcast_in_dim3A_93 : vector<16xf32> to vector<16xf32>
    tpu.vector_store %arg6[%swap3A_94], %swap3A_97 {strides = array<i32>} : memref<640xf32, #tpu.memory_space<vmem>>, vector<16xf32>,
    %broadcast_in_dim3A_98 = arith.constant 0.000000e+00 : f32
    %broadcast_in_dim3A_99 = vector.broadcast %broadcast_in_dim3A_98 : f32 to vector<16xf32>
    %swap3A_100 = arith.constant 112 : index
    %swap3A_101 = tpu.vector_load %arg6[%swap3A_100] {strides = array<i32>} : memref<640xf32, #tpu.memory_space<vmem>>, vector<16xf32>,
    %swap3A_102 = vector.shape_cast %swap3A_101 : vector<16xf32> to vector<16xf32>
    %swap3A_103 = vector.shape_cast %broadcast_in_dim3A_99 : vector<16xf32> to vector<16xf32>
    tpu.vector_store %arg6[%swap3A_100], %swap3A_103 {strides = array<i32>} : memref<640xf32, #tpu.memory_space<vmem>>, vector<16xf32>,
    %broadcast_in_dim3A_104 = arith.constant 0.000000e+00 : f32
    %broadcast_in_dim3A_105 = vector.broadcast %broadcast_in_dim3A_104 : f32 to vector<16xf32>
    %swap3A_106 = arith.constant 128 : index
    %swap3A_107 = tpu.vector_load %arg6[%swap3A_106] {strides = array<i32>} : memref<640xf32, #tpu.memory_space<vmem>>, vector<16xf32>,
    %swap3A_108 = vector.shape_cast %swap3A_107 : vector<16xf32> to vector<16xf32>
    %swap3A_109 = vector.shape_cast %broadcast_in_dim3A_105 : vector<16xf32> to vector<16xf32>
    tpu.vector_store %arg6[%swap3A_106], %swap3A_109 {strides = array<i32>} : memref<640xf32, #tpu.memory_space<vmem>>, vector<16xf32>,
    %broadcast_in_dim3A_110 = arith.constant 0.000000e+00 : f32
    %broadcast_in_dim3A_111 = vector.broadcast %broadcast_in_dim3A_110 : f32 to vector<16xf32>
    %swap3A_112 = arith.constant 144 : index
    %swap3A_113 = tpu.vector_load %arg6[%swap3A_112] {strides = array<i32>} : memref<640xf32, #tpu.memory_space<vmem>>, vector<16xf32>,
    %swap3A_114 = vector.shape_cast %swap3A_113 : vector<16xf32> to vector<16xf32>
    %swap3A_115 = vector.shape_cast %broadcast_in_dim3A_111 : vector<16xf32> to vector<16xf32>
    tpu.vector_store %arg6[%swap3A_112], %swap3A_115 {strides = array<i32>} : memref<640xf32, #tpu.memory_space<vmem>>, vector<16xf32>,
    %broadcast_in_dim3A_116 = arith.constant 0.000000e+00 : f32
    %broadcast_in_dim3A_117 = vector.broadcast %broadcast_in_dim3A_116 : f32 to vector<16xf32>
    %swap3A_118 = arith.constant 160 : index
    %swap3A_119 = tpu.vector_load %arg6[%swap3A_118] {strides = array<i32>} : memref<640xf32, #tpu.memory_space<vmem>>, vector<16xf32>,
    %swap3A_120 = vector.shape_cast %swap3A_119 : vector<16xf32> to vector<16xf32>
    %swap3A_121 = vector.shape_cast %broadcast_in_dim3A_117 : vector<16xf32> to vector<16xf32>
    tpu.vector_store %arg6[%swap3A_118], %swap3A_121 {strides = array<i32>} : memref<640xf32, #tpu.memory_space<vmem>>, vector<16xf32>,
    %broadcast_in_dim3A_122 = arith.constant 0.000000e+00 : f32
    %broadcast_in_dim3A_123 = vector.broadcast %broadcast_in_dim3A_122 : f32 to vector<16xf32>
    %swap3A_124 = arith.constant 176 : index
    %swap3A_125 = tpu.vector_load %arg6[%swap3A_124] {strides = array<i32>} : memref<640xf32, #tpu.memory_space<vmem>>, vector<16xf32>,
    %swap3A_126 = vector.shape_cast %swap3A_125 : vector<16xf32> to vector<16xf32>
    %swap3A_127 = vector.shape_cast %broadcast_in_dim3A_123 : vector<16xf32> to vector<16xf32>
    tpu.vector_store %arg6[%swap3A_124], %swap3A_127 {strides = array<i32>} : memref<640xf32, #tpu.memory_space<vmem>>, vector<16xf32>,
    %broadcast_in_dim3A_128 = arith.constant 0.000000e+00 : f32
    %broadcast_in_dim3A_129 = vector.broadcast %broadcast_in_dim3A_128 : f32 to vector<16xf32>
    %swap3A_130 = arith.constant 192 : index
    %swap3A_131 = tpu.vector_load %arg6[%swap3A_130] {strides = array<i32>} : memref<640xf32, #tpu.memory_space<vmem>>, vector<16xf32>,
    %swap3A_132 = vector.shape_cast %swap3A_131 : vector<16xf32> to vector<16xf32>
    %swap3A_133 = vector.shape_cast %broadcast_in_dim3A_129 : vector<16xf32> to vector<16xf32>
    tpu.vector_store %arg6[%swap3A_130], %swap3A_133 {strides = array<i32>} : memref<640xf32, #tpu.memory_space<vmem>>, vector<16xf32>,
    %broadcast_in_dim3A_134 = arith.constant 0.000000e+00 : f32
    %broadcast_in_dim3A_135 = vector.broadcast %broadcast_in_dim3A_134 : f32 to vector<16xf32>
    %swap3A_136 = arith.constant 208 : index
    %swap3A_137 = tpu.vector_load %arg6[%swap3A_136] {strides = array<i32>} : memref<640xf32, #tpu.memory_space<vmem>>, vector<16xf32>,
    %swap3A_138 = vector.shape_cast %swap3A_137 : vector<16xf32> to vector<16xf32>
    %swap3A_139 = vector.shape_cast %broadcast_in_dim3A_135 : vector<16xf32> to vector<16xf32>
    tpu.vector_store %arg6[%swap3A_136], %swap3A_139 {strides = array<i32>} : memref<640xf32, #tpu.memory_space<vmem>>, vector<16xf32>,
    %broadcast_in_dim3A_140 = arith.constant 0.000000e+00 : f32
    %broadcast_in_dim3A_141 = vector.broadcast %broadcast_in_dim3A_140 : f32 to vector<16xf32>
    %swap3A_142 = arith.constant 224 : index
    %swap3A_143 = tpu.vector_load %arg6[%swap3A_142] {strides = array<i32>} : memref<640xf32, #tpu.memory_space<vmem>>, vector<16xf32>,
    %swap3A_144 = vector.shape_cast %swap3A_143 : vector<16xf32> to vector<16xf32>
    %swap3A_145 = vector.shape_cast %broadcast_in_dim3A_141 : vector<16xf32> to vector<16xf32>
    tpu.vector_store %arg6[%swap3A_142], %swap3A_145 {strides = array<i32>} : memref<640xf32, #tpu.memory_space<vmem>>, vector<16xf32>,
    %broadcast_in_dim3A_146 = arith.constant 0.000000e+00 : f32
    %broadcast_in_dim3A_147 = vector.broadcast %broadcast_in_dim3A_146 : f32 to vector<16xf32>
    %swap3A_148 = arith.constant 240 : index
    %swap3A_149 = tpu.vector_load %arg6[%swap3A_148] {strides = array<i32>} : memref<640xf32, #tpu.memory_space<vmem>>, vector<16xf32>,
    %swap3A_150 = vector.shape_cast %swap3A_149 : vector<16xf32> to vector<16xf32>
    %swap3A_151 = vector.shape_cast %broadcast_in_dim3A_147 : vector<16xf32> to vector<16xf32>
    tpu.vector_store %arg6[%swap3A_148], %swap3A_151 {strides = array<i32>} : memref<640xf32, #tpu.memory_space<vmem>>, vector<16xf32>,
    %broadcast_in_dim3A_152 = arith.constant 0.000000e+00 : f32
    %broadcast_in_dim3A_153 = vector.broadcast %broadcast_in_dim3A_152 : f32 to vector<16xf32>
    %swap3A_154 = arith.constant 256 : index
    %swap3A_155 = tpu.vector_load %arg6[%swap3A_154] {strides = array<i32>} : memref<640xf32, #tpu.memory_space<vmem>>, vector<16xf32>,
    %swap3A_156 = vector.shape_cast %swap3A_155 : vector<16xf32> to vector<16xf32>
    %swap3A_157 = vector.shape_cast %broadcast_in_dim3A_153 : vector<16xf32> to vector<16xf32>
    tpu.vector_store %arg6[%swap3A_154], %swap3A_157 {strides = array<i32>} : memref<640xf32, #tpu.memory_space<vmem>>, vector<16xf32>,
    %broadcast_in_dim3A_158 = arith.constant 0.000000e+00 : f32
    %broadcast_in_dim3A_159 = vector.broadcast %broadcast_in_dim3A_158 : f32 to vector<16xf32>
    %swap3A_160 = arith.constant 272 : index
    %swap3A_161 = tpu.vector_load %arg6[%swap3A_160] {strides = array<i32>} : memref<640xf32, #tpu.memory_space<vmem>>, vector<16xf32>,
    %swap3A_162 = vector.shape_cast %swap3A_161 : vector<16xf32> to vector<16xf32>
    %swap3A_163 = vector.shape_cast %broadcast_in_dim3A_159 : vector<16xf32> to vector<16xf32>
    tpu.vector_store %arg6[%swap3A_160], %swap3A_163 {strides = array<i32>} : memref<640xf32, #tpu.memory_space<vmem>>, vector<16xf32>,
    %broadcast_in_dim3A_164 = arith.constant 0.000000e+00 : f32
    %broadcast_in_dim3A_165 = vector.broadcast %broadcast_in_dim3A_164 : f32 to vector<16xf32>
    %swap3A_166 = arith.constant 288 : index
    %swap3A_167 = tpu.vector_load %arg6[%swap3A_166] {strides = array<i32>} : memref<640xf32, #tpu.memory_space<vmem>>, vector<16xf32>,
    %swap3A_168 = vector.shape_cast %swap3A_167 : vector<16xf32> to vector<16xf32>
    %swap3A_169 = vector.shape_cast %broadcast_in_dim3A_165 : vector<16xf32> to vector<16xf32>
    tpu.vector_store %arg6[%swap3A_166], %swap3A_169 {strides = array<i32>} : memref<640xf32, #tpu.memory_space<vmem>>, vector<16xf32>,
    %broadcast_in_dim3A_170 = arith.constant 0.000000e+00 : f32
    %broadcast_in_dim3A_171 = vector.broadcast %broadcast_in_dim3A_170 : f32 to vector<16xf32>
    %swap3A_172 = arith.constant 304 : index
    %swap3A_173 = tpu.vector_load %arg6[%swap3A_172] {strides = array<i32>} : memref<640xf32, #tpu.memory_space<vmem>>, vector<16xf32>,
    %swap3A_174 = vector.shape_cast %swap3A_173 : vector<16xf32> to vector<16xf32>
    %swap3A_175 = vector.shape_cast %broadcast_in_dim3A_171 : vector<16xf32> to vector<16xf32>
    tpu.vector_store %arg6[%swap3A_172], %swap3A_175 {strides = array<i32>} : memref<640xf32, #tpu.memory_space<vmem>>, vector<16xf32>,
    %broadcast_in_dim3A_176 = arith.constant 0.000000e+00 : f32
    %broadcast_in_dim3A_177 = vector.broadcast %broadcast_in_dim3A_176 : f32 to vector<16xf32>
    %swap3A_178 = arith.constant 320 : index
    %swap3A_179 = tpu.vector_load %arg6[%swap3A_178] {strides = array<i32>} : memref<640xf32, #tpu.memory_space<vmem>>, vector<16xf32>,
    %swap3A_180 = vector.shape_cast %swap3A_179 : vector<16xf32> to vector<16xf32>
    %swap3A_181 = vector.shape_cast %broadcast_in_dim3A_177 : vector<16xf32> to vector<16xf32>
    tpu.vector_store %arg6[%swap3A_178], %swap3A_181 {strides = array<i32>} : memref<640xf32, #tpu.memory_space<vmem>>, vector<16xf32>,
    %broadcast_in_dim3A_182 = arith.constant 0.000000e+00 : f32
    %broadcast_in_dim3A_183 = vector.broadcast %broadcast_in_dim3A_182 : f32 to vector<16xf32>
    %swap3A_184 = arith.constant 336 : index
    %swap3A_185 = tpu.vector_load %arg6[%swap3A_184] {strides = array<i32>} : memref<640xf32, #tpu.memory_space<vmem>>, vector<16xf32>,
    %swap3A_186 = vector.shape_cast %swap3A_185 : vector<16xf32> to vector<16xf32>
    %swap3A_187 = vector.shape_cast %broadcast_in_dim3A_183 : vector<16xf32> to vector<16xf32>
    tpu.vector_store %arg6[%swap3A_184], %swap3A_187 {strides = array<i32>} : memref<640xf32, #tpu.memory_space<vmem>>, vector<16xf32>,
    %broadcast_in_dim3A_188 = arith.constant 0.000000e+00 : f32
    %broadcast_in_dim3A_189 = vector.broadcast %broadcast_in_dim3A_188 : f32 to vector<16xf32>
    %swap3A_190 = arith.constant 352 : index
    %swap3A_191 = tpu.vector_load %arg6[%swap3A_190] {strides = array<i32>} : memref<640xf32, #tpu.memory_space<vmem>>, vector<16xf32>,
    %swap3A_192 = vector.shape_cast %swap3A_191 : vector<16xf32> to vector<16xf32>
    %swap3A_193 = vector.shape_cast %broadcast_in_dim3A_189 : vector<16xf32> to vector<16xf32>
    tpu.vector_store %arg6[%swap3A_190], %swap3A_193 {strides = array<i32>} : memref<640xf32, #tpu.memory_space<vmem>>, vector<16xf32>,
    %broadcast_in_dim3A_194 = arith.constant 0.000000e+00 : f32
    %broadcast_in_dim3A_195 = vector.broadcast %broadcast_in_dim3A_194 : f32 to vector<16xf32>
    %swap3A_196 = arith.constant 368 : index
    %swap3A_197 = tpu.vector_load %arg6[%swap3A_196] {strides = array<i32>} : memref<640xf32, #tpu.memory_space<vmem>>, vector<16xf32>,
    %swap3A_198 = vector.shape_cast %swap3A_197 : vector<16xf32> to vector<16xf32>
    %swap3A_199 = vector.shape_cast %broadcast_in_dim3A_195 : vector<16xf32> to vector<16xf32>
    tpu.vector_store %arg6[%swap3A_196], %swap3A_199 {strides = array<i32>} : memref<640xf32, #tpu.memory_space<vmem>>, vector<16xf32>,
    %broadcast_in_dim3A_200 = arith.constant 0.000000e+00 : f32
    %broadcast_in_dim3A_201 = vector.broadcast %broadcast_in_dim3A_200 : f32 to vector<16xf32>
    %swap3A_202 = arith.constant 384 : index
    %swap3A_203 = tpu.vector_load %arg6[%swap3A_202] {strides = array<i32>} : memref<640xf32, #tpu.memory_space<vmem>>, vector<16xf32>,
    %swap3A_204 = vector.shape_cast %swap3A_203 : vector<16xf32> to vector<16xf32>
    %swap3A_205 = vector.shape_cast %broadcast_in_dim3A_201 : vector<16xf32> to vector<16xf32>
    tpu.vector_store %arg6[%swap3A_202], %swap3A_205 {strides = array<i32>} : memref<640xf32, #tpu.memory_space<vmem>>, vector<16xf32>,
    %broadcast_in_dim3A_206 = arith.constant 0.000000e+00 : f32
    %broadcast_in_dim3A_207 = vector.broadcast %broadcast_in_dim3A_206 : f32 to vector<16xf32>
    %swap3A_208 = arith.constant 400 : index
    %swap3A_209 = tpu.vector_load %arg6[%swap3A_208] {strides = array<i32>} : memref<640xf32, #tpu.memory_space<vmem>>, vector<16xf32>,
    %swap3A_210 = vector.shape_cast %swap3A_209 : vector<16xf32> to vector<16xf32>
    %swap3A_211 = vector.shape_cast %broadcast_in_dim3A_207 : vector<16xf32> to vector<16xf32>
    tpu.vector_store %arg6[%swap3A_208], %swap3A_211 {strides = array<i32>} : memref<640xf32, #tpu.memory_space<vmem>>, vector<16xf32>,
    %broadcast_in_dim3A_212 = arith.constant 0.000000e+00 : f32
    %broadcast_in_dim3A_213 = vector.broadcast %broadcast_in_dim3A_212 : f32 to vector<16xf32>
    %swap3A_214 = arith.constant 416 : index
    %swap3A_215 = tpu.vector_load %arg6[%swap3A_214] {strides = array<i32>} : memref<640xf32, #tpu.memory_space<vmem>>, vector<16xf32>,
    %swap3A_216 = vector.shape_cast %swap3A_215 : vector<16xf32> to vector<16xf32>
    %swap3A_217 = vector.shape_cast %broadcast_in_dim3A_213 : vector<16xf32> to vector<16xf32>
    tpu.vector_store %arg6[%swap3A_214], %swap3A_217 {strides = array<i32>} : memref<640xf32, #tpu.memory_space<vmem>>, vector<16xf32>,
    %broadcast_in_dim3A_218 = arith.constant 0.000000e+00 : f32
    %broadcast_in_dim3A_219 = vector.broadcast %broadcast_in_dim3A_218 : f32 to vector<16xf32>
    %swap3A_220 = arith.constant 432 : index
    %swap3A_221 = tpu.vector_load %arg6[%swap3A_220] {strides = array<i32>} : memref<640xf32, #tpu.memory_space<vmem>>, vector<16xf32>,
    %swap3A_222 = vector.shape_cast %swap3A_221 : vector<16xf32> to vector<16xf32>
    %swap3A_223 = vector.shape_cast %broadcast_in_dim3A_219 : vector<16xf32> to vector<16xf32>
    tpu.vector_store %arg6[%swap3A_220], %swap3A_223 {strides = array<i32>} : memref<640xf32, #tpu.memory_space<vmem>>, vector<16xf32>,
    %broadcast_in_dim3A_224 = arith.constant 0.000000e+00 : f32
    %broadcast_in_dim3A_225 = vector.broadcast %broadcast_in_dim3A_224 : f32 to vector<16xf32>
    %swap3A_226 = arith.constant 448 : index
    %swap3A_227 = tpu.vector_load %arg6[%swap3A_226] {strides = array<i32>} : memref<640xf32, #tpu.memory_space<vmem>>, vector<16xf32>,
    %swap3A_228 = vector.shape_cast %swap3A_227 : vector<16xf32> to vector<16xf32>
    %swap3A_229 = vector.shape_cast %broadcast_in_dim3A_225 : vector<16xf32> to vector<16xf32>
    tpu.vector_store %arg6[%swap3A_226], %swap3A_229 {strides = array<i32>} : memref<640xf32, #tpu.memory_space<vmem>>, vector<16xf32>,
    %broadcast_in_dim3A_230 = arith.constant 0.000000e+00 : f32
    %broadcast_in_dim3A_231 = vector.broadcast %broadcast_in_dim3A_230 : f32 to vector<16xf32>
    %swap3A_232 = arith.constant 464 : index
    %swap3A_233 = tpu.vector_load %arg6[%swap3A_232] {strides = array<i32>} : memref<640xf32, #tpu.memory_space<vmem>>, vector<16xf32>,
    %swap3A_234 = vector.shape_cast %swap3A_233 : vector<16xf32> to vector<16xf32>
    %swap3A_235 = vector.shape_cast %broadcast_in_dim3A_231 : vector<16xf32> to vector<16xf32>
    tpu.vector_store %arg6[%swap3A_232], %swap3A_235 {strides = array<i32>} : memref<640xf32, #tpu.memory_space<vmem>>, vector<16xf32>,
    %broadcast_in_dim3A_236 = arith.constant 0.000000e+00 : f32
    %broadcast_in_dim3A_237 = vector.broadcast %broadcast_in_dim3A_236 : f32 to vector<16xf32>
    %swap3A_238 = arith.constant 480 : index
    %swap3A_239 = tpu.vector_load %arg6[%swap3A_238] {strides = array<i32>} : memref<640xf32, #tpu.memory_space<vmem>>, vector<16xf32>,
    %swap3A_240 = vector.shape_cast %swap3A_239 : vector<16xf32> to vector<16xf32>
    %swap3A_241 = vector.shape_cast %broadcast_in_dim3A_237 : vector<16xf32> to vector<16xf32>
    tpu.vector_store %arg6[%swap3A_238], %swap3A_241 {strides = array<i32>} : memref<640xf32, #tpu.memory_space<vmem>>, vector<16xf32>,
    %broadcast_in_dim3A_242 = arith.constant 0.000000e+00 : f32
    %broadcast_in_dim3A_243 = vector.broadcast %broadcast_in_dim3A_242 : f32 to vector<16xf32>
    %swap3A_244 = arith.constant 496 : index
    %swap3A_245 = tpu.vector_load %arg6[%swap3A_244] {strides = array<i32>} : memref<640xf32, #tpu.memory_space<vmem>>, vector<16xf32>,
    %swap3A_246 = vector.shape_cast %swap3A_245 : vector<16xf32> to vector<16xf32>
    %swap3A_247 = vector.shape_cast %broadcast_in_dim3A_243 : vector<16xf32> to vector<16xf32>
    tpu.vector_store %arg6[%swap3A_244], %swap3A_247 {strides = array<i32>} : memref<640xf32, #tpu.memory_space<vmem>>, vector<16xf32>,
    %broadcast_in_dim3A_248 = arith.constant 0.000000e+00 : f32
    %broadcast_in_dim3A_249 = vector.broadcast %broadcast_in_dim3A_248 : f32 to vector<16xf32>
    %swap3A_250 = arith.constant 512 : index
    %swap3A_251 = tpu.vector_load %arg6[%swap3A_250] {strides = array<i32>} : memref<640xf32, #tpu.memory_space<vmem>>, vector<16xf32>,
    %swap3A_252 = vector.shape_cast %swap3A_251 : vector<16xf32> to vector<16xf32>
    %swap3A_253 = vector.shape_cast %broadcast_in_dim3A_249 : vector<16xf32> to vector<16xf32>
    tpu.vector_store %arg6[%swap3A_250], %swap3A_253 {strides = array<i32>} : memref<640xf32, #tpu.memory_space<vmem>>, vector<16xf32>,
    %broadcast_in_dim3A_254 = arith.constant 0.000000e+00 : f32
    %broadcast_in_dim3A_255 = vector.broadcast %broadcast_in_dim3A_254 : f32 to vector<16xf32>
    %swap3A_256 = arith.constant 528 : index
    %swap3A_257 = tpu.vector_load %arg6[%swap3A_256] {strides = array<i32>} : memref<640xf32, #tpu.memory_space<vmem>>, vector<16xf32>,
    %swap3A_258 = vector.shape_cast %swap3A_257 : vector<16xf32> to vector<16xf32>
    %swap3A_259 = vector.shape_cast %broadcast_in_dim3A_255 : vector<16xf32> to vector<16xf32>
    tpu.vector_store %arg6[%swap3A_256], %swap3A_259 {strides = array<i32>} : memref<640xf32, #tpu.memory_space<vmem>>, vector<16xf32>,
    %broadcast_in_dim3A_260 = arith.constant 0.000000e+00 : f32
    %broadcast_in_dim3A_261 = vector.broadcast %broadcast_in_dim3A_260 : f32 to vector<16xf32>
    %swap3A_262 = arith.constant 544 : index
    %swap3A_263 = tpu.vector_load %arg6[%swap3A_262] {strides = array<i32>} : memref<640xf32, #tpu.memory_space<vmem>>, vector<16xf32>,
    %swap3A_264 = vector.shape_cast %swap3A_263 : vector<16xf32> to vector<16xf32>
    %swap3A_265 = vector.shape_cast %broadcast_in_dim3A_261 : vector<16xf32> to vector<16xf32>
    tpu.vector_store %arg6[%swap3A_262], %swap3A_265 {strides = array<i32>} : memref<640xf32, #tpu.memory_space<vmem>>, vector<16xf32>,
    %broadcast_in_dim3A_266 = arith.constant 0.000000e+00 : f32
    %broadcast_in_dim3A_267 = vector.broadcast %broadcast_in_dim3A_266 : f32 to vector<16xf32>
    %swap3A_268 = arith.constant 560 : index
    %swap3A_269 = tpu.vector_load %arg6[%swap3A_268] {strides = array<i32>} : memref<640xf32, #tpu.memory_space<vmem>>, vector<16xf32>,
    %swap3A_270 = vector.shape_cast %swap3A_269 : vector<16xf32> to vector<16xf32>
    %swap3A_271 = vector.shape_cast %broadcast_in_dim3A_267 : vector<16xf32> to vector<16xf32>
    tpu.vector_store %arg6[%swap3A_268], %swap3A_271 {strides = array<i32>} : memref<640xf32, #tpu.memory_space<vmem>>, vector<16xf32>,
    %broadcast_in_dim3A_272 = arith.constant 0.000000e+00 : f32
    %broadcast_in_dim3A_273 = vector.broadcast %broadcast_in_dim3A_272 : f32 to vector<16xf32>
    %swap3A_274 = arith.constant 576 : index
    %swap3A_275 = tpu.vector_load %arg6[%swap3A_274] {strides = array<i32>} : memref<640xf32, #tpu.memory_space<vmem>>, vector<16xf32>,
    %swap3A_276 = vector.shape_cast %swap3A_275 : vector<16xf32> to vector<16xf32>
    %swap3A_277 = vector.shape_cast %broadcast_in_dim3A_273 : vector<16xf32> to vector<16xf32>
    tpu.vector_store %arg6[%swap3A_274], %swap3A_277 {strides = array<i32>} : memref<640xf32, #tpu.memory_space<vmem>>, vector<16xf32>,
    %broadcast_in_dim3A_278 = arith.constant 0.000000e+00 : f32
    %broadcast_in_dim3A_279 = vector.broadcast %broadcast_in_dim3A_278 : f32 to vector<16xf32>
    %swap3A_280 = arith.constant 592 : index
    %swap3A_281 = tpu.vector_load %arg6[%swap3A_280] {strides = array<i32>} : memref<640xf32, #tpu.memory_space<vmem>>, vector<16xf32>,
    %swap3A_282 = vector.shape_cast %swap3A_281 : vector<16xf32> to vector<16xf32>
    %swap3A_283 = vector.shape_cast %broadcast_in_dim3A_279 : vector<16xf32> to vector<16xf32>
    tpu.vector_store %arg6[%swap3A_280], %swap3A_283 {strides = array<i32>} : memref<640xf32, #tpu.memory_space<vmem>>, vector<16xf32>,
    %broadcast_in_dim3A_284 = arith.constant 0.000000e+00 : f32
    %broadcast_in_dim3A_285 = vector.broadcast %broadcast_in_dim3A_284 : f32 to vector<16xf32>
    %swap3A_286 = arith.constant 608 : index
    %swap3A_287 = tpu.vector_load %arg6[%swap3A_286] {strides = array<i32>} : memref<640xf32, #tpu.memory_space<vmem>>, vector<16xf32>,
    %swap3A_288 = vector.shape_cast %swap3A_287 : vector<16xf32> to vector<16xf32>
    %swap3A_289 = vector.shape_cast %broadcast_in_dim3A_285 : vector<16xf32> to vector<16xf32>
    tpu.vector_store %arg6[%swap3A_286], %swap3A_289 {strides = array<i32>} : memref<640xf32, #tpu.memory_space<vmem>>, vector<16xf32>,
    %broadcast_in_dim3A_290 = arith.constant 0.000000e+00 : f32
    %broadcast_in_dim3A_291 = vector.broadcast %broadcast_in_dim3A_290 : f32 to vector<16xf32>
    %swap3A_292 = arith.constant 624 : index
    %swap3A_293 = tpu.vector_load %arg6[%swap3A_292] {strides = array<i32>} : memref<640xf32, #tpu.memory_space<vmem>>, vector<16xf32>,
    %swap3A_294 = vector.shape_cast %swap3A_293 : vector<16xf32> to vector<16xf32>
    %swap3A_295 = vector.shape_cast %broadcast_in_dim3A_291 : vector<16xf32> to vector<16xf32>
    tpu.vector_store %arg6[%swap3A_292], %swap3A_295 {strides = array<i32>} : memref<640xf32, #tpu.memory_space<vmem>>, vector<16xf32>,
    %mul3A_296 = arith.constant 640 : i32
    %mul3A_297 = arith.muli %arg1, %mul3A_296 : i32
    "tpu.region"() ({
      %run_scoped3A_320 = tpu.sem_alloc : memref<!tpu.dma_semaphore, #tpu.memory_space<semaphore_mem>>
      %dma_start3A = tpu.memref_slice %arg7[%mul3A_297] : memref<10240xf32, #tpu.memory_space<vmem_shared>> -> memref<640xf32, #tpu.memory_space<vmem_shared>>
      %dma_start3A_321 = tpu.memref_slice %arg7[%mul3A_297] : memref<10240xf32, #tpu.memory_space<vmem_shared>> -> memref<640xf32, #tpu.memory_space<vmem_shared>>
      tpu.enqueue_dma source(%arg6 : memref<640xf32, #tpu.memory_space<vmem>>) target(%dma_start3A_321 : memref<640xf32, #tpu.memory_space<vmem_shared>>) target_semaphore(%run_scoped3A_320 : memref<!tpu.dma_semaphore, #tpu.memory_space<semaphore_mem>>)
      %dma_wait3A = tpu.memref_slice %arg7[%mul3A_297] : memref<10240xf32, #tpu.memory_space<vmem_shared>> -> memref<640xf32, #tpu.memory_space<vmem_shared>>
      %dma_wait3A_322 = tpu.memref_slice %arg7[%mul3A_297] : memref<10240xf32, #tpu.memory_space<vmem_shared>> -> memref<640xf32, #tpu.memory_space<vmem_shared>>
      tpu.wait_dma2 semaphore(%run_scoped3A_320 : memref<!tpu.dma_semaphore, #tpu.memory_space<semaphore_mem>>) src(%arg6 : memref<640xf32, #tpu.memory_space<vmem>>) dst(%dma_wait3A_322 : memref<640xf32, #tpu.memory_space<vmem_shared>>)
      tpu.yield
    }) : () -> ()
    %barrier3A = arith.constant 0 : index
    tpu.barrier barrier_id(%barrier3A)
    %scan3A = arith.constant 0 : i32
    %scan3A_298 = arith.constant 0 : i32
    %scan3A_299 = arith.constant 20 : i32
    %scan3A_300 = arith.addi %scan3A_298, %scan3A_299 : i32
    %scan3A_301 = arith.constant 1 : i32
    scf.for %scan3A_320 = %scan3A_298 to %scan3A_300 step %scan3A_301  : i32 {
      %mul3A_321 = arith.constant 4 : i32
      %mul3A_322 = arith.muli %scan3A_320, %mul3A_321 : i32
      %add3A_323 = arith.constant 0 : i32
      %add3A_324 = arith.addi %mul3A_322, %add3A_323 : i32
      %lt3A_325 = arith.cmpi slt, %add3A_324, %add3A_9 : i32
      %convert_element_type3A_326 = arith.extui %lt3A_325 : i1 to i32
      %cond3A_327 = arith.constant 0 : i32
      %cond3A_328 = arith.cmpi ne, %convert_element_type3A_326, %cond3A_327 : i32
      scf.if %cond3A_328 {
        %ge3A_353 = arith.constant 4 : i32
        %ge3A_354 = arith.cmpi sge, %add3A_324, %ge3A_353 : i32
        %convert_element_type3A_355 = arith.extui %ge3A_354 : i1 to i32
        %cond3A_356 = arith.constant 0 : i32
        %cond3A_357 = arith.cmpi ne, %convert_element_type3A_355, %cond3A_356 : i32
        scf.if %cond3A_357 {
          %sub3A = arith.constant 4 : i32
          %sub3A_362 = arith.subi %add3A_324, %sub3A : i32
          %dma_wait3A = arith.constant 0 : i32
          %dma_wait3A_363 = tpu.memref_slice %arg4[%sub3A_362, %dma_wait3A] : memref<79x128xi32, #tpu.memory_space<vmem>> -> memref<1x128xi32, #tpu.memory_space<vmem>>
          %dma_wait3A_364 = tpu.memref_squeeze %dma_wait3A_363 : memref<1x128xi32, #tpu.memory_space<vmem>> -> memref<128xi32, #tpu.memory_space<vmem>>
          %dma_wait3A_365 = arith.constant 0 : i32
          %dma_wait3A_366 = tpu.memref_slice %arg7[%dma_wait3A_365] : memref<10240xf32, #tpu.memory_space<vmem_shared>> -> memref<10240xf32, #tpu.memory_space<vmem_shared>>
          tpu.wait_indirect_dma semaphore(%arg8 : memref<!tpu.dma_semaphore, #tpu.memory_space<semaphore_mem>>) src(%arg5 : memref<128xf32, #tpu.memory_space<vmem>>) dst(%dma_wait3A_366 : memref<10240xf32, #tpu.memory_space<vmem_shared>>)
        } else {
        }
        %dma_start3A = arith.constant 0 : i32
        %dma_start3A_358 = tpu.memref_slice %arg4[%add3A_324, %dma_start3A] : memref<79x128xi32, #tpu.memory_space<vmem>> -> memref<1x128xi32, #tpu.memory_space<vmem>>
        %dma_start3A_359 = tpu.memref_squeeze %dma_start3A_358 : memref<1x128xi32, #tpu.memory_space<vmem>> -> memref<128xi32, #tpu.memory_space<vmem>>
        %dma_start3A_360 = arith.constant 0 : i32
        %dma_start3A_361 = tpu.memref_slice %arg7[%dma_start3A_360] : memref<10240xf32, #tpu.memory_space<vmem_shared>> -> memref<10240xf32, #tpu.memory_space<vmem_shared>>
        tpu.enqueue_indirect_dma source(%arg5 : memref<128xf32, #tpu.memory_space<vmem>>) target(%dma_start3A_361 : memref<10240xf32, #tpu.memory_space<vmem_shared>>) offsets(%dma_start3A_359 : memref<128xi32, #tpu.memory_space<vmem>>) semaphore(%arg8 : memref<!tpu.dma_semaphore, #tpu.memory_space<semaphore_mem>>) {add = true}
      } else {
      }
      %mul3A_329 = arith.constant 4 : i32
      %mul3A_330 = arith.muli %scan3A_320, %mul3A_329 : i32
      %add3A_331 = arith.constant 1 : i32
      %add3A_332 = arith.addi %mul3A_330, %add3A_331 : i32
      %lt3A_333 = arith.cmpi slt, %add3A_332, %add3A_9 : i32
      %convert_element_type3A_334 = arith.extui %lt3A_333 : i1 to i32
      %cond3A_335 = arith.constant 0 : i32
      %cond3A_336 = arith.cmpi ne, %convert_element_type3A_334, %cond3A_335 : i32
      scf.if %cond3A_336 {
        %ge3A_353 = arith.constant 4 : i32
        %ge3A_354 = arith.cmpi sge, %add3A_332, %ge3A_353 : i32
        %convert_element_type3A_355 = arith.extui %ge3A_354 : i1 to i32
        %cond3A_356 = arith.constant 0 : i32
        %cond3A_357 = arith.cmpi ne, %convert_element_type3A_355, %cond3A_356 : i32
        scf.if %cond3A_357 {
          %sub3A = arith.constant 4 : i32
          %sub3A_362 = arith.subi %add3A_332, %sub3A : i32
          %dma_wait3A = arith.constant 0 : i32
          %dma_wait3A_363 = tpu.memref_slice %arg4[%sub3A_362, %dma_wait3A] : memref<79x128xi32, #tpu.memory_space<vmem>> -> memref<1x128xi32, #tpu.memory_space<vmem>>
          %dma_wait3A_364 = tpu.memref_squeeze %dma_wait3A_363 : memref<1x128xi32, #tpu.memory_space<vmem>> -> memref<128xi32, #tpu.memory_space<vmem>>
          %dma_wait3A_365 = arith.constant 0 : i32
          %dma_wait3A_366 = tpu.memref_slice %arg7[%dma_wait3A_365] : memref<10240xf32, #tpu.memory_space<vmem_shared>> -> memref<10240xf32, #tpu.memory_space<vmem_shared>>
          tpu.wait_indirect_dma semaphore(%arg9 : memref<!tpu.dma_semaphore, #tpu.memory_space<semaphore_mem>>) src(%arg5 : memref<128xf32, #tpu.memory_space<vmem>>) dst(%dma_wait3A_366 : memref<10240xf32, #tpu.memory_space<vmem_shared>>)
        } else {
        }
        %dma_start3A = arith.constant 0 : i32
        %dma_start3A_358 = tpu.memref_slice %arg4[%add3A_332, %dma_start3A] : memref<79x128xi32, #tpu.memory_space<vmem>> -> memref<1x128xi32, #tpu.memory_space<vmem>>
        %dma_start3A_359 = tpu.memref_squeeze %dma_start3A_358 : memref<1x128xi32, #tpu.memory_space<vmem>> -> memref<128xi32, #tpu.memory_space<vmem>>
        %dma_start3A_360 = arith.constant 0 : i32
        %dma_start3A_361 = tpu.memref_slice %arg7[%dma_start3A_360] : memref<10240xf32, #tpu.memory_space<vmem_shared>> -> memref<10240xf32, #tpu.memory_space<vmem_shared>>
        tpu.enqueue_indirect_dma source(%arg5 : memref<128xf32, #tpu.memory_space<vmem>>) target(%dma_start3A_361 : memref<10240xf32, #tpu.memory_space<vmem_shared>>) offsets(%dma_start3A_359 : memref<128xi32, #tpu.memory_space<vmem>>) semaphore(%arg9 : memref<!tpu.dma_semaphore, #tpu.memory_space<semaphore_mem>>) {add = true}
      } else {
      }
      %mul3A_337 = arith.constant 4 : i32
      %mul3A_338 = arith.muli %scan3A_320, %mul3A_337 : i32
      %add3A_339 = arith.constant 2 : i32
      %add3A_340 = arith.addi %mul3A_338, %add3A_339 : i32
      %lt3A_341 = arith.cmpi slt, %add3A_340, %add3A_9 : i32
      %convert_element_type3A_342 = arith.extui %lt3A_341 : i1 to i32
      %cond3A_343 = arith.constant 0 : i32
      %cond3A_344 = arith.cmpi ne, %convert_element_type3A_342, %cond3A_343 : i32
      scf.if %cond3A_344 {
        %ge3A_353 = arith.constant 4 : i32
        %ge3A_354 = arith.cmpi sge, %add3A_340, %ge3A_353 : i32
        %convert_element_type3A_355 = arith.extui %ge3A_354 : i1 to i32
        %cond3A_356 = arith.constant 0 : i32
        %cond3A_357 = arith.cmpi ne, %convert_element_type3A_355, %cond3A_356 : i32
        scf.if %cond3A_357 {
          %sub3A = arith.constant 4 : i32
          %sub3A_362 = arith.subi %add3A_340, %sub3A : i32
          %dma_wait3A = arith.constant 0 : i32
          %dma_wait3A_363 = tpu.memref_slice %arg4[%sub3A_362, %dma_wait3A] : memref<79x128xi32, #tpu.memory_space<vmem>> -> memref<1x128xi32, #tpu.memory_space<vmem>>
          %dma_wait3A_364 = tpu.memref_squeeze %dma_wait3A_363 : memref<1x128xi32, #tpu.memory_space<vmem>> -> memref<128xi32, #tpu.memory_space<vmem>>
          %dma_wait3A_365 = arith.constant 0 : i32
          %dma_wait3A_366 = tpu.memref_slice %arg7[%dma_wait3A_365] : memref<10240xf32, #tpu.memory_space<vmem_shared>> -> memref<10240xf32, #tpu.memory_space<vmem_shared>>
          tpu.wait_indirect_dma semaphore(%arg10 : memref<!tpu.dma_semaphore, #tpu.memory_space<semaphore_mem>>) src(%arg5 : memref<128xf32, #tpu.memory_space<vmem>>) dst(%dma_wait3A_366 : memref<10240xf32, #tpu.memory_space<vmem_shared>>)
        } else {
        }
        %dma_start3A = arith.constant 0 : i32
        %dma_start3A_358 = tpu.memref_slice %arg4[%add3A_340, %dma_start3A] : memref<79x128xi32, #tpu.memory_space<vmem>> -> memref<1x128xi32, #tpu.memory_space<vmem>>
        %dma_start3A_359 = tpu.memref_squeeze %dma_start3A_358 : memref<1x128xi32, #tpu.memory_space<vmem>> -> memref<128xi32, #tpu.memory_space<vmem>>
        %dma_start3A_360 = arith.constant 0 : i32
        %dma_start3A_361 = tpu.memref_slice %arg7[%dma_start3A_360] : memref<10240xf32, #tpu.memory_space<vmem_shared>> -> memref<10240xf32, #tpu.memory_space<vmem_shared>>
        tpu.enqueue_indirect_dma source(%arg5 : memref<128xf32, #tpu.memory_space<vmem>>) target(%dma_start3A_361 : memref<10240xf32, #tpu.memory_space<vmem_shared>>) offsets(%dma_start3A_359 : memref<128xi32, #tpu.memory_space<vmem>>) semaphore(%arg10 : memref<!tpu.dma_semaphore, #tpu.memory_space<semaphore_mem>>) {add = true}
      } else {
      }
      %mul3A_345 = arith.constant 4 : i32
      %mul3A_346 = arith.muli %scan3A_320, %mul3A_345 : i32
      %add3A_347 = arith.constant 3 : i32
      %add3A_348 = arith.addi %mul3A_346, %add3A_347 : i32
      %lt3A_349 = arith.cmpi slt, %add3A_348, %add3A_9 : i32
      %convert_element_type3A_350 = arith.extui %lt3A_349 : i1 to i32
      %cond3A_351 = arith.constant 0 : i32
      %cond3A_352 = arith.cmpi ne, %convert_element_type3A_350, %cond3A_351 : i32
      scf.if %cond3A_352 {
        %ge3A_353 = arith.constant 4 : i32
        %ge3A_354 = arith.cmpi sge, %add3A_348, %ge3A_353 : i32
        %convert_element_type3A_355 = arith.extui %ge3A_354 : i1 to i32
        %cond3A_356 = arith.constant 0 : i32
        %cond3A_357 = arith.cmpi ne, %convert_element_type3A_355, %cond3A_356 : i32
        scf.if %cond3A_357 {
          %sub3A = arith.constant 4 : i32
          %sub3A_362 = arith.subi %add3A_348, %sub3A : i32
          %dma_wait3A = arith.constant 0 : i32
          %dma_wait3A_363 = tpu.memref_slice %arg4[%sub3A_362, %dma_wait3A] : memref<79x128xi32, #tpu.memory_space<vmem>> -> memref<1x128xi32, #tpu.memory_space<vmem>>
          %dma_wait3A_364 = tpu.memref_squeeze %dma_wait3A_363 : memref<1x128xi32, #tpu.memory_space<vmem>> -> memref<128xi32, #tpu.memory_space<vmem>>
          %dma_wait3A_365 = arith.constant 0 : i32
          %dma_wait3A_366 = tpu.memref_slice %arg7[%dma_wait3A_365] : memref<10240xf32, #tpu.memory_space<vmem_shared>> -> memref<10240xf32, #tpu.memory_space<vmem_shared>>
          tpu.wait_indirect_dma semaphore(%arg11 : memref<!tpu.dma_semaphore, #tpu.memory_space<semaphore_mem>>) src(%arg5 : memref<128xf32, #tpu.memory_space<vmem>>) dst(%dma_wait3A_366 : memref<10240xf32, #tpu.memory_space<vmem_shared>>)
        } else {
        }
        %dma_start3A = arith.constant 0 : i32
        %dma_start3A_358 = tpu.memref_slice %arg4[%add3A_348, %dma_start3A] : memref<79x128xi32, #tpu.memory_space<vmem>> -> memref<1x128xi32, #tpu.memory_space<vmem>>
        %dma_start3A_359 = tpu.memref_squeeze %dma_start3A_358 : memref<1x128xi32, #tpu.memory_space<vmem>> -> memref<128xi32, #tpu.memory_space<vmem>>
        %dma_start3A_360 = arith.constant 0 : i32
        %dma_start3A_361 = tpu.memref_slice %arg7[%dma_start3A_360] : memref<10240xf32, #tpu.memory_space<vmem_shared>> -> memref<10240xf32, #tpu.memory_space<vmem_shared>>
        tpu.enqueue_indirect_dma source(%arg5 : memref<128xf32, #tpu.memory_space<vmem>>) target(%dma_start3A_361 : memref<10240xf32, #tpu.memory_space<vmem_shared>>) offsets(%dma_start3A_359 : memref<128xi32, #tpu.memory_space<vmem>>) semaphore(%arg11 : memref<!tpu.dma_semaphore, #tpu.memory_space<semaphore_mem>>) {add = true}
      } else {
      }
    }
    %scan3A_302 = arith.constant 20 : i32
    %lt3A_303 = arith.constant 4 : i32
    %lt3A_304 = arith.cmpi slt, %add3A, %lt3A_303 : i32
    %convert_element_type3A_305 = arith.extui %lt3A_304 : i1 to i32
    %cond3A_306 = arith.constant 0 : i32
    %cond3A_307 = arith.cmpi ne, %convert_element_type3A_305, %cond3A_306 : i32
    scf.if %cond3A_307 {
      %dma_wait3A = arith.constant 75 : i32
      %dma_wait3A_320 = arith.constant 0 : i32
      %dma_wait3A_321 = tpu.memref_slice %arg4[%dma_wait3A, %dma_wait3A_320] : memref<79x128xi32, #tpu.memory_space<vmem>> -> memref<1x128xi32, #tpu.memory_space<vmem>>
      %dma_wait3A_322 = tpu.memref_squeeze %dma_wait3A_321 : memref<1x128xi32, #tpu.memory_space<vmem>> -> memref<128xi32, #tpu.memory_space<vmem>>
      %dma_wait3A_323 = arith.constant 0 : i32
      %dma_wait3A_324 = tpu.memref_slice %arg7[%dma_wait3A_323] : memref<10240xf32, #tpu.memory_space<vmem_shared>> -> memref<10240xf32, #tpu.memory_space<vmem_shared>>
      tpu.wait_indirect_dma semaphore(%arg11 : memref<!tpu.dma_semaphore, #tpu.memory_space<semaphore_mem>>) src(%arg5 : memref<128xf32, #tpu.memory_space<vmem>>) dst(%dma_wait3A_324 : memref<10240xf32, #tpu.memory_space<vmem_shared>>)
      %dma_wait3A_325 = arith.constant 76 : i32
      %dma_wait3A_326 = arith.constant 0 : i32
      %dma_wait3A_327 = tpu.memref_slice %arg4[%dma_wait3A_325, %dma_wait3A_326] : memref<79x128xi32, #tpu.memory_space<vmem>> -> memref<1x128xi32, #tpu.memory_space<vmem>>
      %dma_wait3A_328 = tpu.memref_squeeze %dma_wait3A_327 : memref<1x128xi32, #tpu.memory_space<vmem>> -> memref<128xi32, #tpu.memory_space<vmem>>
      %dma_wait3A_329 = arith.constant 0 : i32
      %dma_wait3A_330 = tpu.memref_slice %arg7[%dma_wait3A_329] : memref<10240xf32, #tpu.memory_space<vmem_shared>> -> memref<10240xf32, #tpu.memory_space<vmem_shared>>
      tpu.wait_indirect_dma semaphore(%arg8 : memref<!tpu.dma_semaphore, #tpu.memory_space<semaphore_mem>>) src(%arg5 : memref<128xf32, #tpu.memory_space<vmem>>) dst(%dma_wait3A_330 : memref<10240xf32, #tpu.memory_space<vmem_shared>>)
      %dma_wait3A_331 = arith.constant 77 : i32
      %dma_wait3A_332 = arith.constant 0 : i32
      %dma_wait3A_333 = tpu.memref_slice %arg4[%dma_wait3A_331, %dma_wait3A_332] : memref<79x128xi32, #tpu.memory_space<vmem>> -> memref<1x128xi32, #tpu.memory_space<vmem>>
      %dma_wait3A_334 = tpu.memref_squeeze %dma_wait3A_333 : memref<1x128xi32, #tpu.memory_space<vmem>> -> memref<128xi32, #tpu.memory_space<vmem>>
      %dma_wait3A_335 = arith.constant 0 : i32
      %dma_wait3A_336 = tpu.memref_slice %arg7[%dma_wait3A_335] : memref<10240xf32, #tpu.memory_space<vmem_shared>> -> memref<10240xf32, #tpu.memory_space<vmem_shared>>
      tpu.wait_indirect_dma semaphore(%arg9 : memref<!tpu.dma_semaphore, #tpu.memory_space<semaphore_mem>>) src(%arg5 : memref<128xf32, #tpu.memory_space<vmem>>) dst(%dma_wait3A_336 : memref<10240xf32, #tpu.memory_space<vmem_shared>>)
      %dma_wait3A_337 = arith.constant 78 : i32
      %dma_wait3A_338 = arith.constant 0 : i32
      %dma_wait3A_339 = tpu.memref_slice %arg4[%dma_wait3A_337, %dma_wait3A_338] : memref<79x128xi32, #tpu.memory_space<vmem>> -> memref<1x128xi32, #tpu.memory_space<vmem>>
      %dma_wait3A_340 = tpu.memref_squeeze %dma_wait3A_339 : memref<1x128xi32, #tpu.memory_space<vmem>> -> memref<128xi32, #tpu.memory_space<vmem>>
      %dma_wait3A_341 = arith.constant 0 : i32
      %dma_wait3A_342 = tpu.memref_slice %arg7[%dma_wait3A_341] : memref<10240xf32, #tpu.memory_space<vmem_shared>> -> memref<10240xf32, #tpu.memory_space<vmem_shared>>
      tpu.wait_indirect_dma semaphore(%arg10 : memref<!tpu.dma_semaphore, #tpu.memory_space<semaphore_mem>>) src(%arg5 : memref<128xf32, #tpu.memory_space<vmem>>) dst(%dma_wait3A_342 : memref<10240xf32, #tpu.memory_space<vmem_shared>>)
    } else {
    }
    %ge3A = arith.constant 4 : i32
    %ge3A_308 = arith.cmpi sge, %add3A, %ge3A : i32
    %convert_element_type3A_309 = arith.extui %ge3A_308 : i1 to i32
    %cond3A_310 = arith.constant 0 : i32
    %cond3A_311 = arith.cmpi ne, %convert_element_type3A_309, %cond3A_310 : i32
    scf.if %cond3A_311 {
      %dma_wait3A = arith.constant 74 : i32
      %dma_wait3A_320 = arith.constant 0 : i32
      %dma_wait3A_321 = tpu.memref_slice %arg4[%dma_wait3A, %dma_wait3A_320] : memref<79x128xi32, #tpu.memory_space<vmem>> -> memref<1x128xi32, #tpu.memory_space<vmem>>
      %dma_wait3A_322 = tpu.memref_squeeze %dma_wait3A_321 : memref<1x128xi32, #tpu.memory_space<vmem>> -> memref<128xi32, #tpu.memory_space<vmem>>
      %dma_wait3A_323 = arith.constant 0 : i32
      %dma_wait3A_324 = tpu.memref_slice %arg7[%dma_wait3A_323] : memref<10240xf32, #tpu.memory_space<vmem_shared>> -> memref<10240xf32, #tpu.memory_space<vmem_shared>>
      tpu.wait_indirect_dma semaphore(%arg10 : memref<!tpu.dma_semaphore, #tpu.memory_space<semaphore_mem>>) src(%arg5 : memref<128xf32, #tpu.memory_space<vmem>>) dst(%dma_wait3A_324 : memref<10240xf32, #tpu.memory_space<vmem_shared>>)
      %dma_wait3A_325 = arith.constant 75 : i32
      %dma_wait3A_326 = arith.constant 0 : i32
      %dma_wait3A_327 = tpu.memref_slice %arg4[%dma_wait3A_325, %dma_wait3A_326] : memref<79x128xi32, #tpu.memory_space<vmem>> -> memref<1x128xi32, #tpu.memory_space<vmem>>
      %dma_wait3A_328 = tpu.memref_squeeze %dma_wait3A_327 : memref<1x128xi32, #tpu.memory_space<vmem>> -> memref<128xi32, #tpu.memory_space<vmem>>
      %dma_wait3A_329 = arith.constant 0 : i32
      %dma_wait3A_330 = tpu.memref_slice %arg7[%dma_wait3A_329] : memref<10240xf32, #tpu.memory_space<vmem_shared>> -> memref<10240xf32, #tpu.memory_space<vmem_shared>>
      tpu.wait_indirect_dma semaphore(%arg11 : memref<!tpu.dma_semaphore, #tpu.memory_space<semaphore_mem>>) src(%arg5 : memref<128xf32, #tpu.memory_space<vmem>>) dst(%dma_wait3A_330 : memref<10240xf32, #tpu.memory_space<vmem_shared>>)
      %dma_wait3A_331 = arith.constant 76 : i32
      %dma_wait3A_332 = arith.constant 0 : i32
      %dma_wait3A_333 = tpu.memref_slice %arg4[%dma_wait3A_331, %dma_wait3A_332] : memref<79x128xi32, #tpu.memory_space<vmem>> -> memref<1x128xi32, #tpu.memory_space<vmem>>
      %dma_wait3A_334 = tpu.memref_squeeze %dma_wait3A_333 : memref<1x128xi32, #tpu.memory_space<vmem>> -> memref<128xi32, #tpu.memory_space<vmem>>
      %dma_wait3A_335 = arith.constant 0 : i32
      %dma_wait3A_336 = tpu.memref_slice %arg7[%dma_wait3A_335] : memref<10240xf32, #tpu.memory_space<vmem_shared>> -> memref<10240xf32, #tpu.memory_space<vmem_shared>>
      tpu.wait_indirect_dma semaphore(%arg8 : memref<!tpu.dma_semaphore, #tpu.memory_space<semaphore_mem>>) src(%arg5 : memref<128xf32, #tpu.memory_space<vmem>>) dst(%dma_wait3A_336 : memref<10240xf32, #tpu.memory_space<vmem_shared>>)
      %dma_wait3A_337 = arith.constant 77 : i32
      %dma_wait3A_338 = arith.constant 0 : i32
      %dma_wait3A_339 = tpu.memref_slice %arg4[%dma_wait3A_337, %dma_wait3A_338] : memref<79x128xi32, #tpu.memory_space<vmem>> -> memref<1x128xi32, #tpu.memory_space<vmem>>
      %dma_wait3A_340 = tpu.memref_squeeze %dma_wait3A_339 : memref<1x128xi32, #tpu.memory_space<vmem>> -> memref<128xi32, #tpu.memory_space<vmem>>
      %dma_wait3A_341 = arith.constant 0 : i32
      %dma_wait3A_342 = tpu.memref_slice %arg7[%dma_wait3A_341] : memref<10240xf32, #tpu.memory_space<vmem_shared>> -> memref<10240xf32, #tpu.memory_space<vmem_shared>>
      tpu.wait_indirect_dma semaphore(%arg9 : memref<!tpu.dma_semaphore, #tpu.memory_space<semaphore_mem>>) src(%arg5 : memref<128xf32, #tpu.memory_space<vmem>>) dst(%dma_wait3A_342 : memref<10240xf32, #tpu.memory_space<vmem_shared>>)
    } else {
    }
    %barrier3A_312 = arith.constant 0 : index
    tpu.barrier barrier_id(%barrier3A_312)
    %mul3A_313 = arith.constant 640 : i32
    %mul3A_314 = arith.muli %arg1, %mul3A_313 : i32
    %mul3A_315 = arith.constant 10240 : i32
    %mul3A_316 = arith.muli %arg0, %mul3A_315 : i32
    %mul3A_317 = arith.constant 640 : i32
    %mul3A_318 = arith.muli %arg1, %mul3A_317 : i32
    %add3A_319 = arith.addi %mul3A_316, %mul3A_318 : i32
    "tpu.region"() ({
      %run_scoped3A_320 = tpu.sem_alloc : memref<!tpu.dma_semaphore, #tpu.memory_space<semaphore_mem>>
      %dma_start3A = tpu.memref_slice %arg3[%add3A_319] : memref<20480xf32, #tpu.memory_space<hbm>> -> memref<640xf32, #tpu.memory_space<hbm>>
      %dma_start3A_321 = tpu.memref_slice %arg7[%mul3A_314] : memref<10240xf32, #tpu.memory_space<vmem_shared>> -> memref<640xf32, #tpu.memory_space<vmem_shared>>
      tpu.enqueue_dma source(%dma_start3A_321 : memref<640xf32, #tpu.memory_space<vmem_shared>>) target(%dma_start3A : memref<640xf32, #tpu.memory_space<hbm>>) target_semaphore(%run_scoped3A_320 : memref<!tpu.dma_semaphore, #tpu.memory_space<semaphore_mem>>)
      %dma_wait3A = tpu.memref_slice %arg3[%add3A_319] : memref<20480xf32, #tpu.memory_space<hbm>> -> memref<640xf32, #tpu.memory_space<hbm>>
      %dma_wait3A_322 = tpu.memref_slice %arg7[%mul3A_314] : memref<10240xf32, #tpu.memory_space<vmem_shared>> -> memref<640xf32, #tpu.memory_space<vmem_shared>>
      tpu.wait_dma2 semaphore(%run_scoped3A_320 : memref<!tpu.dma_semaphore, #tpu.memory_space<semaphore_mem>>) src(%dma_wait3A_322 : memref<640xf32, #tpu.memory_space<vmem_shared>>) dst(%dma_wait3A : memref<640xf32, #tpu.memory_space<hbm>>)
      tpu.yield
    }) : () -> ()
    return
  }
}

#map = affine_map<(d0, d1) -> (0, 0)>
#map1 = affine_map<(d0, d1) -> (0, 0, 0)>
module attributes {stable_mosaic.version = 14 : i64} {
  func.func @agg(%arg0: i32, %arg1: i32, %arg2: memref<10000x16xf32, #tpu.memory_space<hbm>>, %arg3: memref<2x2500x128xi32, #tpu.memory_space<hbm>>, %arg4: memref<632x16xf32, #tpu.memory_space<hbm>>, %arg5: memref<2x10112x16xf32, #tpu.memory_space<hbm>>, %arg6: memref<79x128xi32, #tpu.memory_space<vmem>>, %arg7: memref<79x128xi32, #tpu.memory_space<vmem>>, %arg8: memref<128x16xf32, #tpu.memory_space<vmem>>, %arg9: memref<128x16xf32, #tpu.memory_space<vmem>>, %arg10: memref<128x16xf32, #tpu.memory_space<vmem>>, %arg11: memref<128x16xf32, #tpu.memory_space<vmem>>, %arg12: memref<128x16xf32, #tpu.memory_space<vmem>>, %arg13: memref<128x16xf32, #tpu.memory_space<vmem>>, %arg14: memref<128x16xf32, #tpu.memory_space<vmem>>, %arg15: memref<128x16xf32, #tpu.memory_space<vmem>>, %arg16: memref<128x16xf32, #tpu.memory_space<vmem>>, %arg17: memref<128x16xf32, #tpu.memory_space<vmem>>, %arg18: memref<128x16xf32, #tpu.memory_space<vmem>>, %arg19: memref<128x16xf32, #tpu.memory_space<vmem>>, %arg20: memref<10112x16xf32, #tpu.memory_space<vmem_shared>>, %arg21: memref<!tpu.dma_semaphore, #tpu.memory_space<semaphore_mem>>, %arg22: memref<!tpu.dma_semaphore, #tpu.memory_space<semaphore_mem>>, %arg23: memref<!tpu.dma_semaphore, #tpu.memory_space<semaphore_mem>>, %arg24: memref<!tpu.dma_semaphore, #tpu.memory_space<semaphore_mem>>, %arg25: memref<!tpu.dma_semaphore, #tpu.memory_space<semaphore_mem>>, %arg26: memref<!tpu.dma_semaphore, #tpu.memory_space<semaphore_mem>>, %arg27: memref<!tpu.dma_semaphore, #tpu.memory_space<semaphore_mem>>, %arg28: memref<!tpu.dma_semaphore, #tpu.memory_space<semaphore_mem>>, %arg29: memref<!tpu.dma_semaphore, #tpu.memory_space<semaphore_mem>>, %arg30: memref<!tpu.dma_semaphore, #tpu.memory_space<semaphore_mem>>, %arg31: memref<!tpu.dma_semaphore, #tpu.memory_space<semaphore_mem>>, %arg32: memref<!tpu.dma_semaphore, #tpu.memory_space<semaphore_mem>>, %arg33: memref<!tpu.dma_semaphore, #tpu.memory_space<semaphore_mem>>, %arg34: memref<!tpu.dma_semaphore, #tpu.memory_space<semaphore_mem>>, %arg35: memref<!tpu.dma_semaphore, #tpu.memory_space<semaphore_mem>>, %arg36: memref<!tpu.dma_semaphore, #tpu.memory_space<semaphore_mem>>, %arg37: memref<!tpu.dma_semaphore, #tpu.memory_space<semaphore_mem>>, %arg38: memref<!tpu.dma_semaphore, #tpu.memory_space<semaphore_mem>>, %arg39: memref<!tpu.dma_semaphore, #tpu.memory_space<semaphore_mem>>, %arg40: memref<!tpu.dma_semaphore, #tpu.memory_space<semaphore_mem>>, %arg41: memref<!tpu.dma_semaphore, #tpu.memory_space<semaphore_mem>>, %arg42: memref<!tpu.dma_semaphore, #tpu.memory_space<semaphore_mem>>, %arg43: memref<!tpu.dma_semaphore, #tpu.memory_space<semaphore_mem>>, %arg44: memref<!tpu.dma_semaphore, #tpu.memory_space<semaphore_mem>>) attributes {dimension_semantics = [#tpu.dimension_semantics<core_parallel>, #tpu.dimension_semantics<subcore_parallel>], iteration_bounds = array<i64: 2, 16>, scalar_prefetch = 0 : i64, scratch_operands = 39 : i64, tpu.core_type = #tpu.core_type<sc_vector_subcore>, window_params = [{transform_indices = #map}, {transform_indices = #map1}, {transform_indices = #map}, {transform_indices = #map1}]} {
    %mul3A = arith.constant 2 : i32
    %mul3A_0 = arith.muli %arg1, %mul3A : i32
    %add3A = arith.addi %mul3A_0, %arg0 : i32
    %mul3A_1 = arith.constant 78 : i32
    %mul3A_2 = arith.muli %add3A, %mul3A_1 : i32
    %run_scoped3A = arith.constant 0 : i32
    "tpu.region"() ({
      %run_scoped3A_75 = tpu.sem_alloc : memref<!tpu.dma_semaphore, #tpu.memory_space<semaphore_mem>>
      %dma_start3A_76 = arith.constant 0 : i32
      %dma_start3A_77 = arith.constant 0 : i32
      %dma_start3A_78 = tpu.memref_slice %arg6[%dma_start3A_76, %dma_start3A_77] : memref<79x128xi32, #tpu.memory_space<vmem>> -> memref<78x128xi32, #tpu.memory_space<vmem>>
      %dma_start3A_79 = arith.constant 0 : i32
      %dma_start3A_80 = tpu.memref_slice %arg3[%run_scoped3A, %mul3A_2, %dma_start3A_79] : memref<2x2500x128xi32, #tpu.memory_space<hbm>> -> memref<1x78x128xi32, #tpu.memory_space<hbm>>
      %dma_start3A_81 = tpu.memref_squeeze %dma_start3A_80 : memref<1x78x128xi32, #tpu.memory_space<hbm>> -> memref<78x128xi32, #tpu.memory_space<hbm>>
      %dma_start3A_82 = arith.constant 0 : i32
      %dma_start3A_83 = arith.constant 0 : i32
      %dma_start3A_84 = tpu.memref_slice %arg6[%dma_start3A_82, %dma_start3A_83] : memref<79x128xi32, #tpu.memory_space<vmem>> -> memref<78x128xi32, #tpu.memory_space<vmem>>
      %dma_start3A_85 = arith.constant 0 : i32
      %dma_start3A_86 = tpu.memref_slice %arg3[%run_scoped3A, %mul3A_2, %dma_start3A_85] : memref<2x2500x128xi32, #tpu.memory_space<hbm>> -> memref<1x78x128xi32, #tpu.memory_space<hbm>>
      %dma_start3A_87 = tpu.memref_squeeze %dma_start3A_86 : memref<1x78x128xi32, #tpu.memory_space<hbm>> -> memref<78x128xi32, #tpu.memory_space<hbm>>
      tpu.enqueue_dma source(%dma_start3A_87 : memref<78x128xi32, #tpu.memory_space<hbm>>) target(%dma_start3A_84 : memref<78x128xi32, #tpu.memory_space<vmem>>) target_semaphore(%run_scoped3A_75 : memref<!tpu.dma_semaphore, #tpu.memory_space<semaphore_mem>>)
      %dma_wait3A = arith.constant 0 : i32
      %dma_wait3A_88 = arith.constant 0 : i32
      %dma_wait3A_89 = tpu.memref_slice %arg6[%dma_wait3A, %dma_wait3A_88] : memref<79x128xi32, #tpu.memory_space<vmem>> -> memref<78x128xi32, #tpu.memory_space<vmem>>
      %dma_wait3A_90 = arith.constant 0 : i32
      %dma_wait3A_91 = tpu.memref_slice %arg3[%run_scoped3A, %mul3A_2, %dma_wait3A_90] : memref<2x2500x128xi32, #tpu.memory_space<hbm>> -> memref<1x78x128xi32, #tpu.memory_space<hbm>>
      %dma_wait3A_92 = tpu.memref_squeeze %dma_wait3A_91 : memref<1x78x128xi32, #tpu.memory_space<hbm>> -> memref<78x128xi32, #tpu.memory_space<hbm>>
      %dma_wait3A_93 = arith.constant 0 : i32
      %dma_wait3A_94 = arith.constant 0 : i32
      %dma_wait3A_95 = tpu.memref_slice %arg6[%dma_wait3A_93, %dma_wait3A_94] : memref<79x128xi32, #tpu.memory_space<vmem>> -> memref<78x128xi32, #tpu.memory_space<vmem>>
      %dma_wait3A_96 = arith.constant 0 : i32
      %dma_wait3A_97 = tpu.memref_slice %arg3[%run_scoped3A, %mul3A_2, %dma_wait3A_96] : memref<2x2500x128xi32, #tpu.memory_space<hbm>> -> memref<1x78x128xi32, #tpu.memory_space<hbm>>
      %dma_wait3A_98 = tpu.memref_squeeze %dma_wait3A_97 : memref<1x78x128xi32, #tpu.memory_space<hbm>> -> memref<78x128xi32, #tpu.memory_space<hbm>>
      tpu.wait_dma2 semaphore(%run_scoped3A_75 : memref<!tpu.dma_semaphore, #tpu.memory_space<semaphore_mem>>) src(%dma_wait3A_98 : memref<78x128xi32, #tpu.memory_space<hbm>>) dst(%dma_wait3A_95 : memref<78x128xi32, #tpu.memory_space<vmem>>)
      tpu.yield
    }) : () -> ()
    %mul3A_3 = arith.constant 78 : i32
    %mul3A_4 = arith.muli %add3A, %mul3A_3 : i32
    %run_scoped3A_5 = arith.constant 1 : i32
    "tpu.region"() ({
      %run_scoped3A_75 = tpu.sem_alloc : memref<!tpu.dma_semaphore, #tpu.memory_space<semaphore_mem>>
      %dma_start3A_76 = arith.constant 0 : i32
      %dma_start3A_77 = arith.constant 0 : i32
      %dma_start3A_78 = tpu.memref_slice %arg7[%dma_start3A_76, %dma_start3A_77] : memref<79x128xi32, #tpu.memory_space<vmem>> -> memref<78x128xi32, #tpu.memory_space<vmem>>
      %dma_start3A_79 = arith.constant 0 : i32
      %dma_start3A_80 = tpu.memref_slice %arg3[%run_scoped3A_5, %mul3A_4, %dma_start3A_79] : memref<2x2500x128xi32, #tpu.memory_space<hbm>> -> memref<1x78x128xi32, #tpu.memory_space<hbm>>
      %dma_start3A_81 = tpu.memref_squeeze %dma_start3A_80 : memref<1x78x128xi32, #tpu.memory_space<hbm>> -> memref<78x128xi32, #tpu.memory_space<hbm>>
      %dma_start3A_82 = arith.constant 0 : i32
      %dma_start3A_83 = arith.constant 0 : i32
      %dma_start3A_84 = tpu.memref_slice %arg7[%dma_start3A_82, %dma_start3A_83] : memref<79x128xi32, #tpu.memory_space<vmem>> -> memref<78x128xi32, #tpu.memory_space<vmem>>
      %dma_start3A_85 = arith.constant 0 : i32
      %dma_start3A_86 = tpu.memref_slice %arg3[%run_scoped3A_5, %mul3A_4, %dma_start3A_85] : memref<2x2500x128xi32, #tpu.memory_space<hbm>> -> memref<1x78x128xi32, #tpu.memory_space<hbm>>
      %dma_start3A_87 = tpu.memref_squeeze %dma_start3A_86 : memref<1x78x128xi32, #tpu.memory_space<hbm>> -> memref<78x128xi32, #tpu.memory_space<hbm>>
      tpu.enqueue_dma source(%dma_start3A_87 : memref<78x128xi32, #tpu.memory_space<hbm>>) target(%dma_start3A_84 : memref<78x128xi32, #tpu.memory_space<vmem>>) target_semaphore(%run_scoped3A_75 : memref<!tpu.dma_semaphore, #tpu.memory_space<semaphore_mem>>)
      %dma_wait3A = arith.constant 0 : i32
      %dma_wait3A_88 = arith.constant 0 : i32
      %dma_wait3A_89 = tpu.memref_slice %arg7[%dma_wait3A, %dma_wait3A_88] : memref<79x128xi32, #tpu.memory_space<vmem>> -> memref<78x128xi32, #tpu.memory_space<vmem>>
      %dma_wait3A_90 = arith.constant 0 : i32
      %dma_wait3A_91 = tpu.memref_slice %arg3[%run_scoped3A_5, %mul3A_4, %dma_wait3A_90] : memref<2x2500x128xi32, #tpu.memory_space<hbm>> -> memref<1x78x128xi32, #tpu.memory_space<hbm>>
      %dma_wait3A_92 = tpu.memref_squeeze %dma_wait3A_91 : memref<1x78x128xi32, #tpu.memory_space<hbm>> -> memref<78x128xi32, #tpu.memory_space<hbm>>
      %dma_wait3A_93 = arith.constant 0 : i32
      %dma_wait3A_94 = arith.constant 0 : i32
      %dma_wait3A_95 = tpu.memref_slice %arg7[%dma_wait3A_93, %dma_wait3A_94] : memref<79x128xi32, #tpu.memory_space<vmem>> -> memref<78x128xi32, #tpu.memory_space<vmem>>
      %dma_wait3A_96 = arith.constant 0 : i32
      %dma_wait3A_97 = tpu.memref_slice %arg3[%run_scoped3A_5, %mul3A_4, %dma_wait3A_96] : memref<2x2500x128xi32, #tpu.memory_space<hbm>> -> memref<1x78x128xi32, #tpu.memory_space<hbm>>
      %dma_wait3A_98 = tpu.memref_squeeze %dma_wait3A_97 : memref<1x78x128xi32, #tpu.memory_space<hbm>> -> memref<78x128xi32, #tpu.memory_space<hbm>>
      tpu.wait_dma2 semaphore(%run_scoped3A_75 : memref<!tpu.dma_semaphore, #tpu.memory_space<semaphore_mem>>) src(%dma_wait3A_98 : memref<78x128xi32, #tpu.memory_space<hbm>>) dst(%dma_wait3A_95 : memref<78x128xi32, #tpu.memory_space<vmem>>)
      tpu.yield
    }) : () -> ()
    %lt3A = arith.constant 4 : i32
    %lt3A_6 = arith.cmpi slt, %add3A, %lt3A : i32
    %convert_element_type3A = arith.extui %lt3A_6 : i1 to i32
    %cond3A = arith.constant 0 : i32
    %cond3A_7 = arith.cmpi ne, %convert_element_type3A, %cond3A : i32
    scf.if %cond3A_7 {
      %add3A_75 = arith.constant 2496 : i32
      %add3A_76 = arith.addi %add3A_75, %add3A : i32
      %run_scoped3A_77 = arith.constant 0 : i32
      "tpu.region"() ({
        %run_scoped3A_81 = tpu.sem_alloc : memref<!tpu.dma_semaphore, #tpu.memory_space<semaphore_mem>>
        %dma_start3A_82 = arith.constant 78 : i32
        %dma_start3A_83 = arith.constant 0 : i32
        %dma_start3A_84 = tpu.memref_slice %arg6[%dma_start3A_82, %dma_start3A_83] : memref<79x128xi32, #tpu.memory_space<vmem>> -> memref<1x128xi32, #tpu.memory_space<vmem>>
        %dma_start3A_85 = arith.constant 0 : i32
        %dma_start3A_86 = tpu.memref_slice %arg3[%run_scoped3A_77, %add3A_76, %dma_start3A_85] : memref<2x2500x128xi32, #tpu.memory_space<hbm>> -> memref<1x1x128xi32, #tpu.memory_space<hbm>>
        %dma_start3A_87 = tpu.memref_squeeze %dma_start3A_86 : memref<1x1x128xi32, #tpu.memory_space<hbm>> -> memref<1x128xi32, #tpu.memory_space<hbm>>
        %dma_start3A_88 = arith.constant 78 : i32
        %dma_start3A_89 = arith.constant 0 : i32
        %dma_start3A_90 = tpu.memref_slice %arg6[%dma_start3A_88, %dma_start3A_89] : memref<79x128xi32, #tpu.memory_space<vmem>> -> memref<1x128xi32, #tpu.memory_space<vmem>>
        %dma_start3A_91 = arith.constant 0 : i32
        %dma_start3A_92 = tpu.memref_slice %arg3[%run_scoped3A_77, %add3A_76, %dma_start3A_91] : memref<2x2500x128xi32, #tpu.memory_space<hbm>> -> memref<1x1x128xi32, #tpu.memory_space<hbm>>
        %dma_start3A_93 = tpu.memref_squeeze %dma_start3A_92 : memref<1x1x128xi32, #tpu.memory_space<hbm>> -> memref<1x128xi32, #tpu.memory_space<hbm>>
        tpu.enqueue_dma source(%dma_start3A_93 : memref<1x128xi32, #tpu.memory_space<hbm>>) target(%dma_start3A_90 : memref<1x128xi32, #tpu.memory_space<vmem>>) target_semaphore(%run_scoped3A_81 : memref<!tpu.dma_semaphore, #tpu.memory_space<semaphore_mem>>)
        %dma_wait3A = arith.constant 78 : i32
        %dma_wait3A_94 = arith.constant 0 : i32
        %dma_wait3A_95 = tpu.memref_slice %arg6[%dma_wait3A, %dma_wait3A_94] : memref<79x128xi32, #tpu.memory_space<vmem>> -> memref<1x128xi32, #tpu.memory_space<vmem>>
        %dma_wait3A_96 = arith.constant 0 : i32
        %dma_wait3A_97 = tpu.memref_slice %arg3[%run_scoped3A_77, %add3A_76, %dma_wait3A_96] : memref<2x2500x128xi32, #tpu.memory_space<hbm>> -> memref<1x1x128xi32, #tpu.memory_space<hbm>>
        %dma_wait3A_98 = tpu.memref_squeeze %dma_wait3A_97 : memref<1x1x128xi32, #tpu.memory_space<hbm>> -> memref<1x128xi32, #tpu.memory_space<hbm>>
        %dma_wait3A_99 = arith.constant 78 : i32
        %dma_wait3A_100 = arith.constant 0 : i32
        %dma_wait3A_101 = tpu.memref_slice %arg6[%dma_wait3A_99, %dma_wait3A_100] : memref<79x128xi32, #tpu.memory_space<vmem>> -> memref<1x128xi32, #tpu.memory_space<vmem>>
        %dma_wait3A_102 = arith.constant 0 : i32
        %dma_wait3A_103 = tpu.memref_slice %arg3[%run_scoped3A_77, %add3A_76, %dma_wait3A_102] : memref<2x2500x128xi32, #tpu.memory_space<hbm>> -> memref<1x1x128xi32, #tpu.memory_space<hbm>>
        %dma_wait3A_104 = tpu.memref_squeeze %dma_wait3A_103 : memref<1x1x128xi32, #tpu.memory_space<hbm>> -> memref<1x128xi32, #tpu.memory_space<hbm>>
        tpu.wait_dma2 semaphore(%run_scoped3A_81 : memref<!tpu.dma_semaphore, #tpu.memory_space<semaphore_mem>>) src(%dma_wait3A_104 : memref<1x128xi32, #tpu.memory_space<hbm>>) dst(%dma_wait3A_101 : memref<1x128xi32, #tpu.memory_space<vmem>>)
        tpu.yield
      }) : () -> ()
      %add3A_78 = arith.constant 2496 : i32
      %add3A_79 = arith.addi %add3A_78, %add3A : i32
      %run_scoped3A_80 = arith.constant 1 : i32
      "tpu.region"() ({
        %run_scoped3A_81 = tpu.sem_alloc : memref<!tpu.dma_semaphore, #tpu.memory_space<semaphore_mem>>
        %dma_start3A_82 = arith.constant 78 : i32
        %dma_start3A_83 = arith.constant 0 : i32
        %dma_start3A_84 = tpu.memref_slice %arg7[%dma_start3A_82, %dma_start3A_83] : memref<79x128xi32, #tpu.memory_space<vmem>> -> memref<1x128xi32, #tpu.memory_space<vmem>>
        %dma_start3A_85 = arith.constant 0 : i32
        %dma_start3A_86 = tpu.memref_slice %arg3[%run_scoped3A_80, %add3A_79, %dma_start3A_85] : memref<2x2500x128xi32, #tpu.memory_space<hbm>> -> memref<1x1x128xi32, #tpu.memory_space<hbm>>
        %dma_start3A_87 = tpu.memref_squeeze %dma_start3A_86 : memref<1x1x128xi32, #tpu.memory_space<hbm>> -> memref<1x128xi32, #tpu.memory_space<hbm>>
        %dma_start3A_88 = arith.constant 78 : i32
        %dma_start3A_89 = arith.constant 0 : i32
        %dma_start3A_90 = tpu.memref_slice %arg7[%dma_start3A_88, %dma_start3A_89] : memref<79x128xi32, #tpu.memory_space<vmem>> -> memref<1x128xi32, #tpu.memory_space<vmem>>
        %dma_start3A_91 = arith.constant 0 : i32
        %dma_start3A_92 = tpu.memref_slice %arg3[%run_scoped3A_80, %add3A_79, %dma_start3A_91] : memref<2x2500x128xi32, #tpu.memory_space<hbm>> -> memref<1x1x128xi32, #tpu.memory_space<hbm>>
        %dma_start3A_93 = tpu.memref_squeeze %dma_start3A_92 : memref<1x1x128xi32, #tpu.memory_space<hbm>> -> memref<1x128xi32, #tpu.memory_space<hbm>>
        tpu.enqueue_dma source(%dma_start3A_93 : memref<1x128xi32, #tpu.memory_space<hbm>>) target(%dma_start3A_90 : memref<1x128xi32, #tpu.memory_space<vmem>>) target_semaphore(%run_scoped3A_81 : memref<!tpu.dma_semaphore, #tpu.memory_space<semaphore_mem>>)
        %dma_wait3A = arith.constant 78 : i32
        %dma_wait3A_94 = arith.constant 0 : i32
        %dma_wait3A_95 = tpu.memref_slice %arg7[%dma_wait3A, %dma_wait3A_94] : memref<79x128xi32, #tpu.memory_space<vmem>> -> memref<1x128xi32, #tpu.memory_space<vmem>>
        %dma_wait3A_96 = arith.constant 0 : i32
        %dma_wait3A_97 = tpu.memref_slice %arg3[%run_scoped3A_80, %add3A_79, %dma_wait3A_96] : memref<2x2500x128xi32, #tpu.memory_space<hbm>> -> memref<1x1x128xi32, #tpu.memory_space<hbm>>
        %dma_wait3A_98 = tpu.memref_squeeze %dma_wait3A_97 : memref<1x1x128xi32, #tpu.memory_space<hbm>> -> memref<1x128xi32, #tpu.memory_space<hbm>>
        %dma_wait3A_99 = arith.constant 78 : i32
        %dma_wait3A_100 = arith.constant 0 : i32
        %dma_wait3A_101 = tpu.memref_slice %arg7[%dma_wait3A_99, %dma_wait3A_100] : memref<79x128xi32, #tpu.memory_space<vmem>> -> memref<1x128xi32, #tpu.memory_space<vmem>>
        %dma_wait3A_102 = arith.constant 0 : i32
        %dma_wait3A_103 = tpu.memref_slice %arg3[%run_scoped3A_80, %add3A_79, %dma_wait3A_102] : memref<2x2500x128xi32, #tpu.memory_space<hbm>> -> memref<1x1x128xi32, #tpu.memory_space<hbm>>
        %dma_wait3A_104 = tpu.memref_squeeze %dma_wait3A_103 : memref<1x1x128xi32, #tpu.memory_space<hbm>> -> memref<1x128xi32, #tpu.memory_space<hbm>>
        tpu.wait_dma2 semaphore(%run_scoped3A_81 : memref<!tpu.dma_semaphore, #tpu.memory_space<semaphore_mem>>) src(%dma_wait3A_104 : memref<1x128xi32, #tpu.memory_space<hbm>>) dst(%dma_wait3A_101 : memref<1x128xi32, #tpu.memory_space<vmem>>)
        tpu.yield
      }) : () -> ()
    } else {
    }
    %lt3A_8 = arith.constant 4 : i32
    %lt3A_9 = arith.cmpi slt, %add3A, %lt3A_8 : i32
    %jit3A = arith.constant 1 : i32
    %jit3A_10 = arith.constant 0 : i32
    %select_n3A = arith.select %lt3A_9, %jit3A, %jit3A_10 : i32
    %add3A_11 = arith.constant 78 : i32
    %add3A_12 = arith.addi %add3A_11, %select_n3A : i32
    %mul3A_13 = arith.constant 632 : i32
    %mul3A_14 = arith.muli %arg1, %mul3A_13 : i32
    "tpu.region"() ({
      %run_scoped3A_75 = tpu.sem_alloc : memref<!tpu.dma_semaphore, #tpu.memory_space<semaphore_mem>>
      %dma_start3A_76 = arith.constant 0 : i32
      %dma_start3A_77 = tpu.memref_slice %arg20[%mul3A_14, %dma_start3A_76] : memref<10112x16xf32, #tpu.memory_space<vmem_shared>> -> memref<632x16xf32, #tpu.memory_space<vmem_shared>>
      tpu.enqueue_dma source(%arg4 : memref<632x16xf32, #tpu.memory_space<hbm>>) target(%dma_start3A_77 : memref<632x16xf32, #tpu.memory_space<vmem_shared>>) target_semaphore(%run_scoped3A_75 : memref<!tpu.dma_semaphore, #tpu.memory_space<semaphore_mem>>)
      %dma_wait3A = arith.constant 0 : i32
      %dma_wait3A_78 = tpu.memref_slice %arg20[%mul3A_14, %dma_wait3A] : memref<10112x16xf32, #tpu.memory_space<vmem_shared>> -> memref<632x16xf32, #tpu.memory_space<vmem_shared>>
      tpu.wait_dma2 semaphore(%run_scoped3A_75 : memref<!tpu.dma_semaphore, #tpu.memory_space<semaphore_mem>>) src(%arg4 : memref<632x16xf32, #tpu.memory_space<hbm>>) dst(%dma_wait3A_78 : memref<632x16xf32, #tpu.memory_space<vmem_shared>>)
      tpu.yield
    }) : () -> ()
    %barrier3A = arith.constant 0 : index
    tpu.barrier barrier_id(%barrier3A)
    %dma_start3A = arith.constant 0 : i32
    %dma_start3A_15 = arith.constant 0 : i32
    %dma_start3A_16 = tpu.memref_slice %arg6[%dma_start3A, %dma_start3A_15] : memref<79x128xi32, #tpu.memory_space<vmem>> -> memref<1x128xi32, #tpu.memory_space<vmem>>
    %dma_start3A_17 = tpu.memref_squeeze %dma_start3A_16 : memref<1x128xi32, #tpu.memory_space<vmem>> -> memref<128xi32, #tpu.memory_space<vmem>>
    %dma_start3A_18 = arith.constant 0 : i32
    %dma_start3A_19 = arith.constant 0 : i32
    %dma_start3A_20 = tpu.memref_slice %arg2[%dma_start3A_18, %dma_start3A_19] : memref<10000x16xf32, #tpu.memory_space<hbm>> -> memref<10000x16xf32, #tpu.memory_space<hbm>>
    tpu.enqueue_indirect_dma source(%dma_start3A_20 : memref<10000x16xf32, #tpu.memory_space<hbm>>) target(%arg8 : memref<128x16xf32, #tpu.memory_space<vmem>>) offsets(%dma_start3A_17 : memref<128xi32, #tpu.memory_space<vmem>>) semaphore(%arg21 : memref<!tpu.dma_semaphore, #tpu.memory_space<semaphore_mem>>)
    %dma_start3A_21 = arith.constant 1 : i32
    %dma_start3A_22 = arith.constant 0 : i32
    %dma_start3A_23 = tpu.memref_slice %arg6[%dma_start3A_21, %dma_start3A_22] : memref<79x128xi32, #tpu.memory_space<vmem>> -> memref<1x128xi32, #tpu.memory_space<vmem>>
    %dma_start3A_24 = tpu.memref_squeeze %dma_start3A_23 : memref<1x128xi32, #tpu.memory_space<vmem>> -> memref<128xi32, #tpu.memory_space<vmem>>
    %dma_start3A_25 = arith.constant 0 : i32
    %dma_start3A_26 = arith.constant 0 : i32
    %dma_start3A_27 = tpu.memref_slice %arg2[%dma_start3A_25, %dma_start3A_26] : memref<10000x16xf32, #tpu.memory_space<hbm>> -> memref<10000x16xf32, #tpu.memory_space<hbm>>
    tpu.enqueue_indirect_dma source(%dma_start3A_27 : memref<10000x16xf32, #tpu.memory_space<hbm>>) target(%arg9 : memref<128x16xf32, #tpu.memory_space<vmem>>) offsets(%dma_start3A_24 : memref<128xi32, #tpu.memory_space<vmem>>) semaphore(%arg22 : memref<!tpu.dma_semaphore, #tpu.memory_space<semaphore_mem>>)
    %dma_start3A_28 = arith.constant 2 : i32
    %dma_start3A_29 = arith.constant 0 : i32
    %dma_start3A_30 = tpu.memref_slice %arg6[%dma_start3A_28, %dma_start3A_29] : memref<79x128xi32, #tpu.memory_space<vmem>> -> memref<1x128xi32, #tpu.memory_space<vmem>>
    %dma_start3A_31 = tpu.memref_squeeze %dma_start3A_30 : memref<1x128xi32, #tpu.memory_space<vmem>> -> memref<128xi32, #tpu.memory_space<vmem>>
    %dma_start3A_32 = arith.constant 0 : i32
    %dma_start3A_33 = arith.constant 0 : i32
    %dma_start3A_34 = tpu.memref_slice %arg2[%dma_start3A_32, %dma_start3A_33] : memref<10000x16xf32, #tpu.memory_space<hbm>> -> memref<10000x16xf32, #tpu.memory_space<hbm>>
    tpu.enqueue_indirect_dma source(%dma_start3A_34 : memref<10000x16xf32, #tpu.memory_space<hbm>>) target(%arg10 : memref<128x16xf32, #tpu.memory_space<vmem>>) offsets(%dma_start3A_31 : memref<128xi32, #tpu.memory_space<vmem>>) semaphore(%arg23 : memref<!tpu.dma_semaphore, #tpu.memory_space<semaphore_mem>>)
    %dma_start3A_35 = arith.constant 3 : i32
    %dma_start3A_36 = arith.constant 0 : i32
    %dma_start3A_37 = tpu.memref_slice %arg6[%dma_start3A_35, %dma_start3A_36] : memref<79x128xi32, #tpu.memory_space<vmem>> -> memref<1x128xi32, #tpu.memory_space<vmem>>
    %dma_start3A_38 = tpu.memref_squeeze %dma_start3A_37 : memref<1x128xi32, #tpu.memory_space<vmem>> -> memref<128xi32, #tpu.memory_space<vmem>>
    %dma_start3A_39 = arith.constant 0 : i32
    %dma_start3A_40 = arith.constant 0 : i32
    %dma_start3A_41 = tpu.memref_slice %arg2[%dma_start3A_39, %dma_start3A_40] : memref<10000x16xf32, #tpu.memory_space<hbm>> -> memref<10000x16xf32, #tpu.memory_space<hbm>>
    tpu.enqueue_indirect_dma source(%dma_start3A_41 : memref<10000x16xf32, #tpu.memory_space<hbm>>) target(%arg11 : memref<128x16xf32, #tpu.memory_space<vmem>>) offsets(%dma_start3A_38 : memref<128xi32, #tpu.memory_space<vmem>>) semaphore(%arg24 : memref<!tpu.dma_semaphore, #tpu.memory_space<semaphore_mem>>)
    %dma_start3A_42 = arith.constant 4 : i32
    %dma_start3A_43 = arith.constant 0 : i32
    %dma_start3A_44 = tpu.memref_slice %arg6[%dma_start3A_42, %dma_start3A_43] : memref<79x128xi32, #tpu.memory_space<vmem>> -> memref<1x128xi32, #tpu.memory_space<vmem>>
    %dma_start3A_45 = tpu.memref_squeeze %dma_start3A_44 : memref<1x128xi32, #tpu.memory_space<vmem>> -> memref<128xi32, #tpu.memory_space<vmem>>
    %dma_start3A_46 = arith.constant 0 : i32
    %dma_start3A_47 = arith.constant 0 : i32
    %dma_start3A_48 = tpu.memref_slice %arg2[%dma_start3A_46, %dma_start3A_47] : memref<10000x16xf32, #tpu.memory_space<hbm>> -> memref<10000x16xf32, #tpu.memory_space<hbm>>
    tpu.enqueue_indirect_dma source(%dma_start3A_48 : memref<10000x16xf32, #tpu.memory_space<hbm>>) target(%arg12 : memref<128x16xf32, #tpu.memory_space<vmem>>) offsets(%dma_start3A_45 : memref<128xi32, #tpu.memory_space<vmem>>) semaphore(%arg25 : memref<!tpu.dma_semaphore, #tpu.memory_space<semaphore_mem>>)
    %dma_start3A_49 = arith.constant 5 : i32
    %dma_start3A_50 = arith.constant 0 : i32
    %dma_start3A_51 = tpu.memref_slice %arg6[%dma_start3A_49, %dma_start3A_50] : memref<79x128xi32, #tpu.memory_space<vmem>> -> memref<1x128xi32, #tpu.memory_space<vmem>>
    %dma_start3A_52 = tpu.memref_squeeze %dma_start3A_51 : memref<1x128xi32, #tpu.memory_space<vmem>> -> memref<128xi32, #tpu.memory_space<vmem>>
    %dma_start3A_53 = arith.constant 0 : i32
    %dma_start3A_54 = arith.constant 0 : i32
    %dma_start3A_55 = tpu.memref_slice %arg2[%dma_start3A_53, %dma_start3A_54] : memref<10000x16xf32, #tpu.memory_space<hbm>> -> memref<10000x16xf32, #tpu.memory_space<hbm>>
    tpu.enqueue_indirect_dma source(%dma_start3A_55 : memref<10000x16xf32, #tpu.memory_space<hbm>>) target(%arg13 : memref<128x16xf32, #tpu.memory_space<vmem>>) offsets(%dma_start3A_52 : memref<128xi32, #tpu.memory_space<vmem>>) semaphore(%arg26 : memref<!tpu.dma_semaphore, #tpu.memory_space<semaphore_mem>>)
    %scan3A = arith.constant 0 : i32
    %scan3A_56 = arith.constant 0 : i32
    %scan3A_57 = arith.constant 7 : i32
    %scan3A_58 = arith.addi %scan3A_56, %scan3A_57 : i32
    %scan3A_59 = arith.constant 1 : i32
    scf.for %scan3A_75 = %scan3A_56 to %scan3A_58 step %scan3A_59  : i32 {
      %mul3A_76 = arith.constant 12 : i32
      %mul3A_77 = arith.muli %scan3A_75, %mul3A_76 : i32
      %add3A_78 = arith.constant 0 : i32
      %add3A_79 = arith.addi %mul3A_77, %add3A_78 : i32
      %lt3A_80 = arith.cmpi slt, %add3A_79, %add3A_12 : i32
      %convert_element_type3A_81 = arith.extui %lt3A_80 : i1 to i32
      %cond3A_82 = arith.constant 0 : i32
      %cond3A_83 = arith.cmpi ne, %convert_element_type3A_81, %cond3A_82 : i32
      scf.if %cond3A_83 {
        %dma_wait3A = arith.constant 0 : i32
        %dma_wait3A_172 = tpu.memref_slice %arg6[%add3A_79, %dma_wait3A] : memref<79x128xi32, #tpu.memory_space<vmem>> -> memref<1x128xi32, #tpu.memory_space<vmem>>
        %dma_wait3A_173 = tpu.memref_squeeze %dma_wait3A_172 : memref<1x128xi32, #tpu.memory_space<vmem>> -> memref<128xi32, #tpu.memory_space<vmem>>
        %dma_wait3A_174 = arith.constant 0 : i32
        %dma_wait3A_175 = arith.constant 0 : i32
        %dma_wait3A_176 = tpu.memref_slice %arg2[%dma_wait3A_174, %dma_wait3A_175] : memref<10000x16xf32, #tpu.memory_space<hbm>> -> memref<10000x16xf32, #tpu.memory_space<hbm>>
        tpu.wait_indirect_dma semaphore(%arg21 : memref<!tpu.dma_semaphore, #tpu.memory_space<semaphore_mem>>) src(%dma_wait3A_176 : memref<10000x16xf32, #tpu.memory_space<hbm>>) dst(%arg8 : memref<128x16xf32, #tpu.memory_space<vmem>>)
        %dma_start3A_177 = arith.constant 0 : i32
        %dma_start3A_178 = tpu.memref_slice %arg7[%add3A_79, %dma_start3A_177] : memref<79x128xi32, #tpu.memory_space<vmem>> -> memref<1x128xi32, #tpu.memory_space<vmem>>
        %dma_start3A_179 = tpu.memref_squeeze %dma_start3A_178 : memref<1x128xi32, #tpu.memory_space<vmem>> -> memref<128xi32, #tpu.memory_space<vmem>>
        %dma_start3A_180 = arith.constant 0 : i32
        %dma_start3A_181 = arith.constant 0 : i32
        %dma_start3A_182 = tpu.memref_slice %arg20[%dma_start3A_180, %dma_start3A_181] : memref<10112x16xf32, #tpu.memory_space<vmem_shared>> -> memref<10112x16xf32, #tpu.memory_space<vmem_shared>>
        tpu.enqueue_indirect_dma source(%arg8 : memref<128x16xf32, #tpu.memory_space<vmem>>) target(%dma_start3A_182 : memref<10112x16xf32, #tpu.memory_space<vmem_shared>>) offsets(%dma_start3A_179 : memref<128xi32, #tpu.memory_space<vmem>>) semaphore(%arg33 : memref<!tpu.dma_semaphore, #tpu.memory_space<semaphore_mem>>) {add = true}
        %ge3A_183 = arith.constant 6 : i32
        %ge3A_184 = arith.cmpi sge, %add3A_79, %ge3A_183 : i32
        %convert_element_type3A_185 = arith.extui %ge3A_184 : i1 to i32
        %cond3A_186 = arith.constant 0 : i32
        %cond3A_187 = arith.cmpi ne, %convert_element_type3A_185, %cond3A_186 : i32
        scf.if %cond3A_187 {
          %sub3A = arith.constant 6 : i32
          %sub3A_194 = arith.subi %add3A_79, %sub3A : i32
          %dma_wait3A_195 = arith.constant 0 : i32
          %dma_wait3A_196 = tpu.memref_slice %arg7[%sub3A_194, %dma_wait3A_195] : memref<79x128xi32, #tpu.memory_space<vmem>> -> memref<1x128xi32, #tpu.memory_space<vmem>>
          %dma_wait3A_197 = tpu.memref_squeeze %dma_wait3A_196 : memref<1x128xi32, #tpu.memory_space<vmem>> -> memref<128xi32, #tpu.memory_space<vmem>>
          %dma_wait3A_198 = arith.constant 0 : i32
          %dma_wait3A_199 = arith.constant 0 : i32
          %dma_wait3A_200 = tpu.memref_slice %arg20[%dma_wait3A_198, %dma_wait3A_199] : memref<10112x16xf32, #tpu.memory_space<vmem_shared>> -> memref<10112x16xf32, #tpu.memory_space<vmem_shared>>
          tpu.wait_indirect_dma semaphore(%arg39 : memref<!tpu.dma_semaphore, #tpu.memory_space<semaphore_mem>>) src(%arg14 : memref<128x16xf32, #tpu.memory_space<vmem>>) dst(%dma_wait3A_200 : memref<10112x16xf32, #tpu.memory_space<vmem_shared>>)
        } else {
        }
        %add3A_188 = arith.constant 6 : i32
        %add3A_189 = arith.addi %add3A_79, %add3A_188 : i32
        %lt3A_190 = arith.cmpi slt, %add3A_189, %add3A_12 : i32
        %convert_element_type3A_191 = arith.extui %lt3A_190 : i1 to i32
        %cond3A_192 = arith.constant 0 : i32
        %cond3A_193 = arith.cmpi ne, %convert_element_type3A_191, %cond3A_192 : i32
        scf.if %cond3A_193 {
          %add3A_194 = arith.constant 6 : i32
          %add3A_195 = arith.addi %add3A_79, %add3A_194 : i32
          %dma_start3A_196 = arith.constant 0 : i32
          %dma_start3A_197 = tpu.memref_slice %arg6[%add3A_195, %dma_start3A_196] : memref<79x128xi32, #tpu.memory_space<vmem>> -> memref<1x128xi32, #tpu.memory_space<vmem>>
          %dma_start3A_198 = tpu.memref_squeeze %dma_start3A_197 : memref<1x128xi32, #tpu.memory_space<vmem>> -> memref<128xi32, #tpu.memory_space<vmem>>
          %dma_start3A_199 = arith.constant 0 : i32
          %dma_start3A_200 = arith.constant 0 : i32
          %dma_start3A_201 = tpu.memref_slice %arg2[%dma_start3A_199, %dma_start3A_200] : memref<10000x16xf32, #tpu.memory_space<hbm>> -> memref<10000x16xf32, #tpu.memory_space<hbm>>
          tpu.enqueue_indirect_dma source(%dma_start3A_201 : memref<10000x16xf32, #tpu.memory_space<hbm>>) target(%arg14 : memref<128x16xf32, #tpu.memory_space<vmem>>) offsets(%dma_start3A_198 : memref<128xi32, #tpu.memory_space<vmem>>) semaphore(%arg27 : memref<!tpu.dma_semaphore, #tpu.memory_space<semaphore_mem>>)
        } else {
        }
      } else {
      }
      %mul3A_84 = arith.constant 12 : i32
      %mul3A_85 = arith.muli %scan3A_75, %mul3A_84 : i32
      %add3A_86 = arith.constant 1 : i32
      %add3A_87 = arith.addi %mul3A_85, %add3A_86 : i32
      %lt3A_88 = arith.cmpi slt, %add3A_87, %add3A_12 : i32
      %convert_element_type3A_89 = arith.extui %lt3A_88 : i1 to i32
      %cond3A_90 = arith.constant 0 : i32
      %cond3A_91 = arith.cmpi ne, %convert_element_type3A_89, %cond3A_90 : i32
      scf.if %cond3A_91 {
        %dma_wait3A = arith.constant 0 : i32
        %dma_wait3A_172 = tpu.memref_slice %arg6[%add3A_87, %dma_wait3A] : memref<79x128xi32, #tpu.memory_space<vmem>> -> memref<1x128xi32, #tpu.memory_space<vmem>>
        %dma_wait3A_173 = tpu.memref_squeeze %dma_wait3A_172 : memref<1x128xi32, #tpu.memory_space<vmem>> -> memref<128xi32, #tpu.memory_space<vmem>>
        %dma_wait3A_174 = arith.constant 0 : i32
        %dma_wait3A_175 = arith.constant 0 : i32
        %dma_wait3A_176 = tpu.memref_slice %arg2[%dma_wait3A_174, %dma_wait3A_175] : memref<10000x16xf32, #tpu.memory_space<hbm>> -> memref<10000x16xf32, #tpu.memory_space<hbm>>
        tpu.wait_indirect_dma semaphore(%arg22 : memref<!tpu.dma_semaphore, #tpu.memory_space<semaphore_mem>>) src(%dma_wait3A_176 : memref<10000x16xf32, #tpu.memory_space<hbm>>) dst(%arg9 : memref<128x16xf32, #tpu.memory_space<vmem>>)
        %dma_start3A_177 = arith.constant 0 : i32
        %dma_start3A_178 = tpu.memref_slice %arg7[%add3A_87, %dma_start3A_177] : memref<79x128xi32, #tpu.memory_space<vmem>> -> memref<1x128xi32, #tpu.memory_space<vmem>>
        %dma_start3A_179 = tpu.memref_squeeze %dma_start3A_178 : memref<1x128xi32, #tpu.memory_space<vmem>> -> memref<128xi32, #tpu.memory_space<vmem>>
        %dma_start3A_180 = arith.constant 0 : i32
        %dma_start3A_181 = arith.constant 0 : i32
        %dma_start3A_182 = tpu.memref_slice %arg20[%dma_start3A_180, %dma_start3A_181] : memref<10112x16xf32, #tpu.memory_space<vmem_shared>> -> memref<10112x16xf32, #tpu.memory_space<vmem_shared>>
        tpu.enqueue_indirect_dma source(%arg9 : memref<128x16xf32, #tpu.memory_space<vmem>>) target(%dma_start3A_182 : memref<10112x16xf32, #tpu.memory_space<vmem_shared>>) offsets(%dma_start3A_179 : memref<128xi32, #tpu.memory_space<vmem>>) semaphore(%arg34 : memref<!tpu.dma_semaphore, #tpu.memory_space<semaphore_mem>>) {add = true}
        %ge3A_183 = arith.constant 6 : i32
        %ge3A_184 = arith.cmpi sge, %add3A_87, %ge3A_183 : i32
        %convert_element_type3A_185 = arith.extui %ge3A_184 : i1 to i32
        %cond3A_186 = arith.constant 0 : i32
        %cond3A_187 = arith.cmpi ne, %convert_element_type3A_185, %cond3A_186 : i32
        scf.if %cond3A_187 {
          %sub3A = arith.constant 6 : i32
          %sub3A_194 = arith.subi %add3A_87, %sub3A : i32
          %dma_wait3A_195 = arith.constant 0 : i32
          %dma_wait3A_196 = tpu.memref_slice %arg7[%sub3A_194, %dma_wait3A_195] : memref<79x128xi32, #tpu.memory_space<vmem>> -> memref<1x128xi32, #tpu.memory_space<vmem>>
          %dma_wait3A_197 = tpu.memref_squeeze %dma_wait3A_196 : memref<1x128xi32, #tpu.memory_space<vmem>> -> memref<128xi32, #tpu.memory_space<vmem>>
          %dma_wait3A_198 = arith.constant 0 : i32
          %dma_wait3A_199 = arith.constant 0 : i32
          %dma_wait3A_200 = tpu.memref_slice %arg20[%dma_wait3A_198, %dma_wait3A_199] : memref<10112x16xf32, #tpu.memory_space<vmem_shared>> -> memref<10112x16xf32, #tpu.memory_space<vmem_shared>>
          tpu.wait_indirect_dma semaphore(%arg40 : memref<!tpu.dma_semaphore, #tpu.memory_space<semaphore_mem>>) src(%arg15 : memref<128x16xf32, #tpu.memory_space<vmem>>) dst(%dma_wait3A_200 : memref<10112x16xf32, #tpu.memory_space<vmem_shared>>)
        } else {
        }
        %add3A_188 = arith.constant 6 : i32
        %add3A_189 = arith.addi %add3A_87, %add3A_188 : i32
        %lt3A_190 = arith.cmpi slt, %add3A_189, %add3A_12 : i32
        %convert_element_type3A_191 = arith.extui %lt3A_190 : i1 to i32
        %cond3A_192 = arith.constant 0 : i32
        %cond3A_193 = arith.cmpi ne, %convert_element_type3A_191, %cond3A_192 : i32
        scf.if %cond3A_193 {
          %add3A_194 = arith.constant 6 : i32
          %add3A_195 = arith.addi %add3A_87, %add3A_194 : i32
          %dma_start3A_196 = arith.constant 0 : i32
          %dma_start3A_197 = tpu.memref_slice %arg6[%add3A_195, %dma_start3A_196] : memref<79x128xi32, #tpu.memory_space<vmem>> -> memref<1x128xi32, #tpu.memory_space<vmem>>
          %dma_start3A_198 = tpu.memref_squeeze %dma_start3A_197 : memref<1x128xi32, #tpu.memory_space<vmem>> -> memref<128xi32, #tpu.memory_space<vmem>>
          %dma_start3A_199 = arith.constant 0 : i32
          %dma_start3A_200 = arith.constant 0 : i32
          %dma_start3A_201 = tpu.memref_slice %arg2[%dma_start3A_199, %dma_start3A_200] : memref<10000x16xf32, #tpu.memory_space<hbm>> -> memref<10000x16xf32, #tpu.memory_space<hbm>>
          tpu.enqueue_indirect_dma source(%dma_start3A_201 : memref<10000x16xf32, #tpu.memory_space<hbm>>) target(%arg15 : memref<128x16xf32, #tpu.memory_space<vmem>>) offsets(%dma_start3A_198 : memref<128xi32, #tpu.memory_space<vmem>>) semaphore(%arg28 : memref<!tpu.dma_semaphore, #tpu.memory_space<semaphore_mem>>)
        } else {
        }
      } else {
      }
      %mul3A_92 = arith.constant 12 : i32
      %mul3A_93 = arith.muli %scan3A_75, %mul3A_92 : i32
      %add3A_94 = arith.constant 2 : i32
      %add3A_95 = arith.addi %mul3A_93, %add3A_94 : i32
      %lt3A_96 = arith.cmpi slt, %add3A_95, %add3A_12 : i32
      %convert_element_type3A_97 = arith.extui %lt3A_96 : i1 to i32
      %cond3A_98 = arith.constant 0 : i32
      %cond3A_99 = arith.cmpi ne, %convert_element_type3A_97, %cond3A_98 : i32
      scf.if %cond3A_99 {
        %dma_wait3A = arith.constant 0 : i32
        %dma_wait3A_172 = tpu.memref_slice %arg6[%add3A_95, %dma_wait3A] : memref<79x128xi32, #tpu.memory_space<vmem>> -> memref<1x128xi32, #tpu.memory_space<vmem>>
        %dma_wait3A_173 = tpu.memref_squeeze %dma_wait3A_172 : memref<1x128xi32, #tpu.memory_space<vmem>> -> memref<128xi32, #tpu.memory_space<vmem>>
        %dma_wait3A_174 = arith.constant 0 : i32
        %dma_wait3A_175 = arith.constant 0 : i32
        %dma_wait3A_176 = tpu.memref_slice %arg2[%dma_wait3A_174, %dma_wait3A_175] : memref<10000x16xf32, #tpu.memory_space<hbm>> -> memref<10000x16xf32, #tpu.memory_space<hbm>>
        tpu.wait_indirect_dma semaphore(%arg23 : memref<!tpu.dma_semaphore, #tpu.memory_space<semaphore_mem>>) src(%dma_wait3A_176 : memref<10000x16xf32, #tpu.memory_space<hbm>>) dst(%arg10 : memref<128x16xf32, #tpu.memory_space<vmem>>)
        %dma_start3A_177 = arith.constant 0 : i32
        %dma_start3A_178 = tpu.memref_slice %arg7[%add3A_95, %dma_start3A_177] : memref<79x128xi32, #tpu.memory_space<vmem>> -> memref<1x128xi32, #tpu.memory_space<vmem>>
        %dma_start3A_179 = tpu.memref_squeeze %dma_start3A_178 : memref<1x128xi32, #tpu.memory_space<vmem>> -> memref<128xi32, #tpu.memory_space<vmem>>
        %dma_start3A_180 = arith.constant 0 : i32
        %dma_start3A_181 = arith.constant 0 : i32
        %dma_start3A_182 = tpu.memref_slice %arg20[%dma_start3A_180, %dma_start3A_181] : memref<10112x16xf32, #tpu.memory_space<vmem_shared>> -> memref<10112x16xf32, #tpu.memory_space<vmem_shared>>
        tpu.enqueue_indirect_dma source(%arg10 : memref<128x16xf32, #tpu.memory_space<vmem>>) target(%dma_start3A_182 : memref<10112x16xf32, #tpu.memory_space<vmem_shared>>) offsets(%dma_start3A_179 : memref<128xi32, #tpu.memory_space<vmem>>) semaphore(%arg35 : memref<!tpu.dma_semaphore, #tpu.memory_space<semaphore_mem>>) {add = true}
        %ge3A_183 = arith.constant 6 : i32
        %ge3A_184 = arith.cmpi sge, %add3A_95, %ge3A_183 : i32
        %convert_element_type3A_185 = arith.extui %ge3A_184 : i1 to i32
        %cond3A_186 = arith.constant 0 : i32
        %cond3A_187 = arith.cmpi ne, %convert_element_type3A_185, %cond3A_186 : i32
        scf.if %cond3A_187 {
          %sub3A = arith.constant 6 : i32
          %sub3A_194 = arith.subi %add3A_95, %sub3A : i32
          %dma_wait3A_195 = arith.constant 0 : i32
          %dma_wait3A_196 = tpu.memref_slice %arg7[%sub3A_194, %dma_wait3A_195] : memref<79x128xi32, #tpu.memory_space<vmem>> -> memref<1x128xi32, #tpu.memory_space<vmem>>
          %dma_wait3A_197 = tpu.memref_squeeze %dma_wait3A_196 : memref<1x128xi32, #tpu.memory_space<vmem>> -> memref<128xi32, #tpu.memory_space<vmem>>
          %dma_wait3A_198 = arith.constant 0 : i32
          %dma_wait3A_199 = arith.constant 0 : i32
          %dma_wait3A_200 = tpu.memref_slice %arg20[%dma_wait3A_198, %dma_wait3A_199] : memref<10112x16xf32, #tpu.memory_space<vmem_shared>> -> memref<10112x16xf32, #tpu.memory_space<vmem_shared>>
          tpu.wait_indirect_dma semaphore(%arg41 : memref<!tpu.dma_semaphore, #tpu.memory_space<semaphore_mem>>) src(%arg16 : memref<128x16xf32, #tpu.memory_space<vmem>>) dst(%dma_wait3A_200 : memref<10112x16xf32, #tpu.memory_space<vmem_shared>>)
        } else {
        }
        %add3A_188 = arith.constant 6 : i32
        %add3A_189 = arith.addi %add3A_95, %add3A_188 : i32
        %lt3A_190 = arith.cmpi slt, %add3A_189, %add3A_12 : i32
        %convert_element_type3A_191 = arith.extui %lt3A_190 : i1 to i32
        %cond3A_192 = arith.constant 0 : i32
        %cond3A_193 = arith.cmpi ne, %convert_element_type3A_191, %cond3A_192 : i32
        scf.if %cond3A_193 {
          %add3A_194 = arith.constant 6 : i32
          %add3A_195 = arith.addi %add3A_95, %add3A_194 : i32
          %dma_start3A_196 = arith.constant 0 : i32
          %dma_start3A_197 = tpu.memref_slice %arg6[%add3A_195, %dma_start3A_196] : memref<79x128xi32, #tpu.memory_space<vmem>> -> memref<1x128xi32, #tpu.memory_space<vmem>>
          %dma_start3A_198 = tpu.memref_squeeze %dma_start3A_197 : memref<1x128xi32, #tpu.memory_space<vmem>> -> memref<128xi32, #tpu.memory_space<vmem>>
          %dma_start3A_199 = arith.constant 0 : i32
          %dma_start3A_200 = arith.constant 0 : i32
          %dma_start3A_201 = tpu.memref_slice %arg2[%dma_start3A_199, %dma_start3A_200] : memref<10000x16xf32, #tpu.memory_space<hbm>> -> memref<10000x16xf32, #tpu.memory_space<hbm>>
          tpu.enqueue_indirect_dma source(%dma_start3A_201 : memref<10000x16xf32, #tpu.memory_space<hbm>>) target(%arg16 : memref<128x16xf32, #tpu.memory_space<vmem>>) offsets(%dma_start3A_198 : memref<128xi32, #tpu.memory_space<vmem>>) semaphore(%arg29 : memref<!tpu.dma_semaphore, #tpu.memory_space<semaphore_mem>>)
        } else {
        }
      } else {
      }
      %mul3A_100 = arith.constant 12 : i32
      %mul3A_101 = arith.muli %scan3A_75, %mul3A_100 : i32
      %add3A_102 = arith.constant 3 : i32
      %add3A_103 = arith.addi %mul3A_101, %add3A_102 : i32
      %lt3A_104 = arith.cmpi slt, %add3A_103, %add3A_12 : i32
      %convert_element_type3A_105 = arith.extui %lt3A_104 : i1 to i32
      %cond3A_106 = arith.constant 0 : i32
      %cond3A_107 = arith.cmpi ne, %convert_element_type3A_105, %cond3A_106 : i32
      scf.if %cond3A_107 {
        %dma_wait3A = arith.constant 0 : i32
        %dma_wait3A_172 = tpu.memref_slice %arg6[%add3A_103, %dma_wait3A] : memref<79x128xi32, #tpu.memory_space<vmem>> -> memref<1x128xi32, #tpu.memory_space<vmem>>
        %dma_wait3A_173 = tpu.memref_squeeze %dma_wait3A_172 : memref<1x128xi32, #tpu.memory_space<vmem>> -> memref<128xi32, #tpu.memory_space<vmem>>
        %dma_wait3A_174 = arith.constant 0 : i32
        %dma_wait3A_175 = arith.constant 0 : i32
        %dma_wait3A_176 = tpu.memref_slice %arg2[%dma_wait3A_174, %dma_wait3A_175] : memref<10000x16xf32, #tpu.memory_space<hbm>> -> memref<10000x16xf32, #tpu.memory_space<hbm>>
        tpu.wait_indirect_dma semaphore(%arg24 : memref<!tpu.dma_semaphore, #tpu.memory_space<semaphore_mem>>) src(%dma_wait3A_176 : memref<10000x16xf32, #tpu.memory_space<hbm>>) dst(%arg11 : memref<128x16xf32, #tpu.memory_space<vmem>>)
        %dma_start3A_177 = arith.constant 0 : i32
        %dma_start3A_178 = tpu.memref_slice %arg7[%add3A_103, %dma_start3A_177] : memref<79x128xi32, #tpu.memory_space<vmem>> -> memref<1x128xi32, #tpu.memory_space<vmem>>
        %dma_start3A_179 = tpu.memref_squeeze %dma_start3A_178 : memref<1x128xi32, #tpu.memory_space<vmem>> -> memref<128xi32, #tpu.memory_space<vmem>>
        %dma_start3A_180 = arith.constant 0 : i32
        %dma_start3A_181 = arith.constant 0 : i32
        %dma_start3A_182 = tpu.memref_slice %arg20[%dma_start3A_180, %dma_start3A_181] : memref<10112x16xf32, #tpu.memory_space<vmem_shared>> -> memref<10112x16xf32, #tpu.memory_space<vmem_shared>>
        tpu.enqueue_indirect_dma source(%arg11 : memref<128x16xf32, #tpu.memory_space<vmem>>) target(%dma_start3A_182 : memref<10112x16xf32, #tpu.memory_space<vmem_shared>>) offsets(%dma_start3A_179 : memref<128xi32, #tpu.memory_space<vmem>>) semaphore(%arg36 : memref<!tpu.dma_semaphore, #tpu.memory_space<semaphore_mem>>) {add = true}
        %ge3A_183 = arith.constant 6 : i32
        %ge3A_184 = arith.cmpi sge, %add3A_103, %ge3A_183 : i32
        %convert_element_type3A_185 = arith.extui %ge3A_184 : i1 to i32
        %cond3A_186 = arith.constant 0 : i32
        %cond3A_187 = arith.cmpi ne, %convert_element_type3A_185, %cond3A_186 : i32
        scf.if %cond3A_187 {
          %sub3A = arith.constant 6 : i32
          %sub3A_194 = arith.subi %add3A_103, %sub3A : i32
          %dma_wait3A_195 = arith.constant 0 : i32
          %dma_wait3A_196 = tpu.memref_slice %arg7[%sub3A_194, %dma_wait3A_195] : memref<79x128xi32, #tpu.memory_space<vmem>> -> memref<1x128xi32, #tpu.memory_space<vmem>>
          %dma_wait3A_197 = tpu.memref_squeeze %dma_wait3A_196 : memref<1x128xi32, #tpu.memory_space<vmem>> -> memref<128xi32, #tpu.memory_space<vmem>>
          %dma_wait3A_198 = arith.constant 0 : i32
          %dma_wait3A_199 = arith.constant 0 : i32
          %dma_wait3A_200 = tpu.memref_slice %arg20[%dma_wait3A_198, %dma_wait3A_199] : memref<10112x16xf32, #tpu.memory_space<vmem_shared>> -> memref<10112x16xf32, #tpu.memory_space<vmem_shared>>
          tpu.wait_indirect_dma semaphore(%arg42 : memref<!tpu.dma_semaphore, #tpu.memory_space<semaphore_mem>>) src(%arg17 : memref<128x16xf32, #tpu.memory_space<vmem>>) dst(%dma_wait3A_200 : memref<10112x16xf32, #tpu.memory_space<vmem_shared>>)
        } else {
        }
        %add3A_188 = arith.constant 6 : i32
        %add3A_189 = arith.addi %add3A_103, %add3A_188 : i32
        %lt3A_190 = arith.cmpi slt, %add3A_189, %add3A_12 : i32
        %convert_element_type3A_191 = arith.extui %lt3A_190 : i1 to i32
        %cond3A_192 = arith.constant 0 : i32
        %cond3A_193 = arith.cmpi ne, %convert_element_type3A_191, %cond3A_192 : i32
        scf.if %cond3A_193 {
          %add3A_194 = arith.constant 6 : i32
          %add3A_195 = arith.addi %add3A_103, %add3A_194 : i32
          %dma_start3A_196 = arith.constant 0 : i32
          %dma_start3A_197 = tpu.memref_slice %arg6[%add3A_195, %dma_start3A_196] : memref<79x128xi32, #tpu.memory_space<vmem>> -> memref<1x128xi32, #tpu.memory_space<vmem>>
          %dma_start3A_198 = tpu.memref_squeeze %dma_start3A_197 : memref<1x128xi32, #tpu.memory_space<vmem>> -> memref<128xi32, #tpu.memory_space<vmem>>
          %dma_start3A_199 = arith.constant 0 : i32
          %dma_start3A_200 = arith.constant 0 : i32
          %dma_start3A_201 = tpu.memref_slice %arg2[%dma_start3A_199, %dma_start3A_200] : memref<10000x16xf32, #tpu.memory_space<hbm>> -> memref<10000x16xf32, #tpu.memory_space<hbm>>
          tpu.enqueue_indirect_dma source(%dma_start3A_201 : memref<10000x16xf32, #tpu.memory_space<hbm>>) target(%arg17 : memref<128x16xf32, #tpu.memory_space<vmem>>) offsets(%dma_start3A_198 : memref<128xi32, #tpu.memory_space<vmem>>) semaphore(%arg30 : memref<!tpu.dma_semaphore, #tpu.memory_space<semaphore_mem>>)
        } else {
        }
      } else {
      }
      %mul3A_108 = arith.constant 12 : i32
      %mul3A_109 = arith.muli %scan3A_75, %mul3A_108 : i32
      %add3A_110 = arith.constant 4 : i32
      %add3A_111 = arith.addi %mul3A_109, %add3A_110 : i32
      %lt3A_112 = arith.cmpi slt, %add3A_111, %add3A_12 : i32
      %convert_element_type3A_113 = arith.extui %lt3A_112 : i1 to i32
      %cond3A_114 = arith.constant 0 : i32
      %cond3A_115 = arith.cmpi ne, %convert_element_type3A_113, %cond3A_114 : i32
      scf.if %cond3A_115 {
        %dma_wait3A = arith.constant 0 : i32
        %dma_wait3A_172 = tpu.memref_slice %arg6[%add3A_111, %dma_wait3A] : memref<79x128xi32, #tpu.memory_space<vmem>> -> memref<1x128xi32, #tpu.memory_space<vmem>>
        %dma_wait3A_173 = tpu.memref_squeeze %dma_wait3A_172 : memref<1x128xi32, #tpu.memory_space<vmem>> -> memref<128xi32, #tpu.memory_space<vmem>>
        %dma_wait3A_174 = arith.constant 0 : i32
        %dma_wait3A_175 = arith.constant 0 : i32
        %dma_wait3A_176 = tpu.memref_slice %arg2[%dma_wait3A_174, %dma_wait3A_175] : memref<10000x16xf32, #tpu.memory_space<hbm>> -> memref<10000x16xf32, #tpu.memory_space<hbm>>
        tpu.wait_indirect_dma semaphore(%arg25 : memref<!tpu.dma_semaphore, #tpu.memory_space<semaphore_mem>>) src(%dma_wait3A_176 : memref<10000x16xf32, #tpu.memory_space<hbm>>) dst(%arg12 : memref<128x16xf32, #tpu.memory_space<vmem>>)
        %dma_start3A_177 = arith.constant 0 : i32
        %dma_start3A_178 = tpu.memref_slice %arg7[%add3A_111, %dma_start3A_177] : memref<79x128xi32, #tpu.memory_space<vmem>> -> memref<1x128xi32, #tpu.memory_space<vmem>>
        %dma_start3A_179 = tpu.memref_squeeze %dma_start3A_178 : memref<1x128xi32, #tpu.memory_space<vmem>> -> memref<128xi32, #tpu.memory_space<vmem>>
        %dma_start3A_180 = arith.constant 0 : i32
        %dma_start3A_181 = arith.constant 0 : i32
        %dma_start3A_182 = tpu.memref_slice %arg20[%dma_start3A_180, %dma_start3A_181] : memref<10112x16xf32, #tpu.memory_space<vmem_shared>> -> memref<10112x16xf32, #tpu.memory_space<vmem_shared>>
        tpu.enqueue_indirect_dma source(%arg12 : memref<128x16xf32, #tpu.memory_space<vmem>>) target(%dma_start3A_182 : memref<10112x16xf32, #tpu.memory_space<vmem_shared>>) offsets(%dma_start3A_179 : memref<128xi32, #tpu.memory_space<vmem>>) semaphore(%arg37 : memref<!tpu.dma_semaphore, #tpu.memory_space<semaphore_mem>>) {add = true}
        %ge3A_183 = arith.constant 6 : i32
        %ge3A_184 = arith.cmpi sge, %add3A_111, %ge3A_183 : i32
        %convert_element_type3A_185 = arith.extui %ge3A_184 : i1 to i32
        %cond3A_186 = arith.constant 0 : i32
        %cond3A_187 = arith.cmpi ne, %convert_element_type3A_185, %cond3A_186 : i32
        scf.if %cond3A_187 {
          %sub3A = arith.constant 6 : i32
          %sub3A_194 = arith.subi %add3A_111, %sub3A : i32
          %dma_wait3A_195 = arith.constant 0 : i32
          %dma_wait3A_196 = tpu.memref_slice %arg7[%sub3A_194, %dma_wait3A_195] : memref<79x128xi32, #tpu.memory_space<vmem>> -> memref<1x128xi32, #tpu.memory_space<vmem>>
          %dma_wait3A_197 = tpu.memref_squeeze %dma_wait3A_196 : memref<1x128xi32, #tpu.memory_space<vmem>> -> memref<128xi32, #tpu.memory_space<vmem>>
          %dma_wait3A_198 = arith.constant 0 : i32
          %dma_wait3A_199 = arith.constant 0 : i32
          %dma_wait3A_200 = tpu.memref_slice %arg20[%dma_wait3A_198, %dma_wait3A_199] : memref<10112x16xf32, #tpu.memory_space<vmem_shared>> -> memref<10112x16xf32, #tpu.memory_space<vmem_shared>>
          tpu.wait_indirect_dma semaphore(%arg43 : memref<!tpu.dma_semaphore, #tpu.memory_space<semaphore_mem>>) src(%arg18 : memref<128x16xf32, #tpu.memory_space<vmem>>) dst(%dma_wait3A_200 : memref<10112x16xf32, #tpu.memory_space<vmem_shared>>)
        } else {
        }
        %add3A_188 = arith.constant 6 : i32
        %add3A_189 = arith.addi %add3A_111, %add3A_188 : i32
        %lt3A_190 = arith.cmpi slt, %add3A_189, %add3A_12 : i32
        %convert_element_type3A_191 = arith.extui %lt3A_190 : i1 to i32
        %cond3A_192 = arith.constant 0 : i32
        %cond3A_193 = arith.cmpi ne, %convert_element_type3A_191, %cond3A_192 : i32
        scf.if %cond3A_193 {
          %add3A_194 = arith.constant 6 : i32
          %add3A_195 = arith.addi %add3A_111, %add3A_194 : i32
          %dma_start3A_196 = arith.constant 0 : i32
          %dma_start3A_197 = tpu.memref_slice %arg6[%add3A_195, %dma_start3A_196] : memref<79x128xi32, #tpu.memory_space<vmem>> -> memref<1x128xi32, #tpu.memory_space<vmem>>
          %dma_start3A_198 = tpu.memref_squeeze %dma_start3A_197 : memref<1x128xi32, #tpu.memory_space<vmem>> -> memref<128xi32, #tpu.memory_space<vmem>>
          %dma_start3A_199 = arith.constant 0 : i32
          %dma_start3A_200 = arith.constant 0 : i32
          %dma_start3A_201 = tpu.memref_slice %arg2[%dma_start3A_199, %dma_start3A_200] : memref<10000x16xf32, #tpu.memory_space<hbm>> -> memref<10000x16xf32, #tpu.memory_space<hbm>>
          tpu.enqueue_indirect_dma source(%dma_start3A_201 : memref<10000x16xf32, #tpu.memory_space<hbm>>) target(%arg18 : memref<128x16xf32, #tpu.memory_space<vmem>>) offsets(%dma_start3A_198 : memref<128xi32, #tpu.memory_space<vmem>>) semaphore(%arg31 : memref<!tpu.dma_semaphore, #tpu.memory_space<semaphore_mem>>)
        } else {
        }
      } else {
      }
      %mul3A_116 = arith.constant 12 : i32
      %mul3A_117 = arith.muli %scan3A_75, %mul3A_116 : i32
      %add3A_118 = arith.constant 5 : i32
      %add3A_119 = arith.addi %mul3A_117, %add3A_118 : i32
      %lt3A_120 = arith.cmpi slt, %add3A_119, %add3A_12 : i32
      %convert_element_type3A_121 = arith.extui %lt3A_120 : i1 to i32
      %cond3A_122 = arith.constant 0 : i32
      %cond3A_123 = arith.cmpi ne, %convert_element_type3A_121, %cond3A_122 : i32
      scf.if %cond3A_123 {
        %dma_wait3A = arith.constant 0 : i32
        %dma_wait3A_172 = tpu.memref_slice %arg6[%add3A_119, %dma_wait3A] : memref<79x128xi32, #tpu.memory_space<vmem>> -> memref<1x128xi32, #tpu.memory_space<vmem>>
        %dma_wait3A_173 = tpu.memref_squeeze %dma_wait3A_172 : memref<1x128xi32, #tpu.memory_space<vmem>> -> memref<128xi32, #tpu.memory_space<vmem>>
        %dma_wait3A_174 = arith.constant 0 : i32
        %dma_wait3A_175 = arith.constant 0 : i32
        %dma_wait3A_176 = tpu.memref_slice %arg2[%dma_wait3A_174, %dma_wait3A_175] : memref<10000x16xf32, #tpu.memory_space<hbm>> -> memref<10000x16xf32, #tpu.memory_space<hbm>>
        tpu.wait_indirect_dma semaphore(%arg26 : memref<!tpu.dma_semaphore, #tpu.memory_space<semaphore_mem>>) src(%dma_wait3A_176 : memref<10000x16xf32, #tpu.memory_space<hbm>>) dst(%arg13 : memref<128x16xf32, #tpu.memory_space<vmem>>)
        %dma_start3A_177 = arith.constant 0 : i32
        %dma_start3A_178 = tpu.memref_slice %arg7[%add3A_119, %dma_start3A_177] : memref<79x128xi32, #tpu.memory_space<vmem>> -> memref<1x128xi32, #tpu.memory_space<vmem>>
        %dma_start3A_179 = tpu.memref_squeeze %dma_start3A_178 : memref<1x128xi32, #tpu.memory_space<vmem>> -> memref<128xi32, #tpu.memory_space<vmem>>
        %dma_start3A_180 = arith.constant 0 : i32
        %dma_start3A_181 = arith.constant 0 : i32
        %dma_start3A_182 = tpu.memref_slice %arg20[%dma_start3A_180, %dma_start3A_181] : memref<10112x16xf32, #tpu.memory_space<vmem_shared>> -> memref<10112x16xf32, #tpu.memory_space<vmem_shared>>
        tpu.enqueue_indirect_dma source(%arg13 : memref<128x16xf32, #tpu.memory_space<vmem>>) target(%dma_start3A_182 : memref<10112x16xf32, #tpu.memory_space<vmem_shared>>) offsets(%dma_start3A_179 : memref<128xi32, #tpu.memory_space<vmem>>) semaphore(%arg38 : memref<!tpu.dma_semaphore, #tpu.memory_space<semaphore_mem>>) {add = true}
        %ge3A_183 = arith.constant 6 : i32
        %ge3A_184 = arith.cmpi sge, %add3A_119, %ge3A_183 : i32
        %convert_element_type3A_185 = arith.extui %ge3A_184 : i1 to i32
        %cond3A_186 = arith.constant 0 : i32
        %cond3A_187 = arith.cmpi ne, %convert_element_type3A_185, %cond3A_186 : i32
        scf.if %cond3A_187 {
          %sub3A = arith.constant 6 : i32
          %sub3A_194 = arith.subi %add3A_119, %sub3A : i32
          %dma_wait3A_195 = arith.constant 0 : i32
          %dma_wait3A_196 = tpu.memref_slice %arg7[%sub3A_194, %dma_wait3A_195] : memref<79x128xi32, #tpu.memory_space<vmem>> -> memref<1x128xi32, #tpu.memory_space<vmem>>
          %dma_wait3A_197 = tpu.memref_squeeze %dma_wait3A_196 : memref<1x128xi32, #tpu.memory_space<vmem>> -> memref<128xi32, #tpu.memory_space<vmem>>
          %dma_wait3A_198 = arith.constant 0 : i32
          %dma_wait3A_199 = arith.constant 0 : i32
          %dma_wait3A_200 = tpu.memref_slice %arg20[%dma_wait3A_198, %dma_wait3A_199] : memref<10112x16xf32, #tpu.memory_space<vmem_shared>> -> memref<10112x16xf32, #tpu.memory_space<vmem_shared>>
          tpu.wait_indirect_dma semaphore(%arg44 : memref<!tpu.dma_semaphore, #tpu.memory_space<semaphore_mem>>) src(%arg19 : memref<128x16xf32, #tpu.memory_space<vmem>>) dst(%dma_wait3A_200 : memref<10112x16xf32, #tpu.memory_space<vmem_shared>>)
        } else {
        }
        %add3A_188 = arith.constant 6 : i32
        %add3A_189 = arith.addi %add3A_119, %add3A_188 : i32
        %lt3A_190 = arith.cmpi slt, %add3A_189, %add3A_12 : i32
        %convert_element_type3A_191 = arith.extui %lt3A_190 : i1 to i32
        %cond3A_192 = arith.constant 0 : i32
        %cond3A_193 = arith.cmpi ne, %convert_element_type3A_191, %cond3A_192 : i32
        scf.if %cond3A_193 {
          %add3A_194 = arith.constant 6 : i32
          %add3A_195 = arith.addi %add3A_119, %add3A_194 : i32
          %dma_start3A_196 = arith.constant 0 : i32
          %dma_start3A_197 = tpu.memref_slice %arg6[%add3A_195, %dma_start3A_196] : memref<79x128xi32, #tpu.memory_space<vmem>> -> memref<1x128xi32, #tpu.memory_space<vmem>>
          %dma_start3A_198 = tpu.memref_squeeze %dma_start3A_197 : memref<1x128xi32, #tpu.memory_space<vmem>> -> memref<128xi32, #tpu.memory_space<vmem>>
          %dma_start3A_199 = arith.constant 0 : i32
          %dma_start3A_200 = arith.constant 0 : i32
          %dma_start3A_201 = tpu.memref_slice %arg2[%dma_start3A_199, %dma_start3A_200] : memref<10000x16xf32, #tpu.memory_space<hbm>> -> memref<10000x16xf32, #tpu.memory_space<hbm>>
          tpu.enqueue_indirect_dma source(%dma_start3A_201 : memref<10000x16xf32, #tpu.memory_space<hbm>>) target(%arg19 : memref<128x16xf32, #tpu.memory_space<vmem>>) offsets(%dma_start3A_198 : memref<128xi32, #tpu.memory_space<vmem>>) semaphore(%arg32 : memref<!tpu.dma_semaphore, #tpu.memory_space<semaphore_mem>>)
        } else {
        }
      } else {
      }
      %mul3A_124 = arith.constant 12 : i32
      %mul3A_125 = arith.muli %scan3A_75, %mul3A_124 : i32
      %add3A_126 = arith.constant 6 : i32
      %add3A_127 = arith.addi %mul3A_125, %add3A_126 : i32
      %lt3A_128 = arith.cmpi slt, %add3A_127, %add3A_12 : i32
      %convert_element_type3A_129 = arith.extui %lt3A_128 : i1 to i32
      %cond3A_130 = arith.constant 0 : i32
      %cond3A_131 = arith.cmpi ne, %convert_element_type3A_129, %cond3A_130 : i32
      scf.if %cond3A_131 {
        %dma_wait3A = arith.constant 0 : i32
        %dma_wait3A_172 = tpu.memref_slice %arg6[%add3A_127, %dma_wait3A] : memref<79x128xi32, #tpu.memory_space<vmem>> -> memref<1x128xi32, #tpu.memory_space<vmem>>
        %dma_wait3A_173 = tpu.memref_squeeze %dma_wait3A_172 : memref<1x128xi32, #tpu.memory_space<vmem>> -> memref<128xi32, #tpu.memory_space<vmem>>
        %dma_wait3A_174 = arith.constant 0 : i32
        %dma_wait3A_175 = arith.constant 0 : i32
        %dma_wait3A_176 = tpu.memref_slice %arg2[%dma_wait3A_174, %dma_wait3A_175] : memref<10000x16xf32, #tpu.memory_space<hbm>> -> memref<10000x16xf32, #tpu.memory_space<hbm>>
        tpu.wait_indirect_dma semaphore(%arg27 : memref<!tpu.dma_semaphore, #tpu.memory_space<semaphore_mem>>) src(%dma_wait3A_176 : memref<10000x16xf32, #tpu.memory_space<hbm>>) dst(%arg14 : memref<128x16xf32, #tpu.memory_space<vmem>>)
        %dma_start3A_177 = arith.constant 0 : i32
        %dma_start3A_178 = tpu.memref_slice %arg7[%add3A_127, %dma_start3A_177] : memref<79x128xi32, #tpu.memory_space<vmem>> -> memref<1x128xi32, #tpu.memory_space<vmem>>
        %dma_start3A_179 = tpu.memref_squeeze %dma_start3A_178 : memref<1x128xi32, #tpu.memory_space<vmem>> -> memref<128xi32, #tpu.memory_space<vmem>>
        %dma_start3A_180 = arith.constant 0 : i32
        %dma_start3A_181 = arith.constant 0 : i32
        %dma_start3A_182 = tpu.memref_slice %arg20[%dma_start3A_180, %dma_start3A_181] : memref<10112x16xf32, #tpu.memory_space<vmem_shared>> -> memref<10112x16xf32, #tpu.memory_space<vmem_shared>>
        tpu.enqueue_indirect_dma source(%arg14 : memref<128x16xf32, #tpu.memory_space<vmem>>) target(%dma_start3A_182 : memref<10112x16xf32, #tpu.memory_space<vmem_shared>>) offsets(%dma_start3A_179 : memref<128xi32, #tpu.memory_space<vmem>>) semaphore(%arg39 : memref<!tpu.dma_semaphore, #tpu.memory_space<semaphore_mem>>) {add = true}
        %ge3A_183 = arith.constant 6 : i32
        %ge3A_184 = arith.cmpi sge, %add3A_127, %ge3A_183 : i32
        %convert_element_type3A_185 = arith.extui %ge3A_184 : i1 to i32
        %cond3A_186 = arith.constant 0 : i32
        %cond3A_187 = arith.cmpi ne, %convert_element_type3A_185, %cond3A_186 : i32
        scf.if %cond3A_187 {
          %sub3A = arith.constant 6 : i32
          %sub3A_194 = arith.subi %add3A_127, %sub3A : i32
          %dma_wait3A_195 = arith.constant 0 : i32
          %dma_wait3A_196 = tpu.memref_slice %arg7[%sub3A_194, %dma_wait3A_195] : memref<79x128xi32, #tpu.memory_space<vmem>> -> memref<1x128xi32, #tpu.memory_space<vmem>>
          %dma_wait3A_197 = tpu.memref_squeeze %dma_wait3A_196 : memref<1x128xi32, #tpu.memory_space<vmem>> -> memref<128xi32, #tpu.memory_space<vmem>>
          %dma_wait3A_198 = arith.constant 0 : i32
          %dma_wait3A_199 = arith.constant 0 : i32
          %dma_wait3A_200 = tpu.memref_slice %arg20[%dma_wait3A_198, %dma_wait3A_199] : memref<10112x16xf32, #tpu.memory_space<vmem_shared>> -> memref<10112x16xf32, #tpu.memory_space<vmem_shared>>
          tpu.wait_indirect_dma semaphore(%arg33 : memref<!tpu.dma_semaphore, #tpu.memory_space<semaphore_mem>>) src(%arg8 : memref<128x16xf32, #tpu.memory_space<vmem>>) dst(%dma_wait3A_200 : memref<10112x16xf32, #tpu.memory_space<vmem_shared>>)
        } else {
        }
        %add3A_188 = arith.constant 6 : i32
        %add3A_189 = arith.addi %add3A_127, %add3A_188 : i32
        %lt3A_190 = arith.cmpi slt, %add3A_189, %add3A_12 : i32
        %convert_element_type3A_191 = arith.extui %lt3A_190 : i1 to i32
        %cond3A_192 = arith.constant 0 : i32
        %cond3A_193 = arith.cmpi ne, %convert_element_type3A_191, %cond3A_192 : i32
        scf.if %cond3A_193 {
          %add3A_194 = arith.constant 6 : i32
          %add3A_195 = arith.addi %add3A_127, %add3A_194 : i32
          %dma_start3A_196 = arith.constant 0 : i32
          %dma_start3A_197 = tpu.memref_slice %arg6[%add3A_195, %dma_start3A_196] : memref<79x128xi32, #tpu.memory_space<vmem>> -> memref<1x128xi32, #tpu.memory_space<vmem>>
          %dma_start3A_198 = tpu.memref_squeeze %dma_start3A_197 : memref<1x128xi32, #tpu.memory_space<vmem>> -> memref<128xi32, #tpu.memory_space<vmem>>
          %dma_start3A_199 = arith.constant 0 : i32
          %dma_start3A_200 = arith.constant 0 : i32
          %dma_start3A_201 = tpu.memref_slice %arg2[%dma_start3A_199, %dma_start3A_200] : memref<10000x16xf32, #tpu.memory_space<hbm>> -> memref<10000x16xf32, #tpu.memory_space<hbm>>
          tpu.enqueue_indirect_dma source(%dma_start3A_201 : memref<10000x16xf32, #tpu.memory_space<hbm>>) target(%arg8 : memref<128x16xf32, #tpu.memory_space<vmem>>) offsets(%dma_start3A_198 : memref<128xi32, #tpu.memory_space<vmem>>) semaphore(%arg21 : memref<!tpu.dma_semaphore, #tpu.memory_space<semaphore_mem>>)
        } else {
        }
      } else {
      }
      %mul3A_132 = arith.constant 12 : i32
      %mul3A_133 = arith.muli %scan3A_75, %mul3A_132 : i32
      %add3A_134 = arith.constant 7 : i32
      %add3A_135 = arith.addi %mul3A_133, %add3A_134 : i32
      %lt3A_136 = arith.cmpi slt, %add3A_135, %add3A_12 : i32
      %convert_element_type3A_137 = arith.extui %lt3A_136 : i1 to i32
      %cond3A_138 = arith.constant 0 : i32
      %cond3A_139 = arith.cmpi ne, %convert_element_type3A_137, %cond3A_138 : i32
      scf.if %cond3A_139 {
        %dma_wait3A = arith.constant 0 : i32
        %dma_wait3A_172 = tpu.memref_slice %arg6[%add3A_135, %dma_wait3A] : memref<79x128xi32, #tpu.memory_space<vmem>> -> memref<1x128xi32, #tpu.memory_space<vmem>>
        %dma_wait3A_173 = tpu.memref_squeeze %dma_wait3A_172 : memref<1x128xi32, #tpu.memory_space<vmem>> -> memref<128xi32, #tpu.memory_space<vmem>>
        %dma_wait3A_174 = arith.constant 0 : i32
        %dma_wait3A_175 = arith.constant 0 : i32
        %dma_wait3A_176 = tpu.memref_slice %arg2[%dma_wait3A_174, %dma_wait3A_175] : memref<10000x16xf32, #tpu.memory_space<hbm>> -> memref<10000x16xf32, #tpu.memory_space<hbm>>
        tpu.wait_indirect_dma semaphore(%arg28 : memref<!tpu.dma_semaphore, #tpu.memory_space<semaphore_mem>>) src(%dma_wait3A_176 : memref<10000x16xf32, #tpu.memory_space<hbm>>) dst(%arg15 : memref<128x16xf32, #tpu.memory_space<vmem>>)
        %dma_start3A_177 = arith.constant 0 : i32
        %dma_start3A_178 = tpu.memref_slice %arg7[%add3A_135, %dma_start3A_177] : memref<79x128xi32, #tpu.memory_space<vmem>> -> memref<1x128xi32, #tpu.memory_space<vmem>>
        %dma_start3A_179 = tpu.memref_squeeze %dma_start3A_178 : memref<1x128xi32, #tpu.memory_space<vmem>> -> memref<128xi32, #tpu.memory_space<vmem>>
        %dma_start3A_180 = arith.constant 0 : i32
        %dma_start3A_181 = arith.constant 0 : i32
        %dma_start3A_182 = tpu.memref_slice %arg20[%dma_start3A_180, %dma_start3A_181] : memref<10112x16xf32, #tpu.memory_space<vmem_shared>> -> memref<10112x16xf32, #tpu.memory_space<vmem_shared>>
        tpu.enqueue_indirect_dma source(%arg15 : memref<128x16xf32, #tpu.memory_space<vmem>>) target(%dma_start3A_182 : memref<10112x16xf32, #tpu.memory_space<vmem_shared>>) offsets(%dma_start3A_179 : memref<128xi32, #tpu.memory_space<vmem>>) semaphore(%arg40 : memref<!tpu.dma_semaphore, #tpu.memory_space<semaphore_mem>>) {add = true}
        %ge3A_183 = arith.constant 6 : i32
        %ge3A_184 = arith.cmpi sge, %add3A_135, %ge3A_183 : i32
        %convert_element_type3A_185 = arith.extui %ge3A_184 : i1 to i32
        %cond3A_186 = arith.constant 0 : i32
        %cond3A_187 = arith.cmpi ne, %convert_element_type3A_185, %cond3A_186 : i32
        scf.if %cond3A_187 {
          %sub3A = arith.constant 6 : i32
          %sub3A_194 = arith.subi %add3A_135, %sub3A : i32
          %dma_wait3A_195 = arith.constant 0 : i32
          %dma_wait3A_196 = tpu.memref_slice %arg7[%sub3A_194, %dma_wait3A_195] : memref<79x128xi32, #tpu.memory_space<vmem>> -> memref<1x128xi32, #tpu.memory_space<vmem>>
          %dma_wait3A_197 = tpu.memref_squeeze %dma_wait3A_196 : memref<1x128xi32, #tpu.memory_space<vmem>> -> memref<128xi32, #tpu.memory_space<vmem>>
          %dma_wait3A_198 = arith.constant 0 : i32
          %dma_wait3A_199 = arith.constant 0 : i32
          %dma_wait3A_200 = tpu.memref_slice %arg20[%dma_wait3A_198, %dma_wait3A_199] : memref<10112x16xf32, #tpu.memory_space<vmem_shared>> -> memref<10112x16xf32, #tpu.memory_space<vmem_shared>>
          tpu.wait_indirect_dma semaphore(%arg34 : memref<!tpu.dma_semaphore, #tpu.memory_space<semaphore_mem>>) src(%arg9 : memref<128x16xf32, #tpu.memory_space<vmem>>) dst(%dma_wait3A_200 : memref<10112x16xf32, #tpu.memory_space<vmem_shared>>)
        } else {
        }
        %add3A_188 = arith.constant 6 : i32
        %add3A_189 = arith.addi %add3A_135, %add3A_188 : i32
        %lt3A_190 = arith.cmpi slt, %add3A_189, %add3A_12 : i32
        %convert_element_type3A_191 = arith.extui %lt3A_190 : i1 to i32
        %cond3A_192 = arith.constant 0 : i32
        %cond3A_193 = arith.cmpi ne, %convert_element_type3A_191, %cond3A_192 : i32
        scf.if %cond3A_193 {
          %add3A_194 = arith.constant 6 : i32
          %add3A_195 = arith.addi %add3A_135, %add3A_194 : i32
          %dma_start3A_196 = arith.constant 0 : i32
          %dma_start3A_197 = tpu.memref_slice %arg6[%add3A_195, %dma_start3A_196] : memref<79x128xi32, #tpu.memory_space<vmem>> -> memref<1x128xi32, #tpu.memory_space<vmem>>
          %dma_start3A_198 = tpu.memref_squeeze %dma_start3A_197 : memref<1x128xi32, #tpu.memory_space<vmem>> -> memref<128xi32, #tpu.memory_space<vmem>>
          %dma_start3A_199 = arith.constant 0 : i32
          %dma_start3A_200 = arith.constant 0 : i32
          %dma_start3A_201 = tpu.memref_slice %arg2[%dma_start3A_199, %dma_start3A_200] : memref<10000x16xf32, #tpu.memory_space<hbm>> -> memref<10000x16xf32, #tpu.memory_space<hbm>>
          tpu.enqueue_indirect_dma source(%dma_start3A_201 : memref<10000x16xf32, #tpu.memory_space<hbm>>) target(%arg9 : memref<128x16xf32, #tpu.memory_space<vmem>>) offsets(%dma_start3A_198 : memref<128xi32, #tpu.memory_space<vmem>>) semaphore(%arg22 : memref<!tpu.dma_semaphore, #tpu.memory_space<semaphore_mem>>)
        } else {
        }
      } else {
      }
      %mul3A_140 = arith.constant 12 : i32
      %mul3A_141 = arith.muli %scan3A_75, %mul3A_140 : i32
      %add3A_142 = arith.constant 8 : i32
      %add3A_143 = arith.addi %mul3A_141, %add3A_142 : i32
      %lt3A_144 = arith.cmpi slt, %add3A_143, %add3A_12 : i32
      %convert_element_type3A_145 = arith.extui %lt3A_144 : i1 to i32
      %cond3A_146 = arith.constant 0 : i32
      %cond3A_147 = arith.cmpi ne, %convert_element_type3A_145, %cond3A_146 : i32
      scf.if %cond3A_147 {
        %dma_wait3A = arith.constant 0 : i32
        %dma_wait3A_172 = tpu.memref_slice %arg6[%add3A_143, %dma_wait3A] : memref<79x128xi32, #tpu.memory_space<vmem>> -> memref<1x128xi32, #tpu.memory_space<vmem>>
        %dma_wait3A_173 = tpu.memref_squeeze %dma_wait3A_172 : memref<1x128xi32, #tpu.memory_space<vmem>> -> memref<128xi32, #tpu.memory_space<vmem>>
        %dma_wait3A_174 = arith.constant 0 : i32
        %dma_wait3A_175 = arith.constant 0 : i32
        %dma_wait3A_176 = tpu.memref_slice %arg2[%dma_wait3A_174, %dma_wait3A_175] : memref<10000x16xf32, #tpu.memory_space<hbm>> -> memref<10000x16xf32, #tpu.memory_space<hbm>>
        tpu.wait_indirect_dma semaphore(%arg29 : memref<!tpu.dma_semaphore, #tpu.memory_space<semaphore_mem>>) src(%dma_wait3A_176 : memref<10000x16xf32, #tpu.memory_space<hbm>>) dst(%arg16 : memref<128x16xf32, #tpu.memory_space<vmem>>)
        %dma_start3A_177 = arith.constant 0 : i32
        %dma_start3A_178 = tpu.memref_slice %arg7[%add3A_143, %dma_start3A_177] : memref<79x128xi32, #tpu.memory_space<vmem>> -> memref<1x128xi32, #tpu.memory_space<vmem>>
        %dma_start3A_179 = tpu.memref_squeeze %dma_start3A_178 : memref<1x128xi32, #tpu.memory_space<vmem>> -> memref<128xi32, #tpu.memory_space<vmem>>
        %dma_start3A_180 = arith.constant 0 : i32
        %dma_start3A_181 = arith.constant 0 : i32
        %dma_start3A_182 = tpu.memref_slice %arg20[%dma_start3A_180, %dma_start3A_181] : memref<10112x16xf32, #tpu.memory_space<vmem_shared>> -> memref<10112x16xf32, #tpu.memory_space<vmem_shared>>
        tpu.enqueue_indirect_dma source(%arg16 : memref<128x16xf32, #tpu.memory_space<vmem>>) target(%dma_start3A_182 : memref<10112x16xf32, #tpu.memory_space<vmem_shared>>) offsets(%dma_start3A_179 : memref<128xi32, #tpu.memory_space<vmem>>) semaphore(%arg41 : memref<!tpu.dma_semaphore, #tpu.memory_space<semaphore_mem>>) {add = true}
        %ge3A_183 = arith.constant 6 : i32
        %ge3A_184 = arith.cmpi sge, %add3A_143, %ge3A_183 : i32
        %convert_element_type3A_185 = arith.extui %ge3A_184 : i1 to i32
        %cond3A_186 = arith.constant 0 : i32
        %cond3A_187 = arith.cmpi ne, %convert_element_type3A_185, %cond3A_186 : i32
        scf.if %cond3A_187 {
          %sub3A = arith.constant 6 : i32
          %sub3A_194 = arith.subi %add3A_143, %sub3A : i32
          %dma_wait3A_195 = arith.constant 0 : i32
          %dma_wait3A_196 = tpu.memref_slice %arg7[%sub3A_194, %dma_wait3A_195] : memref<79x128xi32, #tpu.memory_space<vmem>> -> memref<1x128xi32, #tpu.memory_space<vmem>>
          %dma_wait3A_197 = tpu.memref_squeeze %dma_wait3A_196 : memref<1x128xi32, #tpu.memory_space<vmem>> -> memref<128xi32, #tpu.memory_space<vmem>>
          %dma_wait3A_198 = arith.constant 0 : i32
          %dma_wait3A_199 = arith.constant 0 : i32
          %dma_wait3A_200 = tpu.memref_slice %arg20[%dma_wait3A_198, %dma_wait3A_199] : memref<10112x16xf32, #tpu.memory_space<vmem_shared>> -> memref<10112x16xf32, #tpu.memory_space<vmem_shared>>
          tpu.wait_indirect_dma semaphore(%arg35 : memref<!tpu.dma_semaphore, #tpu.memory_space<semaphore_mem>>) src(%arg10 : memref<128x16xf32, #tpu.memory_space<vmem>>) dst(%dma_wait3A_200 : memref<10112x16xf32, #tpu.memory_space<vmem_shared>>)
        } else {
        }
        %add3A_188 = arith.constant 6 : i32
        %add3A_189 = arith.addi %add3A_143, %add3A_188 : i32
        %lt3A_190 = arith.cmpi slt, %add3A_189, %add3A_12 : i32
        %convert_element_type3A_191 = arith.extui %lt3A_190 : i1 to i32
        %cond3A_192 = arith.constant 0 : i32
        %cond3A_193 = arith.cmpi ne, %convert_element_type3A_191, %cond3A_192 : i32
        scf.if %cond3A_193 {
          %add3A_194 = arith.constant 6 : i32
          %add3A_195 = arith.addi %add3A_143, %add3A_194 : i32
          %dma_start3A_196 = arith.constant 0 : i32
          %dma_start3A_197 = tpu.memref_slice %arg6[%add3A_195, %dma_start3A_196] : memref<79x128xi32, #tpu.memory_space<vmem>> -> memref<1x128xi32, #tpu.memory_space<vmem>>
          %dma_start3A_198 = tpu.memref_squeeze %dma_start3A_197 : memref<1x128xi32, #tpu.memory_space<vmem>> -> memref<128xi32, #tpu.memory_space<vmem>>
          %dma_start3A_199 = arith.constant 0 : i32
          %dma_start3A_200 = arith.constant 0 : i32
          %dma_start3A_201 = tpu.memref_slice %arg2[%dma_start3A_199, %dma_start3A_200] : memref<10000x16xf32, #tpu.memory_space<hbm>> -> memref<10000x16xf32, #tpu.memory_space<hbm>>
          tpu.enqueue_indirect_dma source(%dma_start3A_201 : memref<10000x16xf32, #tpu.memory_space<hbm>>) target(%arg10 : memref<128x16xf32, #tpu.memory_space<vmem>>) offsets(%dma_start3A_198 : memref<128xi32, #tpu.memory_space<vmem>>) semaphore(%arg23 : memref<!tpu.dma_semaphore, #tpu.memory_space<semaphore_mem>>)
        } else {
        }
      } else {
      }
      %mul3A_148 = arith.constant 12 : i32
      %mul3A_149 = arith.muli %scan3A_75, %mul3A_148 : i32
      %add3A_150 = arith.constant 9 : i32
      %add3A_151 = arith.addi %mul3A_149, %add3A_150 : i32
      %lt3A_152 = arith.cmpi slt, %add3A_151, %add3A_12 : i32
      %convert_element_type3A_153 = arith.extui %lt3A_152 : i1 to i32
      %cond3A_154 = arith.constant 0 : i32
      %cond3A_155 = arith.cmpi ne, %convert_element_type3A_153, %cond3A_154 : i32
      scf.if %cond3A_155 {
        %dma_wait3A = arith.constant 0 : i32
        %dma_wait3A_172 = tpu.memref_slice %arg6[%add3A_151, %dma_wait3A] : memref<79x128xi32, #tpu.memory_space<vmem>> -> memref<1x128xi32, #tpu.memory_space<vmem>>
        %dma_wait3A_173 = tpu.memref_squeeze %dma_wait3A_172 : memref<1x128xi32, #tpu.memory_space<vmem>> -> memref<128xi32, #tpu.memory_space<vmem>>
        %dma_wait3A_174 = arith.constant 0 : i32
        %dma_wait3A_175 = arith.constant 0 : i32
        %dma_wait3A_176 = tpu.memref_slice %arg2[%dma_wait3A_174, %dma_wait3A_175] : memref<10000x16xf32, #tpu.memory_space<hbm>> -> memref<10000x16xf32, #tpu.memory_space<hbm>>
        tpu.wait_indirect_dma semaphore(%arg30 : memref<!tpu.dma_semaphore, #tpu.memory_space<semaphore_mem>>) src(%dma_wait3A_176 : memref<10000x16xf32, #tpu.memory_space<hbm>>) dst(%arg17 : memref<128x16xf32, #tpu.memory_space<vmem>>)
        %dma_start3A_177 = arith.constant 0 : i32
        %dma_start3A_178 = tpu.memref_slice %arg7[%add3A_151, %dma_start3A_177] : memref<79x128xi32, #tpu.memory_space<vmem>> -> memref<1x128xi32, #tpu.memory_space<vmem>>
        %dma_start3A_179 = tpu.memref_squeeze %dma_start3A_178 : memref<1x128xi32, #tpu.memory_space<vmem>> -> memref<128xi32, #tpu.memory_space<vmem>>
        %dma_start3A_180 = arith.constant 0 : i32
        %dma_start3A_181 = arith.constant 0 : i32
        %dma_start3A_182 = tpu.memref_slice %arg20[%dma_start3A_180, %dma_start3A_181] : memref<10112x16xf32, #tpu.memory_space<vmem_shared>> -> memref<10112x16xf32, #tpu.memory_space<vmem_shared>>
        tpu.enqueue_indirect_dma source(%arg17 : memref<128x16xf32, #tpu.memory_space<vmem>>) target(%dma_start3A_182 : memref<10112x16xf32, #tpu.memory_space<vmem_shared>>) offsets(%dma_start3A_179 : memref<128xi32, #tpu.memory_space<vmem>>) semaphore(%arg42 : memref<!tpu.dma_semaphore, #tpu.memory_space<semaphore_mem>>) {add = true}
        %ge3A_183 = arith.constant 6 : i32
        %ge3A_184 = arith.cmpi sge, %add3A_151, %ge3A_183 : i32
        %convert_element_type3A_185 = arith.extui %ge3A_184 : i1 to i32
        %cond3A_186 = arith.constant 0 : i32
        %cond3A_187 = arith.cmpi ne, %convert_element_type3A_185, %cond3A_186 : i32
        scf.if %cond3A_187 {
          %sub3A = arith.constant 6 : i32
          %sub3A_194 = arith.subi %add3A_151, %sub3A : i32
          %dma_wait3A_195 = arith.constant 0 : i32
          %dma_wait3A_196 = tpu.memref_slice %arg7[%sub3A_194, %dma_wait3A_195] : memref<79x128xi32, #tpu.memory_space<vmem>> -> memref<1x128xi32, #tpu.memory_space<vmem>>
          %dma_wait3A_197 = tpu.memref_squeeze %dma_wait3A_196 : memref<1x128xi32, #tpu.memory_space<vmem>> -> memref<128xi32, #tpu.memory_space<vmem>>
          %dma_wait3A_198 = arith.constant 0 : i32
          %dma_wait3A_199 = arith.constant 0 : i32
          %dma_wait3A_200 = tpu.memref_slice %arg20[%dma_wait3A_198, %dma_wait3A_199] : memref<10112x16xf32, #tpu.memory_space<vmem_shared>> -> memref<10112x16xf32, #tpu.memory_space<vmem_shared>>
          tpu.wait_indirect_dma semaphore(%arg36 : memref<!tpu.dma_semaphore, #tpu.memory_space<semaphore_mem>>) src(%arg11 : memref<128x16xf32, #tpu.memory_space<vmem>>) dst(%dma_wait3A_200 : memref<10112x16xf32, #tpu.memory_space<vmem_shared>>)
        } else {
        }
        %add3A_188 = arith.constant 6 : i32
        %add3A_189 = arith.addi %add3A_151, %add3A_188 : i32
        %lt3A_190 = arith.cmpi slt, %add3A_189, %add3A_12 : i32
        %convert_element_type3A_191 = arith.extui %lt3A_190 : i1 to i32
        %cond3A_192 = arith.constant 0 : i32
        %cond3A_193 = arith.cmpi ne, %convert_element_type3A_191, %cond3A_192 : i32
        scf.if %cond3A_193 {
          %add3A_194 = arith.constant 6 : i32
          %add3A_195 = arith.addi %add3A_151, %add3A_194 : i32
          %dma_start3A_196 = arith.constant 0 : i32
          %dma_start3A_197 = tpu.memref_slice %arg6[%add3A_195, %dma_start3A_196] : memref<79x128xi32, #tpu.memory_space<vmem>> -> memref<1x128xi32, #tpu.memory_space<vmem>>
          %dma_start3A_198 = tpu.memref_squeeze %dma_start3A_197 : memref<1x128xi32, #tpu.memory_space<vmem>> -> memref<128xi32, #tpu.memory_space<vmem>>
          %dma_start3A_199 = arith.constant 0 : i32
          %dma_start3A_200 = arith.constant 0 : i32
          %dma_start3A_201 = tpu.memref_slice %arg2[%dma_start3A_199, %dma_start3A_200] : memref<10000x16xf32, #tpu.memory_space<hbm>> -> memref<10000x16xf32, #tpu.memory_space<hbm>>
          tpu.enqueue_indirect_dma source(%dma_start3A_201 : memref<10000x16xf32, #tpu.memory_space<hbm>>) target(%arg11 : memref<128x16xf32, #tpu.memory_space<vmem>>) offsets(%dma_start3A_198 : memref<128xi32, #tpu.memory_space<vmem>>) semaphore(%arg24 : memref<!tpu.dma_semaphore, #tpu.memory_space<semaphore_mem>>)
        } else {
        }
      } else {
      }
      %mul3A_156 = arith.constant 12 : i32
      %mul3A_157 = arith.muli %scan3A_75, %mul3A_156 : i32
      %add3A_158 = arith.constant 10 : i32
      %add3A_159 = arith.addi %mul3A_157, %add3A_158 : i32
      %lt3A_160 = arith.cmpi slt, %add3A_159, %add3A_12 : i32
      %convert_element_type3A_161 = arith.extui %lt3A_160 : i1 to i32
      %cond3A_162 = arith.constant 0 : i32
      %cond3A_163 = arith.cmpi ne, %convert_element_type3A_161, %cond3A_162 : i32
      scf.if %cond3A_163 {
        %dma_wait3A = arith.constant 0 : i32
        %dma_wait3A_172 = tpu.memref_slice %arg6[%add3A_159, %dma_wait3A] : memref<79x128xi32, #tpu.memory_space<vmem>> -> memref<1x128xi32, #tpu.memory_space<vmem>>
        %dma_wait3A_173 = tpu.memref_squeeze %dma_wait3A_172 : memref<1x128xi32, #tpu.memory_space<vmem>> -> memref<128xi32, #tpu.memory_space<vmem>>
        %dma_wait3A_174 = arith.constant 0 : i32
        %dma_wait3A_175 = arith.constant 0 : i32
        %dma_wait3A_176 = tpu.memref_slice %arg2[%dma_wait3A_174, %dma_wait3A_175] : memref<10000x16xf32, #tpu.memory_space<hbm>> -> memref<10000x16xf32, #tpu.memory_space<hbm>>
        tpu.wait_indirect_dma semaphore(%arg31 : memref<!tpu.dma_semaphore, #tpu.memory_space<semaphore_mem>>) src(%dma_wait3A_176 : memref<10000x16xf32, #tpu.memory_space<hbm>>) dst(%arg18 : memref<128x16xf32, #tpu.memory_space<vmem>>)
        %dma_start3A_177 = arith.constant 0 : i32
        %dma_start3A_178 = tpu.memref_slice %arg7[%add3A_159, %dma_start3A_177] : memref<79x128xi32, #tpu.memory_space<vmem>> -> memref<1x128xi32, #tpu.memory_space<vmem>>
        %dma_start3A_179 = tpu.memref_squeeze %dma_start3A_178 : memref<1x128xi32, #tpu.memory_space<vmem>> -> memref<128xi32, #tpu.memory_space<vmem>>
        %dma_start3A_180 = arith.constant 0 : i32
        %dma_start3A_181 = arith.constant 0 : i32
        %dma_start3A_182 = tpu.memref_slice %arg20[%dma_start3A_180, %dma_start3A_181] : memref<10112x16xf32, #tpu.memory_space<vmem_shared>> -> memref<10112x16xf32, #tpu.memory_space<vmem_shared>>
        tpu.enqueue_indirect_dma source(%arg18 : memref<128x16xf32, #tpu.memory_space<vmem>>) target(%dma_start3A_182 : memref<10112x16xf32, #tpu.memory_space<vmem_shared>>) offsets(%dma_start3A_179 : memref<128xi32, #tpu.memory_space<vmem>>) semaphore(%arg43 : memref<!tpu.dma_semaphore, #tpu.memory_space<semaphore_mem>>) {add = true}
        %ge3A_183 = arith.constant 6 : i32
        %ge3A_184 = arith.cmpi sge, %add3A_159, %ge3A_183 : i32
        %convert_element_type3A_185 = arith.extui %ge3A_184 : i1 to i32
        %cond3A_186 = arith.constant 0 : i32
        %cond3A_187 = arith.cmpi ne, %convert_element_type3A_185, %cond3A_186 : i32
        scf.if %cond3A_187 {
          %sub3A = arith.constant 6 : i32
          %sub3A_194 = arith.subi %add3A_159, %sub3A : i32
          %dma_wait3A_195 = arith.constant 0 : i32
          %dma_wait3A_196 = tpu.memref_slice %arg7[%sub3A_194, %dma_wait3A_195] : memref<79x128xi32, #tpu.memory_space<vmem>> -> memref<1x128xi32, #tpu.memory_space<vmem>>
          %dma_wait3A_197 = tpu.memref_squeeze %dma_wait3A_196 : memref<1x128xi32, #tpu.memory_space<vmem>> -> memref<128xi32, #tpu.memory_space<vmem>>
          %dma_wait3A_198 = arith.constant 0 : i32
          %dma_wait3A_199 = arith.constant 0 : i32
          %dma_wait3A_200 = tpu.memref_slice %arg20[%dma_wait3A_198, %dma_wait3A_199] : memref<10112x16xf32, #tpu.memory_space<vmem_shared>> -> memref<10112x16xf32, #tpu.memory_space<vmem_shared>>
          tpu.wait_indirect_dma semaphore(%arg37 : memref<!tpu.dma_semaphore, #tpu.memory_space<semaphore_mem>>) src(%arg12 : memref<128x16xf32, #tpu.memory_space<vmem>>) dst(%dma_wait3A_200 : memref<10112x16xf32, #tpu.memory_space<vmem_shared>>)
        } else {
        }
        %add3A_188 = arith.constant 6 : i32
        %add3A_189 = arith.addi %add3A_159, %add3A_188 : i32
        %lt3A_190 = arith.cmpi slt, %add3A_189, %add3A_12 : i32
        %convert_element_type3A_191 = arith.extui %lt3A_190 : i1 to i32
        %cond3A_192 = arith.constant 0 : i32
        %cond3A_193 = arith.cmpi ne, %convert_element_type3A_191, %cond3A_192 : i32
        scf.if %cond3A_193 {
          %add3A_194 = arith.constant 6 : i32
          %add3A_195 = arith.addi %add3A_159, %add3A_194 : i32
          %dma_start3A_196 = arith.constant 0 : i32
          %dma_start3A_197 = tpu.memref_slice %arg6[%add3A_195, %dma_start3A_196] : memref<79x128xi32, #tpu.memory_space<vmem>> -> memref<1x128xi32, #tpu.memory_space<vmem>>
          %dma_start3A_198 = tpu.memref_squeeze %dma_start3A_197 : memref<1x128xi32, #tpu.memory_space<vmem>> -> memref<128xi32, #tpu.memory_space<vmem>>
          %dma_start3A_199 = arith.constant 0 : i32
          %dma_start3A_200 = arith.constant 0 : i32
          %dma_start3A_201 = tpu.memref_slice %arg2[%dma_start3A_199, %dma_start3A_200] : memref<10000x16xf32, #tpu.memory_space<hbm>> -> memref<10000x16xf32, #tpu.memory_space<hbm>>
          tpu.enqueue_indirect_dma source(%dma_start3A_201 : memref<10000x16xf32, #tpu.memory_space<hbm>>) target(%arg12 : memref<128x16xf32, #tpu.memory_space<vmem>>) offsets(%dma_start3A_198 : memref<128xi32, #tpu.memory_space<vmem>>) semaphore(%arg25 : memref<!tpu.dma_semaphore, #tpu.memory_space<semaphore_mem>>)
        } else {
        }
      } else {
      }
      %mul3A_164 = arith.constant 12 : i32
      %mul3A_165 = arith.muli %scan3A_75, %mul3A_164 : i32
      %add3A_166 = arith.constant 11 : i32
      %add3A_167 = arith.addi %mul3A_165, %add3A_166 : i32
      %lt3A_168 = arith.cmpi slt, %add3A_167, %add3A_12 : i32
      %convert_element_type3A_169 = arith.extui %lt3A_168 : i1 to i32
      %cond3A_170 = arith.constant 0 : i32
      %cond3A_171 = arith.cmpi ne, %convert_element_type3A_169, %cond3A_170 : i32
      scf.if %cond3A_171 {
        %dma_wait3A = arith.constant 0 : i32
        %dma_wait3A_172 = tpu.memref_slice %arg6[%add3A_167, %dma_wait3A] : memref<79x128xi32, #tpu.memory_space<vmem>> -> memref<1x128xi32, #tpu.memory_space<vmem>>
        %dma_wait3A_173 = tpu.memref_squeeze %dma_wait3A_172 : memref<1x128xi32, #tpu.memory_space<vmem>> -> memref<128xi32, #tpu.memory_space<vmem>>
        %dma_wait3A_174 = arith.constant 0 : i32
        %dma_wait3A_175 = arith.constant 0 : i32
        %dma_wait3A_176 = tpu.memref_slice %arg2[%dma_wait3A_174, %dma_wait3A_175] : memref<10000x16xf32, #tpu.memory_space<hbm>> -> memref<10000x16xf32, #tpu.memory_space<hbm>>
        tpu.wait_indirect_dma semaphore(%arg32 : memref<!tpu.dma_semaphore, #tpu.memory_space<semaphore_mem>>) src(%dma_wait3A_176 : memref<10000x16xf32, #tpu.memory_space<hbm>>) dst(%arg19 : memref<128x16xf32, #tpu.memory_space<vmem>>)
        %dma_start3A_177 = arith.constant 0 : i32
        %dma_start3A_178 = tpu.memref_slice %arg7[%add3A_167, %dma_start3A_177] : memref<79x128xi32, #tpu.memory_space<vmem>> -> memref<1x128xi32, #tpu.memory_space<vmem>>
        %dma_start3A_179 = tpu.memref_squeeze %dma_start3A_178 : memref<1x128xi32, #tpu.memory_space<vmem>> -> memref<128xi32, #tpu.memory_space<vmem>>
        %dma_start3A_180 = arith.constant 0 : i32
        %dma_start3A_181 = arith.constant 0 : i32
        %dma_start3A_182 = tpu.memref_slice %arg20[%dma_start3A_180, %dma_start3A_181] : memref<10112x16xf32, #tpu.memory_space<vmem_shared>> -> memref<10112x16xf32, #tpu.memory_space<vmem_shared>>
        tpu.enqueue_indirect_dma source(%arg19 : memref<128x16xf32, #tpu.memory_space<vmem>>) target(%dma_start3A_182 : memref<10112x16xf32, #tpu.memory_space<vmem_shared>>) offsets(%dma_start3A_179 : memref<128xi32, #tpu.memory_space<vmem>>) semaphore(%arg44 : memref<!tpu.dma_semaphore, #tpu.memory_space<semaphore_mem>>) {add = true}
        %ge3A_183 = arith.constant 6 : i32
        %ge3A_184 = arith.cmpi sge, %add3A_167, %ge3A_183 : i32
        %convert_element_type3A_185 = arith.extui %ge3A_184 : i1 to i32
        %cond3A_186 = arith.constant 0 : i32
        %cond3A_187 = arith.cmpi ne, %convert_element_type3A_185, %cond3A_186 : i32
        scf.if %cond3A_187 {
          %sub3A = arith.constant 6 : i32
          %sub3A_194 = arith.subi %add3A_167, %sub3A : i32
          %dma_wait3A_195 = arith.constant 0 : i32
          %dma_wait3A_196 = tpu.memref_slice %arg7[%sub3A_194, %dma_wait3A_195] : memref<79x128xi32, #tpu.memory_space<vmem>> -> memref<1x128xi32, #tpu.memory_space<vmem>>
          %dma_wait3A_197 = tpu.memref_squeeze %dma_wait3A_196 : memref<1x128xi32, #tpu.memory_space<vmem>> -> memref<128xi32, #tpu.memory_space<vmem>>
          %dma_wait3A_198 = arith.constant 0 : i32
          %dma_wait3A_199 = arith.constant 0 : i32
          %dma_wait3A_200 = tpu.memref_slice %arg20[%dma_wait3A_198, %dma_wait3A_199] : memref<10112x16xf32, #tpu.memory_space<vmem_shared>> -> memref<10112x16xf32, #tpu.memory_space<vmem_shared>>
          tpu.wait_indirect_dma semaphore(%arg38 : memref<!tpu.dma_semaphore, #tpu.memory_space<semaphore_mem>>) src(%arg13 : memref<128x16xf32, #tpu.memory_space<vmem>>) dst(%dma_wait3A_200 : memref<10112x16xf32, #tpu.memory_space<vmem_shared>>)
        } else {
        }
        %add3A_188 = arith.constant 6 : i32
        %add3A_189 = arith.addi %add3A_167, %add3A_188 : i32
        %lt3A_190 = arith.cmpi slt, %add3A_189, %add3A_12 : i32
        %convert_element_type3A_191 = arith.extui %lt3A_190 : i1 to i32
        %cond3A_192 = arith.constant 0 : i32
        %cond3A_193 = arith.cmpi ne, %convert_element_type3A_191, %cond3A_192 : i32
        scf.if %cond3A_193 {
          %add3A_194 = arith.constant 6 : i32
          %add3A_195 = arith.addi %add3A_167, %add3A_194 : i32
          %dma_start3A_196 = arith.constant 0 : i32
          %dma_start3A_197 = tpu.memref_slice %arg6[%add3A_195, %dma_start3A_196] : memref<79x128xi32, #tpu.memory_space<vmem>> -> memref<1x128xi32, #tpu.memory_space<vmem>>
          %dma_start3A_198 = tpu.memref_squeeze %dma_start3A_197 : memref<1x128xi32, #tpu.memory_space<vmem>> -> memref<128xi32, #tpu.memory_space<vmem>>
          %dma_start3A_199 = arith.constant 0 : i32
          %dma_start3A_200 = arith.constant 0 : i32
          %dma_start3A_201 = tpu.memref_slice %arg2[%dma_start3A_199, %dma_start3A_200] : memref<10000x16xf32, #tpu.memory_space<hbm>> -> memref<10000x16xf32, #tpu.memory_space<hbm>>
          tpu.enqueue_indirect_dma source(%dma_start3A_201 : memref<10000x16xf32, #tpu.memory_space<hbm>>) target(%arg13 : memref<128x16xf32, #tpu.memory_space<vmem>>) offsets(%dma_start3A_198 : memref<128xi32, #tpu.memory_space<vmem>>) semaphore(%arg26 : memref<!tpu.dma_semaphore, #tpu.memory_space<semaphore_mem>>)
        } else {
        }
      } else {
      }
    }
    %scan3A_60 = arith.constant 7 : i32
    %lt3A_61 = arith.constant 4 : i32
    %lt3A_62 = arith.cmpi slt, %add3A, %lt3A_61 : i32
    %convert_element_type3A_63 = arith.extui %lt3A_62 : i1 to i32
    %cond3A_64 = arith.constant 0 : i32
    %cond3A_65 = arith.cmpi ne, %convert_element_type3A_63, %cond3A_64 : i32
    scf.if %cond3A_65 {
      %dma_wait3A = arith.constant 73 : i32
      %dma_wait3A_75 = arith.constant 0 : i32
      %dma_wait3A_76 = tpu.memref_slice %arg7[%dma_wait3A, %dma_wait3A_75] : memref<79x128xi32, #tpu.memory_space<vmem>> -> memref<1x128xi32, #tpu.memory_space<vmem>>
      %dma_wait3A_77 = tpu.memref_squeeze %dma_wait3A_76 : memref<1x128xi32, #tpu.memory_space<vmem>> -> memref<128xi32, #tpu.memory_space<vmem>>
      %dma_wait3A_78 = arith.constant 0 : i32
      %dma_wait3A_79 = arith.constant 0 : i32
      %dma_wait3A_80 = tpu.memref_slice %arg20[%dma_wait3A_78, %dma_wait3A_79] : memref<10112x16xf32, #tpu.memory_space<vmem_shared>> -> memref<10112x16xf32, #tpu.memory_space<vmem_shared>>
      tpu.wait_indirect_dma semaphore(%arg34 : memref<!tpu.dma_semaphore, #tpu.memory_space<semaphore_mem>>) src(%arg9 : memref<128x16xf32, #tpu.memory_space<vmem>>) dst(%dma_wait3A_80 : memref<10112x16xf32, #tpu.memory_space<vmem_shared>>)
      %dma_wait3A_81 = arith.constant 74 : i32
      %dma_wait3A_82 = arith.constant 0 : i32
      %dma_wait3A_83 = tpu.memref_slice %arg7[%dma_wait3A_81, %dma_wait3A_82] : memref<79x128xi32, #tpu.memory_space<vmem>> -> memref<1x128xi32, #tpu.memory_space<vmem>>
      %dma_wait3A_84 = tpu.memref_squeeze %dma_wait3A_83 : memref<1x128xi32, #tpu.memory_space<vmem>> -> memref<128xi32, #tpu.memory_space<vmem>>
      %dma_wait3A_85 = arith.constant 0 : i32
      %dma_wait3A_86 = arith.constant 0 : i32
      %dma_wait3A_87 = tpu.memref_slice %arg20[%dma_wait3A_85, %dma_wait3A_86] : memref<10112x16xf32, #tpu.memory_space<vmem_shared>> -> memref<10112x16xf32, #tpu.memory_space<vmem_shared>>
      tpu.wait_indirect_dma semaphore(%arg35 : memref<!tpu.dma_semaphore, #tpu.memory_space<semaphore_mem>>) src(%arg10 : memref<128x16xf32, #tpu.memory_space<vmem>>) dst(%dma_wait3A_87 : memref<10112x16xf32, #tpu.memory_space<vmem_shared>>)
      %dma_wait3A_88 = arith.constant 75 : i32
      %dma_wait3A_89 = arith.constant 0 : i32
      %dma_wait3A_90 = tpu.memref_slice %arg7[%dma_wait3A_88, %dma_wait3A_89] : memref<79x128xi32, #tpu.memory_space<vmem>> -> memref<1x128xi32, #tpu.memory_space<vmem>>
      %dma_wait3A_91 = tpu.memref_squeeze %dma_wait3A_90 : memref<1x128xi32, #tpu.memory_space<vmem>> -> memref<128xi32, #tpu.memory_space<vmem>>
      %dma_wait3A_92 = arith.constant 0 : i32
      %dma_wait3A_93 = arith.constant 0 : i32
      %dma_wait3A_94 = tpu.memref_slice %arg20[%dma_wait3A_92, %dma_wait3A_93] : memref<10112x16xf32, #tpu.memory_space<vmem_shared>> -> memref<10112x16xf32, #tpu.memory_space<vmem_shared>>
      tpu.wait_indirect_dma semaphore(%arg36 : memref<!tpu.dma_semaphore, #tpu.memory_space<semaphore_mem>>) src(%arg11 : memref<128x16xf32, #tpu.memory_space<vmem>>) dst(%dma_wait3A_94 : memref<10112x16xf32, #tpu.memory_space<vmem_shared>>)
      %dma_wait3A_95 = arith.constant 76 : i32
      %dma_wait3A_96 = arith.constant 0 : i32
      %dma_wait3A_97 = tpu.memref_slice %arg7[%dma_wait3A_95, %dma_wait3A_96] : memref<79x128xi32, #tpu.memory_space<vmem>> -> memref<1x128xi32, #tpu.memory_space<vmem>>
      %dma_wait3A_98 = tpu.memref_squeeze %dma_wait3A_97 : memref<1x128xi32, #tpu.memory_space<vmem>> -> memref<128xi32, #tpu.memory_space<vmem>>
      %dma_wait3A_99 = arith.constant 0 : i32
      %dma_wait3A_100 = arith.constant 0 : i32
      %dma_wait3A_101 = tpu.memref_slice %arg20[%dma_wait3A_99, %dma_wait3A_100] : memref<10112x16xf32, #tpu.memory_space<vmem_shared>> -> memref<10112x16xf32, #tpu.memory_space<vmem_shared>>
      tpu.wait_indirect_dma semaphore(%arg37 : memref<!tpu.dma_semaphore, #tpu.memory_space<semaphore_mem>>) src(%arg12 : memref<128x16xf32, #tpu.memory_space<vmem>>) dst(%dma_wait3A_101 : memref<10112x16xf32, #tpu.memory_space<vmem_shared>>)
      %dma_wait3A_102 = arith.constant 77 : i32
      %dma_wait3A_103 = arith.constant 0 : i32
      %dma_wait3A_104 = tpu.memref_slice %arg7[%dma_wait3A_102, %dma_wait3A_103] : memref<79x128xi32, #tpu.memory_space<vmem>> -> memref<1x128xi32, #tpu.memory_space<vmem>>
      %dma_wait3A_105 = tpu.memref_squeeze %dma_wait3A_104 : memref<1x128xi32, #tpu.memory_space<vmem>> -> memref<128xi32, #tpu.memory_space<vmem>>
      %dma_wait3A_106 = arith.constant 0 : i32
      %dma_wait3A_107 = arith.constant 0 : i32
      %dma_wait3A_108 = tpu.memref_slice %arg20[%dma_wait3A_106, %dma_wait3A_107] : memref<10112x16xf32, #tpu.memory_space<vmem_shared>> -> memref<10112x16xf32, #tpu.memory_space<vmem_shared>>
      tpu.wait_indirect_dma semaphore(%arg38 : memref<!tpu.dma_semaphore, #tpu.memory_space<semaphore_mem>>) src(%arg13 : memref<128x16xf32, #tpu.memory_space<vmem>>) dst(%dma_wait3A_108 : memref<10112x16xf32, #tpu.memory_space<vmem_shared>>)
      %dma_wait3A_109 = arith.constant 78 : i32
      %dma_wait3A_110 = arith.constant 0 : i32
      %dma_wait3A_111 = tpu.memref_slice %arg7[%dma_wait3A_109, %dma_wait3A_110] : memref<79x128xi32, #tpu.memory_space<vmem>> -> memref<1x128xi32, #tpu.memory_space<vmem>>
      %dma_wait3A_112 = tpu.memref_squeeze %dma_wait3A_111 : memref<1x128xi32, #tpu.memory_space<vmem>> -> memref<128xi32, #tpu.memory_space<vmem>>
      %dma_wait3A_113 = arith.constant 0 : i32
      %dma_wait3A_114 = arith.constant 0 : i32
      %dma_wait3A_115 = tpu.memref_slice %arg20[%dma_wait3A_113, %dma_wait3A_114] : memref<10112x16xf32, #tpu.memory_space<vmem_shared>> -> memref<10112x16xf32, #tpu.memory_space<vmem_shared>>
      tpu.wait_indirect_dma semaphore(%arg39 : memref<!tpu.dma_semaphore, #tpu.memory_space<semaphore_mem>>) src(%arg14 : memref<128x16xf32, #tpu.memory_space<vmem>>) dst(%dma_wait3A_115 : memref<10112x16xf32, #tpu.memory_space<vmem_shared>>)
    } else {
    }
    %ge3A = arith.constant 4 : i32
    %ge3A_66 = arith.cmpi sge, %add3A, %ge3A : i32
    %convert_element_type3A_67 = arith.extui %ge3A_66 : i1 to i32
    %cond3A_68 = arith.constant 0 : i32
    %cond3A_69 = arith.cmpi ne, %convert_element_type3A_67, %cond3A_68 : i32
    scf.if %cond3A_69 {
      %dma_wait3A = arith.constant 72 : i32
      %dma_wait3A_75 = arith.constant 0 : i32
      %dma_wait3A_76 = tpu.memref_slice %arg7[%dma_wait3A, %dma_wait3A_75] : memref<79x128xi32, #tpu.memory_space<vmem>> -> memref<1x128xi32, #tpu.memory_space<vmem>>
      %dma_wait3A_77 = tpu.memref_squeeze %dma_wait3A_76 : memref<1x128xi32, #tpu.memory_space<vmem>> -> memref<128xi32, #tpu.memory_space<vmem>>
      %dma_wait3A_78 = arith.constant 0 : i32
      %dma_wait3A_79 = arith.constant 0 : i32
      %dma_wait3A_80 = tpu.memref_slice %arg20[%dma_wait3A_78, %dma_wait3A_79] : memref<10112x16xf32, #tpu.memory_space<vmem_shared>> -> memref<10112x16xf32, #tpu.memory_space<vmem_shared>>
      tpu.wait_indirect_dma semaphore(%arg33 : memref<!tpu.dma_semaphore, #tpu.memory_space<semaphore_mem>>) src(%arg8 : memref<128x16xf32, #tpu.memory_space<vmem>>) dst(%dma_wait3A_80 : memref<10112x16xf32, #tpu.memory_space<vmem_shared>>)
      %dma_wait3A_81 = arith.constant 73 : i32
      %dma_wait3A_82 = arith.constant 0 : i32
      %dma_wait3A_83 = tpu.memref_slice %arg7[%dma_wait3A_81, %dma_wait3A_82] : memref<79x128xi32, #tpu.memory_space<vmem>> -> memref<1x128xi32, #tpu.memory_space<vmem>>
      %dma_wait3A_84 = tpu.memref_squeeze %dma_wait3A_83 : memref<1x128xi32, #tpu.memory_space<vmem>> -> memref<128xi32, #tpu.memory_space<vmem>>
      %dma_wait3A_85 = arith.constant 0 : i32
      %dma_wait3A_86 = arith.constant 0 : i32
      %dma_wait3A_87 = tpu.memref_slice %arg20[%dma_wait3A_85, %dma_wait3A_86] : memref<10112x16xf32, #tpu.memory_space<vmem_shared>> -> memref<10112x16xf32, #tpu.memory_space<vmem_shared>>
      tpu.wait_indirect_dma semaphore(%arg34 : memref<!tpu.dma_semaphore, #tpu.memory_space<semaphore_mem>>) src(%arg9 : memref<128x16xf32, #tpu.memory_space<vmem>>) dst(%dma_wait3A_87 : memref<10112x16xf32, #tpu.memory_space<vmem_shared>>)
      %dma_wait3A_88 = arith.constant 74 : i32
      %dma_wait3A_89 = arith.constant 0 : i32
      %dma_wait3A_90 = tpu.memref_slice %arg7[%dma_wait3A_88, %dma_wait3A_89] : memref<79x128xi32, #tpu.memory_space<vmem>> -> memref<1x128xi32, #tpu.memory_space<vmem>>
      %dma_wait3A_91 = tpu.memref_squeeze %dma_wait3A_90 : memref<1x128xi32, #tpu.memory_space<vmem>> -> memref<128xi32, #tpu.memory_space<vmem>>
      %dma_wait3A_92 = arith.constant 0 : i32
      %dma_wait3A_93 = arith.constant 0 : i32
      %dma_wait3A_94 = tpu.memref_slice %arg20[%dma_wait3A_92, %dma_wait3A_93] : memref<10112x16xf32, #tpu.memory_space<vmem_shared>> -> memref<10112x16xf32, #tpu.memory_space<vmem_shared>>
      tpu.wait_indirect_dma semaphore(%arg35 : memref<!tpu.dma_semaphore, #tpu.memory_space<semaphore_mem>>) src(%arg10 : memref<128x16xf32, #tpu.memory_space<vmem>>) dst(%dma_wait3A_94 : memref<10112x16xf32, #tpu.memory_space<vmem_shared>>)
      %dma_wait3A_95 = arith.constant 75 : i32
      %dma_wait3A_96 = arith.constant 0 : i32
      %dma_wait3A_97 = tpu.memref_slice %arg7[%dma_wait3A_95, %dma_wait3A_96] : memref<79x128xi32, #tpu.memory_space<vmem>> -> memref<1x128xi32, #tpu.memory_space<vmem>>
      %dma_wait3A_98 = tpu.memref_squeeze %dma_wait3A_97 : memref<1x128xi32, #tpu.memory_space<vmem>> -> memref<128xi32, #tpu.memory_space<vmem>>
      %dma_wait3A_99 = arith.constant 0 : i32
      %dma_wait3A_100 = arith.constant 0 : i32
      %dma_wait3A_101 = tpu.memref_slice %arg20[%dma_wait3A_99, %dma_wait3A_100] : memref<10112x16xf32, #tpu.memory_space<vmem_shared>> -> memref<10112x16xf32, #tpu.memory_space<vmem_shared>>
      tpu.wait_indirect_dma semaphore(%arg36 : memref<!tpu.dma_semaphore, #tpu.memory_space<semaphore_mem>>) src(%arg11 : memref<128x16xf32, #tpu.memory_space<vmem>>) dst(%dma_wait3A_101 : memref<10112x16xf32, #tpu.memory_space<vmem_shared>>)
      %dma_wait3A_102 = arith.constant 76 : i32
      %dma_wait3A_103 = arith.constant 0 : i32
      %dma_wait3A_104 = tpu.memref_slice %arg7[%dma_wait3A_102, %dma_wait3A_103] : memref<79x128xi32, #tpu.memory_space<vmem>> -> memref<1x128xi32, #tpu.memory_space<vmem>>
      %dma_wait3A_105 = tpu.memref_squeeze %dma_wait3A_104 : memref<1x128xi32, #tpu.memory_space<vmem>> -> memref<128xi32, #tpu.memory_space<vmem>>
      %dma_wait3A_106 = arith.constant 0 : i32
      %dma_wait3A_107 = arith.constant 0 : i32
      %dma_wait3A_108 = tpu.memref_slice %arg20[%dma_wait3A_106, %dma_wait3A_107] : memref<10112x16xf32, #tpu.memory_space<vmem_shared>> -> memref<10112x16xf32, #tpu.memory_space<vmem_shared>>
      tpu.wait_indirect_dma semaphore(%arg37 : memref<!tpu.dma_semaphore, #tpu.memory_space<semaphore_mem>>) src(%arg12 : memref<128x16xf32, #tpu.memory_space<vmem>>) dst(%dma_wait3A_108 : memref<10112x16xf32, #tpu.memory_space<vmem_shared>>)
      %dma_wait3A_109 = arith.constant 77 : i32
      %dma_wait3A_110 = arith.constant 0 : i32
      %dma_wait3A_111 = tpu.memref_slice %arg7[%dma_wait3A_109, %dma_wait3A_110] : memref<79x128xi32, #tpu.memory_space<vmem>> -> memref<1x128xi32, #tpu.memory_space<vmem>>
      %dma_wait3A_112 = tpu.memref_squeeze %dma_wait3A_111 : memref<1x128xi32, #tpu.memory_space<vmem>> -> memref<128xi32, #tpu.memory_space<vmem>>
      %dma_wait3A_113 = arith.constant 0 : i32
      %dma_wait3A_114 = arith.constant 0 : i32
      %dma_wait3A_115 = tpu.memref_slice %arg20[%dma_wait3A_113, %dma_wait3A_114] : memref<10112x16xf32, #tpu.memory_space<vmem_shared>> -> memref<10112x16xf32, #tpu.memory_space<vmem_shared>>
      tpu.wait_indirect_dma semaphore(%arg38 : memref<!tpu.dma_semaphore, #tpu.memory_space<semaphore_mem>>) src(%arg13 : memref<128x16xf32, #tpu.memory_space<vmem>>) dst(%dma_wait3A_115 : memref<10112x16xf32, #tpu.memory_space<vmem_shared>>)
    } else {
    }
    %barrier3A_70 = arith.constant 0 : index
    tpu.barrier barrier_id(%barrier3A_70)
    %mul3A_71 = arith.constant 632 : i32
    %mul3A_72 = arith.muli %arg1, %mul3A_71 : i32
    %mul3A_73 = arith.constant 632 : i32
    %mul3A_74 = arith.muli %arg1, %mul3A_73 : i32
    "tpu.region"() ({
      %run_scoped3A_75 = tpu.sem_alloc : memref<!tpu.dma_semaphore, #tpu.memory_space<semaphore_mem>>
      %dma_start3A_76 = arith.constant 0 : i32
      %dma_start3A_77 = tpu.memref_slice %arg5[%arg0, %mul3A_74, %dma_start3A_76] : memref<2x10112x16xf32, #tpu.memory_space<hbm>> -> memref<1x632x16xf32, #tpu.memory_space<hbm>>
      %dma_start3A_78 = tpu.memref_squeeze %dma_start3A_77 : memref<1x632x16xf32, #tpu.memory_space<hbm>> -> memref<632x16xf32, #tpu.memory_space<hbm>>
      %dma_start3A_79 = arith.constant 0 : i32
      %dma_start3A_80 = tpu.memref_slice %arg20[%mul3A_72, %dma_start3A_79] : memref<10112x16xf32, #tpu.memory_space<vmem_shared>> -> memref<632x16xf32, #tpu.memory_space<vmem_shared>>
      tpu.enqueue_dma source(%dma_start3A_80 : memref<632x16xf32, #tpu.memory_space<vmem_shared>>) target(%dma_start3A_78 : memref<632x16xf32, #tpu.memory_space<hbm>>) target_semaphore(%run_scoped3A_75 : memref<!tpu.dma_semaphore, #tpu.memory_space<semaphore_mem>>)
      %dma_wait3A = arith.constant 0 : i32
      %dma_wait3A_81 = tpu.memref_slice %arg5[%arg0, %mul3A_74, %dma_wait3A] : memref<2x10112x16xf32, #tpu.memory_space<hbm>> -> memref<1x632x16xf32, #tpu.memory_space<hbm>>
      %dma_wait3A_82 = tpu.memref_squeeze %dma_wait3A_81 : memref<1x632x16xf32, #tpu.memory_space<hbm>> -> memref<632x16xf32, #tpu.memory_space<hbm>>
      %dma_wait3A_83 = arith.constant 0 : i32
      %dma_wait3A_84 = tpu.memref_slice %arg20[%mul3A_72, %dma_wait3A_83] : memref<10112x16xf32, #tpu.memory_space<vmem_shared>> -> memref<632x16xf32, #tpu.memory_space<vmem_shared>>
      tpu.wait_dma2 semaphore(%run_scoped3A_75 : memref<!tpu.dma_semaphore, #tpu.memory_space<semaphore_mem>>) src(%dma_wait3A_84 : memref<632x16xf32, #tpu.memory_space<vmem_shared>>) dst(%dma_wait3A_82 : memref<632x16xf32, #tpu.memory_space<hbm>>)
      tpu.yield
    }) : () -> ()
    return
  }
}

#map = affine_map<(d0, d1) -> (0, 0)>
#map1 = affine_map<(d0, d1) -> (0, 0, 0)>
module attributes {stable_mosaic.version = 14 : i64} {
  func.func @agg(%arg0: i32, %arg1: i32, %arg2: memref<10000x64xf32, #tpu.memory_space<hbm>>, %arg3: memref<2x2500x128xi32, #tpu.memory_space<hbm>>, %arg4: memref<632x64xf32, #tpu.memory_space<hbm>>, %arg5: memref<2x10112x64xf32, #tpu.memory_space<hbm>>, %arg6: memref<79x128xi32, #tpu.memory_space<vmem>>, %arg7: memref<79x128xi32, #tpu.memory_space<vmem>>, %arg8: memref<128x64xf32, #tpu.memory_space<vmem>>, %arg9: memref<128x64xf32, #tpu.memory_space<vmem>>, %arg10: memref<128x64xf32, #tpu.memory_space<vmem>>, %arg11: memref<128x64xf32, #tpu.memory_space<vmem>>, %arg12: memref<128x64xf32, #tpu.memory_space<vmem>>, %arg13: memref<128x64xf32, #tpu.memory_space<vmem>>, %arg14: memref<128x64xf32, #tpu.memory_space<vmem>>, %arg15: memref<128x64xf32, #tpu.memory_space<vmem>>, %arg16: memref<10112x64xf32, #tpu.memory_space<vmem_shared>>, %arg17: memref<!tpu.dma_semaphore, #tpu.memory_space<semaphore_mem>>, %arg18: memref<!tpu.dma_semaphore, #tpu.memory_space<semaphore_mem>>, %arg19: memref<!tpu.dma_semaphore, #tpu.memory_space<semaphore_mem>>, %arg20: memref<!tpu.dma_semaphore, #tpu.memory_space<semaphore_mem>>, %arg21: memref<!tpu.dma_semaphore, #tpu.memory_space<semaphore_mem>>, %arg22: memref<!tpu.dma_semaphore, #tpu.memory_space<semaphore_mem>>, %arg23: memref<!tpu.dma_semaphore, #tpu.memory_space<semaphore_mem>>, %arg24: memref<!tpu.dma_semaphore, #tpu.memory_space<semaphore_mem>>, %arg25: memref<!tpu.dma_semaphore, #tpu.memory_space<semaphore_mem>>, %arg26: memref<!tpu.dma_semaphore, #tpu.memory_space<semaphore_mem>>, %arg27: memref<!tpu.dma_semaphore, #tpu.memory_space<semaphore_mem>>, %arg28: memref<!tpu.dma_semaphore, #tpu.memory_space<semaphore_mem>>, %arg29: memref<!tpu.dma_semaphore, #tpu.memory_space<semaphore_mem>>, %arg30: memref<!tpu.dma_semaphore, #tpu.memory_space<semaphore_mem>>, %arg31: memref<!tpu.dma_semaphore, #tpu.memory_space<semaphore_mem>>, %arg32: memref<!tpu.dma_semaphore, #tpu.memory_space<semaphore_mem>>) attributes {dimension_semantics = [#tpu.dimension_semantics<core_parallel>, #tpu.dimension_semantics<subcore_parallel>], iteration_bounds = array<i64: 2, 16>, scalar_prefetch = 0 : i64, scratch_operands = 27 : i64, tpu.core_type = #tpu.core_type<sc_vector_subcore>, window_params = [{transform_indices = #map}, {transform_indices = #map1}, {transform_indices = #map}, {transform_indices = #map1}]} {
    %mul3A = arith.constant 2 : i32
    %mul3A_0 = arith.muli %arg1, %mul3A : i32
    %add3A = arith.addi %mul3A_0, %arg0 : i32
    %mul3A_1 = arith.constant 78 : i32
    %mul3A_2 = arith.muli %add3A, %mul3A_1 : i32
    %run_scoped3A = arith.constant 0 : i32
    "tpu.region"() ({
      %run_scoped3A_61 = tpu.sem_alloc : memref<!tpu.dma_semaphore, #tpu.memory_space<semaphore_mem>>
      %dma_start3A_62 = arith.constant 0 : i32
      %dma_start3A_63 = arith.constant 0 : i32
      %dma_start3A_64 = tpu.memref_slice %arg6[%dma_start3A_62, %dma_start3A_63] : memref<79x128xi32, #tpu.memory_space<vmem>> -> memref<78x128xi32, #tpu.memory_space<vmem>>
      %dma_start3A_65 = arith.constant 0 : i32
      %dma_start3A_66 = tpu.memref_slice %arg3[%run_scoped3A, %mul3A_2, %dma_start3A_65] : memref<2x2500x128xi32, #tpu.memory_space<hbm>> -> memref<1x78x128xi32, #tpu.memory_space<hbm>>
      %dma_start3A_67 = tpu.memref_squeeze %dma_start3A_66 : memref<1x78x128xi32, #tpu.memory_space<hbm>> -> memref<78x128xi32, #tpu.memory_space<hbm>>
      %dma_start3A_68 = arith.constant 0 : i32
      %dma_start3A_69 = arith.constant 0 : i32
      %dma_start3A_70 = tpu.memref_slice %arg6[%dma_start3A_68, %dma_start3A_69] : memref<79x128xi32, #tpu.memory_space<vmem>> -> memref<78x128xi32, #tpu.memory_space<vmem>>
      %dma_start3A_71 = arith.constant 0 : i32
      %dma_start3A_72 = tpu.memref_slice %arg3[%run_scoped3A, %mul3A_2, %dma_start3A_71] : memref<2x2500x128xi32, #tpu.memory_space<hbm>> -> memref<1x78x128xi32, #tpu.memory_space<hbm>>
      %dma_start3A_73 = tpu.memref_squeeze %dma_start3A_72 : memref<1x78x128xi32, #tpu.memory_space<hbm>> -> memref<78x128xi32, #tpu.memory_space<hbm>>
      tpu.enqueue_dma source(%dma_start3A_73 : memref<78x128xi32, #tpu.memory_space<hbm>>) target(%dma_start3A_70 : memref<78x128xi32, #tpu.memory_space<vmem>>) target_semaphore(%run_scoped3A_61 : memref<!tpu.dma_semaphore, #tpu.memory_space<semaphore_mem>>)
      %dma_wait3A = arith.constant 0 : i32
      %dma_wait3A_74 = arith.constant 0 : i32
      %dma_wait3A_75 = tpu.memref_slice %arg6[%dma_wait3A, %dma_wait3A_74] : memref<79x128xi32, #tpu.memory_space<vmem>> -> memref<78x128xi32, #tpu.memory_space<vmem>>
      %dma_wait3A_76 = arith.constant 0 : i32
      %dma_wait3A_77 = tpu.memref_slice %arg3[%run_scoped3A, %mul3A_2, %dma_wait3A_76] : memref<2x2500x128xi32, #tpu.memory_space<hbm>> -> memref<1x78x128xi32, #tpu.memory_space<hbm>>
      %dma_wait3A_78 = tpu.memref_squeeze %dma_wait3A_77 : memref<1x78x128xi32, #tpu.memory_space<hbm>> -> memref<78x128xi32, #tpu.memory_space<hbm>>
      %dma_wait3A_79 = arith.constant 0 : i32
      %dma_wait3A_80 = arith.constant 0 : i32
      %dma_wait3A_81 = tpu.memref_slice %arg6[%dma_wait3A_79, %dma_wait3A_80] : memref<79x128xi32, #tpu.memory_space<vmem>> -> memref<78x128xi32, #tpu.memory_space<vmem>>
      %dma_wait3A_82 = arith.constant 0 : i32
      %dma_wait3A_83 = tpu.memref_slice %arg3[%run_scoped3A, %mul3A_2, %dma_wait3A_82] : memref<2x2500x128xi32, #tpu.memory_space<hbm>> -> memref<1x78x128xi32, #tpu.memory_space<hbm>>
      %dma_wait3A_84 = tpu.memref_squeeze %dma_wait3A_83 : memref<1x78x128xi32, #tpu.memory_space<hbm>> -> memref<78x128xi32, #tpu.memory_space<hbm>>
      tpu.wait_dma2 semaphore(%run_scoped3A_61 : memref<!tpu.dma_semaphore, #tpu.memory_space<semaphore_mem>>) src(%dma_wait3A_84 : memref<78x128xi32, #tpu.memory_space<hbm>>) dst(%dma_wait3A_81 : memref<78x128xi32, #tpu.memory_space<vmem>>)
      tpu.yield
    }) : () -> ()
    %mul3A_3 = arith.constant 78 : i32
    %mul3A_4 = arith.muli %add3A, %mul3A_3 : i32
    %run_scoped3A_5 = arith.constant 1 : i32
    "tpu.region"() ({
      %run_scoped3A_61 = tpu.sem_alloc : memref<!tpu.dma_semaphore, #tpu.memory_space<semaphore_mem>>
      %dma_start3A_62 = arith.constant 0 : i32
      %dma_start3A_63 = arith.constant 0 : i32
      %dma_start3A_64 = tpu.memref_slice %arg7[%dma_start3A_62, %dma_start3A_63] : memref<79x128xi32, #tpu.memory_space<vmem>> -> memref<78x128xi32, #tpu.memory_space<vmem>>
      %dma_start3A_65 = arith.constant 0 : i32
      %dma_start3A_66 = tpu.memref_slice %arg3[%run_scoped3A_5, %mul3A_4, %dma_start3A_65] : memref<2x2500x128xi32, #tpu.memory_space<hbm>> -> memref<1x78x128xi32, #tpu.memory_space<hbm>>
      %dma_start3A_67 = tpu.memref_squeeze %dma_start3A_66 : memref<1x78x128xi32, #tpu.memory_space<hbm>> -> memref<78x128xi32, #tpu.memory_space<hbm>>
      %dma_start3A_68 = arith.constant 0 : i32
      %dma_start3A_69 = arith.constant 0 : i32
      %dma_start3A_70 = tpu.memref_slice %arg7[%dma_start3A_68, %dma_start3A_69] : memref<79x128xi32, #tpu.memory_space<vmem>> -> memref<78x128xi32, #tpu.memory_space<vmem>>
      %dma_start3A_71 = arith.constant 0 : i32
      %dma_start3A_72 = tpu.memref_slice %arg3[%run_scoped3A_5, %mul3A_4, %dma_start3A_71] : memref<2x2500x128xi32, #tpu.memory_space<hbm>> -> memref<1x78x128xi32, #tpu.memory_space<hbm>>
      %dma_start3A_73 = tpu.memref_squeeze %dma_start3A_72 : memref<1x78x128xi32, #tpu.memory_space<hbm>> -> memref<78x128xi32, #tpu.memory_space<hbm>>
      tpu.enqueue_dma source(%dma_start3A_73 : memref<78x128xi32, #tpu.memory_space<hbm>>) target(%dma_start3A_70 : memref<78x128xi32, #tpu.memory_space<vmem>>) target_semaphore(%run_scoped3A_61 : memref<!tpu.dma_semaphore, #tpu.memory_space<semaphore_mem>>)
      %dma_wait3A = arith.constant 0 : i32
      %dma_wait3A_74 = arith.constant 0 : i32
      %dma_wait3A_75 = tpu.memref_slice %arg7[%dma_wait3A, %dma_wait3A_74] : memref<79x128xi32, #tpu.memory_space<vmem>> -> memref<78x128xi32, #tpu.memory_space<vmem>>
      %dma_wait3A_76 = arith.constant 0 : i32
      %dma_wait3A_77 = tpu.memref_slice %arg3[%run_scoped3A_5, %mul3A_4, %dma_wait3A_76] : memref<2x2500x128xi32, #tpu.memory_space<hbm>> -> memref<1x78x128xi32, #tpu.memory_space<hbm>>
      %dma_wait3A_78 = tpu.memref_squeeze %dma_wait3A_77 : memref<1x78x128xi32, #tpu.memory_space<hbm>> -> memref<78x128xi32, #tpu.memory_space<hbm>>
      %dma_wait3A_79 = arith.constant 0 : i32
      %dma_wait3A_80 = arith.constant 0 : i32
      %dma_wait3A_81 = tpu.memref_slice %arg7[%dma_wait3A_79, %dma_wait3A_80] : memref<79x128xi32, #tpu.memory_space<vmem>> -> memref<78x128xi32, #tpu.memory_space<vmem>>
      %dma_wait3A_82 = arith.constant 0 : i32
      %dma_wait3A_83 = tpu.memref_slice %arg3[%run_scoped3A_5, %mul3A_4, %dma_wait3A_82] : memref<2x2500x128xi32, #tpu.memory_space<hbm>> -> memref<1x78x128xi32, #tpu.memory_space<hbm>>
      %dma_wait3A_84 = tpu.memref_squeeze %dma_wait3A_83 : memref<1x78x128xi32, #tpu.memory_space<hbm>> -> memref<78x128xi32, #tpu.memory_space<hbm>>
      tpu.wait_dma2 semaphore(%run_scoped3A_61 : memref<!tpu.dma_semaphore, #tpu.memory_space<semaphore_mem>>) src(%dma_wait3A_84 : memref<78x128xi32, #tpu.memory_space<hbm>>) dst(%dma_wait3A_81 : memref<78x128xi32, #tpu.memory_space<vmem>>)
      tpu.yield
    }) : () -> ()
    %lt3A = arith.constant 4 : i32
    %lt3A_6 = arith.cmpi slt, %add3A, %lt3A : i32
    %convert_element_type3A = arith.extui %lt3A_6 : i1 to i32
    %cond3A = arith.constant 0 : i32
    %cond3A_7 = arith.cmpi ne, %convert_element_type3A, %cond3A : i32
    scf.if %cond3A_7 {
      %add3A_61 = arith.constant 2496 : i32
      %add3A_62 = arith.addi %add3A_61, %add3A : i32
      %run_scoped3A_63 = arith.constant 0 : i32
      "tpu.region"() ({
        %run_scoped3A_67 = tpu.sem_alloc : memref<!tpu.dma_semaphore, #tpu.memory_space<semaphore_mem>>
        %dma_start3A_68 = arith.constant 78 : i32
        %dma_start3A_69 = arith.constant 0 : i32
        %dma_start3A_70 = tpu.memref_slice %arg6[%dma_start3A_68, %dma_start3A_69] : memref<79x128xi32, #tpu.memory_space<vmem>> -> memref<1x128xi32, #tpu.memory_space<vmem>>
        %dma_start3A_71 = arith.constant 0 : i32
        %dma_start3A_72 = tpu.memref_slice %arg3[%run_scoped3A_63, %add3A_62, %dma_start3A_71] : memref<2x2500x128xi32, #tpu.memory_space<hbm>> -> memref<1x1x128xi32, #tpu.memory_space<hbm>>
        %dma_start3A_73 = tpu.memref_squeeze %dma_start3A_72 : memref<1x1x128xi32, #tpu.memory_space<hbm>> -> memref<1x128xi32, #tpu.memory_space<hbm>>
        %dma_start3A_74 = arith.constant 78 : i32
        %dma_start3A_75 = arith.constant 0 : i32
        %dma_start3A_76 = tpu.memref_slice %arg6[%dma_start3A_74, %dma_start3A_75] : memref<79x128xi32, #tpu.memory_space<vmem>> -> memref<1x128xi32, #tpu.memory_space<vmem>>
        %dma_start3A_77 = arith.constant 0 : i32
        %dma_start3A_78 = tpu.memref_slice %arg3[%run_scoped3A_63, %add3A_62, %dma_start3A_77] : memref<2x2500x128xi32, #tpu.memory_space<hbm>> -> memref<1x1x128xi32, #tpu.memory_space<hbm>>
        %dma_start3A_79 = tpu.memref_squeeze %dma_start3A_78 : memref<1x1x128xi32, #tpu.memory_space<hbm>> -> memref<1x128xi32, #tpu.memory_space<hbm>>
        tpu.enqueue_dma source(%dma_start3A_79 : memref<1x128xi32, #tpu.memory_space<hbm>>) target(%dma_start3A_76 : memref<1x128xi32, #tpu.memory_space<vmem>>) target_semaphore(%run_scoped3A_67 : memref<!tpu.dma_semaphore, #tpu.memory_space<semaphore_mem>>)
        %dma_wait3A = arith.constant 78 : i32
        %dma_wait3A_80 = arith.constant 0 : i32
        %dma_wait3A_81 = tpu.memref_slice %arg6[%dma_wait3A, %dma_wait3A_80] : memref<79x128xi32, #tpu.memory_space<vmem>> -> memref<1x128xi32, #tpu.memory_space<vmem>>
        %dma_wait3A_82 = arith.constant 0 : i32
        %dma_wait3A_83 = tpu.memref_slice %arg3[%run_scoped3A_63, %add3A_62, %dma_wait3A_82] : memref<2x2500x128xi32, #tpu.memory_space<hbm>> -> memref<1x1x128xi32, #tpu.memory_space<hbm>>
        %dma_wait3A_84 = tpu.memref_squeeze %dma_wait3A_83 : memref<1x1x128xi32, #tpu.memory_space<hbm>> -> memref<1x128xi32, #tpu.memory_space<hbm>>
        %dma_wait3A_85 = arith.constant 78 : i32
        %dma_wait3A_86 = arith.constant 0 : i32
        %dma_wait3A_87 = tpu.memref_slice %arg6[%dma_wait3A_85, %dma_wait3A_86] : memref<79x128xi32, #tpu.memory_space<vmem>> -> memref<1x128xi32, #tpu.memory_space<vmem>>
        %dma_wait3A_88 = arith.constant 0 : i32
        %dma_wait3A_89 = tpu.memref_slice %arg3[%run_scoped3A_63, %add3A_62, %dma_wait3A_88] : memref<2x2500x128xi32, #tpu.memory_space<hbm>> -> memref<1x1x128xi32, #tpu.memory_space<hbm>>
        %dma_wait3A_90 = tpu.memref_squeeze %dma_wait3A_89 : memref<1x1x128xi32, #tpu.memory_space<hbm>> -> memref<1x128xi32, #tpu.memory_space<hbm>>
        tpu.wait_dma2 semaphore(%run_scoped3A_67 : memref<!tpu.dma_semaphore, #tpu.memory_space<semaphore_mem>>) src(%dma_wait3A_90 : memref<1x128xi32, #tpu.memory_space<hbm>>) dst(%dma_wait3A_87 : memref<1x128xi32, #tpu.memory_space<vmem>>)
        tpu.yield
      }) : () -> ()
      %add3A_64 = arith.constant 2496 : i32
      %add3A_65 = arith.addi %add3A_64, %add3A : i32
      %run_scoped3A_66 = arith.constant 1 : i32
      "tpu.region"() ({
        %run_scoped3A_67 = tpu.sem_alloc : memref<!tpu.dma_semaphore, #tpu.memory_space<semaphore_mem>>
        %dma_start3A_68 = arith.constant 78 : i32
        %dma_start3A_69 = arith.constant 0 : i32
        %dma_start3A_70 = tpu.memref_slice %arg7[%dma_start3A_68, %dma_start3A_69] : memref<79x128xi32, #tpu.memory_space<vmem>> -> memref<1x128xi32, #tpu.memory_space<vmem>>
        %dma_start3A_71 = arith.constant 0 : i32
        %dma_start3A_72 = tpu.memref_slice %arg3[%run_scoped3A_66, %add3A_65, %dma_start3A_71] : memref<2x2500x128xi32, #tpu.memory_space<hbm>> -> memref<1x1x128xi32, #tpu.memory_space<hbm>>
        %dma_start3A_73 = tpu.memref_squeeze %dma_start3A_72 : memref<1x1x128xi32, #tpu.memory_space<hbm>> -> memref<1x128xi32, #tpu.memory_space<hbm>>
        %dma_start3A_74 = arith.constant 78 : i32
        %dma_start3A_75 = arith.constant 0 : i32
        %dma_start3A_76 = tpu.memref_slice %arg7[%dma_start3A_74, %dma_start3A_75] : memref<79x128xi32, #tpu.memory_space<vmem>> -> memref<1x128xi32, #tpu.memory_space<vmem>>
        %dma_start3A_77 = arith.constant 0 : i32
        %dma_start3A_78 = tpu.memref_slice %arg3[%run_scoped3A_66, %add3A_65, %dma_start3A_77] : memref<2x2500x128xi32, #tpu.memory_space<hbm>> -> memref<1x1x128xi32, #tpu.memory_space<hbm>>
        %dma_start3A_79 = tpu.memref_squeeze %dma_start3A_78 : memref<1x1x128xi32, #tpu.memory_space<hbm>> -> memref<1x128xi32, #tpu.memory_space<hbm>>
        tpu.enqueue_dma source(%dma_start3A_79 : memref<1x128xi32, #tpu.memory_space<hbm>>) target(%dma_start3A_76 : memref<1x128xi32, #tpu.memory_space<vmem>>) target_semaphore(%run_scoped3A_67 : memref<!tpu.dma_semaphore, #tpu.memory_space<semaphore_mem>>)
        %dma_wait3A = arith.constant 78 : i32
        %dma_wait3A_80 = arith.constant 0 : i32
        %dma_wait3A_81 = tpu.memref_slice %arg7[%dma_wait3A, %dma_wait3A_80] : memref<79x128xi32, #tpu.memory_space<vmem>> -> memref<1x128xi32, #tpu.memory_space<vmem>>
        %dma_wait3A_82 = arith.constant 0 : i32
        %dma_wait3A_83 = tpu.memref_slice %arg3[%run_scoped3A_66, %add3A_65, %dma_wait3A_82] : memref<2x2500x128xi32, #tpu.memory_space<hbm>> -> memref<1x1x128xi32, #tpu.memory_space<hbm>>
        %dma_wait3A_84 = tpu.memref_squeeze %dma_wait3A_83 : memref<1x1x128xi32, #tpu.memory_space<hbm>> -> memref<1x128xi32, #tpu.memory_space<hbm>>
        %dma_wait3A_85 = arith.constant 78 : i32
        %dma_wait3A_86 = arith.constant 0 : i32
        %dma_wait3A_87 = tpu.memref_slice %arg7[%dma_wait3A_85, %dma_wait3A_86] : memref<79x128xi32, #tpu.memory_space<vmem>> -> memref<1x128xi32, #tpu.memory_space<vmem>>
        %dma_wait3A_88 = arith.constant 0 : i32
        %dma_wait3A_89 = tpu.memref_slice %arg3[%run_scoped3A_66, %add3A_65, %dma_wait3A_88] : memref<2x2500x128xi32, #tpu.memory_space<hbm>> -> memref<1x1x128xi32, #tpu.memory_space<hbm>>
        %dma_wait3A_90 = tpu.memref_squeeze %dma_wait3A_89 : memref<1x1x128xi32, #tpu.memory_space<hbm>> -> memref<1x128xi32, #tpu.memory_space<hbm>>
        tpu.wait_dma2 semaphore(%run_scoped3A_67 : memref<!tpu.dma_semaphore, #tpu.memory_space<semaphore_mem>>) src(%dma_wait3A_90 : memref<1x128xi32, #tpu.memory_space<hbm>>) dst(%dma_wait3A_87 : memref<1x128xi32, #tpu.memory_space<vmem>>)
        tpu.yield
      }) : () -> ()
    } else {
    }
    %lt3A_8 = arith.constant 4 : i32
    %lt3A_9 = arith.cmpi slt, %add3A, %lt3A_8 : i32
    %jit3A = arith.constant 1 : i32
    %jit3A_10 = arith.constant 0 : i32
    %select_n3A = arith.select %lt3A_9, %jit3A, %jit3A_10 : i32
    %add3A_11 = arith.constant 78 : i32
    %add3A_12 = arith.addi %add3A_11, %select_n3A : i32
    %mul3A_13 = arith.constant 632 : i32
    %mul3A_14 = arith.muli %arg1, %mul3A_13 : i32
    "tpu.region"() ({
      %run_scoped3A_61 = tpu.sem_alloc : memref<!tpu.dma_semaphore, #tpu.memory_space<semaphore_mem>>
      %dma_start3A_62 = arith.constant 0 : i32
      %dma_start3A_63 = tpu.memref_slice %arg16[%mul3A_14, %dma_start3A_62] : memref<10112x64xf32, #tpu.memory_space<vmem_shared>> -> memref<632x64xf32, #tpu.memory_space<vmem_shared>>
      tpu.enqueue_dma source(%arg4 : memref<632x64xf32, #tpu.memory_space<hbm>>) target(%dma_start3A_63 : memref<632x64xf32, #tpu.memory_space<vmem_shared>>) target_semaphore(%run_scoped3A_61 : memref<!tpu.dma_semaphore, #tpu.memory_space<semaphore_mem>>)
      %dma_wait3A = arith.constant 0 : i32
      %dma_wait3A_64 = tpu.memref_slice %arg16[%mul3A_14, %dma_wait3A] : memref<10112x64xf32, #tpu.memory_space<vmem_shared>> -> memref<632x64xf32, #tpu.memory_space<vmem_shared>>
      tpu.wait_dma2 semaphore(%run_scoped3A_61 : memref<!tpu.dma_semaphore, #tpu.memory_space<semaphore_mem>>) src(%arg4 : memref<632x64xf32, #tpu.memory_space<hbm>>) dst(%dma_wait3A_64 : memref<632x64xf32, #tpu.memory_space<vmem_shared>>)
      tpu.yield
    }) : () -> ()
    %barrier3A = arith.constant 0 : index
    tpu.barrier barrier_id(%barrier3A)
    %dma_start3A = arith.constant 0 : i32
    %dma_start3A_15 = arith.constant 0 : i32
    %dma_start3A_16 = tpu.memref_slice %arg6[%dma_start3A, %dma_start3A_15] : memref<79x128xi32, #tpu.memory_space<vmem>> -> memref<1x128xi32, #tpu.memory_space<vmem>>
    %dma_start3A_17 = tpu.memref_squeeze %dma_start3A_16 : memref<1x128xi32, #tpu.memory_space<vmem>> -> memref<128xi32, #tpu.memory_space<vmem>>
    %dma_start3A_18 = arith.constant 0 : i32
    %dma_start3A_19 = arith.constant 0 : i32
    %dma_start3A_20 = tpu.memref_slice %arg2[%dma_start3A_18, %dma_start3A_19] : memref<10000x64xf32, #tpu.memory_space<hbm>> -> memref<10000x64xf32, #tpu.memory_space<hbm>>
    tpu.enqueue_indirect_dma source(%dma_start3A_20 : memref<10000x64xf32, #tpu.memory_space<hbm>>) target(%arg8 : memref<128x64xf32, #tpu.memory_space<vmem>>) offsets(%dma_start3A_17 : memref<128xi32, #tpu.memory_space<vmem>>) semaphore(%arg17 : memref<!tpu.dma_semaphore, #tpu.memory_space<semaphore_mem>>)
    %dma_start3A_21 = arith.constant 1 : i32
    %dma_start3A_22 = arith.constant 0 : i32
    %dma_start3A_23 = tpu.memref_slice %arg6[%dma_start3A_21, %dma_start3A_22] : memref<79x128xi32, #tpu.memory_space<vmem>> -> memref<1x128xi32, #tpu.memory_space<vmem>>
    %dma_start3A_24 = tpu.memref_squeeze %dma_start3A_23 : memref<1x128xi32, #tpu.memory_space<vmem>> -> memref<128xi32, #tpu.memory_space<vmem>>
    %dma_start3A_25 = arith.constant 0 : i32
    %dma_start3A_26 = arith.constant 0 : i32
    %dma_start3A_27 = tpu.memref_slice %arg2[%dma_start3A_25, %dma_start3A_26] : memref<10000x64xf32, #tpu.memory_space<hbm>> -> memref<10000x64xf32, #tpu.memory_space<hbm>>
    tpu.enqueue_indirect_dma source(%dma_start3A_27 : memref<10000x64xf32, #tpu.memory_space<hbm>>) target(%arg9 : memref<128x64xf32, #tpu.memory_space<vmem>>) offsets(%dma_start3A_24 : memref<128xi32, #tpu.memory_space<vmem>>) semaphore(%arg18 : memref<!tpu.dma_semaphore, #tpu.memory_space<semaphore_mem>>)
    %dma_start3A_28 = arith.constant 2 : i32
    %dma_start3A_29 = arith.constant 0 : i32
    %dma_start3A_30 = tpu.memref_slice %arg6[%dma_start3A_28, %dma_start3A_29] : memref<79x128xi32, #tpu.memory_space<vmem>> -> memref<1x128xi32, #tpu.memory_space<vmem>>
    %dma_start3A_31 = tpu.memref_squeeze %dma_start3A_30 : memref<1x128xi32, #tpu.memory_space<vmem>> -> memref<128xi32, #tpu.memory_space<vmem>>
    %dma_start3A_32 = arith.constant 0 : i32
    %dma_start3A_33 = arith.constant 0 : i32
    %dma_start3A_34 = tpu.memref_slice %arg2[%dma_start3A_32, %dma_start3A_33] : memref<10000x64xf32, #tpu.memory_space<hbm>> -> memref<10000x64xf32, #tpu.memory_space<hbm>>
    tpu.enqueue_indirect_dma source(%dma_start3A_34 : memref<10000x64xf32, #tpu.memory_space<hbm>>) target(%arg10 : memref<128x64xf32, #tpu.memory_space<vmem>>) offsets(%dma_start3A_31 : memref<128xi32, #tpu.memory_space<vmem>>) semaphore(%arg19 : memref<!tpu.dma_semaphore, #tpu.memory_space<semaphore_mem>>)
    %dma_start3A_35 = arith.constant 3 : i32
    %dma_start3A_36 = arith.constant 0 : i32
    %dma_start3A_37 = tpu.memref_slice %arg6[%dma_start3A_35, %dma_start3A_36] : memref<79x128xi32, #tpu.memory_space<vmem>> -> memref<1x128xi32, #tpu.memory_space<vmem>>
    %dma_start3A_38 = tpu.memref_squeeze %dma_start3A_37 : memref<1x128xi32, #tpu.memory_space<vmem>> -> memref<128xi32, #tpu.memory_space<vmem>>
    %dma_start3A_39 = arith.constant 0 : i32
    %dma_start3A_40 = arith.constant 0 : i32
    %dma_start3A_41 = tpu.memref_slice %arg2[%dma_start3A_39, %dma_start3A_40] : memref<10000x64xf32, #tpu.memory_space<hbm>> -> memref<10000x64xf32, #tpu.memory_space<hbm>>
    tpu.enqueue_indirect_dma source(%dma_start3A_41 : memref<10000x64xf32, #tpu.memory_space<hbm>>) target(%arg11 : memref<128x64xf32, #tpu.memory_space<vmem>>) offsets(%dma_start3A_38 : memref<128xi32, #tpu.memory_space<vmem>>) semaphore(%arg20 : memref<!tpu.dma_semaphore, #tpu.memory_space<semaphore_mem>>)
    %scan3A = arith.constant 0 : i32
    %scan3A_42 = arith.constant 0 : i32
    %scan3A_43 = arith.constant 10 : i32
    %scan3A_44 = arith.addi %scan3A_42, %scan3A_43 : i32
    %scan3A_45 = arith.constant 1 : i32
    scf.for %scan3A_61 = %scan3A_42 to %scan3A_44 step %scan3A_45  : i32 {
      %mul3A_62 = arith.constant 8 : i32
      %mul3A_63 = arith.muli %scan3A_61, %mul3A_62 : i32
      %add3A_64 = arith.constant 0 : i32
      %add3A_65 = arith.addi %mul3A_63, %add3A_64 : i32
      %lt3A_66 = arith.cmpi slt, %add3A_65, %add3A_12 : i32
      %convert_element_type3A_67 = arith.extui %lt3A_66 : i1 to i32
      %cond3A_68 = arith.constant 0 : i32
      %cond3A_69 = arith.cmpi ne, %convert_element_type3A_67, %cond3A_68 : i32
      scf.if %cond3A_69 {
        %dma_wait3A = arith.constant 0 : i32
        %dma_wait3A_126 = tpu.memref_slice %arg6[%add3A_65, %dma_wait3A] : memref<79x128xi32, #tpu.memory_space<vmem>> -> memref<1x128xi32, #tpu.memory_space<vmem>>
        %dma_wait3A_127 = tpu.memref_squeeze %dma_wait3A_126 : memref<1x128xi32, #tpu.memory_space<vmem>> -> memref<128xi32, #tpu.memory_space<vmem>>
        %dma_wait3A_128 = arith.constant 0 : i32
        %dma_wait3A_129 = arith.constant 0 : i32
        %dma_wait3A_130 = tpu.memref_slice %arg2[%dma_wait3A_128, %dma_wait3A_129] : memref<10000x64xf32, #tpu.memory_space<hbm>> -> memref<10000x64xf32, #tpu.memory_space<hbm>>
        tpu.wait_indirect_dma semaphore(%arg17 : memref<!tpu.dma_semaphore, #tpu.memory_space<semaphore_mem>>) src(%dma_wait3A_130 : memref<10000x64xf32, #tpu.memory_space<hbm>>) dst(%arg8 : memref<128x64xf32, #tpu.memory_space<vmem>>)
        %dma_start3A_131 = arith.constant 0 : i32
        %dma_start3A_132 = tpu.memref_slice %arg7[%add3A_65, %dma_start3A_131] : memref<79x128xi32, #tpu.memory_space<vmem>> -> memref<1x128xi32, #tpu.memory_space<vmem>>
        %dma_start3A_133 = tpu.memref_squeeze %dma_start3A_132 : memref<1x128xi32, #tpu.memory_space<vmem>> -> memref<128xi32, #tpu.memory_space<vmem>>
        %dma_start3A_134 = arith.constant 0 : i32
        %dma_start3A_135 = arith.constant 0 : i32
        %dma_start3A_136 = tpu.memref_slice %arg16[%dma_start3A_134, %dma_start3A_135] : memref<10112x64xf32, #tpu.memory_space<vmem_shared>> -> memref<10112x64xf32, #tpu.memory_space<vmem_shared>>
        tpu.enqueue_indirect_dma source(%arg8 : memref<128x64xf32, #tpu.memory_space<vmem>>) target(%dma_start3A_136 : memref<10112x64xf32, #tpu.memory_space<vmem_shared>>) offsets(%dma_start3A_133 : memref<128xi32, #tpu.memory_space<vmem>>) semaphore(%arg25 : memref<!tpu.dma_semaphore, #tpu.memory_space<semaphore_mem>>) {add = true}
        %ge3A_137 = arith.constant 4 : i32
        %ge3A_138 = arith.cmpi sge, %add3A_65, %ge3A_137 : i32
        %convert_element_type3A_139 = arith.extui %ge3A_138 : i1 to i32
        %cond3A_140 = arith.constant 0 : i32
        %cond3A_141 = arith.cmpi ne, %convert_element_type3A_139, %cond3A_140 : i32
        scf.if %cond3A_141 {
          %sub3A = arith.constant 4 : i32
          %sub3A_148 = arith.subi %add3A_65, %sub3A : i32
          %dma_wait3A_149 = arith.constant 0 : i32
          %dma_wait3A_150 = tpu.memref_slice %arg7[%sub3A_148, %dma_wait3A_149] : memref<79x128xi32, #tpu.memory_space<vmem>> -> memref<1x128xi32, #tpu.memory_space<vmem>>
          %dma_wait3A_151 = tpu.memref_squeeze %dma_wait3A_150 : memref<1x128xi32, #tpu.memory_space<vmem>> -> memref<128xi32, #tpu.memory_space<vmem>>
          %dma_wait3A_152 = arith.constant 0 : i32
          %dma_wait3A_153 = arith.constant 0 : i32
          %dma_wait3A_154 = tpu.memref_slice %arg16[%dma_wait3A_152, %dma_wait3A_153] : memref<10112x64xf32, #tpu.memory_space<vmem_shared>> -> memref<10112x64xf32, #tpu.memory_space<vmem_shared>>
          tpu.wait_indirect_dma semaphore(%arg29 : memref<!tpu.dma_semaphore, #tpu.memory_space<semaphore_mem>>) src(%arg12 : memref<128x64xf32, #tpu.memory_space<vmem>>) dst(%dma_wait3A_154 : memref<10112x64xf32, #tpu.memory_space<vmem_shared>>)
        } else {
        }
        %add3A_142 = arith.constant 4 : i32
        %add3A_143 = arith.addi %add3A_65, %add3A_142 : i32
        %lt3A_144 = arith.cmpi slt, %add3A_143, %add3A_12 : i32
        %convert_element_type3A_145 = arith.extui %lt3A_144 : i1 to i32
        %cond3A_146 = arith.constant 0 : i32
        %cond3A_147 = arith.cmpi ne, %convert_element_type3A_145, %cond3A_146 : i32
        scf.if %cond3A_147 {
          %add3A_148 = arith.constant 4 : i32
          %add3A_149 = arith.addi %add3A_65, %add3A_148 : i32
          %dma_start3A_150 = arith.constant 0 : i32
          %dma_start3A_151 = tpu.memref_slice %arg6[%add3A_149, %dma_start3A_150] : memref<79x128xi32, #tpu.memory_space<vmem>> -> memref<1x128xi32, #tpu.memory_space<vmem>>
          %dma_start3A_152 = tpu.memref_squeeze %dma_start3A_151 : memref<1x128xi32, #tpu.memory_space<vmem>> -> memref<128xi32, #tpu.memory_space<vmem>>
          %dma_start3A_153 = arith.constant 0 : i32
          %dma_start3A_154 = arith.constant 0 : i32
          %dma_start3A_155 = tpu.memref_slice %arg2[%dma_start3A_153, %dma_start3A_154] : memref<10000x64xf32, #tpu.memory_space<hbm>> -> memref<10000x64xf32, #tpu.memory_space<hbm>>
          tpu.enqueue_indirect_dma source(%dma_start3A_155 : memref<10000x64xf32, #tpu.memory_space<hbm>>) target(%arg12 : memref<128x64xf32, #tpu.memory_space<vmem>>) offsets(%dma_start3A_152 : memref<128xi32, #tpu.memory_space<vmem>>) semaphore(%arg21 : memref<!tpu.dma_semaphore, #tpu.memory_space<semaphore_mem>>)
        } else {
        }
      } else {
      }
      %mul3A_70 = arith.constant 8 : i32
      %mul3A_71 = arith.muli %scan3A_61, %mul3A_70 : i32
      %add3A_72 = arith.constant 1 : i32
      %add3A_73 = arith.addi %mul3A_71, %add3A_72 : i32
      %lt3A_74 = arith.cmpi slt, %add3A_73, %add3A_12 : i32
      %convert_element_type3A_75 = arith.extui %lt3A_74 : i1 to i32
      %cond3A_76 = arith.constant 0 : i32
      %cond3A_77 = arith.cmpi ne, %convert_element_type3A_75, %cond3A_76 : i32
      scf.if %cond3A_77 {
        %dma_wait3A = arith.constant 0 : i32
        %dma_wait3A_126 = tpu.memref_slice %arg6[%add3A_73, %dma_wait3A] : memref<79x128xi32, #tpu.memory_space<vmem>> -> memref<1x128xi32, #tpu.memory_space<vmem>>
        %dma_wait3A_127 = tpu.memref_squeeze %dma_wait3A_126 : memref<1x128xi32, #tpu.memory_space<vmem>> -> memref<128xi32, #tpu.memory_space<vmem>>
        %dma_wait3A_128 = arith.constant 0 : i32
        %dma_wait3A_129 = arith.constant 0 : i32
        %dma_wait3A_130 = tpu.memref_slice %arg2[%dma_wait3A_128, %dma_wait3A_129] : memref<10000x64xf32, #tpu.memory_space<hbm>> -> memref<10000x64xf32, #tpu.memory_space<hbm>>
        tpu.wait_indirect_dma semaphore(%arg18 : memref<!tpu.dma_semaphore, #tpu.memory_space<semaphore_mem>>) src(%dma_wait3A_130 : memref<10000x64xf32, #tpu.memory_space<hbm>>) dst(%arg9 : memref<128x64xf32, #tpu.memory_space<vmem>>)
        %dma_start3A_131 = arith.constant 0 : i32
        %dma_start3A_132 = tpu.memref_slice %arg7[%add3A_73, %dma_start3A_131] : memref<79x128xi32, #tpu.memory_space<vmem>> -> memref<1x128xi32, #tpu.memory_space<vmem>>
        %dma_start3A_133 = tpu.memref_squeeze %dma_start3A_132 : memref<1x128xi32, #tpu.memory_space<vmem>> -> memref<128xi32, #tpu.memory_space<vmem>>
        %dma_start3A_134 = arith.constant 0 : i32
        %dma_start3A_135 = arith.constant 0 : i32
        %dma_start3A_136 = tpu.memref_slice %arg16[%dma_start3A_134, %dma_start3A_135] : memref<10112x64xf32, #tpu.memory_space<vmem_shared>> -> memref<10112x64xf32, #tpu.memory_space<vmem_shared>>
        tpu.enqueue_indirect_dma source(%arg9 : memref<128x64xf32, #tpu.memory_space<vmem>>) target(%dma_start3A_136 : memref<10112x64xf32, #tpu.memory_space<vmem_shared>>) offsets(%dma_start3A_133 : memref<128xi32, #tpu.memory_space<vmem>>) semaphore(%arg26 : memref<!tpu.dma_semaphore, #tpu.memory_space<semaphore_mem>>) {add = true}
        %ge3A_137 = arith.constant 4 : i32
        %ge3A_138 = arith.cmpi sge, %add3A_73, %ge3A_137 : i32
        %convert_element_type3A_139 = arith.extui %ge3A_138 : i1 to i32
        %cond3A_140 = arith.constant 0 : i32
        %cond3A_141 = arith.cmpi ne, %convert_element_type3A_139, %cond3A_140 : i32
        scf.if %cond3A_141 {
          %sub3A = arith.constant 4 : i32
          %sub3A_148 = arith.subi %add3A_73, %sub3A : i32
          %dma_wait3A_149 = arith.constant 0 : i32
          %dma_wait3A_150 = tpu.memref_slice %arg7[%sub3A_148, %dma_wait3A_149] : memref<79x128xi32, #tpu.memory_space<vmem>> -> memref<1x128xi32, #tpu.memory_space<vmem>>
          %dma_wait3A_151 = tpu.memref_squeeze %dma_wait3A_150 : memref<1x128xi32, #tpu.memory_space<vmem>> -> memref<128xi32, #tpu.memory_space<vmem>>
          %dma_wait3A_152 = arith.constant 0 : i32
          %dma_wait3A_153 = arith.constant 0 : i32
          %dma_wait3A_154 = tpu.memref_slice %arg16[%dma_wait3A_152, %dma_wait3A_153] : memref<10112x64xf32, #tpu.memory_space<vmem_shared>> -> memref<10112x64xf32, #tpu.memory_space<vmem_shared>>
          tpu.wait_indirect_dma semaphore(%arg30 : memref<!tpu.dma_semaphore, #tpu.memory_space<semaphore_mem>>) src(%arg13 : memref<128x64xf32, #tpu.memory_space<vmem>>) dst(%dma_wait3A_154 : memref<10112x64xf32, #tpu.memory_space<vmem_shared>>)
        } else {
        }
        %add3A_142 = arith.constant 4 : i32
        %add3A_143 = arith.addi %add3A_73, %add3A_142 : i32
        %lt3A_144 = arith.cmpi slt, %add3A_143, %add3A_12 : i32
        %convert_element_type3A_145 = arith.extui %lt3A_144 : i1 to i32
        %cond3A_146 = arith.constant 0 : i32
        %cond3A_147 = arith.cmpi ne, %convert_element_type3A_145, %cond3A_146 : i32
        scf.if %cond3A_147 {
          %add3A_148 = arith.constant 4 : i32
          %add3A_149 = arith.addi %add3A_73, %add3A_148 : i32
          %dma_start3A_150 = arith.constant 0 : i32
          %dma_start3A_151 = tpu.memref_slice %arg6[%add3A_149, %dma_start3A_150] : memref<79x128xi32, #tpu.memory_space<vmem>> -> memref<1x128xi32, #tpu.memory_space<vmem>>
          %dma_start3A_152 = tpu.memref_squeeze %dma_start3A_151 : memref<1x128xi32, #tpu.memory_space<vmem>> -> memref<128xi32, #tpu.memory_space<vmem>>
          %dma_start3A_153 = arith.constant 0 : i32
          %dma_start3A_154 = arith.constant 0 : i32
          %dma_start3A_155 = tpu.memref_slice %arg2[%dma_start3A_153, %dma_start3A_154] : memref<10000x64xf32, #tpu.memory_space<hbm>> -> memref<10000x64xf32, #tpu.memory_space<hbm>>
          tpu.enqueue_indirect_dma source(%dma_start3A_155 : memref<10000x64xf32, #tpu.memory_space<hbm>>) target(%arg13 : memref<128x64xf32, #tpu.memory_space<vmem>>) offsets(%dma_start3A_152 : memref<128xi32, #tpu.memory_space<vmem>>) semaphore(%arg22 : memref<!tpu.dma_semaphore, #tpu.memory_space<semaphore_mem>>)
        } else {
        }
      } else {
      }
      %mul3A_78 = arith.constant 8 : i32
      %mul3A_79 = arith.muli %scan3A_61, %mul3A_78 : i32
      %add3A_80 = arith.constant 2 : i32
      %add3A_81 = arith.addi %mul3A_79, %add3A_80 : i32
      %lt3A_82 = arith.cmpi slt, %add3A_81, %add3A_12 : i32
      %convert_element_type3A_83 = arith.extui %lt3A_82 : i1 to i32
      %cond3A_84 = arith.constant 0 : i32
      %cond3A_85 = arith.cmpi ne, %convert_element_type3A_83, %cond3A_84 : i32
      scf.if %cond3A_85 {
        %dma_wait3A = arith.constant 0 : i32
        %dma_wait3A_126 = tpu.memref_slice %arg6[%add3A_81, %dma_wait3A] : memref<79x128xi32, #tpu.memory_space<vmem>> -> memref<1x128xi32, #tpu.memory_space<vmem>>
        %dma_wait3A_127 = tpu.memref_squeeze %dma_wait3A_126 : memref<1x128xi32, #tpu.memory_space<vmem>> -> memref<128xi32, #tpu.memory_space<vmem>>
        %dma_wait3A_128 = arith.constant 0 : i32
        %dma_wait3A_129 = arith.constant 0 : i32
        %dma_wait3A_130 = tpu.memref_slice %arg2[%dma_wait3A_128, %dma_wait3A_129] : memref<10000x64xf32, #tpu.memory_space<hbm>> -> memref<10000x64xf32, #tpu.memory_space<hbm>>
        tpu.wait_indirect_dma semaphore(%arg19 : memref<!tpu.dma_semaphore, #tpu.memory_space<semaphore_mem>>) src(%dma_wait3A_130 : memref<10000x64xf32, #tpu.memory_space<hbm>>) dst(%arg10 : memref<128x64xf32, #tpu.memory_space<vmem>>)
        %dma_start3A_131 = arith.constant 0 : i32
        %dma_start3A_132 = tpu.memref_slice %arg7[%add3A_81, %dma_start3A_131] : memref<79x128xi32, #tpu.memory_space<vmem>> -> memref<1x128xi32, #tpu.memory_space<vmem>>
        %dma_start3A_133 = tpu.memref_squeeze %dma_start3A_132 : memref<1x128xi32, #tpu.memory_space<vmem>> -> memref<128xi32, #tpu.memory_space<vmem>>
        %dma_start3A_134 = arith.constant 0 : i32
        %dma_start3A_135 = arith.constant 0 : i32
        %dma_start3A_136 = tpu.memref_slice %arg16[%dma_start3A_134, %dma_start3A_135] : memref<10112x64xf32, #tpu.memory_space<vmem_shared>> -> memref<10112x64xf32, #tpu.memory_space<vmem_shared>>
        tpu.enqueue_indirect_dma source(%arg10 : memref<128x64xf32, #tpu.memory_space<vmem>>) target(%dma_start3A_136 : memref<10112x64xf32, #tpu.memory_space<vmem_shared>>) offsets(%dma_start3A_133 : memref<128xi32, #tpu.memory_space<vmem>>) semaphore(%arg27 : memref<!tpu.dma_semaphore, #tpu.memory_space<semaphore_mem>>) {add = true}
        %ge3A_137 = arith.constant 4 : i32
        %ge3A_138 = arith.cmpi sge, %add3A_81, %ge3A_137 : i32
        %convert_element_type3A_139 = arith.extui %ge3A_138 : i1 to i32
        %cond3A_140 = arith.constant 0 : i32
        %cond3A_141 = arith.cmpi ne, %convert_element_type3A_139, %cond3A_140 : i32
        scf.if %cond3A_141 {
          %sub3A = arith.constant 4 : i32
          %sub3A_148 = arith.subi %add3A_81, %sub3A : i32
          %dma_wait3A_149 = arith.constant 0 : i32
          %dma_wait3A_150 = tpu.memref_slice %arg7[%sub3A_148, %dma_wait3A_149] : memref<79x128xi32, #tpu.memory_space<vmem>> -> memref<1x128xi32, #tpu.memory_space<vmem>>
          %dma_wait3A_151 = tpu.memref_squeeze %dma_wait3A_150 : memref<1x128xi32, #tpu.memory_space<vmem>> -> memref<128xi32, #tpu.memory_space<vmem>>
          %dma_wait3A_152 = arith.constant 0 : i32
          %dma_wait3A_153 = arith.constant 0 : i32
          %dma_wait3A_154 = tpu.memref_slice %arg16[%dma_wait3A_152, %dma_wait3A_153] : memref<10112x64xf32, #tpu.memory_space<vmem_shared>> -> memref<10112x64xf32, #tpu.memory_space<vmem_shared>>
          tpu.wait_indirect_dma semaphore(%arg31 : memref<!tpu.dma_semaphore, #tpu.memory_space<semaphore_mem>>) src(%arg14 : memref<128x64xf32, #tpu.memory_space<vmem>>) dst(%dma_wait3A_154 : memref<10112x64xf32, #tpu.memory_space<vmem_shared>>)
        } else {
        }
        %add3A_142 = arith.constant 4 : i32
        %add3A_143 = arith.addi %add3A_81, %add3A_142 : i32
        %lt3A_144 = arith.cmpi slt, %add3A_143, %add3A_12 : i32
        %convert_element_type3A_145 = arith.extui %lt3A_144 : i1 to i32
        %cond3A_146 = arith.constant 0 : i32
        %cond3A_147 = arith.cmpi ne, %convert_element_type3A_145, %cond3A_146 : i32
        scf.if %cond3A_147 {
          %add3A_148 = arith.constant 4 : i32
          %add3A_149 = arith.addi %add3A_81, %add3A_148 : i32
          %dma_start3A_150 = arith.constant 0 : i32
          %dma_start3A_151 = tpu.memref_slice %arg6[%add3A_149, %dma_start3A_150] : memref<79x128xi32, #tpu.memory_space<vmem>> -> memref<1x128xi32, #tpu.memory_space<vmem>>
          %dma_start3A_152 = tpu.memref_squeeze %dma_start3A_151 : memref<1x128xi32, #tpu.memory_space<vmem>> -> memref<128xi32, #tpu.memory_space<vmem>>
          %dma_start3A_153 = arith.constant 0 : i32
          %dma_start3A_154 = arith.constant 0 : i32
          %dma_start3A_155 = tpu.memref_slice %arg2[%dma_start3A_153, %dma_start3A_154] : memref<10000x64xf32, #tpu.memory_space<hbm>> -> memref<10000x64xf32, #tpu.memory_space<hbm>>
          tpu.enqueue_indirect_dma source(%dma_start3A_155 : memref<10000x64xf32, #tpu.memory_space<hbm>>) target(%arg14 : memref<128x64xf32, #tpu.memory_space<vmem>>) offsets(%dma_start3A_152 : memref<128xi32, #tpu.memory_space<vmem>>) semaphore(%arg23 : memref<!tpu.dma_semaphore, #tpu.memory_space<semaphore_mem>>)
        } else {
        }
      } else {
      }
      %mul3A_86 = arith.constant 8 : i32
      %mul3A_87 = arith.muli %scan3A_61, %mul3A_86 : i32
      %add3A_88 = arith.constant 3 : i32
      %add3A_89 = arith.addi %mul3A_87, %add3A_88 : i32
      %lt3A_90 = arith.cmpi slt, %add3A_89, %add3A_12 : i32
      %convert_element_type3A_91 = arith.extui %lt3A_90 : i1 to i32
      %cond3A_92 = arith.constant 0 : i32
      %cond3A_93 = arith.cmpi ne, %convert_element_type3A_91, %cond3A_92 : i32
      scf.if %cond3A_93 {
        %dma_wait3A = arith.constant 0 : i32
        %dma_wait3A_126 = tpu.memref_slice %arg6[%add3A_89, %dma_wait3A] : memref<79x128xi32, #tpu.memory_space<vmem>> -> memref<1x128xi32, #tpu.memory_space<vmem>>
        %dma_wait3A_127 = tpu.memref_squeeze %dma_wait3A_126 : memref<1x128xi32, #tpu.memory_space<vmem>> -> memref<128xi32, #tpu.memory_space<vmem>>
        %dma_wait3A_128 = arith.constant 0 : i32
        %dma_wait3A_129 = arith.constant 0 : i32
        %dma_wait3A_130 = tpu.memref_slice %arg2[%dma_wait3A_128, %dma_wait3A_129] : memref<10000x64xf32, #tpu.memory_space<hbm>> -> memref<10000x64xf32, #tpu.memory_space<hbm>>
        tpu.wait_indirect_dma semaphore(%arg20 : memref<!tpu.dma_semaphore, #tpu.memory_space<semaphore_mem>>) src(%dma_wait3A_130 : memref<10000x64xf32, #tpu.memory_space<hbm>>) dst(%arg11 : memref<128x64xf32, #tpu.memory_space<vmem>>)
        %dma_start3A_131 = arith.constant 0 : i32
        %dma_start3A_132 = tpu.memref_slice %arg7[%add3A_89, %dma_start3A_131] : memref<79x128xi32, #tpu.memory_space<vmem>> -> memref<1x128xi32, #tpu.memory_space<vmem>>
        %dma_start3A_133 = tpu.memref_squeeze %dma_start3A_132 : memref<1x128xi32, #tpu.memory_space<vmem>> -> memref<128xi32, #tpu.memory_space<vmem>>
        %dma_start3A_134 = arith.constant 0 : i32
        %dma_start3A_135 = arith.constant 0 : i32
        %dma_start3A_136 = tpu.memref_slice %arg16[%dma_start3A_134, %dma_start3A_135] : memref<10112x64xf32, #tpu.memory_space<vmem_shared>> -> memref<10112x64xf32, #tpu.memory_space<vmem_shared>>
        tpu.enqueue_indirect_dma source(%arg11 : memref<128x64xf32, #tpu.memory_space<vmem>>) target(%dma_start3A_136 : memref<10112x64xf32, #tpu.memory_space<vmem_shared>>) offsets(%dma_start3A_133 : memref<128xi32, #tpu.memory_space<vmem>>) semaphore(%arg28 : memref<!tpu.dma_semaphore, #tpu.memory_space<semaphore_mem>>) {add = true}
        %ge3A_137 = arith.constant 4 : i32
        %ge3A_138 = arith.cmpi sge, %add3A_89, %ge3A_137 : i32
        %convert_element_type3A_139 = arith.extui %ge3A_138 : i1 to i32
        %cond3A_140 = arith.constant 0 : i32
        %cond3A_141 = arith.cmpi ne, %convert_element_type3A_139, %cond3A_140 : i32
        scf.if %cond3A_141 {
          %sub3A = arith.constant 4 : i32
          %sub3A_148 = arith.subi %add3A_89, %sub3A : i32
          %dma_wait3A_149 = arith.constant 0 : i32
          %dma_wait3A_150 = tpu.memref_slice %arg7[%sub3A_148, %dma_wait3A_149] : memref<79x128xi32, #tpu.memory_space<vmem>> -> memref<1x128xi32, #tpu.memory_space<vmem>>
          %dma_wait3A_151 = tpu.memref_squeeze %dma_wait3A_150 : memref<1x128xi32, #tpu.memory_space<vmem>> -> memref<128xi32, #tpu.memory_space<vmem>>
          %dma_wait3A_152 = arith.constant 0 : i32
          %dma_wait3A_153 = arith.constant 0 : i32
          %dma_wait3A_154 = tpu.memref_slice %arg16[%dma_wait3A_152, %dma_wait3A_153] : memref<10112x64xf32, #tpu.memory_space<vmem_shared>> -> memref<10112x64xf32, #tpu.memory_space<vmem_shared>>
          tpu.wait_indirect_dma semaphore(%arg32 : memref<!tpu.dma_semaphore, #tpu.memory_space<semaphore_mem>>) src(%arg15 : memref<128x64xf32, #tpu.memory_space<vmem>>) dst(%dma_wait3A_154 : memref<10112x64xf32, #tpu.memory_space<vmem_shared>>)
        } else {
        }
        %add3A_142 = arith.constant 4 : i32
        %add3A_143 = arith.addi %add3A_89, %add3A_142 : i32
        %lt3A_144 = arith.cmpi slt, %add3A_143, %add3A_12 : i32
        %convert_element_type3A_145 = arith.extui %lt3A_144 : i1 to i32
        %cond3A_146 = arith.constant 0 : i32
        %cond3A_147 = arith.cmpi ne, %convert_element_type3A_145, %cond3A_146 : i32
        scf.if %cond3A_147 {
          %add3A_148 = arith.constant 4 : i32
          %add3A_149 = arith.addi %add3A_89, %add3A_148 : i32
          %dma_start3A_150 = arith.constant 0 : i32
          %dma_start3A_151 = tpu.memref_slice %arg6[%add3A_149, %dma_start3A_150] : memref<79x128xi32, #tpu.memory_space<vmem>> -> memref<1x128xi32, #tpu.memory_space<vmem>>
          %dma_start3A_152 = tpu.memref_squeeze %dma_start3A_151 : memref<1x128xi32, #tpu.memory_space<vmem>> -> memref<128xi32, #tpu.memory_space<vmem>>
          %dma_start3A_153 = arith.constant 0 : i32
          %dma_start3A_154 = arith.constant 0 : i32
          %dma_start3A_155 = tpu.memref_slice %arg2[%dma_start3A_153, %dma_start3A_154] : memref<10000x64xf32, #tpu.memory_space<hbm>> -> memref<10000x64xf32, #tpu.memory_space<hbm>>
          tpu.enqueue_indirect_dma source(%dma_start3A_155 : memref<10000x64xf32, #tpu.memory_space<hbm>>) target(%arg15 : memref<128x64xf32, #tpu.memory_space<vmem>>) offsets(%dma_start3A_152 : memref<128xi32, #tpu.memory_space<vmem>>) semaphore(%arg24 : memref<!tpu.dma_semaphore, #tpu.memory_space<semaphore_mem>>)
        } else {
        }
      } else {
      }
      %mul3A_94 = arith.constant 8 : i32
      %mul3A_95 = arith.muli %scan3A_61, %mul3A_94 : i32
      %add3A_96 = arith.constant 4 : i32
      %add3A_97 = arith.addi %mul3A_95, %add3A_96 : i32
      %lt3A_98 = arith.cmpi slt, %add3A_97, %add3A_12 : i32
      %convert_element_type3A_99 = arith.extui %lt3A_98 : i1 to i32
      %cond3A_100 = arith.constant 0 : i32
      %cond3A_101 = arith.cmpi ne, %convert_element_type3A_99, %cond3A_100 : i32
      scf.if %cond3A_101 {
        %dma_wait3A = arith.constant 0 : i32
        %dma_wait3A_126 = tpu.memref_slice %arg6[%add3A_97, %dma_wait3A] : memref<79x128xi32, #tpu.memory_space<vmem>> -> memref<1x128xi32, #tpu.memory_space<vmem>>
        %dma_wait3A_127 = tpu.memref_squeeze %dma_wait3A_126 : memref<1x128xi32, #tpu.memory_space<vmem>> -> memref<128xi32, #tpu.memory_space<vmem>>
        %dma_wait3A_128 = arith.constant 0 : i32
        %dma_wait3A_129 = arith.constant 0 : i32
        %dma_wait3A_130 = tpu.memref_slice %arg2[%dma_wait3A_128, %dma_wait3A_129] : memref<10000x64xf32, #tpu.memory_space<hbm>> -> memref<10000x64xf32, #tpu.memory_space<hbm>>
        tpu.wait_indirect_dma semaphore(%arg21 : memref<!tpu.dma_semaphore, #tpu.memory_space<semaphore_mem>>) src(%dma_wait3A_130 : memref<10000x64xf32, #tpu.memory_space<hbm>>) dst(%arg12 : memref<128x64xf32, #tpu.memory_space<vmem>>)
        %dma_start3A_131 = arith.constant 0 : i32
        %dma_start3A_132 = tpu.memref_slice %arg7[%add3A_97, %dma_start3A_131] : memref<79x128xi32, #tpu.memory_space<vmem>> -> memref<1x128xi32, #tpu.memory_space<vmem>>
        %dma_start3A_133 = tpu.memref_squeeze %dma_start3A_132 : memref<1x128xi32, #tpu.memory_space<vmem>> -> memref<128xi32, #tpu.memory_space<vmem>>
        %dma_start3A_134 = arith.constant 0 : i32
        %dma_start3A_135 = arith.constant 0 : i32
        %dma_start3A_136 = tpu.memref_slice %arg16[%dma_start3A_134, %dma_start3A_135] : memref<10112x64xf32, #tpu.memory_space<vmem_shared>> -> memref<10112x64xf32, #tpu.memory_space<vmem_shared>>
        tpu.enqueue_indirect_dma source(%arg12 : memref<128x64xf32, #tpu.memory_space<vmem>>) target(%dma_start3A_136 : memref<10112x64xf32, #tpu.memory_space<vmem_shared>>) offsets(%dma_start3A_133 : memref<128xi32, #tpu.memory_space<vmem>>) semaphore(%arg29 : memref<!tpu.dma_semaphore, #tpu.memory_space<semaphore_mem>>) {add = true}
        %ge3A_137 = arith.constant 4 : i32
        %ge3A_138 = arith.cmpi sge, %add3A_97, %ge3A_137 : i32
        %convert_element_type3A_139 = arith.extui %ge3A_138 : i1 to i32
        %cond3A_140 = arith.constant 0 : i32
        %cond3A_141 = arith.cmpi ne, %convert_element_type3A_139, %cond3A_140 : i32
        scf.if %cond3A_141 {
          %sub3A = arith.constant 4 : i32
          %sub3A_148 = arith.subi %add3A_97, %sub3A : i32
          %dma_wait3A_149 = arith.constant 0 : i32
          %dma_wait3A_150 = tpu.memref_slice %arg7[%sub3A_148, %dma_wait3A_149] : memref<79x128xi32, #tpu.memory_space<vmem>> -> memref<1x128xi32, #tpu.memory_space<vmem>>
          %dma_wait3A_151 = tpu.memref_squeeze %dma_wait3A_150 : memref<1x128xi32, #tpu.memory_space<vmem>> -> memref<128xi32, #tpu.memory_space<vmem>>
          %dma_wait3A_152 = arith.constant 0 : i32
          %dma_wait3A_153 = arith.constant 0 : i32
          %dma_wait3A_154 = tpu.memref_slice %arg16[%dma_wait3A_152, %dma_wait3A_153] : memref<10112x64xf32, #tpu.memory_space<vmem_shared>> -> memref<10112x64xf32, #tpu.memory_space<vmem_shared>>
          tpu.wait_indirect_dma semaphore(%arg25 : memref<!tpu.dma_semaphore, #tpu.memory_space<semaphore_mem>>) src(%arg8 : memref<128x64xf32, #tpu.memory_space<vmem>>) dst(%dma_wait3A_154 : memref<10112x64xf32, #tpu.memory_space<vmem_shared>>)
        } else {
        }
        %add3A_142 = arith.constant 4 : i32
        %add3A_143 = arith.addi %add3A_97, %add3A_142 : i32
        %lt3A_144 = arith.cmpi slt, %add3A_143, %add3A_12 : i32
        %convert_element_type3A_145 = arith.extui %lt3A_144 : i1 to i32
        %cond3A_146 = arith.constant 0 : i32
        %cond3A_147 = arith.cmpi ne, %convert_element_type3A_145, %cond3A_146 : i32
        scf.if %cond3A_147 {
          %add3A_148 = arith.constant 4 : i32
          %add3A_149 = arith.addi %add3A_97, %add3A_148 : i32
          %dma_start3A_150 = arith.constant 0 : i32
          %dma_start3A_151 = tpu.memref_slice %arg6[%add3A_149, %dma_start3A_150] : memref<79x128xi32, #tpu.memory_space<vmem>> -> memref<1x128xi32, #tpu.memory_space<vmem>>
          %dma_start3A_152 = tpu.memref_squeeze %dma_start3A_151 : memref<1x128xi32, #tpu.memory_space<vmem>> -> memref<128xi32, #tpu.memory_space<vmem>>
          %dma_start3A_153 = arith.constant 0 : i32
          %dma_start3A_154 = arith.constant 0 : i32
          %dma_start3A_155 = tpu.memref_slice %arg2[%dma_start3A_153, %dma_start3A_154] : memref<10000x64xf32, #tpu.memory_space<hbm>> -> memref<10000x64xf32, #tpu.memory_space<hbm>>
          tpu.enqueue_indirect_dma source(%dma_start3A_155 : memref<10000x64xf32, #tpu.memory_space<hbm>>) target(%arg8 : memref<128x64xf32, #tpu.memory_space<vmem>>) offsets(%dma_start3A_152 : memref<128xi32, #tpu.memory_space<vmem>>) semaphore(%arg17 : memref<!tpu.dma_semaphore, #tpu.memory_space<semaphore_mem>>)
        } else {
        }
      } else {
      }
      %mul3A_102 = arith.constant 8 : i32
      %mul3A_103 = arith.muli %scan3A_61, %mul3A_102 : i32
      %add3A_104 = arith.constant 5 : i32
      %add3A_105 = arith.addi %mul3A_103, %add3A_104 : i32
      %lt3A_106 = arith.cmpi slt, %add3A_105, %add3A_12 : i32
      %convert_element_type3A_107 = arith.extui %lt3A_106 : i1 to i32
      %cond3A_108 = arith.constant 0 : i32
      %cond3A_109 = arith.cmpi ne, %convert_element_type3A_107, %cond3A_108 : i32
      scf.if %cond3A_109 {
        %dma_wait3A = arith.constant 0 : i32
        %dma_wait3A_126 = tpu.memref_slice %arg6[%add3A_105, %dma_wait3A] : memref<79x128xi32, #tpu.memory_space<vmem>> -> memref<1x128xi32, #tpu.memory_space<vmem>>
        %dma_wait3A_127 = tpu.memref_squeeze %dma_wait3A_126 : memref<1x128xi32, #tpu.memory_space<vmem>> -> memref<128xi32, #tpu.memory_space<vmem>>
        %dma_wait3A_128 = arith.constant 0 : i32
        %dma_wait3A_129 = arith.constant 0 : i32
        %dma_wait3A_130 = tpu.memref_slice %arg2[%dma_wait3A_128, %dma_wait3A_129] : memref<10000x64xf32, #tpu.memory_space<hbm>> -> memref<10000x64xf32, #tpu.memory_space<hbm>>
        tpu.wait_indirect_dma semaphore(%arg22 : memref<!tpu.dma_semaphore, #tpu.memory_space<semaphore_mem>>) src(%dma_wait3A_130 : memref<10000x64xf32, #tpu.memory_space<hbm>>) dst(%arg13 : memref<128x64xf32, #tpu.memory_space<vmem>>)
        %dma_start3A_131 = arith.constant 0 : i32
        %dma_start3A_132 = tpu.memref_slice %arg7[%add3A_105, %dma_start3A_131] : memref<79x128xi32, #tpu.memory_space<vmem>> -> memref<1x128xi32, #tpu.memory_space<vmem>>
        %dma_start3A_133 = tpu.memref_squeeze %dma_start3A_132 : memref<1x128xi32, #tpu.memory_space<vmem>> -> memref<128xi32, #tpu.memory_space<vmem>>
        %dma_start3A_134 = arith.constant 0 : i32
        %dma_start3A_135 = arith.constant 0 : i32
        %dma_start3A_136 = tpu.memref_slice %arg16[%dma_start3A_134, %dma_start3A_135] : memref<10112x64xf32, #tpu.memory_space<vmem_shared>> -> memref<10112x64xf32, #tpu.memory_space<vmem_shared>>
        tpu.enqueue_indirect_dma source(%arg13 : memref<128x64xf32, #tpu.memory_space<vmem>>) target(%dma_start3A_136 : memref<10112x64xf32, #tpu.memory_space<vmem_shared>>) offsets(%dma_start3A_133 : memref<128xi32, #tpu.memory_space<vmem>>) semaphore(%arg30 : memref<!tpu.dma_semaphore, #tpu.memory_space<semaphore_mem>>) {add = true}
        %ge3A_137 = arith.constant 4 : i32
        %ge3A_138 = arith.cmpi sge, %add3A_105, %ge3A_137 : i32
        %convert_element_type3A_139 = arith.extui %ge3A_138 : i1 to i32
        %cond3A_140 = arith.constant 0 : i32
        %cond3A_141 = arith.cmpi ne, %convert_element_type3A_139, %cond3A_140 : i32
        scf.if %cond3A_141 {
          %sub3A = arith.constant 4 : i32
          %sub3A_148 = arith.subi %add3A_105, %sub3A : i32
          %dma_wait3A_149 = arith.constant 0 : i32
          %dma_wait3A_150 = tpu.memref_slice %arg7[%sub3A_148, %dma_wait3A_149] : memref<79x128xi32, #tpu.memory_space<vmem>> -> memref<1x128xi32, #tpu.memory_space<vmem>>
          %dma_wait3A_151 = tpu.memref_squeeze %dma_wait3A_150 : memref<1x128xi32, #tpu.memory_space<vmem>> -> memref<128xi32, #tpu.memory_space<vmem>>
          %dma_wait3A_152 = arith.constant 0 : i32
          %dma_wait3A_153 = arith.constant 0 : i32
          %dma_wait3A_154 = tpu.memref_slice %arg16[%dma_wait3A_152, %dma_wait3A_153] : memref<10112x64xf32, #tpu.memory_space<vmem_shared>> -> memref<10112x64xf32, #tpu.memory_space<vmem_shared>>
          tpu.wait_indirect_dma semaphore(%arg26 : memref<!tpu.dma_semaphore, #tpu.memory_space<semaphore_mem>>) src(%arg9 : memref<128x64xf32, #tpu.memory_space<vmem>>) dst(%dma_wait3A_154 : memref<10112x64xf32, #tpu.memory_space<vmem_shared>>)
        } else {
        }
        %add3A_142 = arith.constant 4 : i32
        %add3A_143 = arith.addi %add3A_105, %add3A_142 : i32
        %lt3A_144 = arith.cmpi slt, %add3A_143, %add3A_12 : i32
        %convert_element_type3A_145 = arith.extui %lt3A_144 : i1 to i32
        %cond3A_146 = arith.constant 0 : i32
        %cond3A_147 = arith.cmpi ne, %convert_element_type3A_145, %cond3A_146 : i32
        scf.if %cond3A_147 {
          %add3A_148 = arith.constant 4 : i32
          %add3A_149 = arith.addi %add3A_105, %add3A_148 : i32
          %dma_start3A_150 = arith.constant 0 : i32
          %dma_start3A_151 = tpu.memref_slice %arg6[%add3A_149, %dma_start3A_150] : memref<79x128xi32, #tpu.memory_space<vmem>> -> memref<1x128xi32, #tpu.memory_space<vmem>>
          %dma_start3A_152 = tpu.memref_squeeze %dma_start3A_151 : memref<1x128xi32, #tpu.memory_space<vmem>> -> memref<128xi32, #tpu.memory_space<vmem>>
          %dma_start3A_153 = arith.constant 0 : i32
          %dma_start3A_154 = arith.constant 0 : i32
          %dma_start3A_155 = tpu.memref_slice %arg2[%dma_start3A_153, %dma_start3A_154] : memref<10000x64xf32, #tpu.memory_space<hbm>> -> memref<10000x64xf32, #tpu.memory_space<hbm>>
          tpu.enqueue_indirect_dma source(%dma_start3A_155 : memref<10000x64xf32, #tpu.memory_space<hbm>>) target(%arg9 : memref<128x64xf32, #tpu.memory_space<vmem>>) offsets(%dma_start3A_152 : memref<128xi32, #tpu.memory_space<vmem>>) semaphore(%arg18 : memref<!tpu.dma_semaphore, #tpu.memory_space<semaphore_mem>>)
        } else {
        }
      } else {
      }
      %mul3A_110 = arith.constant 8 : i32
      %mul3A_111 = arith.muli %scan3A_61, %mul3A_110 : i32
      %add3A_112 = arith.constant 6 : i32
      %add3A_113 = arith.addi %mul3A_111, %add3A_112 : i32
      %lt3A_114 = arith.cmpi slt, %add3A_113, %add3A_12 : i32
      %convert_element_type3A_115 = arith.extui %lt3A_114 : i1 to i32
      %cond3A_116 = arith.constant 0 : i32
      %cond3A_117 = arith.cmpi ne, %convert_element_type3A_115, %cond3A_116 : i32
      scf.if %cond3A_117 {
        %dma_wait3A = arith.constant 0 : i32
        %dma_wait3A_126 = tpu.memref_slice %arg6[%add3A_113, %dma_wait3A] : memref<79x128xi32, #tpu.memory_space<vmem>> -> memref<1x128xi32, #tpu.memory_space<vmem>>
        %dma_wait3A_127 = tpu.memref_squeeze %dma_wait3A_126 : memref<1x128xi32, #tpu.memory_space<vmem>> -> memref<128xi32, #tpu.memory_space<vmem>>
        %dma_wait3A_128 = arith.constant 0 : i32
        %dma_wait3A_129 = arith.constant 0 : i32
        %dma_wait3A_130 = tpu.memref_slice %arg2[%dma_wait3A_128, %dma_wait3A_129] : memref<10000x64xf32, #tpu.memory_space<hbm>> -> memref<10000x64xf32, #tpu.memory_space<hbm>>
        tpu.wait_indirect_dma semaphore(%arg23 : memref<!tpu.dma_semaphore, #tpu.memory_space<semaphore_mem>>) src(%dma_wait3A_130 : memref<10000x64xf32, #tpu.memory_space<hbm>>) dst(%arg14 : memref<128x64xf32, #tpu.memory_space<vmem>>)
        %dma_start3A_131 = arith.constant 0 : i32
        %dma_start3A_132 = tpu.memref_slice %arg7[%add3A_113, %dma_start3A_131] : memref<79x128xi32, #tpu.memory_space<vmem>> -> memref<1x128xi32, #tpu.memory_space<vmem>>
        %dma_start3A_133 = tpu.memref_squeeze %dma_start3A_132 : memref<1x128xi32, #tpu.memory_space<vmem>> -> memref<128xi32, #tpu.memory_space<vmem>>
        %dma_start3A_134 = arith.constant 0 : i32
        %dma_start3A_135 = arith.constant 0 : i32
        %dma_start3A_136 = tpu.memref_slice %arg16[%dma_start3A_134, %dma_start3A_135] : memref<10112x64xf32, #tpu.memory_space<vmem_shared>> -> memref<10112x64xf32, #tpu.memory_space<vmem_shared>>
        tpu.enqueue_indirect_dma source(%arg14 : memref<128x64xf32, #tpu.memory_space<vmem>>) target(%dma_start3A_136 : memref<10112x64xf32, #tpu.memory_space<vmem_shared>>) offsets(%dma_start3A_133 : memref<128xi32, #tpu.memory_space<vmem>>) semaphore(%arg31 : memref<!tpu.dma_semaphore, #tpu.memory_space<semaphore_mem>>) {add = true}
        %ge3A_137 = arith.constant 4 : i32
        %ge3A_138 = arith.cmpi sge, %add3A_113, %ge3A_137 : i32
        %convert_element_type3A_139 = arith.extui %ge3A_138 : i1 to i32
        %cond3A_140 = arith.constant 0 : i32
        %cond3A_141 = arith.cmpi ne, %convert_element_type3A_139, %cond3A_140 : i32
        scf.if %cond3A_141 {
          %sub3A = arith.constant 4 : i32
          %sub3A_148 = arith.subi %add3A_113, %sub3A : i32
          %dma_wait3A_149 = arith.constant 0 : i32
          %dma_wait3A_150 = tpu.memref_slice %arg7[%sub3A_148, %dma_wait3A_149] : memref<79x128xi32, #tpu.memory_space<vmem>> -> memref<1x128xi32, #tpu.memory_space<vmem>>
          %dma_wait3A_151 = tpu.memref_squeeze %dma_wait3A_150 : memref<1x128xi32, #tpu.memory_space<vmem>> -> memref<128xi32, #tpu.memory_space<vmem>>
          %dma_wait3A_152 = arith.constant 0 : i32
          %dma_wait3A_153 = arith.constant 0 : i32
          %dma_wait3A_154 = tpu.memref_slice %arg16[%dma_wait3A_152, %dma_wait3A_153] : memref<10112x64xf32, #tpu.memory_space<vmem_shared>> -> memref<10112x64xf32, #tpu.memory_space<vmem_shared>>
          tpu.wait_indirect_dma semaphore(%arg27 : memref<!tpu.dma_semaphore, #tpu.memory_space<semaphore_mem>>) src(%arg10 : memref<128x64xf32, #tpu.memory_space<vmem>>) dst(%dma_wait3A_154 : memref<10112x64xf32, #tpu.memory_space<vmem_shared>>)
        } else {
        }
        %add3A_142 = arith.constant 4 : i32
        %add3A_143 = arith.addi %add3A_113, %add3A_142 : i32
        %lt3A_144 = arith.cmpi slt, %add3A_143, %add3A_12 : i32
        %convert_element_type3A_145 = arith.extui %lt3A_144 : i1 to i32
        %cond3A_146 = arith.constant 0 : i32
        %cond3A_147 = arith.cmpi ne, %convert_element_type3A_145, %cond3A_146 : i32
        scf.if %cond3A_147 {
          %add3A_148 = arith.constant 4 : i32
          %add3A_149 = arith.addi %add3A_113, %add3A_148 : i32
          %dma_start3A_150 = arith.constant 0 : i32
          %dma_start3A_151 = tpu.memref_slice %arg6[%add3A_149, %dma_start3A_150] : memref<79x128xi32, #tpu.memory_space<vmem>> -> memref<1x128xi32, #tpu.memory_space<vmem>>
          %dma_start3A_152 = tpu.memref_squeeze %dma_start3A_151 : memref<1x128xi32, #tpu.memory_space<vmem>> -> memref<128xi32, #tpu.memory_space<vmem>>
          %dma_start3A_153 = arith.constant 0 : i32
          %dma_start3A_154 = arith.constant 0 : i32
          %dma_start3A_155 = tpu.memref_slice %arg2[%dma_start3A_153, %dma_start3A_154] : memref<10000x64xf32, #tpu.memory_space<hbm>> -> memref<10000x64xf32, #tpu.memory_space<hbm>>
          tpu.enqueue_indirect_dma source(%dma_start3A_155 : memref<10000x64xf32, #tpu.memory_space<hbm>>) target(%arg10 : memref<128x64xf32, #tpu.memory_space<vmem>>) offsets(%dma_start3A_152 : memref<128xi32, #tpu.memory_space<vmem>>) semaphore(%arg19 : memref<!tpu.dma_semaphore, #tpu.memory_space<semaphore_mem>>)
        } else {
        }
      } else {
      }
      %mul3A_118 = arith.constant 8 : i32
      %mul3A_119 = arith.muli %scan3A_61, %mul3A_118 : i32
      %add3A_120 = arith.constant 7 : i32
      %add3A_121 = arith.addi %mul3A_119, %add3A_120 : i32
      %lt3A_122 = arith.cmpi slt, %add3A_121, %add3A_12 : i32
      %convert_element_type3A_123 = arith.extui %lt3A_122 : i1 to i32
      %cond3A_124 = arith.constant 0 : i32
      %cond3A_125 = arith.cmpi ne, %convert_element_type3A_123, %cond3A_124 : i32
      scf.if %cond3A_125 {
        %dma_wait3A = arith.constant 0 : i32
        %dma_wait3A_126 = tpu.memref_slice %arg6[%add3A_121, %dma_wait3A] : memref<79x128xi32, #tpu.memory_space<vmem>> -> memref<1x128xi32, #tpu.memory_space<vmem>>
        %dma_wait3A_127 = tpu.memref_squeeze %dma_wait3A_126 : memref<1x128xi32, #tpu.memory_space<vmem>> -> memref<128xi32, #tpu.memory_space<vmem>>
        %dma_wait3A_128 = arith.constant 0 : i32
        %dma_wait3A_129 = arith.constant 0 : i32
        %dma_wait3A_130 = tpu.memref_slice %arg2[%dma_wait3A_128, %dma_wait3A_129] : memref<10000x64xf32, #tpu.memory_space<hbm>> -> memref<10000x64xf32, #tpu.memory_space<hbm>>
        tpu.wait_indirect_dma semaphore(%arg24 : memref<!tpu.dma_semaphore, #tpu.memory_space<semaphore_mem>>) src(%dma_wait3A_130 : memref<10000x64xf32, #tpu.memory_space<hbm>>) dst(%arg15 : memref<128x64xf32, #tpu.memory_space<vmem>>)
        %dma_start3A_131 = arith.constant 0 : i32
        %dma_start3A_132 = tpu.memref_slice %arg7[%add3A_121, %dma_start3A_131] : memref<79x128xi32, #tpu.memory_space<vmem>> -> memref<1x128xi32, #tpu.memory_space<vmem>>
        %dma_start3A_133 = tpu.memref_squeeze %dma_start3A_132 : memref<1x128xi32, #tpu.memory_space<vmem>> -> memref<128xi32, #tpu.memory_space<vmem>>
        %dma_start3A_134 = arith.constant 0 : i32
        %dma_start3A_135 = arith.constant 0 : i32
        %dma_start3A_136 = tpu.memref_slice %arg16[%dma_start3A_134, %dma_start3A_135] : memref<10112x64xf32, #tpu.memory_space<vmem_shared>> -> memref<10112x64xf32, #tpu.memory_space<vmem_shared>>
        tpu.enqueue_indirect_dma source(%arg15 : memref<128x64xf32, #tpu.memory_space<vmem>>) target(%dma_start3A_136 : memref<10112x64xf32, #tpu.memory_space<vmem_shared>>) offsets(%dma_start3A_133 : memref<128xi32, #tpu.memory_space<vmem>>) semaphore(%arg32 : memref<!tpu.dma_semaphore, #tpu.memory_space<semaphore_mem>>) {add = true}
        %ge3A_137 = arith.constant 4 : i32
        %ge3A_138 = arith.cmpi sge, %add3A_121, %ge3A_137 : i32
        %convert_element_type3A_139 = arith.extui %ge3A_138 : i1 to i32
        %cond3A_140 = arith.constant 0 : i32
        %cond3A_141 = arith.cmpi ne, %convert_element_type3A_139, %cond3A_140 : i32
        scf.if %cond3A_141 {
          %sub3A = arith.constant 4 : i32
          %sub3A_148 = arith.subi %add3A_121, %sub3A : i32
          %dma_wait3A_149 = arith.constant 0 : i32
          %dma_wait3A_150 = tpu.memref_slice %arg7[%sub3A_148, %dma_wait3A_149] : memref<79x128xi32, #tpu.memory_space<vmem>> -> memref<1x128xi32, #tpu.memory_space<vmem>>
          %dma_wait3A_151 = tpu.memref_squeeze %dma_wait3A_150 : memref<1x128xi32, #tpu.memory_space<vmem>> -> memref<128xi32, #tpu.memory_space<vmem>>
          %dma_wait3A_152 = arith.constant 0 : i32
          %dma_wait3A_153 = arith.constant 0 : i32
          %dma_wait3A_154 = tpu.memref_slice %arg16[%dma_wait3A_152, %dma_wait3A_153] : memref<10112x64xf32, #tpu.memory_space<vmem_shared>> -> memref<10112x64xf32, #tpu.memory_space<vmem_shared>>
          tpu.wait_indirect_dma semaphore(%arg28 : memref<!tpu.dma_semaphore, #tpu.memory_space<semaphore_mem>>) src(%arg11 : memref<128x64xf32, #tpu.memory_space<vmem>>) dst(%dma_wait3A_154 : memref<10112x64xf32, #tpu.memory_space<vmem_shared>>)
        } else {
        }
        %add3A_142 = arith.constant 4 : i32
        %add3A_143 = arith.addi %add3A_121, %add3A_142 : i32
        %lt3A_144 = arith.cmpi slt, %add3A_143, %add3A_12 : i32
        %convert_element_type3A_145 = arith.extui %lt3A_144 : i1 to i32
        %cond3A_146 = arith.constant 0 : i32
        %cond3A_147 = arith.cmpi ne, %convert_element_type3A_145, %cond3A_146 : i32
        scf.if %cond3A_147 {
          %add3A_148 = arith.constant 4 : i32
          %add3A_149 = arith.addi %add3A_121, %add3A_148 : i32
          %dma_start3A_150 = arith.constant 0 : i32
          %dma_start3A_151 = tpu.memref_slice %arg6[%add3A_149, %dma_start3A_150] : memref<79x128xi32, #tpu.memory_space<vmem>> -> memref<1x128xi32, #tpu.memory_space<vmem>>
          %dma_start3A_152 = tpu.memref_squeeze %dma_start3A_151 : memref<1x128xi32, #tpu.memory_space<vmem>> -> memref<128xi32, #tpu.memory_space<vmem>>
          %dma_start3A_153 = arith.constant 0 : i32
          %dma_start3A_154 = arith.constant 0 : i32
          %dma_start3A_155 = tpu.memref_slice %arg2[%dma_start3A_153, %dma_start3A_154] : memref<10000x64xf32, #tpu.memory_space<hbm>> -> memref<10000x64xf32, #tpu.memory_space<hbm>>
          tpu.enqueue_indirect_dma source(%dma_start3A_155 : memref<10000x64xf32, #tpu.memory_space<hbm>>) target(%arg11 : memref<128x64xf32, #tpu.memory_space<vmem>>) offsets(%dma_start3A_152 : memref<128xi32, #tpu.memory_space<vmem>>) semaphore(%arg20 : memref<!tpu.dma_semaphore, #tpu.memory_space<semaphore_mem>>)
        } else {
        }
      } else {
      }
    }
    %scan3A_46 = arith.constant 10 : i32
    %lt3A_47 = arith.constant 4 : i32
    %lt3A_48 = arith.cmpi slt, %add3A, %lt3A_47 : i32
    %convert_element_type3A_49 = arith.extui %lt3A_48 : i1 to i32
    %cond3A_50 = arith.constant 0 : i32
    %cond3A_51 = arith.cmpi ne, %convert_element_type3A_49, %cond3A_50 : i32
    scf.if %cond3A_51 {
      %dma_wait3A = arith.constant 75 : i32
      %dma_wait3A_61 = arith.constant 0 : i32
      %dma_wait3A_62 = tpu.memref_slice %arg7[%dma_wait3A, %dma_wait3A_61] : memref<79x128xi32, #tpu.memory_space<vmem>> -> memref<1x128xi32, #tpu.memory_space<vmem>>
      %dma_wait3A_63 = tpu.memref_squeeze %dma_wait3A_62 : memref<1x128xi32, #tpu.memory_space<vmem>> -> memref<128xi32, #tpu.memory_space<vmem>>
      %dma_wait3A_64 = arith.constant 0 : i32
      %dma_wait3A_65 = arith.constant 0 : i32
      %dma_wait3A_66 = tpu.memref_slice %arg16[%dma_wait3A_64, %dma_wait3A_65] : memref<10112x64xf32, #tpu.memory_space<vmem_shared>> -> memref<10112x64xf32, #tpu.memory_space<vmem_shared>>
      tpu.wait_indirect_dma semaphore(%arg28 : memref<!tpu.dma_semaphore, #tpu.memory_space<semaphore_mem>>) src(%arg11 : memref<128x64xf32, #tpu.memory_space<vmem>>) dst(%dma_wait3A_66 : memref<10112x64xf32, #tpu.memory_space<vmem_shared>>)
      %dma_wait3A_67 = arith.constant 76 : i32
      %dma_wait3A_68 = arith.constant 0 : i32
      %dma_wait3A_69 = tpu.memref_slice %arg7[%dma_wait3A_67, %dma_wait3A_68] : memref<79x128xi32, #tpu.memory_space<vmem>> -> memref<1x128xi32, #tpu.memory_space<vmem>>
      %dma_wait3A_70 = tpu.memref_squeeze %dma_wait3A_69 : memref<1x128xi32, #tpu.memory_space<vmem>> -> memref<128xi32, #tpu.memory_space<vmem>>
      %dma_wait3A_71 = arith.constant 0 : i32
      %dma_wait3A_72 = arith.constant 0 : i32
      %dma_wait3A_73 = tpu.memref_slice %arg16[%dma_wait3A_71, %dma_wait3A_72] : memref<10112x64xf32, #tpu.memory_space<vmem_shared>> -> memref<10112x64xf32, #tpu.memory_space<vmem_shared>>
      tpu.wait_indirect_dma semaphore(%arg29 : memref<!tpu.dma_semaphore, #tpu.memory_space<semaphore_mem>>) src(%arg12 : memref<128x64xf32, #tpu.memory_space<vmem>>) dst(%dma_wait3A_73 : memref<10112x64xf32, #tpu.memory_space<vmem_shared>>)
      %dma_wait3A_74 = arith.constant 77 : i32
      %dma_wait3A_75 = arith.constant 0 : i32
      %dma_wait3A_76 = tpu.memref_slice %arg7[%dma_wait3A_74, %dma_wait3A_75] : memref<79x128xi32, #tpu.memory_space<vmem>> -> memref<1x128xi32, #tpu.memory_space<vmem>>
      %dma_wait3A_77 = tpu.memref_squeeze %dma_wait3A_76 : memref<1x128xi32, #tpu.memory_space<vmem>> -> memref<128xi32, #tpu.memory_space<vmem>>
      %dma_wait3A_78 = arith.constant 0 : i32
      %dma_wait3A_79 = arith.constant 0 : i32
      %dma_wait3A_80 = tpu.memref_slice %arg16[%dma_wait3A_78, %dma_wait3A_79] : memref<10112x64xf32, #tpu.memory_space<vmem_shared>> -> memref<10112x64xf32, #tpu.memory_space<vmem_shared>>
      tpu.wait_indirect_dma semaphore(%arg30 : memref<!tpu.dma_semaphore, #tpu.memory_space<semaphore_mem>>) src(%arg13 : memref<128x64xf32, #tpu.memory_space<vmem>>) dst(%dma_wait3A_80 : memref<10112x64xf32, #tpu.memory_space<vmem_shared>>)
      %dma_wait3A_81 = arith.constant 78 : i32
      %dma_wait3A_82 = arith.constant 0 : i32
      %dma_wait3A_83 = tpu.memref_slice %arg7[%dma_wait3A_81, %dma_wait3A_82] : memref<79x128xi32, #tpu.memory_space<vmem>> -> memref<1x128xi32, #tpu.memory_space<vmem>>
      %dma_wait3A_84 = tpu.memref_squeeze %dma_wait3A_83 : memref<1x128xi32, #tpu.memory_space<vmem>> -> memref<128xi32, #tpu.memory_space<vmem>>
      %dma_wait3A_85 = arith.constant 0 : i32
      %dma_wait3A_86 = arith.constant 0 : i32
      %dma_wait3A_87 = tpu.memref_slice %arg16[%dma_wait3A_85, %dma_wait3A_86] : memref<10112x64xf32, #tpu.memory_space<vmem_shared>> -> memref<10112x64xf32, #tpu.memory_space<vmem_shared>>
      tpu.wait_indirect_dma semaphore(%arg31 : memref<!tpu.dma_semaphore, #tpu.memory_space<semaphore_mem>>) src(%arg14 : memref<128x64xf32, #tpu.memory_space<vmem>>) dst(%dma_wait3A_87 : memref<10112x64xf32, #tpu.memory_space<vmem_shared>>)
    } else {
    }
    %ge3A = arith.constant 4 : i32
    %ge3A_52 = arith.cmpi sge, %add3A, %ge3A : i32
    %convert_element_type3A_53 = arith.extui %ge3A_52 : i1 to i32
    %cond3A_54 = arith.constant 0 : i32
    %cond3A_55 = arith.cmpi ne, %convert_element_type3A_53, %cond3A_54 : i32
    scf.if %cond3A_55 {
      %dma_wait3A = arith.constant 74 : i32
      %dma_wait3A_61 = arith.constant 0 : i32
      %dma_wait3A_62 = tpu.memref_slice %arg7[%dma_wait3A, %dma_wait3A_61] : memref<79x128xi32, #tpu.memory_space<vmem>> -> memref<1x128xi32, #tpu.memory_space<vmem>>
      %dma_wait3A_63 = tpu.memref_squeeze %dma_wait3A_62 : memref<1x128xi32, #tpu.memory_space<vmem>> -> memref<128xi32, #tpu.memory_space<vmem>>
      %dma_wait3A_64 = arith.constant 0 : i32
      %dma_wait3A_65 = arith.constant 0 : i32
      %dma_wait3A_66 = tpu.memref_slice %arg16[%dma_wait3A_64, %dma_wait3A_65] : memref<10112x64xf32, #tpu.memory_space<vmem_shared>> -> memref<10112x64xf32, #tpu.memory_space<vmem_shared>>
      tpu.wait_indirect_dma semaphore(%arg27 : memref<!tpu.dma_semaphore, #tpu.memory_space<semaphore_mem>>) src(%arg10 : memref<128x64xf32, #tpu.memory_space<vmem>>) dst(%dma_wait3A_66 : memref<10112x64xf32, #tpu.memory_space<vmem_shared>>)
      %dma_wait3A_67 = arith.constant 75 : i32
      %dma_wait3A_68 = arith.constant 0 : i32
      %dma_wait3A_69 = tpu.memref_slice %arg7[%dma_wait3A_67, %dma_wait3A_68] : memref<79x128xi32, #tpu.memory_space<vmem>> -> memref<1x128xi32, #tpu.memory_space<vmem>>
      %dma_wait3A_70 = tpu.memref_squeeze %dma_wait3A_69 : memref<1x128xi32, #tpu.memory_space<vmem>> -> memref<128xi32, #tpu.memory_space<vmem>>
      %dma_wait3A_71 = arith.constant 0 : i32
      %dma_wait3A_72 = arith.constant 0 : i32
      %dma_wait3A_73 = tpu.memref_slice %arg16[%dma_wait3A_71, %dma_wait3A_72] : memref<10112x64xf32, #tpu.memory_space<vmem_shared>> -> memref<10112x64xf32, #tpu.memory_space<vmem_shared>>
      tpu.wait_indirect_dma semaphore(%arg28 : memref<!tpu.dma_semaphore, #tpu.memory_space<semaphore_mem>>) src(%arg11 : memref<128x64xf32, #tpu.memory_space<vmem>>) dst(%dma_wait3A_73 : memref<10112x64xf32, #tpu.memory_space<vmem_shared>>)
      %dma_wait3A_74 = arith.constant 76 : i32
      %dma_wait3A_75 = arith.constant 0 : i32
      %dma_wait3A_76 = tpu.memref_slice %arg7[%dma_wait3A_74, %dma_wait3A_75] : memref<79x128xi32, #tpu.memory_space<vmem>> -> memref<1x128xi32, #tpu.memory_space<vmem>>
      %dma_wait3A_77 = tpu.memref_squeeze %dma_wait3A_76 : memref<1x128xi32, #tpu.memory_space<vmem>> -> memref<128xi32, #tpu.memory_space<vmem>>
      %dma_wait3A_78 = arith.constant 0 : i32
      %dma_wait3A_79 = arith.constant 0 : i32
      %dma_wait3A_80 = tpu.memref_slice %arg16[%dma_wait3A_78, %dma_wait3A_79] : memref<10112x64xf32, #tpu.memory_space<vmem_shared>> -> memref<10112x64xf32, #tpu.memory_space<vmem_shared>>
      tpu.wait_indirect_dma semaphore(%arg29 : memref<!tpu.dma_semaphore, #tpu.memory_space<semaphore_mem>>) src(%arg12 : memref<128x64xf32, #tpu.memory_space<vmem>>) dst(%dma_wait3A_80 : memref<10112x64xf32, #tpu.memory_space<vmem_shared>>)
      %dma_wait3A_81 = arith.constant 77 : i32
      %dma_wait3A_82 = arith.constant 0 : i32
      %dma_wait3A_83 = tpu.memref_slice %arg7[%dma_wait3A_81, %dma_wait3A_82] : memref<79x128xi32, #tpu.memory_space<vmem>> -> memref<1x128xi32, #tpu.memory_space<vmem>>
      %dma_wait3A_84 = tpu.memref_squeeze %dma_wait3A_83 : memref<1x128xi32, #tpu.memory_space<vmem>> -> memref<128xi32, #tpu.memory_space<vmem>>
      %dma_wait3A_85 = arith.constant 0 : i32
      %dma_wait3A_86 = arith.constant 0 : i32
      %dma_wait3A_87 = tpu.memref_slice %arg16[%dma_wait3A_85, %dma_wait3A_86] : memref<10112x64xf32, #tpu.memory_space<vmem_shared>> -> memref<10112x64xf32, #tpu.memory_space<vmem_shared>>
      tpu.wait_indirect_dma semaphore(%arg30 : memref<!tpu.dma_semaphore, #tpu.memory_space<semaphore_mem>>) src(%arg13 : memref<128x64xf32, #tpu.memory_space<vmem>>) dst(%dma_wait3A_87 : memref<10112x64xf32, #tpu.memory_space<vmem_shared>>)
    } else {
    }
    %barrier3A_56 = arith.constant 0 : index
    tpu.barrier barrier_id(%barrier3A_56)
    %mul3A_57 = arith.constant 632 : i32
    %mul3A_58 = arith.muli %arg1, %mul3A_57 : i32
    %mul3A_59 = arith.constant 632 : i32
    %mul3A_60 = arith.muli %arg1, %mul3A_59 : i32
    "tpu.region"() ({
      %run_scoped3A_61 = tpu.sem_alloc : memref<!tpu.dma_semaphore, #tpu.memory_space<semaphore_mem>>
      %dma_start3A_62 = arith.constant 0 : i32
      %dma_start3A_63 = tpu.memref_slice %arg5[%arg0, %mul3A_60, %dma_start3A_62] : memref<2x10112x64xf32, #tpu.memory_space<hbm>> -> memref<1x632x64xf32, #tpu.memory_space<hbm>>
      %dma_start3A_64 = tpu.memref_squeeze %dma_start3A_63 : memref<1x632x64xf32, #tpu.memory_space<hbm>> -> memref<632x64xf32, #tpu.memory_space<hbm>>
      %dma_start3A_65 = arith.constant 0 : i32
      %dma_start3A_66 = tpu.memref_slice %arg16[%mul3A_58, %dma_start3A_65] : memref<10112x64xf32, #tpu.memory_space<vmem_shared>> -> memref<632x64xf32, #tpu.memory_space<vmem_shared>>
      tpu.enqueue_dma source(%dma_start3A_66 : memref<632x64xf32, #tpu.memory_space<vmem_shared>>) target(%dma_start3A_64 : memref<632x64xf32, #tpu.memory_space<hbm>>) target_semaphore(%run_scoped3A_61 : memref<!tpu.dma_semaphore, #tpu.memory_space<semaphore_mem>>)
      %dma_wait3A = arith.constant 0 : i32
      %dma_wait3A_67 = tpu.memref_slice %arg5[%arg0, %mul3A_60, %dma_wait3A] : memref<2x10112x64xf32, #tpu.memory_space<hbm>> -> memref<1x632x64xf32, #tpu.memory_space<hbm>>
      %dma_wait3A_68 = tpu.memref_squeeze %dma_wait3A_67 : memref<1x632x64xf32, #tpu.memory_space<hbm>> -> memref<632x64xf32, #tpu.memory_space<hbm>>
      %dma_wait3A_69 = arith.constant 0 : i32
      %dma_wait3A_70 = tpu.memref_slice %arg16[%mul3A_58, %dma_wait3A_69] : memref<10112x64xf32, #tpu.memory_space<vmem_shared>> -> memref<632x64xf32, #tpu.memory_space<vmem_shared>>
      tpu.wait_dma2 semaphore(%run_scoped3A_61 : memref<!tpu.dma_semaphore, #tpu.memory_space<semaphore_mem>>) src(%dma_wait3A_70 : memref<632x64xf32, #tpu.memory_space<vmem_shared>>) dst(%dma_wait3A_68 : memref<632x64xf32, #tpu.memory_space<hbm>>)
      tpu.yield
    }) : () -> ()
    return
  }
}

module attributes {stable_mosaic.version = 14 : i64} {
  func.func @_k2m_body(%arg0: memref<5000x256xf32, #tpu.memory_space<vmem>>, %arg1: memref<256x128xf32, #tpu.memory_space<vmem>>, %arg2: memref<5000x128xf32, #tpu.memory_space<vmem>>) attributes {dimension_semantics = [], scalar_prefetch = 0 : i64, scratch_operands = 0 : i64, tpu.core_type = #tpu.core_type<tc>} {
    %get3A = arith.constant 0 : index
    %get3A_0 = arith.constant 0 : index
    %get3A_1 = vector.load %arg0[%get3A, %get3A_0] : memref<5000x256xf32, #tpu.memory_space<vmem>>, vector<5000x256xf32>
    %get3A_2 = arith.constant 0 : index
    %get3A_3 = arith.constant 0 : index
    %get3A_4 = vector.load %arg1[%get3A_2, %get3A_3] : memref<256x128xf32, #tpu.memory_space<vmem>>, vector<256x128xf32>
    %dot_general3A = arith.constant dense<0.000000e+00> : vector<5000x128xf32>
    %dot_general3A_5 = tpu.matmul %get3A_1, %get3A_4, %dot_general3A {dimension_numbers = #tpu.dot_dimension_numbers<[1], [0], [0], [1], [0, 0, 1, 1], [], []>, transpose_lhs_hint = false} : vector<5000x256xf32>, vector<256x128xf32>, vector<5000x128xf32> -> vector<5000x128xf32>
    %swap3A = arith.constant 0 : index
    %swap3A_6 = arith.constant 0 : index
    %swap3A_7 = vector.load %arg2[%swap3A, %swap3A_6] : memref<5000x128xf32, #tpu.memory_space<vmem>>, vector<5000x128xf32>
    tpu.vector_store %arg2[%swap3A, %swap3A_6], %dot_general3A_5 {strides = array<i32>} : memref<5000x128xf32, #tpu.memory_space<vmem>>, vector<5000x128xf32>,
    return
  }
}

module attributes {stable_mosaic.version = 14 : i64} {
  func.func @_k2a_body(%arg0: memref<20480xf32, #tpu.memory_space<vmem>>, %arg1: memref<10000xf32, #tpu.memory_space<vmem>>) attributes {dimension_semantics = [], scalar_prefetch = 0 : i64, scratch_operands = 0 : i64, tpu.core_type = #tpu.core_type<tc>} {
    %get3A = arith.constant 0 : index
    %get3A_0 = vector.load %arg0[%get3A] : memref<20480xf32, #tpu.memory_space<vmem>>, vector<10000xf32>
    %get3A_1 = arith.constant 10240 : index
    %get3A_2 = vector.load %arg0[%get3A_1] : memref<20480xf32, #tpu.memory_space<vmem>>, vector<10000xf32>
    %add3A = arith.addf %get3A_0, %get3A_2 : vector<10000xf32>
    %add3A_3 = arith.constant 1.000000e+00 : f32
    %add3A_4 = vector.broadcast %add3A_3 : f32 to vector<10000xf32>
    %add3A_5 = arith.addf %add3A, %add3A_4 : vector<10000xf32>
    %rsqrt3A = math.rsqrt %add3A_5 : vector<10000xf32>
    %swap3A = arith.constant 0 : index
    %swap3A_6 = vector.load %arg1[%swap3A] : memref<10000xf32, #tpu.memory_space<vmem>>, vector<10000xf32>
    tpu.vector_store %arg1[%swap3A], %rsqrt3A {strides = array<i32>} : memref<10000xf32, #tpu.memory_space<vmem>>, vector<10000xf32>,
    return
  }
}

module attributes {stable_mosaic.version = 14 : i64} {
  func.func @_k2s_body(%arg0: memref<5000x128xf32, #tpu.memory_space<vmem>>, %arg1: memref<5000x128xf32, #tpu.memory_space<vmem>>, %arg2: memref<5000x128xf32, #tpu.memory_space<vmem>>) attributes {dimension_semantics = [], scalar_prefetch = 0 : i64, scratch_operands = 0 : i64, tpu.core_type = #tpu.core_type<tc>} {
    %get3A = arith.constant 0 : index
    %get3A_0 = arith.constant 0 : index
    %get3A_1 = vector.load %arg0[%get3A, %get3A_0] : memref<5000x128xf32, #tpu.memory_space<vmem>>, vector<5000x128xf32>
    %get3A_2 = arith.constant 0 : index
    %get3A_3 = arith.constant 0 : index
    %get3A_4 = vector.load %arg1[%get3A_2, %get3A_3] : memref<5000x128xf32, #tpu.memory_space<vmem>>, vector<5000x128xf32>
    %mul3A = arith.mulf %get3A_1, %get3A_4 : vector<5000x128xf32>
    %swap3A = arith.constant 0 : index
    %swap3A_5 = arith.constant 0 : index
    %swap3A_6 = vector.load %arg2[%swap3A, %swap3A_5] : memref<5000x128xf32, #tpu.memory_space<vmem>>, vector<5000x128xf32>
    tpu.vector_store %arg2[%swap3A, %swap3A_5], %mul3A {strides = array<i32>} : memref<5000x128xf32, #tpu.memory_space<vmem>>, vector<5000x128xf32>,
    return
  }
}

module attributes {stable_mosaic.version = 14 : i64} {
  func.func @_k4a_body(%arg0: memref<2x5056x128xf32, #tpu.memory_space<vmem>>, %arg1: memref<5000x128xf32, #tpu.memory_space<vmem>>, %arg2: memref<5000x128xf32, #tpu.memory_space<vmem>>, %arg3: memref<128xf32, #tpu.memory_space<vmem>>, %arg4: memref<5000x128xf32, #tpu.memory_space<vmem>>) attributes {dimension_semantics = [], scalar_prefetch = 0 : i64, scratch_operands = 0 : i64, tpu.core_type = #tpu.core_type<tc>} {
    %get3A = arith.constant 0 : index
    %get3A_0 = arith.constant 0 : index
    %get3A_1 = arith.constant 0 : index
    %get3A_2 = vector.load %arg0[%get3A, %get3A_0, %get3A_1] : memref<2x5056x128xf32, #tpu.memory_space<vmem>>, vector<1x5000x128xf32>
    %get3A_3 = vector.shape_cast %get3A_2 : vector<1x5000x128xf32> to vector<5000x128xf32>
    %get3A_4 = arith.constant 1 : index
    %get3A_5 = arith.constant 0 : index
    %get3A_6 = arith.constant 0 : index
    %get3A_7 = vector.load %arg0[%get3A_4, %get3A_5, %get3A_6] : memref<2x5056x128xf32, #tpu.memory_space<vmem>>, vector<1x5000x128xf32>
    %get3A_8 = vector.shape_cast %get3A_7 : vector<1x5000x128xf32> to vector<5000x128xf32>
    %add3A = arith.addf %get3A_3, %get3A_8 : vector<5000x128xf32>
    %get3A_9 = arith.constant 0 : index
    %get3A_10 = arith.constant 0 : index
    %get3A_11 = vector.load %arg1[%get3A_9, %get3A_10] : memref<5000x128xf32, #tpu.memory_space<vmem>>, vector<5000x128xf32>
    %add3A_12 = arith.addf %add3A, %get3A_11 : vector<5000x128xf32>
    %get3A_13 = arith.constant 0 : index
    %get3A_14 = arith.constant 0 : index
    %get3A_15 = vector.load %arg2[%get3A_13, %get3A_14] : memref<5000x128xf32, #tpu.memory_space<vmem>>, vector<5000x128xf32>
    %mul3A = arith.mulf %add3A_12, %get3A_15 : vector<5000x128xf32>
    %get3A_16 = arith.constant 0 : index
    %get3A_17 = vector.load %arg3[%get3A_16] : memref<128xf32, #tpu.memory_space<vmem>>, vector<128xf32>
    %broadcast_in_dim3A = vector.shape_cast %get3A_17 : vector<128xf32> to vector<1x128xf32>
    %add3A_18 = vector.broadcast %broadcast_in_dim3A : vector<1x128xf32> to vector<5000x128xf32>
    %add3A_19 = arith.addf %mul3A, %add3A_18 : vector<5000x128xf32>
    %max3A = arith.constant 0.000000e+00 : f32
    %max3A_20 = vector.broadcast %max3A : f32 to vector<5000x128xf32>
    %max3A_21 = arith.maximumf %add3A_19, %max3A_20 : vector<5000x128xf32>
    %mul3A_22 = arith.mulf %max3A_21, %get3A_15 : vector<5000x128xf32>
    %swap3A = arith.constant 0 : index
    %swap3A_23 = arith.constant 0 : index
    %swap3A_24 = vector.load %arg4[%swap3A, %swap3A_23] : memref<5000x128xf32, #tpu.memory_space<vmem>>, vector<5000x128xf32>
    tpu.vector_store %arg4[%swap3A, %swap3A_23], %mul3A_22 {strides = array<i32>} : memref<5000x128xf32, #tpu.memory_space<vmem>>, vector<5000x128xf32>,
    return
  }
}

module attributes {stable_mosaic.version = 14 : i64} {
  func.func @_k4b_body(%arg0: memref<1250x512xf32, #tpu.memory_space<vmem>>, %arg1: memref<512x128xf32, #tpu.memory_space<vmem>>, %arg2: memref<1250x128xf32, #tpu.memory_space<vmem>>) attributes {dimension_semantics = [], scalar_prefetch = 0 : i64, scratch_operands = 0 : i64, tpu.core_type = #tpu.core_type<tc>} {
    %get3A = arith.constant 0 : index
    %get3A_0 = arith.constant 0 : index
    %get3A_1 = vector.load %arg0[%get3A, %get3A_0] : memref<1250x512xf32, #tpu.memory_space<vmem>>, vector<1250x512xf32>
    %get3A_2 = arith.constant 0 : index
    %get3A_3 = arith.constant 0 : index
    %get3A_4 = vector.load %arg1[%get3A_2, %get3A_3] : memref<512x128xf32, #tpu.memory_space<vmem>>, vector<512x128xf32>
    %dot_general3A = arith.constant dense<0.000000e+00> : vector<1250x128xf32>
    %dot_general3A_5 = tpu.matmul %get3A_1, %get3A_4, %dot_general3A {dimension_numbers = #tpu.dot_dimension_numbers<[1], [0], [0], [1], [0, 0, 1, 1], [], []>, transpose_lhs_hint = false} : vector<1250x512xf32>, vector<512x128xf32>, vector<1250x128xf32> -> vector<1250x128xf32>
    %swap3A = arith.constant 0 : index
    %swap3A_6 = arith.constant 0 : index
    %swap3A_7 = vector.load %arg2[%swap3A, %swap3A_6] : memref<1250x128xf32, #tpu.memory_space<vmem>>, vector<1250x128xf32>
    tpu.vector_store %arg2[%swap3A, %swap3A_6], %dot_general3A_5 {strides = array<i32>} : memref<1250x128xf32, #tpu.memory_space<vmem>>, vector<1250x128xf32>,
    return
  }
}

module attributes {stable_mosaic.version = 14 : i64} {
  func.func @_k6_body(%arg0: memref<2x1264x128xf32, #tpu.memory_space<vmem>>, %arg1: memref<1250x128xf32, #tpu.memory_space<vmem>>, %arg2: memref<1250x128xf32, #tpu.memory_space<vmem>>, %arg3: memref<128xf32, #tpu.memory_space<vmem>>, %arg4: memref<1250x128xf32, #tpu.memory_space<vmem>>) attributes {dimension_semantics = [], scalar_prefetch = 0 : i64, scratch_operands = 0 : i64, tpu.core_type = #tpu.core_type<tc>} {
    %get3A = arith.constant 0 : index
    %get3A_0 = arith.constant 0 : index
    %get3A_1 = arith.constant 0 : index
    %get3A_2 = vector.load %arg0[%get3A, %get3A_0, %get3A_1] : memref<2x1264x128xf32, #tpu.memory_space<vmem>>, vector<1x1250x128xf32>
    %get3A_3 = vector.shape_cast %get3A_2 : vector<1x1250x128xf32> to vector<1250x128xf32>
    %get3A_4 = arith.constant 1 : index
    %get3A_5 = arith.constant 0 : index
    %get3A_6 = arith.constant 0 : index
    %get3A_7 = vector.load %arg0[%get3A_4, %get3A_5, %get3A_6] : memref<2x1264x128xf32, #tpu.memory_space<vmem>>, vector<1x1250x128xf32>
    %get3A_8 = vector.shape_cast %get3A_7 : vector<1x1250x128xf32> to vector<1250x128xf32>
    %add3A = arith.addf %get3A_3, %get3A_8 : vector<1250x128xf32>
    %get3A_9 = arith.constant 0 : index
    %get3A_10 = arith.constant 0 : index
    %get3A_11 = vector.load %arg1[%get3A_9, %get3A_10] : memref<1250x128xf32, #tpu.memory_space<vmem>>, vector<1250x128xf32>
    %add3A_12 = arith.addf %add3A, %get3A_11 : vector<1250x128xf32>
    %get3A_13 = arith.constant 0 : index
    %get3A_14 = arith.constant 0 : index
    %get3A_15 = vector.load %arg2[%get3A_13, %get3A_14] : memref<1250x128xf32, #tpu.memory_space<vmem>>, vector<1250x128xf32>
    %mul3A = arith.mulf %add3A_12, %get3A_15 : vector<1250x128xf32>
    %get3A_16 = arith.constant 0 : index
    %get3A_17 = vector.load %arg3[%get3A_16] : memref<128xf32, #tpu.memory_space<vmem>>, vector<128xf32>
    %broadcast_in_dim3A = vector.shape_cast %get3A_17 : vector<128xf32> to vector<1x128xf32>
    %add3A_18 = vector.broadcast %broadcast_in_dim3A : vector<1x128xf32> to vector<1250x128xf32>
    %add3A_19 = arith.addf %mul3A, %add3A_18 : vector<1250x128xf32>
    %swap3A = arith.constant 0 : index
    %swap3A_20 = arith.constant 0 : index
    %swap3A_21 = vector.load %arg4[%swap3A, %swap3A_20] : memref<1250x128xf32, #tpu.memory_space<vmem>>, vector<1250x128xf32>
    tpu.vector_store %arg4[%swap3A, %swap3A_20], %add3A_19 {strides = array<i32>} : memref<1250x128xf32, #tpu.memory_space<vmem>>, vector<1250x128xf32>,
    return
  }
}

</mosaic_0001>

<sc_bundles>
// kernel: kernel.11.cloned.1.call-start
scs
__scs_entry_jumppad:
0x0: {  	(pc) =	sbr.rel $0x88, $3  }
0x1: {  	(tag) =	ssettag $0x0;
	lr =	simm.s32 $0x1  }
0x2: {  	[smem:$0x3F9B] =	sst lr;
	_ =	strace $0xD0000000  }
0x3: {  	_ = 	snop  }
0x4: {  	_ = 	snop  }
0x5: {  	_ = 	snop  }
0x6: {  	_ = 	snop  }
0x7: {  	_ = 	snop  }
__scs_overlays_trampoline_lowered:
0x8: {  	[smem:$0x3FAA] =	sst s0  }
0x9: {  	[smem:$0x3FAB] =	sst s1  }
0xa: {  	[smem:$0x3FAC] =	sst s2  }
0xb: {  	[smem:$0x3FAD] =	sst s3  }
0xc: {  	[smem:$0x3FAE] =	sst s4  }
0xd: {  	[smem:$0x3FAF] =	sst s5  }
0xe: {  	[smem:$0x3FB0] =	sst s6  }
0xf: {  	[smem:$0x3FB1] =	sst s7  }
0x10: {  	[smem:$0x3FB2] =	sst s8  }
0x11: {  	[smem:$0x3FB3] =	sst s9;
	s0 =	simm.s32 @!p0 $0x0  }
0x12: {  	s1 =	sld [smem:$0x3F99];
	s0 =	simm.s32 @p0 $0x1  }
0x13: {  	[smem:$0x3FB4] =	sst s0;
	s0 =	simm.s32 @!p1 $0x0  }
0x14: {  	s2 =	sld [smem:$0x3F98];
	s0 =	simm.s32 @p1 $0x1  }
0x15: {  	[smem:$0x3FB5] =	sst s0;
	s0 =	simm.s32 @!p2 $0x0  }
0x16: {  	s3 =	sld [smem:$0x3FDB];
	s0 =	simm.s32 @p2 $0x1  }
0x17: {  	s4 =	simm.s32 $0x1BF5;
	[smem:$0x3FB7] =	sst s0  }
0x18: {  	s0 =	sld [smem:$0x3F9A];
	_ =	swait.ge [sflag:s4], $0x0  }
0x19: {  	s7 =	sld [smem:$0x3F9B]  }
0x1a: {  	s8 =	sadd.s32 $0xFFFFE003, lr  }
0x1b: {  	s9 =	sadd.s32 $0xFFFFFEF7, lr;
	s5 =	simm.s32 $0xFFFFFFFF;
	p2 =	slt.u32 s8, $0xFFFFF086  }
0x1c: {  	p1 =	slt.u32 s9, $0xF7A;
	s5 =	simm.s32 @!p2 $0x0  }
0x1d: {  	s5 =	simm.s32 @p1 $0x1;
	p0 =	seq.s32 s7, s2  }
0x1e: {  	s7 =	smul.u32 @!p0 $0xF7A, s2;
	p2 =	seq.s32 @!p0 s5, $0x0  }
0x1f: {  	s9 =	smul.u32 $0xF7A, s1;
	s8 =	simm.s32 @!p0 $0x1BF5;
	p2 =	por !p2, p0  }
0x20: {  	[sflag:s8] =	ssyncset.s32 @!p0 $0xFFFFF086;
	s6 =	sadd.s32 @!p0 s3, s7;
	s7 =	simm.s32 @!p0 $0x108  }
0x21: {  	s3 =	sadd.s32 s3, s9;
	s6 =	sadd.s32 @!p0 $0x88, s6;
	s7 =	simm.s32 @p2 $0x1082  }
0x22: {  	[simem:s7], [sflag:s8] =	dma.local @!p0 [hbm:s6], $0xF7A  }
0x23: {  	s9 =	sor.u32 $0xD0000000, s2;
	s6 =	simm.s32 $0x108;
	_ =	swait.ge @!p0 [sflag:s8], $0x0  }
0x24: {  	s3 =	sadd.s32 $0x88, s3;
	s6 =	simm.s32 @!p1 $0x1082;
	[sflag:s4] =	ssyncset.s32 $0xFFFFF086  }
0x25: {  	[simem:s6], [sflag:s4] =	dma.local [hbm:s3], $0xF7A  }
0x26: {  	[smem:$0x3F9B] =	sst s1;
	(tag) =	ssettag s2;
	_ =	strace s9  }
0x27: {  	s1 =	sld [smem:$0x3FAB]  }
0x28: {  	s2 =	sld [smem:$0x3FAC]  }
0x29: {  	s4 =	sld [smem:$0x3FAE]  }
0x2a: {  	p0 =	seq.s32 s5, $0x0;
	s5 =	sld [smem:$0x3FAF]  }
0x2b: {  	s6 =	sld [smem:$0x3FB0]  }
0x2c: {  	s7 =	sld [smem:$0x3FB1]  }
0x2d: {  	s3 =	simm.s32 $0x108;
	s8 =	sld [smem:$0x3FB2]  }
0x2e: {  	s3 =	simm.s32 @!p0 $0x1082;
	s9 =	sld [smem:$0x3FB3]  }
0x2f: {  	lr =	sadd.s32 s0, s3;
	s0 =	sld [smem:$0x3FAA]  }
0x30: {  	s3 =	sld [smem:$0x3FAD]  }
0x31: {  	[smem:$0x3FB6] =	sst s10  }
0x32: {  	s10 =	sld [smem:$0x3FB4];
	_ =	sdelay $0x3  }
0x33: {  	p0 =	seq.s32 s10, $0x1;
	s10 =	sld [smem:$0x3FB6];
	_ =	sdelay $0x3  }
0x34: {  	[smem:$0x3FB6] =	sst s10  }
0x35: {  	s10 =	sld [smem:$0x3FB5];
	_ =	sdelay $0x3  }
0x36: {  	p1 =	seq.s32 s10, $0x1;
	s10 =	sld [smem:$0x3FB6];
	_ =	sdelay $0x3  }
0x37: {  	[smem:$0x3FB6] =	sst s10  }
0x38: {  	s10 =	sld [smem:$0x3FB7]  }
0x39: {  	_ = 	snop;
	(pc) =	sbr.ind lr, $3  }
0x3a: {  	_ = 	snop  }
0x3b: {  	_ = 	snop  }
0x3c: {  	p2 =	seq.s32 s10, $0x1;
	s10 =	sld [smem:$0x3FB6]  }
0x3d: {  	_ =	shalt  }
0x3e: {  	_ =	shalt  }
0x3f: {  	_ =	shalt  }
0x40: {  	_ =	shalt  }
0x41: {  	_ =	shalt  }
0x42: {  	_ =	shalt  }
0x43: {  	_ =	shalt  }
0x44: {  	_ =	shalt  }
0x45: {  	_ =	shalt  }
0x46: {  	_ =	shalt  }
0x47: {  	_ =	shalt  }
0x48: {  	_ =	shalt  }
0x49: {  	_ =	shalt  }
0x4a: {  	_ =	shalt  }
0x4b: {  	_ =	shalt  }
0x4c: {  	_ =	shalt  }
0x4d: {  	_ =	shalt  }
0x4e: {  	_ =	shalt  }
0x4f: {  	_ =	shalt  }
0x50: {  	_ =	shalt  }
0x51: {  	_ =	shalt  }
0x52: {  	_ =	shalt  }
0x53: {  	_ =	shalt  }
0x54: {  	_ =	shalt  }
0x55: {  	_ =	shalt  }
0x56: {  	_ =	shalt  }
0x57: {  	_ =	shalt  }
0x58: {  	_ =	shalt  }
0x59: {  	_ =	shalt  }
0x5a: {  	_ =	shalt  }
0x5b: {  	_ =	shalt  }
0x5c: {  	_ =	shalt  }
0x5d: {  	_ =	shalt  }
0x5e: {  	_ =	shalt  }
0x5f: {  	_ =	shalt  }
0x60: {  	_ =	shalt  }
0x61: {  	_ =	shalt  }
0x62: {  	_ =	shalt  }
0x63: {  	_ =	shalt  }
0x64: {  	_ =	shalt  }
0x65: {  	_ =	shalt  }
0x66: {  	_ =	shalt  }
0x67: {  	_ =	shalt  }
0x68: {  	_ =	shalt  }
0x69: {  	_ =	shalt  }
0x6a: {  	_ =	shalt  }
0x6b: {  	_ =	shalt  }
0x6c: {  	_ =	shalt  }
0x6d: {  	_ =	shalt  }
0x6e: {  	_ =	shalt  }
0x6f: {  	_ =	shalt  }
0x70: {  	_ =	shalt  }
0x71: {  	_ =	shalt  }
0x72: {  	_ =	shalt  }
0x73: {  	_ =	shalt  }
0x74: {  	_ =	shalt  }
0x75: {  	_ =	shalt  }
0x76: {  	_ =	shalt  }
0x77: {  	_ =	shalt  }
0x78: {  	_ =	shalt  }
0x79: {  	_ =	shalt  }
0x7a: {  	_ =	shalt  }
0x7b: {  	_ =	shalt  }
0x7c: {  	_ =	shalt  }
0x7d: {  	_ =	shalt  }
0x7e: {  	_ =	shalt  }
0x7f: {  	_ =	shalt  }
0x80: {  	_ =	shalt  }
0x81: {  	_ =	shalt  }
0x82: {  	_ =	shalt  }
0x83: {  	_ =	shalt  }
0x84: {  	_ =	shalt  }
0x85: {  	_ =	shalt  }
0x86: {  	_ =	shalt  }
0x87: {  	_ =	shalt  }
.Lfunc_end0:
.L_simem_size_0:
called_computation_lowered:
.L_overlay_start_0:
0x88: {  	s2 =	sld [smem:$0x3FD9]  }
0x89: {  	s3 =	sld [smem:$0x3FFE];
	_ =	sdelay $0x1  }
0x8a: {  	s1 =	srdreg.scid  }
0x8b: {  	s0 =	sand.u32 $0x1, s1  }
0x8c: {  	s17 =	sshll.u32 s0, $0xA;
	s2 =	sadd.s32 s3, s2  }
0x8d: {  	s2 =	sadd.s32 s2, s17  }
0x8e: {  	[smem:$0x3FC2] =	sst s2  }
0x8f: {  	_ = 	snop  }
0x90: {  	s2 =	sld [smem:$0x3FD0];
	(tm) =	ssettm $0x1  }
0x91: {  	s18 =	sld [smem:$0x3FFB];
	_ =	sdelay $0x3  }
0x92: {  	_ =	strace s18  }
0x93: {  	s3 =	sld [smem:$0x3FFC];
	_ =	sdelay $0x3  }
0x94: {  	_ =	strace s3  }
0x95: {  	s3 =	sld [smem:$0x3FFD];
	_ =	sdelay $0x3  }
0x96: {  	_ =	strace s3  }
0x97: {  	_ =	strace $0x8FFFFFFF  }
0x98: {  	s19 =	sld [smem:$0x3FDB];
	_ =	sdelay $0x1  }
0x99: {  	s4 =	simm.s32 $_scs_section_size  }
0x9a: {  	s5 =	simm.s32 $_size__tile_overlayer_lowered;
	s6 =	simm.s32 $_tile_overlayer_lowered  }
0x9b: {  	s22 =	simm.s32 $0x1BFF;
	s21 =	sshll.u32 s6, $0x1;
	s3 =	sadd.s32 s4, s19  }
0x9c: {  	s7 =	simm.s32 $0x0;
	s20 =	sshll.u32 s5, $0x1;
	s5 =	sadd.s32 s21, s3  }
0x9d: {  	[timem:s7], [sflag:s22] =	dma.local [hbm:s5], s20  }
0x9e: {  	_ =	swait.ge [sflag:s22], s20  }
0x9f: {  	s4 =	ssub.s32 $0x0, s20;
	[sflag:s22] =	ssyncset.done $0x0  }
0xa0: {  	[sflag:s22] =	ssyncadd.s32 s4;
	_ =	sdelay $0x1  }
0xa1: {  	s23 =	simm.s32 $0x1B8B  }
0xa2: {  	_ =	swait.ge [sflag:s23], $0x1  }
0xa3: {  	[sflag:s23] =	ssyncset.done $0x0  }
0xa4: {  	s25 =	simm.s32 $0x1B8E;
	s24 =	sld [smem:$0x3FFE];
	[sflag:s23] =	ssyncadd.s32 $0xFFFFFFFF  }
0xa5: {  	s26 =	simm.s32 $execute0_lowered;
	[smem:$0x3FD2] =	sst s25  }
0xa6: {  	s5 =	sshll.u32 s26, $0x1;
	_ =	strace $0x80000046;
	[dreg:$0x1] =	wrdreg $0xFFFFFFFF  }
0xa7: {  	s28 =	simm.s32 $_size_execute0_lowered;
	s3 =	sadd.s32 s3, s5;
	[dreg:$0x0] =	wrdreg $0x0  }
0xa8: {  	s5 =	sshll.u32 s28, $0x1;
	[dreg:$0x2] =	wrdreg s3  }
0xa9: {  	[dreg:$0x3] =	wrdreg s5  }
0xaa: {  	[dreg:$0x4] =	wrdreg $0xC0  }
0xab: {  	_ =	task [dreg:s7], $0x5FFFF  }
0xac: {  	[dreg:$0x1] =	wrdreg $0xFFFFFFFF  }
0xad: {  	[dreg:$0x0] =	wrdreg $0x60  }
0xae: {  	[dreg:$0x2] =	wrdreg s24  }
0xaf: {  	[dreg:$0x3] =	wrdreg s2  }
0xb0: {  	[dreg:$0x4] =	wrdreg $0x2A800  }
0xb1: {  	[dreg:$0x5] =	wrdreg $0x9  }
0xb2: {  	_ =	task.clear_ibuf [dreg:s7], $0x6FFFF;
	_ =	strace $0x90000046  }
0xb3: {  	s29 =	simm.s32 $0x9;
	_ =	strace $0x80000048  }
0xb4: {  	_ =	swait.ge [sflag:s29], $0x1  }
0xb5: {  	[sflag:s29] =	ssyncadd.s32 $0xFFFFFFFF  }
0xb6: {  	_ =	strace $0x90000048  }
0xb7: {  	_ =	sfence  }
0xb8: {  	s30 =	sld [smem:$0x0];
	_ =	sdelay $0x2  }
0xb9: {  	s31 =	sshll.u32 s1, $0xD;
	s1 =	sshrl.u32 s1, $0x2  }
0xba: {  	s3 =	sand.u32 $0x4000, s31;
	s1 =	sadd.s32 s1, s30  }
0xbb: {  	s0 =	sor.u32 s3, s0;
	s1 =	sshll.u32 s1, $0x11  }
0xbc: {  	s0 =	sor.u32 s1, s0  }
0xbd: {  	s0 =	sadd.s32 $0x8F2B, s0  }
0xbe: {  	[sflag:s0] =	ssyncadd.remote.s32 $0x1  }
0xbf: {  	_ =	sfence.sel $0xFFFF  }
0xc0: {  	[dreg:$0x0] =	wrdreg $0xFFFFFFFF;
	(pc) =	sbr.abs _section_cstart, $3  }
0xc1: {  	[dreg:$0x1] =	wrdreg $0xFFFFFFFF  }
0xc2: {  	_ =	task.clear_ibuf [dreg:s7], $0x2FFFF;
	_ =	strace $0x9FFFFFFF  }
0xc3: {  	(tm) =	ssettm $0x7FFFFFFF  }
tec
execute0_lowered:
.L_overlay_start_1:
0x0: {  	(tag) =	ssettag $0x1  }
0x1: {  	s4 =	rddreg [dreg:$0x0]  }
0x2: {  	s7 =	rddreg [dreg:$0x1];
	s1 =	srdreg.scid  }
0x3: {  	s0 =	stileid.u32;
	s2 =	rddreg [dreg:$0x2]  }
0x4: {  	s3 =	simm.s32 $0x0;
	s12 =	simm.s32 $0x1;
	s13 =	simm.s32 $0x2  }
0x5: {  	s14 =	simm.s32 $0x2;
	s15 =	simm.s32 $0x3;
	s16 =	simm.s32 $0x3  }
0x6: {  	s17 =	simm.s32 $0x5;
	s18 =	simm.s32 $0x2800;
	s19 =	simm.s32 $0x80  }
0x7: {  	s20 =	simm.s32 $0x2780;
	s21 =	simm.s32 $0x100;
	s22 =	simm.s32 $0x180  }
0x8: {  	s23 =	simm.s32 $0x2600;
	s24 =	simm.s32 $0x2680;
	s28 =	simm.s32 $0x0  }
0x9: {  	s5 =	sand.u32 $0x1, s1;
	s6 =	sshll.u32 s0, $0x1;
	s1 =	rddreg [dreg:$0x3]  }
0xa: {  	[smem:$0x7FF] =	sst s3;
	s9 =	sadd.s32 $0x2A00, s4;
	s10 =	smul.u32 $0x280, s0  }
0xb: {  	p0 =	slt.u32 s0, $0x2;
	s25 =	sshll.u32 s0, $0x6;
	s6 =	sor.u32 s5, s6  }
0xc: {  	_ =	strace $0x80000047;
	s30 =	ssub.s32 $0x2, s5;
	s5 =	smul.u32 $0x2800, s5  }
0xd: {  	s13 =	simm.s32 @!p0 $0x1;
	s15 =	simm.s32 @!p0 $0x2;
	s25 =	sor.u32 $0x1C05, s25  }
0xe: {  	s8 =	smul.u32 $0x2700, s6;
	s11 =	sshrl.u32 s30, $0x1;
	s6 =	sshll.u32 s6, $0x4  }
0xf: {  	s11 =	ssub.s32 s30, s11;
	s6 =	sadd.s32 s6, s9;
	s31 =	sadd.s32 s10, s5  }
0x10: {  	s8 =	sshrl.u32 s8, $0x3;
	s5 =	sadd.s32 $0x13840, s6;
	s6 =	sadd.s32 s10, s2  }
0x11: {  	s10 =	simm.s32 $0x4;
	s8 =	sadd.s32 s9, s8;
	s9 =	simm.s32 $0x4  }
0x12: {  	s26 =	sshrl.u32 s6, $0x3;
	s4 =	sadd.s32 $0x9C40, s8;
	s8 =	sshrl.u32 s31, $0x3  }
0x13: {  	s7 =	sadd.s32 s7, s8;
	s8 =	smax.u32 s11, $0x1;
	s11 =	simm.s32 $0x1  }
0x14: {  	v0 =	vimm.f32 $1.000000000e+00;
	v1 =	vimm.f32 $0.0e+00;
	s9 =	simm.s32 @!p0 $0x3;
	s11 =	simm.s32 @!p0 $0x4;
	p0 =	sgt.u32 s0, $0x1  }
.LBB2_1:
0x15: {  	[tilespmem:s3], [sflag:$0x5] =	stream.linear.gather [hbm4b:s4+s3], $0x2700, $0x38;
	[tilespmem:$0x2D00] =	vst v63  }
0x16: {  	_ =	swait.ge [sflag:s17], $0x2700  }
0x17: {  	[sflag:s17] =	ssyncset.done $0x0  }
0x18: {  	s29 =	simm.s32 @!p0 $0x0;
	s30 =	simm.s32 @!p0 $0x2700;
	[sflag:s17] =	ssyncadd.s32 $0xFFFFD900  }
0x19: {  	[tilespmem:s30], [sflag:$0x5] =	stream.linear.gather @!p0 [hbm4b:s5+s29], $0x80, $0x38;
	[tilespmem:$0x2D00] =	vst v63  }
0x1a: {  	s29 =	simm.s32 @!p0 $0x5  }
0x1b: {  	_ =	swait.ge @!p0 [sflag:s29], $0x80  }
0x1c: {  	[sflag:s29] =	ssyncset.done @!p0 $0x0  }
0x1d: {  	[sflag:s29] =	ssyncadd.s32 @!p0 $0xFFFFFF80  }
0x1e: {  	[tilespmem:$0x2780] =	vst v0  }
0x1f: {  	[tilespmem:$0x2790] =	vst v0  }
0x20: {  	[tilespmem:$0x27A0] =	vst v0  }
0x21: {  	[tilespmem:$0x27B0] =	vst v0  }
0x22: {  	[tilespmem:$0x27C0] =	vst v0  }
0x23: {  	[tilespmem:$0x27D0] =	vst v0  }
0x24: {  	[tilespmem:$0x27E0] =	vst v0  }
0x25: {  	[tilespmem:$0x27F0] =	vst v0  }
0x26: {  	[tilespmem:$0x2800] =	vst v1  }
0x27: {  	[tilespmem:$0x2810] =	vst v1  }
0x28: {  	[tilespmem:$0x2820] =	vst v1  }
0x29: {  	[tilespmem:$0x2830] =	vst v1  }
0x2a: {  	[tilespmem:$0x2840] =	vst v1  }
0x2b: {  	[tilespmem:$0x2850] =	vst v1  }
0x2c: {  	[tilespmem:$0x2860] =	vst v1  }
0x2d: {  	[tilespmem:$0x2870] =	vst v1  }
0x2e: {  	[tilespmem:$0x2880] =	vst v1  }
0x2f: {  	[tilespmem:$0x2890] =	vst v1  }
0x30: {  	[tilespmem:$0x28A0] =	vst v1  }
0x31: {  	[tilespmem:$0x28B0] =	vst v1  }
0x32: {  	[tilespmem:$0x28C0] =	vst v1  }
0x33: {  	[tilespmem:$0x28D0] =	vst v1  }
0x34: {  	[tilespmem:$0x28E0] =	vst v1  }
0x35: {  	[tilespmem:$0x28F0] =	vst v1  }
0x36: {  	[tilespmem:$0x2900] =	vst v1  }
0x37: {  	[tilespmem:$0x2910] =	vst v1  }
0x38: {  	[tilespmem:$0x2920] =	vst v1  }
0x39: {  	[tilespmem:$0x2930] =	vst v1  }
0x3a: {  	[tilespmem:$0x2940] =	vst v1  }
0x3b: {  	[tilespmem:$0x2950] =	vst v1  }
0x3c: {  	[tilespmem:$0x2960] =	vst v1  }
0x3d: {  	[tilespmem:$0x2970] =	vst v1  }
0x3e: {  	[tilespmem:$0x2980] =	vst v1  }
0x3f: {  	[tilespmem:$0x2990] =	vst v1  }
0x40: {  	[tilespmem:$0x29A0] =	vst v1  }
0x41: {  	[tilespmem:$0x29B0] =	vst v1  }
0x42: {  	[tilespmem:$0x29C0] =	vst v1  }
0x43: {  	[tilespmem:$0x29D0] =	vst v1  }
0x44: {  	[tilespmem:$0x29E0] =	vst v1  }
0x45: {  	[tilespmem:$0x29F0] =	vst v1  }
0x46: {  	[tilespmem:$0x2A00] =	vst v1  }
0x47: {  	[tilespmem:$0x2A10] =	vst v1  }
0x48: {  	[tilespmem:$0x2A20] =	vst v1  }
0x49: {  	[tilespmem:$0x2A30] =	vst v1  }
0x4a: {  	[tilespmem:$0x2A40] =	vst v1  }
0x4b: {  	[tilespmem:$0x2A50] =	vst v1  }
0x4c: {  	[tilespmem:$0x2A60] =	vst v1  }
0x4d: {  	[tilespmem:$0x2A70] =	vst v1  }
0x4e: {  	[spmem:s6] =	stream.linear.scatter [tilespmem:s18], [sflag:$0x5], $0x280, $0x38;
	[tilespmem:$0x2D00] =	vst v63  }
0x4f: {  	_ =	swait.ge [sflag:s17], $0x280  }
0x50: {  	[sflag:s17] =	ssyncset.done $0x0  }
0x51: {  	[sflag:s17] =	ssyncadd.s32 $0xFFFFFD80  }
0x52: {  	[bflag:$0x0] =	sbarrier.arrive $0xFFFF  }
0x53: {  	[spmem:s2] =	stream.indirect.scatter.add.f32 [tilespmem:s20], [sflag:$0x1], $0x1, s3, s19, $0xb8;
	[tilespmem:$0x2D00] =	vst v63  }
0x54: {  	_ = 	snop  }
0x55: {  	[spmem:s2] =	stream.indirect.scatter.add.f32 [tilespmem:s20], [sflag:$0x2], $0x1, s19, s19, $0xb8;
	[tilespmem:$0x2D00] =	vst v63  }
0x56: {  	_ = 	snop  }
0x57: {  	[spmem:s2] =	stream.indirect.scatter.add.f32 [tilespmem:s20], [sflag:$0x3], $0x1, s21, s19, $0xb8;
	[tilespmem:$0x2D00] =	vst v63  }
0x58: {  	_ = 	snop  }
0x59: {  	[spmem:s2] =	stream.indirect.scatter.add.f32 [tilespmem:s20], [sflag:$0x4], $0x1, s22, s19, $0xb8;
	[tilespmem:$0x2D00] =	vst v63  }
0x5a: {  	_ =	swait.ge [sflag:s12], $0x80  }
0x5b: {  	[sflag:s12] =	ssyncset.done $0x0  }
0x5c: {  	s29 =	simm.s32 $0x200;
	[sflag:s12] =	ssyncadd.s32 $0xFFFFFF80  }
0x5d: {  	[spmem:s2] =	stream.indirect.scatter.add.f32 [tilespmem:s20], [sflag:$0x1], $0x1, s29, s19, $0xb8;
	[tilespmem:$0x2D00] =	vst v63  }
0x5e: {  	_ =	swait.ge [sflag:s14], $0x80  }
0x5f: {  	[sflag:s14] =	ssyncset.done $0x0  }
0x60: {  	s29 =	simm.s32 $0x280;
	[sflag:s14] =	ssyncadd.s32 $0xFFFFFF80  }
0x61: {  	[spmem:s2] =	stream.indirect.scatter.add.f32 [tilespmem:s20], [sflag:$0x2], $0x1, s29, s19, $0xb8;
	[tilespmem:$0x2D00] =	vst v63  }
0x62: {  	_ =	swait.ge [sflag:s16], $0x80  }
0x63: {  	[sflag:s16] =	ssyncset.done $0x0  }
0x64: {  	s29 =	simm.s32 $0x300;
	[sflag:s16] =	ssyncadd.s32 $0xFFFFFF80  }
0x65: {  	[spmem:s2] =	stream.indirect.scatter.add.f32 [tilespmem:s20], [sflag:$0x3], $0x1, s29, s19, $0xb8;
	[tilespmem:$0x2D00] =	vst v63  }
0x66: {  	_ =	swait.ge [sflag:s10], $0x80  }
0x67: {  	[sflag:s10] =	ssyncset.done $0x0  }
0x68: {  	s30 =	simm.s32 $0x380;
	s29 =	simm.s32 $0xFFFF7800;
	[sflag:s10] =	ssyncadd.s32 $0xFFFFFF80  }
.LBB2_2:
0x69: {  	[spmem:s2] =	stream.indirect.scatter.add.f32 [tilespmem:s20], [sflag:$0x4], $0x1, s30, s19, $0xb8;
	[tilespmem:$0x2D00] =	vst v63  }
0x6a: {  	s30 =	smov.u32 s29  }
0x6b: {  	p1 =	sne.s32 s29, $0xFFFFF800;
	s29 =	sadd.s32 $0x800, s29;
	_ =	swait.ge [sflag:s12], $0x80  }
0x6c: {  	s30 =	sshra.s32 s30, $0x2;
	[sflag:s12] =	ssyncset.done $0x0  }
0x6d: {  	s31 =	sadd.s32 $0x2600, s30;
	[sflag:s12] =	ssyncadd.s32 $0xFFFFFF80  }
0x6e: {  	[spmem:s2] =	stream.indirect.scatter.add.f32 [tilespmem:s20], [sflag:$0x1], $0x1, s31, s19, $0xb8;
	[tilespmem:$0x2D00] =	vst v63  }
0x6f: {  	_ =	swait.ge [sflag:s14], $0x80  }
0x70: {  	[sflag:s14] =	ssyncset.done $0x0  }
0x71: {  	s31 =	sadd.s32 $0x2680, s30;
	[sflag:s14] =	ssyncadd.s32 $0xFFFFFF80  }
0x72: {  	[spmem:s2] =	stream.indirect.scatter.add.f32 [tilespmem:s20], [sflag:$0x2], $0x1, s31, s19, $0xb8;
	[tilespmem:$0x2D00] =	vst v63  }
0x73: {  	_ =	swait.ge [sflag:s16], $0x80  }
0x74: {  	[sflag:s16] =	ssyncset.done $0x0  }
.Ltmp0:
0x75: {  	s31 =	sadd.s32 $0x2700, s30;
	[sflag:s16] =	ssyncadd.s32 $0xFFFFFF80;
	(pc) =	sbr.rel @p1 .LBB2_2-.Ltmp0, $4  }
0x76: {  	[spmem:s2] =	stream.indirect.scatter.add.f32 [tilespmem:s20], [sflag:$0x3], $0x1, s31, s19, $0xb8;
	[tilespmem:$0x2D00] =	vst v63  }
0x77: {  	_ =	swait.ge [sflag:s10], $0x80  }
0x78: {  	[sflag:s10] =	ssyncset.done $0x0  }
0x79: {  	s30 =	sadd.s32 $0x2780, s30;
	[sflag:s10] =	ssyncadd.s32 $0xFFFFFF80  }
0x7a: {  	[spmem:s2] =	stream.indirect.scatter.add.f32 [tilespmem:s20], [sflag:$0x4], $0x1, s30, s19, $0xb8;
	[tilespmem:$0x2D00] =	vst v63  }
0x7b: {  	_ =	swait.ge [sflag:s12], $0x80  }
0x7c: {  	[sflag:s12] =	ssyncset.done $0x0  }
0x7d: {  	[sflag:s12] =	ssyncadd.s32 $0xFFFFFF80  }
0x7e: {  	[spmem:s2] =	stream.indirect.scatter.add.f32 [tilespmem:s20], [sflag:$0x1], $0x1, s23, s19, $0xb8;
	[tilespmem:$0x2D00] =	vst v63  }
0x7f: {  	_ =	swait.ge [sflag:s14], $0x80  }
0x80: {  	[sflag:s14] =	ssyncset.done $0x0  }
0x81: {  	s29 =	simm.s32 @!p0 $0x3;
	[sflag:s14] =	ssyncadd.s32 $0xFFFFFF80  }
0x82: {  	[spmem:s2] =	stream.indirect.scatter.add.f32 [tilespmem:s20], [sflag:$0x2], $0x1, s24, s19, $0xb8;
	[tilespmem:$0x2D00] =	vst v63  }
0x83: {  	_ =	swait.ge @!p0 [sflag:s29], $0x80  }
0x84: {  	s30 =	simm.s32 @!p0 $0x2700;
	[sflag:s29] =	ssyncset.done @!p0 $0x0  }
0x85: {  	s31 =	simm.s32 @!p0 $0x2780;
	[sflag:s29] =	ssyncadd.s32 @!p0 $0xFFFFFF80;
	s29 =	simm.s32 @!p0 $0x80  }
0x86: {  	[spmem:s2] =	stream.indirect.scatter.add.f32 @!p0 [tilespmem:s31], [sflag:$0x3], $0x1, s30, s29, $0xb8;
	[tilespmem:$0x2D00] =	vst v63  }
0x87: {  	_ =	swait.ge [sflag:s9], $0x80  }
0x88: {  	[sflag:s9] =	ssyncset.done $0x0  }
0x89: {  	[sflag:s9] =	ssyncadd.s32 $0xFFFFFF80  }
0x8a: {  	_ =	swait.ge [sflag:s11], $0x80  }
0x8b: {  	[sflag:s11] =	ssyncset.done $0x0  }
0x8c: {  	[sflag:s11] =	ssyncadd.s32 $0xFFFFFF80  }
0x8d: {  	_ =	swait.ge [sflag:s13], $0x80  }
0x8e: {  	[sflag:s13] =	ssyncset.done $0x0  }
0x8f: {  	[sflag:s13] =	ssyncadd.s32 $0xFFFFFF80  }
0x90: {  	_ =	swait.ge [sflag:s15], $0x80  }
0x91: {  	s28 =	sadd.s32 $0x1, s28;
	[sflag:s15] =	ssyncset.done $0x0  }
0x92: {  	p1 =	sne.s32 s28, s8;
	[sflag:s15] =	ssyncadd.s32 $0xFFFFFF80  }
.Ltmp1:
0x93: {  	[bflag:$0x0] =	sbarrier.arrive $0xFFFF;
	(pc) =	sbr.rel @p1 .LBB2_1-.Ltmp1, $4  }
0x94: {  	[hbm:s7], [sflag:s25] =	dma.local [spmem:s26], $0x50  }
0x95: {  	_ =	swait.ge [sflag:s17], $0x50  }
0x96: {  	[sflag:s17] =	ssyncset.done $0x0  }
0x97: {  	[sflag:s17] =	ssyncadd.s32 $0xFFFFFFB0  }
0x98: {  	_ =	sfence.sel $0x180000  }
0x99: {  	[bflag:$0x0] =	sbarrier.arrive $0xFFFF  }
0x9a: {  	p0 =	sne.s32 s0, $0x0;
	_ =	strace $0x90000047  }
0x9b: {  	s0 =	sadd.s32 @!p0 $0x100000, s1;
	[bflag:$0x2] =	sbarrier.arrive $0xFFFF  }
0x9c: {  	[sflag:s0] =	ssyncadd.tile.s32 @!p0 $0x1;
	_ =	shalt  }
.Lfunc_end2:
_tile_overlayer_lowered:
.L_overlay_start_2:
0x9d: {  	(tag) =	ssettag $0x2  }
0x9e: {  	s0 =	rddreg [dreg:$0x0];
	s2 =	stileid.u32  }
0x9f: {  	s1 =	rddreg [dreg:$0x1];
	p0 =	sne.s32 s2, $0x0  }
0xa0: {  	s3 =	rddreg [dreg:$0x2];
	[bflag:$0x3] =	sbarrier.arrive $0xFFFF;
	s2 =	simm.s32 @!p0 $0x1C05  }
0xa1: {  	[timem:s3], [sflag:s2] =	dma.local @!p0 [hbm:s0], s1  }
0xa2: {  	s0 =	simm.s32 @!p0 $0x5  }
0xa3: {  	_ =	swait.ge @!p0 [sflag:s0], s1  }
0xa4: {  	s1 =	ssub.s32 @!p0 $0x0, s1;
	[sflag:s0] =	ssyncset.done @!p0 $0x0  }
0xa5: {  	[sflag:s0] =	ssyncadd.s32 @!p0 s1  }
0xa6: {  	[bflag:$0x3] =	sbarrier.arrive $0xFFFF  }
0xa7: {  	_ =	shalt  }

// kernel: kernel.14.cloned.1.call-start
scs
__scs_entry_jumppad:
0x0: {  	(pc) =	sbr.rel $0x88, $3  }
0x1: {  	(tag) =	ssettag $0x0;
	lr =	simm.s32 $0x1  }
0x2: {  	[smem:$0x3F9B] =	sst lr;
	_ =	strace $0xD0000000  }
0x3: {  	_ = 	snop  }
0x4: {  	_ = 	snop  }
0x5: {  	_ = 	snop  }
0x6: {  	_ = 	snop  }
0x7: {  	_ = 	snop  }
__scs_overlays_trampoline_lowered:
0x8: {  	[smem:$0x3FAA] =	sst s0  }
0x9: {  	[smem:$0x3FAB] =	sst s1  }
0xa: {  	[smem:$0x3FAC] =	sst s2  }
0xb: {  	[smem:$0x3FAD] =	sst s3  }
0xc: {  	[smem:$0x3FAE] =	sst s4  }
0xd: {  	[smem:$0x3FAF] =	sst s5  }
0xe: {  	[smem:$0x3FB0] =	sst s6  }
0xf: {  	[smem:$0x3FB1] =	sst s7  }
0x10: {  	[smem:$0x3FB2] =	sst s8  }
0x11: {  	[smem:$0x3FB3] =	sst s9;
	s0 =	simm.s32 @!p0 $0x0  }
0x12: {  	s1 =	sld [smem:$0x3F99];
	s0 =	simm.s32 @p0 $0x1  }
0x13: {  	[smem:$0x3FB4] =	sst s0;
	s0 =	simm.s32 @!p1 $0x0  }
0x14: {  	s2 =	sld [smem:$0x3F98];
	s0 =	simm.s32 @p1 $0x1  }
0x15: {  	[smem:$0x3FB5] =	sst s0;
	s0 =	simm.s32 @!p2 $0x0  }
0x16: {  	s3 =	sld [smem:$0x3FDB];
	s0 =	simm.s32 @p2 $0x1  }
0x17: {  	s4 =	simm.s32 $0x1BF5;
	[smem:$0x3FB7] =	sst s0  }
0x18: {  	s0 =	sld [smem:$0x3F9A];
	_ =	swait.ge [sflag:s4], $0x0  }
0x19: {  	s7 =	sld [smem:$0x3F9B]  }
0x1a: {  	s8 =	sadd.s32 $0xFFFFE003, lr  }
0x1b: {  	s9 =	sadd.s32 $0xFFFFFEF7, lr;
	s5 =	simm.s32 $0xFFFFFFFF;
	p2 =	slt.u32 s8, $0xFFFFF086  }
0x1c: {  	p1 =	slt.u32 s9, $0xF7A;
	s5 =	simm.s32 @!p2 $0x0  }
0x1d: {  	s5 =	simm.s32 @p1 $0x1;
	p0 =	seq.s32 s7, s2  }
0x1e: {  	s7 =	smul.u32 @!p0 $0xF7A, s2;
	p2 =	seq.s32 @!p0 s5, $0x0  }
0x1f: {  	s9 =	smul.u32 $0xF7A, s1;
	s8 =	simm.s32 @!p0 $0x1BF5;
	p2 =	por !p2, p0  }
0x20: {  	[sflag:s8] =	ssyncset.s32 @!p0 $0xFFFFF086;
	s6 =	sadd.s32 @!p0 s3, s7;
	s7 =	simm.s32 @!p0 $0x108  }
0x21: {  	s3 =	sadd.s32 s3, s9;
	s6 =	sadd.s32 @!p0 $0x88, s6;
	s7 =	simm.s32 @p2 $0x1082  }
0x22: {  	[simem:s7], [sflag:s8] =	dma.local @!p0 [hbm:s6], $0xF7A  }
0x23: {  	s9 =	sor.u32 $0xD0000000, s2;
	s6 =	simm.s32 $0x108;
	_ =	swait.ge @!p0 [sflag:s8], $0x0  }
0x24: {  	s3 =	sadd.s32 $0x88, s3;
	s6 =	simm.s32 @!p1 $0x1082;
	[sflag:s4] =	ssyncset.s32 $0xFFFFF086  }
0x25: {  	[simem:s6], [sflag:s4] =	dma.local [hbm:s3], $0xF7A  }
0x26: {  	[smem:$0x3F9B] =	sst s1;
	(tag) =	ssettag s2;
	_ =	strace s9  }
0x27: {  	s1 =	sld [smem:$0x3FAB]  }
0x28: {  	s2 =	sld [smem:$0x3FAC]  }
0x29: {  	s4 =	sld [smem:$0x3FAE]  }
0x2a: {  	p0 =	seq.s32 s5, $0x0;
	s5 =	sld [smem:$0x3FAF]  }
0x2b: {  	s6 =	sld [smem:$0x3FB0]  }
0x2c: {  	s7 =	sld [smem:$0x3FB1]  }
0x2d: {  	s3 =	simm.s32 $0x108;
	s8 =	sld [smem:$0x3FB2]  }
0x2e: {  	s3 =	simm.s32 @!p0 $0x1082;
	s9 =	sld [smem:$0x3FB3]  }
0x2f: {  	lr =	sadd.s32 s0, s3;
	s0 =	sld [smem:$0x3FAA]  }
0x30: {  	s3 =	sld [smem:$0x3FAD]  }
0x31: {  	[smem:$0x3FB6] =	sst s10  }
0x32: {  	s10 =	sld [smem:$0x3FB4];
	_ =	sdelay $0x3  }
0x33: {  	p0 =	seq.s32 s10, $0x1;
	s10 =	sld [smem:$0x3FB6];
	_ =	sdelay $0x3  }
0x34: {  	[smem:$0x3FB6] =	sst s10  }
0x35: {  	s10 =	sld [smem:$0x3FB5];
	_ =	sdelay $0x3  }
0x36: {  	p1 =	seq.s32 s10, $0x1;
	s10 =	sld [smem:$0x3FB6];
	_ =	sdelay $0x3  }
0x37: {  	[smem:$0x3FB6] =	sst s10  }
0x38: {  	s10 =	sld [smem:$0x3FB7]  }
0x39: {  	_ = 	snop;
	(pc) =	sbr.ind lr, $3  }
0x3a: {  	_ = 	snop  }
0x3b: {  	_ = 	snop  }
0x3c: {  	p2 =	seq.s32 s10, $0x1;
	s10 =	sld [smem:$0x3FB6]  }
0x3d: {  	_ =	shalt  }
0x3e: {  	_ =	shalt  }
0x3f: {  	_ =	shalt  }
0x40: {  	_ =	shalt  }
0x41: {  	_ =	shalt  }
0x42: {  	_ =	shalt  }
0x43: {  	_ =	shalt  }
0x44: {  	_ =	shalt  }
0x45: {  	_ =	shalt  }
0x46: {  	_ =	shalt  }
0x47: {  	_ =	shalt  }
0x48: {  	_ =	shalt  }
0x49: {  	_ =	shalt  }
0x4a: {  	_ =	shalt  }
0x4b: {  	_ =	shalt  }
0x4c: {  	_ =	shalt  }
0x4d: {  	_ =	shalt  }
0x4e: {  	_ =	shalt  }
0x4f: {  	_ =	shalt  }
0x50: {  	_ =	shalt  }
0x51: {  	_ =	shalt  }
0x52: {  	_ =	shalt  }
0x53: {  	_ =	shalt  }
0x54: {  	_ =	shalt  }
0x55: {  	_ =	shalt  }
0x56: {  	_ =	shalt  }
0x57: {  	_ =	shalt  }
0x58: {  	_ =	shalt  }
0x59: {  	_ =	shalt  }
0x5a: {  	_ =	shalt  }
0x5b: {  	_ =	shalt  }
0x5c: {  	_ =	shalt  }
0x5d: {  	_ =	shalt  }
0x5e: {  	_ =	shalt  }
0x5f: {  	_ =	shalt  }
0x60: {  	_ =	shalt  }
0x61: {  	_ =	shalt  }
0x62: {  	_ =	shalt  }
0x63: {  	_ =	shalt  }
0x64: {  	_ =	shalt  }
0x65: {  	_ =	shalt  }
0x66: {  	_ =	shalt  }
0x67: {  	_ =	shalt  }
0x68: {  	_ =	shalt  }
0x69: {  	_ =	shalt  }
0x6a: {  	_ =	shalt  }
0x6b: {  	_ =	shalt  }
0x6c: {  	_ =	shalt  }
0x6d: {  	_ =	shalt  }
0x6e: {  	_ =	shalt  }
0x6f: {  	_ =	shalt  }
0x70: {  	_ =	shalt  }
0x71: {  	_ =	shalt  }
0x72: {  	_ =	shalt  }
0x73: {  	_ =	shalt  }
0x74: {  	_ =	shalt  }
0x75: {  	_ =	shalt  }
0x76: {  	_ =	shalt  }
0x77: {  	_ =	shalt  }
0x78: {  	_ =	shalt  }
0x79: {  	_ =	shalt  }
0x7a: {  	_ =	shalt  }
0x7b: {  	_ =	shalt  }
0x7c: {  	_ =	shalt  }
0x7d: {  	_ =	shalt  }
0x7e: {  	_ =	shalt  }
0x7f: {  	_ =	shalt  }
0x80: {  	_ =	shalt  }
0x81: {  	_ =	shalt  }
0x82: {  	_ =	shalt  }
0x83: {  	_ =	shalt  }
0x84: {  	_ =	shalt  }
0x85: {  	_ =	shalt  }
0x86: {  	_ =	shalt  }
0x87: {  	_ =	shalt  }
.Lfunc_end0:
.L_simem_size_0:
called_computation.1_lowered:
.L_overlay_start_0:
0x88: {  	s2 =	sld [smem:$0x3FD9]  }
0x89: {  	s3 =	sld [smem:$0x3FFE];
	_ =	sdelay $0x1  }
0x8a: {  	s1 =	srdreg.scid  }
0x8b: {  	s0 =	sand.u32 $0x1, s1  }
0x8c: {  	s17 =	sshll.u32 s0, $0xA;
	s2 =	sadd.s32 s3, s2  }
0x8d: {  	s2 =	sadd.s32 s2, s17  }
0x8e: {  	[smem:$0x3FC2] =	sst s2  }
0x8f: {  	_ = 	snop  }
0x90: {  	s2 =	sld [smem:$0x3FD0];
	(tm) =	ssettm $0x1  }
0x91: {  	s18 =	sld [smem:$0x3FFB];
	_ =	sdelay $0x3  }
0x92: {  	_ =	strace s18  }
0x93: {  	s3 =	sld [smem:$0x3FFC];
	_ =	sdelay $0x3  }
0x94: {  	_ =	strace s3  }
0x95: {  	s3 =	sld [smem:$0x3FFD];
	_ =	sdelay $0x3  }
0x96: {  	_ =	strace s3  }
0x97: {  	_ =	strace $0x8FFFFFFF  }
0x98: {  	s19 =	sld [smem:$0x3FDB];
	_ =	sdelay $0x1  }
0x99: {  	s4 =	simm.s32 $_scs_section_size  }
0x9a: {  	s5 =	simm.s32 $_size__tile_overlayer_lowered;
	s6 =	simm.s32 $_tile_overlayer_lowered  }
0x9b: {  	s22 =	simm.s32 $0x1BFF;
	s21 =	sshll.u32 s6, $0x1;
	s3 =	sadd.s32 s4, s19  }
0x9c: {  	s7 =	simm.s32 $0x0;
	s20 =	sshll.u32 s5, $0x1;
	s5 =	sadd.s32 s21, s3  }
0x9d: {  	[timem:s7], [sflag:s22] =	dma.local [hbm:s5], s20  }
0x9e: {  	_ =	swait.ge [sflag:s22], s20  }
0x9f: {  	s4 =	ssub.s32 $0x0, s20;
	[sflag:s22] =	ssyncset.done $0x0  }
0xa0: {  	[sflag:s22] =	ssyncadd.s32 s4;
	_ =	sdelay $0x1  }
0xa1: {  	s23 =	simm.s32 $0x1B8B  }
0xa2: {  	_ =	swait.ge [sflag:s23], $0x1  }
0xa3: {  	[sflag:s23] =	ssyncset.done $0x0  }
0xa4: {  	s25 =	simm.s32 $0x1B8E;
	s24 =	sld [smem:$0x3FFE];
	[sflag:s23] =	ssyncadd.s32 $0xFFFFFFFF  }
0xa5: {  	s26 =	simm.s32 $execute0_lowered;
	[smem:$0x3FD2] =	sst s25  }
0xa6: {  	s5 =	sshll.u32 s26, $0x1;
	_ =	strace $0x80000049;
	[dreg:$0x1] =	wrdreg $0xFFFFFFFF  }
0xa7: {  	s28 =	simm.s32 $_size_execute0_lowered;
	s3 =	sadd.s32 s3, s5;
	[dreg:$0x0] =	wrdreg $0x0  }
0xa8: {  	s5 =	sshll.u32 s28, $0x1;
	[dreg:$0x2] =	wrdreg s3  }
0xa9: {  	[dreg:$0x3] =	wrdreg s5  }
0xaa: {  	[dreg:$0x4] =	wrdreg $0xC0  }
0xab: {  	_ =	task [dreg:s7], $0x5FFFF  }
0xac: {  	[dreg:$0x1] =	wrdreg $0xFFFFFFFF  }
0xad: {  	[dreg:$0x0] =	wrdreg $0x60  }
0xae: {  	[dreg:$0x2] =	wrdreg s24  }
0xaf: {  	[dreg:$0x3] =	wrdreg s2  }
0xb0: {  	[dreg:$0x4] =	wrdreg $0x14F000  }
0xb1: {  	[dreg:$0x5] =	wrdreg $0x9  }
0xb2: {  	_ =	task.clear_ibuf [dreg:s7], $0x6FFFF;
	_ =	strace $0x90000049  }
0xb3: {  	s29 =	simm.s32 $0x9;
	_ =	strace $0x8000004B  }
0xb4: {  	_ =	swait.ge [sflag:s29], $0x1  }
0xb5: {  	[sflag:s29] =	ssyncadd.s32 $0xFFFFFFFF  }
0xb6: {  	_ =	strace $0x9000004B  }
0xb7: {  	_ =	sfence  }
0xb8: {  	s30 =	sld [smem:$0x0];
	_ =	sdelay $0x2  }
0xb9: {  	s31 =	sshll.u32 s1, $0xD;
	s1 =	sshrl.u32 s1, $0x2  }
0xba: {  	s3 =	sand.u32 $0x4000, s31;
	s1 =	sadd.s32 s1, s30  }
0xbb: {  	s0 =	sor.u32 s3, s0;
	s1 =	sshll.u32 s1, $0x11  }
0xbc: {  	s0 =	sor.u32 s1, s0  }
0xbd: {  	s0 =	sadd.s32 $0x8F2B, s0  }
0xbe: {  	[sflag:s0] =	ssyncadd.remote.s32 $0x1  }
0xbf: {  	_ =	sfence.sel $0xFFFF  }
0xc0: {  	[dreg:$0x0] =	wrdreg $0xFFFFFFFF;
	(pc) =	sbr.abs _section_cstart, $3  }
0xc1: {  	[dreg:$0x1] =	wrdreg $0xFFFFFFFF  }
0xc2: {  	_ =	task.clear_ibuf [dreg:s7], $0x2FFFF;
	_ =	strace $0x9FFFFFFF  }
0xc3: {  	(tm) =	ssettm $0x7FFFFFFF  }
tec
execute0_lowered:
.L_overlay_start_1:
0x0: {  	(tag) =	ssettag $0x1  }
0x1: {  	s0 =	rddreg [dreg:$0x0];
	s1 =	srdreg.scid  }
0x2: {  	s9 =	stileid.u32;
	s3 =	rddreg [dreg:$0x2]  }
0x3: {  	s5 =	simm.s32 $0x0;
	s10 =	simm.s32 $0x11;
	s20 =	simm.s32 $0x80  }
0x4: {  	s14 =	simm.s32 $0x4F00;
	s28 =	simm.s32 $0x1;
	s29 =	simm.s32 $0xCF00  }
0x5: {  	s30 =	simm.s32 $0x2;
	s31 =	simm.s32 $0xEF00;
	s17 =	simm.s32 $0x9  }
0x6: {  	s1 =	sand.u32 $0x1, s1;
	s2 =	smul.u32 $0x9E00, s9;
	[smem:$0x7FF] =	sst s5  }
0x7: {  	s21 =	sshll.u32 s9, $0x1;
	s5 =	sadd.s32 $0x16400, s0;
	s8 =	sadd.s32 $0x2A00, s0  }
0x8: {  	p0 =	slt.u32 s9, $0x2;
	s26 =	sshll.u32 s9, $0x6;
	s4 =	smul.u32 $0x9E000, s1  }
0x9: {  	_ =	strace $0x8000004A;
	s6 =	sor.u32 s1, s21;
	s1 =	ssub.s32 $0x2, s1  }
0xa: {  	s11 =	sor.u32 $0x1C11, s26;
	s26 =	simm.s32 $0xAF00;
	s7 =	smul.u32 $0x2700, s6  }
0xb: {  	s22 =	sshrl.u32 s1, $0x1;
	s6 =	sshll.u32 s6, $0x4;
	[dreg:$0xe] =	wrdreg s11  }
0xc: {  	s4 =	sadd.s32 s2, s4;
	s1 =	ssub.s32 s1, s22;
	s23 =	sadd.s32 s6, s8  }
0xd: {  	s2 =	sadd.s32 s2, s3;
	s22 =	simm.s32 $0x6F00;
	s6 =	simm.s32 $0x0  }
0xe: {  	s4 =	sshrl.u32 s4, $0x3;
	s7 =	sshrl.u32 s7, $0x3;
	s25 =	sadd.s32 $0x9C00, s23  }
0xf: {  	s1 =	smax.u32 s1, $0x1;
	s12 =	sshrl.u32 s2, $0x3;
	[dreg:$0x6] =	wrdreg s25  }
0x10: {  	s2 =	simm.s32 $0x5;
	s0 =	sadd.s32 s4, s0;
	[dreg:$0xd] =	wrdreg s1  }
0x11: {  	s7 =	sadd.s32 s8, s7;
	s4 =	sadd.s32 $0x13840, s23;
	[dreg:$0xf] =	wrdreg s12  }
0x12: {  	s1 =	simm.s32 $0x3;
	s23 =	simm.s32 $0x6;
	[dreg:$0x4] =	wrdreg s7  }
0x13: {  	s25 =	simm.s32 $0xA;
	s24 =	sadd.s32 $0x9C40, s7;
	[dreg:$0x7] =	wrdreg s4  }
0x14: {  	s4 =	simm.s32 $0xC;
	s0 =	sadd.s32 $0x29E00, s0;
	[dreg:$0x5] =	wrdreg s24  }
0x15: {  	[dreg:$0x9] =	wrdreg s0;
	s4 =	simm.s32 @!p0 $0xB;
	s0 =	simm.s32 $0xD  }
0x16: {  	[dreg:$0x8] =	wrdreg s4;
	s0 =	simm.s32 @!p0 $0xC;
	s4 =	simm.s32 $0xF  }
0x17: {  	[dreg:$0xa] =	wrdreg s0;
	s0 =	simm.s32 $0xE;
	s4 =	simm.s32 @!p0 $0xE  }
0x18: {  	s24 =	simm.s32 $0x8F00;
	s0 =	simm.s32 @!p0 $0xD;
	[dreg:$0xc] =	wrdreg s4  }
0x19: {  	p0 =	sgt.u32 s9, $0x1;
	[dreg:$0xb] =	wrdreg s0;
	s0 =	simm.s32 $0x4  }
.LBB2_1:
0x1a: {  	[dreg:$0x10] =	wrdreg s6  }
0x1b: {  	s7 =	simm.s32 $0x0;
	s4 =	rddreg [dreg:$0x4]  }
0x1c: {  	[tilespmem:s7], [sflag:$0x11] =	stream.linear.gather [hbm4b:s4+s7], $0x2700, $0x38;
	[tilespmem:$0x1ED00] =	vst v63  }
0x1d: {  	_ =	swait.ge [sflag:s10], $0x2700  }
0x1e: {  	[sflag:s10] =	ssyncset.done $0x0  }
0x1f: {  	s21 =	simm.s32 $0x2780;
	s19 =	rddreg [dreg:$0x5];
	[sflag:s10] =	ssyncadd.s32 $0xFFFFD900  }
0x20: {  	[tilespmem:s21], [sflag:$0x11] =	stream.linear.gather [hbm4b:s19+s7], $0x2700, $0x38;
	[tilespmem:$0x1ED00] =	vst v63  }
0x21: {  	_ =	swait.ge [sflag:s10], $0x2700  }
0x22: {  	s6 =	simm.s32 @!p0 $0x2700;
	[sflag:s10] =	ssyncset.done $0x0  }
0x23: {  	s4 =	simm.s32 @!p0 $0x0;
	s8 =	rddreg [dreg:$0x6];
	[sflag:s10] =	ssyncadd.s32 $0xFFFFD900  }
0x24: {  	[tilespmem:s6], [sflag:$0x11] =	stream.linear.gather @!p0 [hbm4b:s8+s4], $0x80, $0x38;
	[tilespmem:$0x1ED00] =	vst v63  }
0x25: {  	s6 =	simm.s32 @!p0 $0x11  }
0x26: {  	_ =	swait.ge @!p0 [sflag:s6], $0x80  }
0x27: {  	[sflag:s6] =	ssyncset.done @!p0 $0x0  }
0x28: {  	s8 =	simm.s32 @!p0 $0x4E80;
	s9 =	rddreg [dreg:$0x7];
	[sflag:s6] =	ssyncadd.s32 @!p0 $0xFFFFFF80  }
0x29: {  	[tilespmem:s8], [sflag:$0x11] =	stream.linear.gather @!p0 [hbm4b:s9+s4], $0x80, $0x38;
	[tilespmem:$0x1ED00] =	vst v63  }
0x2a: {  	_ =	swait.ge @!p0 [sflag:s6], $0x80  }
0x2b: {  	[sflag:s6] =	ssyncset.done @!p0 $0x0  }
0x2c: {  	[sflag:s6] =	ssyncadd.s32 @!p0 $0xFFFFFF80  }
0x2d: {  	s8 =	rddreg [dreg:$0x1]  }
0x2e: {  	[spmem:s12], [sflag:s11] =	dma.local [hbm:s8], $0x13C0  }
0x2f: {  	_ =	swait.ge [sflag:s10], $0x13C0  }
0x30: {  	[sflag:s10] =	ssyncset.done $0x0  }
0x31: {  	[sflag:s10] =	ssyncadd.s32 $0xFFFFEC40  }
0x32: {  	[bflag:$0x0] =	sbarrier.arrive $0xFFFF  }
0x33: {  	[tilespmem:s14], [sflag:$0x1] =	stream.indirect.gather [hbm4b:s5+s20], $0x40, s7, s20, $0xb8;
	[tilespmem:$0x1ED00] =	vst v63  }
0x34: {  	_ = 	snop  }
0x35: {  	[tilespmem:s22], [sflag:$0x2] =	stream.indirect.gather [hbm4b:s5+s20], $0x40, s20, s20, $0xb8;
	[tilespmem:$0x1ED00] =	vst v63  }
0x36: {  	s9 =	simm.s32 $0x100  }
0x37: {  	[tilespmem:s24], [sflag:$0x3] =	stream.indirect.gather [hbm4b:s5+s20], $0x40, s9, s20, $0xb8;
	[tilespmem:$0x1ED00] =	vst v63  }
0x38: {  	s10 =	simm.s32 $0x180  }
0x39: {  	[tilespmem:s26], [sflag:$0x4] =	stream.indirect.gather [hbm4b:s5+s20], $0x40, s10, s20, $0xb8;
	[tilespmem:$0x1ED00] =	vst v63  }
0x3a: {  	_ =	swait.ge [sflag:s28], $0x2000  }
0x3b: {  	p3 =	por $0x1, $0x1;
	[sflag:s28] =	ssyncset.done $0x0  }
0x3c: {  	s6 =	simm.s32 @!p3 $0xD;
	s11 =	simm.s32 $0x2780;
	[sflag:s28] =	ssyncadd.s32 $0xFFFFE000  }
0x3d: {  	[spmem:s3] =	stream.indirect.scatter.add.f32 [tilespmem:s14], [sflag:$0x9], $0x40, s11, s20, $0xb8;
	[tilespmem:$0x1ED00] =	vst v63  }
0x3e: {  	_ =	swait.ge @!p3 [sflag:s6], $0x2000  }
0x3f: {  	[sflag:s6] =	ssyncset.done @!p3 $0x0  }
0x40: {  	s12 =	simm.s32 $0x200;
	[sflag:s6] =	ssyncadd.s32 @!p3 $0xFFFFE000  }
0x41: {  	[tilespmem:s29], [sflag:$0x5] =	stream.indirect.gather [hbm4b:s5+s20], $0x40, s12, s20, $0xb8;
	[tilespmem:$0x1ED00] =	vst v63  }
0x42: {  	_ =	swait.ge [sflag:s30], $0x2000  }
0x43: {  	[sflag:s30] =	ssyncset.done $0x0  }
0x44: {  	s13 =	simm.s32 $0x2800;
	s6 =	simm.s32 @!p3 $0xE;
	[sflag:s30] =	ssyncadd.s32 $0xFFFFE000  }
0x45: {  	[spmem:s3] =	stream.indirect.scatter.add.f32 [tilespmem:s22], [sflag:$0xA], $0x40, s13, s20, $0xb8;
	[tilespmem:$0x1ED00] =	vst v63  }
0x46: {  	_ =	swait.ge @!p3 [sflag:s6], $0x2000  }
0x47: {  	[sflag:s6] =	ssyncset.done @!p3 $0x0  }
0x48: {  	s15 =	simm.s32 $0x280;
	[sflag:s6] =	ssyncadd.s32 @!p3 $0xFFFFE000  }
0x49: {  	[tilespmem:s31], [sflag:$0x6] =	stream.indirect.gather [hbm4b:s5+s20], $0x40, s15, s20, $0xb8;
	[tilespmem:$0x1ED00] =	vst v63  }
0x4a: {  	_ =	swait.ge [sflag:s1], $0x2000  }
0x4b: {  	s16 =	simm.s32 $0x2880;
	s8 =	simm.s32 @!p0 $0x4F;
	[sflag:s1] =	ssyncset.done $0x0  }
0x4c: {  	s8 =	simm.s32 @p0 $0x4E;
	s6 =	simm.s32 @!p3 $0xF;
	[sflag:s1] =	ssyncadd.s32 $0xFFFFE000  }
0x4d: {  	[spmem:s3] =	stream.indirect.scatter.add.f32 [tilespmem:s24], [sflag:$0xB], $0x40, s16, s20, $0xb8;
	[tilespmem:$0x1ED00] =	vst v63  }
0x4e: {  	p1 =	sle.u32 s8, $0x6;
	_ =	swait.ge @!p3 [sflag:s6], $0x2000  }
0x4f: {  	s4 =	simm.s32 @!p1 $0x10F00;
	[sflag:s6] =	ssyncset.done @!p3 $0x0  }
0x50: {  	s9 =	simm.s32 @!p1 $0x300;
	s10 =	simm.s32 @!p1 $0x80;
	[sflag:s6] =	ssyncadd.s32 @!p3 $0xFFFFE000  }
0x51: {  	[tilespmem:s4], [sflag:$0x7] =	stream.indirect.gather @!p1 [hbm4b:s5+s10], $0x40, s9, s10, $0xb8;
	[tilespmem:$0x1ED00] =	vst v63  }
0x52: {  	_ =	swait.ge [sflag:s0], $0x2000  }
0x53: {  	[sflag:s0] =	ssyncset.done $0x0  }
0x54: {  	s18 =	simm.s32 $0x2900;
	s9 =	simm.s32 @!p3 $0x10;
	[sflag:s0] =	ssyncadd.s32 $0xFFFFE000  }
0x55: {  	[spmem:s3] =	stream.indirect.scatter.add.f32 [tilespmem:s26], [sflag:$0xC], $0x40, s18, s20, $0xb8;
	[tilespmem:$0x1ED00] =	vst v63  }
0x56: {  	p2 =	sle.u32 s8, $0x7;
	_ =	swait.ge @!p3 [sflag:s9], $0x2000  }
0x57: {  	s11 =	simm.s32 @!p2 $0x380;
	[sflag:s9] =	ssyncset.done @!p3 $0x0  }
0x58: {  	s12 =	simm.s32 @!p2 $0x80;
	s6 =	simm.s32 @!p2 $0x12F00;
	[sflag:s9] =	ssyncadd.s32 @!p3 $0xFFFFE000  }
0x59: {  	[tilespmem:s6], [sflag:$0x8] =	stream.indirect.gather @!p2 [hbm4b:s5+s12], $0x40, s11, s12, $0xb8;
	[tilespmem:$0x1ED00] =	vst v63  }
0x5a: {  	_ =	swait.ge [sflag:s2], $0x2000  }
0x5b: {  	[sflag:s2] =	ssyncset.done $0x0  }
0x5c: {  	s19 =	simm.s32 $0x2980;
	[sflag:s2] =	ssyncadd.s32 $0xFFFFE000  }
0x5d: {  	[spmem:s3] =	stream.indirect.scatter.add.f32 [tilespmem:s29], [sflag:$0xD], $0x40, s19, s20, $0xb8;
	[tilespmem:$0x1ED00] =	vst v63  }
0x5e: {  	p3 =	sle.u32 s8, $0x8;
	_ =	swait.ge [sflag:s17], $0x2000  }
0x5f: {  	s9 =	simm.s32 @!p3 $0x4F00;
	[sflag:s17] =	ssyncset.done $0x0  }
0x60: {  	s11 =	simm.s32 @!p3 $0x400;
	s13 =	simm.s32 @!p3 $0x80;
	[sflag:s17] =	ssyncadd.s32 $0xFFFFE000  }
0x61: {  	[tilespmem:s9], [sflag:$0x1] =	stream.indirect.gather @!p3 [hbm4b:s5+s13], $0x40, s11, s13, $0xb8;
	[tilespmem:$0x1ED00] =	vst v63  }
0x62: {  	_ =	swait.ge [sflag:s23], $0x2000  }
0x63: {  	[sflag:s23] =	ssyncset.done $0x0  }
0x64: {  	s21 =	simm.s32 $0x2A00;
	[sflag:s23] =	ssyncadd.s32 $0xFFFFE000  }
0x65: {  	[spmem:s3] =	stream.indirect.scatter.add.f32 [tilespmem:s31], [sflag:$0xE], $0x40, s21, s20, $0xb8;
	[tilespmem:$0x1ED00] =	vst v63  }
0x66: {  	p3 =	sle.u32 s8, $0x9;
	_ =	swait.ge [sflag:s25], $0x2000  }
0x67: {  	s9 =	simm.s32 @!p3 $0x80;
	[sflag:s25] =	ssyncset.done $0x0  }
0x68: {  	s11 =	simm.s32 @!p3 $0x480;
	s13 =	simm.s32 @!p3 $0x6F00;
	[sflag:s25] =	ssyncadd.s32 $0xFFFFE000  }
0x69: {  	[tilespmem:s13], [sflag:$0x2] =	stream.indirect.gather @!p3 [hbm4b:s5+s9], $0x40, s11, s9, $0xb8;
	[tilespmem:$0x1ED00] =	vst v63  }
0x6a: {  	s9 =	simm.s32 @!p1 $0x7  }
0x6b: {  	_ =	swait.ge @!p1 [sflag:s9], $0x2000  }
0x6c: {  	s11 =	simm.s32 @!p1 $0x2A80;
	[sflag:s9] =	ssyncset.done @!p1 $0x0  }
0x6d: {  	p3 =	sle.u32 @!p1 s8, $0xA;
	[sflag:s9] =	ssyncadd.s32 @!p1 $0xFFFFE000;
	s9 =	simm.s32 @!p1 $0xB  }
0x6e: {  	[spmem:s3] =	stream.indirect.scatter.add.f32 @!p1 [tilespmem:s4], [sflag:$0xF], $0x40, s11, s10, $0xb8;
	[tilespmem:$0x1ED00] =	vst v63  }
0x6f: {  	p3 =	por p3, p1;
	_ =	swait.ge @!p1 [sflag:s9], $0x2000  }
0x70: {  	s4 =	simm.s32 @!p3 $0x500;
	s10 =	simm.s32 @!p3 $0x8F00;
	[sflag:s9] =	ssyncset.done @!p1 $0x0  }
0x71: {  	s11 =	simm.s32 @!p2 $0x8;
	[sflag:s9] =	ssyncadd.s32 @!p1 $0xFFFFE000;
	s9 =	simm.s32 @!p3 $0x80  }
0x72: {  	[tilespmem:s10], [sflag:$0x3] =	stream.indirect.gather @!p3 [hbm4b:s5+s9], $0x40, s4, s9, $0xb8;
	[tilespmem:$0x1ED00] =	vst v63  }
0x73: {  	_ =	swait.ge @!p2 [sflag:s11], $0x2000  }
0x74: {  	p1 =	sle.u32 @!p2 s8, $0xB;
	s9 =	simm.s32 $0xB;
	[sflag:s11] =	ssyncset.done @!p2 $0x0  }
0x75: {  	s4 =	simm.s32 @!p2 $0x2B00;
	p4 =	por p1, p2;
	[sflag:s11] =	ssyncadd.s32 @!p2 $0xFFFFE000  }
0x76: {  	[spmem:s3] =	stream.indirect.scatter.add.f32 @!p2 [tilespmem:s6], [sflag:$0x10], $0x40, s4, s12, $0xb8;
	[tilespmem:$0x1ED00] =	vst v63  }
0x77: {  	s18 =	simm.s32 @!p4 $0x580;
	s10 =	simm.s32 @!p4 $0x80;
	s4 =	simm.s32 @!p2 $0xC  }
0x78: {  	s11 =	simm.s32 $0x1000;
	s12 =	simm.s32 @!p4 $0xAF00;
	_ =	swait.ge @!p2 [sflag:s4], $0x2000  }
.LBB2_2:
0x79: {  	[sflag:s4] =	ssyncset.done @!p2 $0x0  }
0x7a: {  	s9 =	sadd.s32 $0x8, s9;
	s6 =	smov.u32 s11;
	s11 =	sadd.s32 $0x1000, s11  }
0x7b: {  	s15 =	sshra.s32 s6, $0x2;
	p1 =	sne.s32 s11, $0xA000;
	[sflag:s4] =	ssyncadd.s32 @!p2 $0xFFFFE000  }
0x7c: {  	[tilespmem:s12], [sflag:$0x4] =	stream.indirect.gather @!p4 [hbm4b:s5+s10], $0x40, s18, s10, $0xb8;
	[tilespmem:$0x1ED00] =	vst v63  }
0x7d: {  	s4 =	sadd.s32 $0x2780, s15;
	p4 =	seq.s32 s6, $0x0;
	_ =	swait.ge [sflag:s28], $0x2000  }
0x7e: {  	s10 =	simm.s32 @!p4 $0xD;
	[sflag:s28] =	ssyncset.done $0x0  }
0x7f: {  	[sflag:s28] =	ssyncadd.s32 $0xFFFFE000  }
0x80: {  	[spmem:s3] =	stream.indirect.scatter.add.f32 [tilespmem:s14], [sflag:$0x9], $0x40, s4, s20, $0xb8;
	[tilespmem:$0x1ED00] =	vst v63  }
0x81: {  	s4 =	sadd.s32 $0x200, s15;
	_ =	swait.ge @!p4 [sflag:s10], $0x2000  }
0x82: {  	[sflag:s10] =	ssyncset.done @!p4 $0x0  }
0x83: {  	[sflag:s10] =	ssyncadd.s32 @!p4 $0xFFFFE000  }
0x84: {  	[tilespmem:s29], [sflag:$0x5] =	stream.indirect.gather [hbm4b:s5+s20], $0x40, s4, s20, $0xb8;
	[tilespmem:$0x1ED00] =	vst v63  }
0x85: {  	s4 =	sadd.s32 $0x2800, s15;
	_ =	swait.ge [sflag:s30], $0x2000  }
0x86: {  	s10 =	simm.s32 @!p4 $0xE;
	[sflag:s30] =	ssyncset.done $0x0  }
0x87: {  	[sflag:s30] =	ssyncadd.s32 $0xFFFFE000  }
0x88: {  	[spmem:s3] =	stream.indirect.scatter.add.f32 [tilespmem:s22], [sflag:$0xA], $0x40, s4, s20, $0xb8;
	[tilespmem:$0x1ED00] =	vst v63  }
0x89: {  	s4 =	sadd.s32 $0x280, s15;
	_ =	swait.ge @!p4 [sflag:s10], $0x2000  }
0x8a: {  	[sflag:s10] =	ssyncset.done @!p4 $0x0  }
0x8b: {  	[sflag:s10] =	ssyncadd.s32 @!p4 $0xFFFFE000  }
0x8c: {  	[tilespmem:s31], [sflag:$0x6] =	stream.indirect.gather [hbm4b:s5+s20], $0x40, s4, s20, $0xb8;
	[tilespmem:$0x1ED00] =	vst v63  }
0x8d: {  	s4 =	sadd.s32 $0x2880, s15;
	_ =	swait.ge [sflag:s1], $0x2000  }
0x8e: {  	s12 =	sadd.s32 $0xFFFFFFFB, s9;
	s10 =	simm.s32 @!p4 $0xF;
	[sflag:s1] =	ssyncset.done $0x0  }
0x8f: {  	p3 =	sge.u32 s12, s8;
	[sflag:s1] =	ssyncadd.s32 $0xFFFFE000  }
0x90: {  	[spmem:s3] =	stream.indirect.scatter.add.f32 [tilespmem:s24], [sflag:$0xB], $0x40, s4, s20, $0xb8;
	[tilespmem:$0x1ED00] =	vst v63  }
0x91: {  	s12 =	sshra.s32 @!p3 s6, $0x2;
	s4 =	simm.s32 @!p3 $0x10F00;
	_ =	swait.ge @!p4 [sflag:s10], $0x2000  }
0x92: {  	s19 =	simm.s32 @!p3 $0x80;
	s13 =	sadd.s32 @!p3 $0x300, s12;
	[sflag:s10] =	ssyncset.done @!p4 $0x0  }
0x93: {  	s12 =	sadd.s32 @!p3 $0x2A80, s12;
	[sflag:s10] =	ssyncadd.s32 @!p4 $0xFFFFE000;
	s10 =	sadd.s32 @!p3 $0xFFFFFFFF, s9  }
0x94: {  	[tilespmem:s4], [sflag:$0x7] =	stream.indirect.gather @!p3 [hbm4b:s5+s19], $0x40, s13, s19, $0xb8;
	[tilespmem:$0x1ED00] =	vst v63  }
0x95: {  	s13 =	sadd.s32 $0x2900, s15;
	p5 =	sge.u32 @!p3 s10, s8;
	_ =	swait.ge [sflag:s0], $0x2000  }
0x96: {  	s14 =	simm.s32 @!p4 $0x10;
	s10 =	sadd.s32 $0xFFFFFFFC, s9;
	[sflag:s0] =	ssyncset.done $0x0  }
0x97: {  	p2 =	sge.u32 s10, s8;
	[sflag:s0] =	ssyncadd.s32 $0xFFFFE000  }
0x98: {  	[spmem:s3] =	stream.indirect.scatter.add.f32 [tilespmem:s26], [sflag:$0xC], $0x40, s13, s20, $0xb8;
	[tilespmem:$0x1ED00] =	vst v63  }
0x99: {  	s18 =	sshra.s32 @!p2 s6, $0x2;
	s10 =	simm.s32 @!p2 $0x12F00;
	_ =	swait.ge @!p4 [sflag:s14], $0x2000  }
0x9a: {  	s16 =	sadd.s32 @!p2 $0x380, s18;
	s13 =	simm.s32 @!p2 $0x80;
	[sflag:s14] =	ssyncset.done @!p4 $0x0  }
0x9b: {  	[sflag:s14] =	ssyncadd.s32 @!p4 $0xFFFFE000;
	s14 =	sadd.s32 @!p2 $0x2B00, s18;
	p4 =	sge.u32 @!p2 s9, s8  }
0x9c: {  	[tilespmem:s10], [sflag:$0x8] =	stream.indirect.gather @!p2 [hbm4b:s5+s13], $0x40, s16, s13, $0xb8;
	[tilespmem:$0x1ED00] =	vst v63  }
0x9d: {  	s16 =	sadd.s32 $0x2980, s15;
	p4 =	por p4, p2;
	_ =	swait.ge [sflag:s2], $0x2000  }
0x9e: {  	s18 =	sadd.s32 $0xFFFFFFFD, s9;
	s7 =	sshra.s32 @!p4 s6, $0x2;
	[sflag:s2] =	ssyncset.done $0x0  }
0x9f: {  	p6 =	sge.u32 s18, s8;
	s18 =	sadd.s32 @!p4 $0x580, s7;
	[sflag:s2] =	ssyncadd.s32 $0xFFFFE000  }
0xa0: {  	[spmem:s3] =	stream.indirect.scatter.add.f32 [tilespmem:s29], [sflag:$0xD], $0x40, s16, s20, $0xb8;
	[tilespmem:$0x1ED00] =	vst v63  }
0xa1: {  	s7 =	sshra.s32 @!p6 s6, $0x2;
	s16 =	simm.s32 @!p6 $0x4F00;
	_ =	swait.ge [sflag:s17], $0x2000  }
0xa2: {  	s21 =	simm.s32 @!p6 $0x80;
	s7 =	sadd.s32 @!p6 $0x400, s7;
	[sflag:s17] =	ssyncset.done $0x0  }
0xa3: {  	[sflag:s17] =	ssyncadd.s32 $0xFFFFE000  }
0xa4: {  	[tilespmem:s16], [sflag:$0x1] =	stream.indirect.gather @!p6 [hbm4b:s5+s21], $0x40, s7, s21, $0xb8;
	[tilespmem:$0x1ED00] =	vst v63  }
0xa5: {  	s7 =	sadd.s32 $0x2A00, s15;
	_ =	swait.ge [sflag:s23], $0x2000  }
0xa6: {  	s15 =	sadd.s32 $0xFFFFFFFE, s9;
	[sflag:s23] =	ssyncset.done $0x0  }
0xa7: {  	p6 =	sge.u32 s15, s8;
	[sflag:s23] =	ssyncadd.s32 $0xFFFFE000  }
0xa8: {  	[spmem:s3] =	stream.indirect.scatter.add.f32 [tilespmem:s31], [sflag:$0xE], $0x40, s7, s20, $0xb8;
	[tilespmem:$0x1ED00] =	vst v63  }
0xa9: {  	s15 =	simm.s32 @!p6 $0x80;
	s7 =	sshra.s32 @!p6 s6, $0x2;
	_ =	swait.ge [sflag:s25], $0x2000  }
0xaa: {  	s16 =	simm.s32 @!p3 $0x7;
	s7 =	sadd.s32 @!p6 $0x480, s7;
	[sflag:s25] =	ssyncset.done $0x0  }
0xab: {  	s21 =	simm.s32 @!p6 $0x6F00;
	[sflag:s25] =	ssyncadd.s32 $0xFFFFE000  }
0xac: {  	[tilespmem:s21], [sflag:$0x2] =	stream.indirect.gather @!p6 [hbm4b:s5+s15], $0x40, s7, s15, $0xb8;
	[tilespmem:$0x1ED00] =	vst v63  }
0xad: {  	_ =	swait.ge @!p3 [sflag:s16], $0x2000  }
0xae: {  	p5 =	por p5, p3;
	s7 =	simm.s32 @!p3 $0xB;
	[sflag:s16] =	ssyncset.done @!p3 $0x0  }
0xaf: {  	s6 =	sshra.s32 @!p5 s6, $0x2;
	[sflag:s16] =	ssyncadd.s32 @!p3 $0xFFFFE000  }
0xb0: {  	[spmem:s3] =	stream.indirect.scatter.add.f32 @!p3 [tilespmem:s4], [sflag:$0xF], $0x40, s12, s19, $0xb8;
	[tilespmem:$0x1ED00] =	vst v63  }
0xb1: {  	s4 =	sadd.s32 @!p5 $0x500, s6;
	s6 =	simm.s32 @!p5 $0x8F00;
	_ =	swait.ge @!p3 [sflag:s7], $0x2000  }
0xb2: {  	s12 =	simm.s32 @!p2 $0x8;
	[sflag:s7] =	ssyncset.done @!p3 $0x0  }
0xb3: {  	[sflag:s7] =	ssyncadd.s32 @!p3 $0xFFFFE000;
	s7 =	simm.s32 @!p5 $0x80  }
0xb4: {  	[tilespmem:s6], [sflag:$0x3] =	stream.indirect.gather @!p5 [hbm4b:s5+s7], $0x40, s4, s7, $0xb8;
	[tilespmem:$0x1ED00] =	vst v63  }
0xb5: {  	_ =	swait.ge @!p2 [sflag:s12], $0x2000  }
.Ltmp0:
0xb6: {  	s4 =	simm.s32 @!p2 $0xC;
	[sflag:s12] =	ssyncset.done @!p2 $0x0;
	(pc) =	sbr.rel @p1 .LBB2_2-.Ltmp0, $4  }
0xb7: {  	[sflag:s12] =	ssyncadd.s32 @!p2 $0xFFFFE000  }
0xb8: {  	[spmem:s3] =	stream.indirect.scatter.add.f32 @!p2 [tilespmem:s10], [sflag:$0x10], $0x40, s14, s13, $0xb8;
	[tilespmem:$0x1ED00] =	vst v63  }
0xb9: {  	s14 =	simm.s32 $0x4F00  }
0xba: {  	s12 =	simm.s32 @!p4 $0xAF00;
	s10 =	simm.s32 @!p4 $0x80;
	_ =	swait.ge @!p2 [sflag:s4], $0x2000  }
0xbb: {  	[sflag:s4] =	ssyncset.done @!p2 $0x0  }
0xbc: {  	s13 =	rddreg [dreg:$0x8];
	[sflag:s4] =	ssyncadd.s32 @!p2 $0xFFFFE000  }
0xbd: {  	[tilespmem:s12], [sflag:$0x4] =	stream.indirect.gather @!p4 [hbm4b:s5+s10], $0x40, s18, s10, $0xb8;
	[tilespmem:$0x1ED00] =	vst v63  }
0xbe: {  	_ =	swait.ge [sflag:s13], $0x2000  }
0xbf: {  	[sflag:s13] =	ssyncset.done $0x0  }
0xc0: {  	s15 =	rddreg [dreg:$0xa];
	[sflag:s13] =	ssyncadd.s32 $0xFFFFE000  }
0xc1: {  	_ =	swait.ge [sflag:s15], $0x2000  }
0xc2: {  	[sflag:s15] =	ssyncset.done $0x0  }
0xc3: {  	s16 =	rddreg [dreg:$0xb];
	[sflag:s15] =	ssyncadd.s32 $0xFFFFE000  }
0xc4: {  	_ =	swait.ge [sflag:s16], $0x2000  }
0xc5: {  	[sflag:s16] =	ssyncset.done $0x0  }
0xc6: {  	s18 =	rddreg [dreg:$0xc];
	[sflag:s16] =	ssyncadd.s32 $0xFFFFE000  }
0xc7: {  	_ =	swait.ge [sflag:s18], $0x2000  }
0xc8: {  	[sflag:s18] =	ssyncset.done $0x0  }
0xc9: {  	[sflag:s18] =	ssyncadd.s32 $0xFFFFE000  }
0xca: {  	[bflag:$0x0] =	sbarrier.arrive $0xFFFF  }
0xcb: {  	s19 =	rddreg [dreg:$0x9]  }
0xcc: {  	s11 =	rddreg [dreg:$0xe]  }
0xcd: {  	s10 =	simm.s32 $0x11;
	s12 =	rddreg [dreg:$0xf]  }
0xce: {  	[hbm:s19], [sflag:s11] =	dma.local [spmem:s12], $0x13C0  }
0xcf: {  	_ =	swait.ge [sflag:s10], $0x13C0  }
0xd0: {  	s6 =	rddreg [dreg:$0x10]  }
0xd1: {  	s21 =	rddreg [dreg:$0xd];
	s6 =	sadd.s32 $0x1, s6  }
0xd2: {  	p1 =	sne.s32 s6, s21  }
.Ltmp1:
0xd3: {  	_ = 	snop;
	(pc) =	sbr.rel @p1 .LBB2_1-.Ltmp1, $3  }
0xd4: {  	_ =	sdelay $0x1  }
0xd5: {  	[sflag:s10] =	ssyncset.done $0x0  }
0xd6: {  	[sflag:s10] =	ssyncadd.s32 $0xFFFFEC40  }
0xd7: {  	_ =	sfence.sel $0x180000  }
0xd8: {  	[bflag:$0x0] =	sbarrier.arrive $0xFFFF  }
0xd9: {  	_ =	strace $0x9000004A  }
0xda: {  	s0 =	stileid.u32;
	[bflag:$0x2] =	sbarrier.arrive $0xFFFF  }
0xdb: {  	p0 =	sne.s32 s0, $0x0;
	s0 =	rddreg [dreg:$0x3]  }
0xdc: {  	s0 =	sadd.s32 @!p0 $0x100000, s0  }
0xdd: {  	[sflag:s0] =	ssyncadd.tile.s32 @!p0 $0x1;
	_ =	shalt  }
.Lfunc_end2:
_tile_overlayer_lowered:
.L_overlay_start_2:
0xde: {  	(tag) =	ssettag $0x2  }
0xdf: {  	s0 =	rddreg [dreg:$0x0];
	s2 =	stileid.u32  }
0xe0: {  	s1 =	rddreg [dreg:$0x1];
	p0 =	sne.s32 s2, $0x0  }
0xe1: {  	s3 =	rddreg [dreg:$0x2];
	[bflag:$0x3] =	sbarrier.arrive $0xFFFF;
	s2 =	simm.s32 @!p0 $0x1C11  }
0xe2: {  	[timem:s3], [sflag:s2] =	dma.local @!p0 [hbm:s0], s1  }
0xe3: {  	s0 =	simm.s32 @!p0 $0x11  }
0xe4: {  	_ =	swait.ge @!p0 [sflag:s0], s1  }
0xe5: {  	s1 =	ssub.s32 @!p0 $0x0, s1;
	[sflag:s0] =	ssyncset.done @!p0 $0x0  }
0xe6: {  	[sflag:s0] =	ssyncadd.s32 @!p0 s1  }
0xe7: {  	[bflag:$0x3] =	sbarrier.arrive $0xFFFF  }
0xe8: {  	_ =	shalt  }

// kernel: kernel.17.cloned.1.call-start
scs
__scs_entry_jumppad:
0x0: {  	(pc) =	sbr.rel $0x88, $3  }
0x1: {  	(tag) =	ssettag $0x0;
	lr =	simm.s32 $0x1  }
0x2: {  	[smem:$0x3F9B] =	sst lr;
	_ =	strace $0xD0000000  }
0x3: {  	_ = 	snop  }
0x4: {  	_ = 	snop  }
0x5: {  	_ = 	snop  }
0x6: {  	_ = 	snop  }
0x7: {  	_ = 	snop  }
__scs_overlays_trampoline_lowered:
0x8: {  	[smem:$0x3FAA] =	sst s0  }
0x9: {  	[smem:$0x3FAB] =	sst s1  }
0xa: {  	[smem:$0x3FAC] =	sst s2  }
0xb: {  	[smem:$0x3FAD] =	sst s3  }
0xc: {  	[smem:$0x3FAE] =	sst s4  }
0xd: {  	[smem:$0x3FAF] =	sst s5  }
0xe: {  	[smem:$0x3FB0] =	sst s6  }
0xf: {  	[smem:$0x3FB1] =	sst s7  }
0x10: {  	[smem:$0x3FB2] =	sst s8  }
0x11: {  	[smem:$0x3FB3] =	sst s9;
	s0 =	simm.s32 @!p0 $0x0  }
0x12: {  	s1 =	sld [smem:$0x3F99];
	s0 =	simm.s32 @p0 $0x1  }
0x13: {  	[smem:$0x3FB4] =	sst s0;
	s0 =	simm.s32 @!p1 $0x0  }
0x14: {  	s2 =	sld [smem:$0x3F98];
	s0 =	simm.s32 @p1 $0x1  }
0x15: {  	[smem:$0x3FB5] =	sst s0;
	s0 =	simm.s32 @!p2 $0x0  }
0x16: {  	s3 =	sld [smem:$0x3FDB];
	s0 =	simm.s32 @p2 $0x1  }
0x17: {  	s4 =	simm.s32 $0x1BF5;
	[smem:$0x3FB7] =	sst s0  }
0x18: {  	s0 =	sld [smem:$0x3F9A];
	_ =	swait.ge [sflag:s4], $0x0  }
0x19: {  	s7 =	sld [smem:$0x3F9B]  }
0x1a: {  	s8 =	sadd.s32 $0xFFFFE003, lr  }
0x1b: {  	s9 =	sadd.s32 $0xFFFFFEF7, lr;
	s5 =	simm.s32 $0xFFFFFFFF;
	p2 =	slt.u32 s8, $0xFFFFF086  }
0x1c: {  	p1 =	slt.u32 s9, $0xF7A;
	s5 =	simm.s32 @!p2 $0x0  }
0x1d: {  	s5 =	simm.s32 @p1 $0x1;
	p0 =	seq.s32 s7, s2  }
0x1e: {  	s7 =	smul.u32 @!p0 $0xF7A, s2;
	p2 =	seq.s32 @!p0 s5, $0x0  }
0x1f: {  	s9 =	smul.u32 $0xF7A, s1;
	s8 =	simm.s32 @!p0 $0x1BF5;
	p2 =	por !p2, p0  }
0x20: {  	[sflag:s8] =	ssyncset.s32 @!p0 $0xFFFFF086;
	s6 =	sadd.s32 @!p0 s3, s7;
	s7 =	simm.s32 @!p0 $0x108  }
0x21: {  	s3 =	sadd.s32 s3, s9;
	s6 =	sadd.s32 @!p0 $0x88, s6;
	s7 =	simm.s32 @p2 $0x1082  }
0x22: {  	[simem:s7], [sflag:s8] =	dma.local @!p0 [hbm:s6], $0xF7A  }
0x23: {  	s9 =	sor.u32 $0xD0000000, s2;
	s6 =	simm.s32 $0x108;
	_ =	swait.ge @!p0 [sflag:s8], $0x0  }
0x24: {  	s3 =	sadd.s32 $0x88, s3;
	s6 =	simm.s32 @!p1 $0x1082;
	[sflag:s4] =	ssyncset.s32 $0xFFFFF086  }
0x25: {  	[simem:s6], [sflag:s4] =	dma.local [hbm:s3], $0xF7A  }
0x26: {  	[smem:$0x3F9B] =	sst s1;
	(tag) =	ssettag s2;
	_ =	strace s9  }
0x27: {  	s1 =	sld [smem:$0x3FAB]  }
0x28: {  	s2 =	sld [smem:$0x3FAC]  }
0x29: {  	s4 =	sld [smem:$0x3FAE]  }
0x2a: {  	p0 =	seq.s32 s5, $0x0;
	s5 =	sld [smem:$0x3FAF]  }
0x2b: {  	s6 =	sld [smem:$0x3FB0]  }
0x2c: {  	s7 =	sld [smem:$0x3FB1]  }
0x2d: {  	s3 =	simm.s32 $0x108;
	s8 =	sld [smem:$0x3FB2]  }
0x2e: {  	s3 =	simm.s32 @!p0 $0x1082;
	s9 =	sld [smem:$0x3FB3]  }
0x2f: {  	lr =	sadd.s32 s0, s3;
	s0 =	sld [smem:$0x3FAA]  }
0x30: {  	s3 =	sld [smem:$0x3FAD]  }
0x31: {  	[smem:$0x3FB6] =	sst s10  }
0x32: {  	s10 =	sld [smem:$0x3FB4];
	_ =	sdelay $0x3  }
0x33: {  	p0 =	seq.s32 s10, $0x1;
	s10 =	sld [smem:$0x3FB6];
	_ =	sdelay $0x3  }
0x34: {  	[smem:$0x3FB6] =	sst s10  }
0x35: {  	s10 =	sld [smem:$0x3FB5];
	_ =	sdelay $0x3  }
0x36: {  	p1 =	seq.s32 s10, $0x1;
	s10 =	sld [smem:$0x3FB6];
	_ =	sdelay $0x3  }
0x37: {  	[smem:$0x3FB6] =	sst s10  }
0x38: {  	s10 =	sld [smem:$0x3FB7]  }
0x39: {  	_ = 	snop;
	(pc) =	sbr.ind lr, $3  }
0x3a: {  	_ = 	snop  }
0x3b: {  	_ = 	snop  }
0x3c: {  	p2 =	seq.s32 s10, $0x1;
	s10 =	sld [smem:$0x3FB6]  }
0x3d: {  	_ =	shalt  }
0x3e: {  	_ =	shalt  }
0x3f: {  	_ =	shalt  }
0x40: {  	_ =	shalt  }
0x41: {  	_ =	shalt  }
0x42: {  	_ =	shalt  }
0x43: {  	_ =	shalt  }
0x44: {  	_ =	shalt  }
0x45: {  	_ =	shalt  }
0x46: {  	_ =	shalt  }
0x47: {  	_ =	shalt  }
0x48: {  	_ =	shalt  }
0x49: {  	_ =	shalt  }
0x4a: {  	_ =	shalt  }
0x4b: {  	_ =	shalt  }
0x4c: {  	_ =	shalt  }
0x4d: {  	_ =	shalt  }
0x4e: {  	_ =	shalt  }
0x4f: {  	_ =	shalt  }
0x50: {  	_ =	shalt  }
0x51: {  	_ =	shalt  }
0x52: {  	_ =	shalt  }
0x53: {  	_ =	shalt  }
0x54: {  	_ =	shalt  }
0x55: {  	_ =	shalt  }
0x56: {  	_ =	shalt  }
0x57: {  	_ =	shalt  }
0x58: {  	_ =	shalt  }
0x59: {  	_ =	shalt  }
0x5a: {  	_ =	shalt  }
0x5b: {  	_ =	shalt  }
0x5c: {  	_ =	shalt  }
0x5d: {  	_ =	shalt  }
0x5e: {  	_ =	shalt  }
0x5f: {  	_ =	shalt  }
0x60: {  	_ =	shalt  }
0x61: {  	_ =	shalt  }
0x62: {  	_ =	shalt  }
0x63: {  	_ =	shalt  }
0x64: {  	_ =	shalt  }
0x65: {  	_ =	shalt  }
0x66: {  	_ =	shalt  }
0x67: {  	_ =	shalt  }
0x68: {  	_ =	shalt  }
0x69: {  	_ =	shalt  }
0x6a: {  	_ =	shalt  }
0x6b: {  	_ =	shalt  }
0x6c: {  	_ =	shalt  }
0x6d: {  	_ =	shalt  }
0x6e: {  	_ =	shalt  }
0x6f: {  	_ =	shalt  }
0x70: {  	_ =	shalt  }
0x71: {  	_ =	shalt  }
0x72: {  	_ =	shalt  }
0x73: {  	_ =	shalt  }
0x74: {  	_ =	shalt  }
0x75: {  	_ =	shalt  }
0x76: {  	_ =	shalt  }
0x77: {  	_ =	shalt  }
0x78: {  	_ =	shalt  }
0x79: {  	_ =	shalt  }
0x7a: {  	_ =	shalt  }
0x7b: {  	_ =	shalt  }
0x7c: {  	_ =	shalt  }
0x7d: {  	_ =	shalt  }
0x7e: {  	_ =	shalt  }
0x7f: {  	_ =	shalt  }
0x80: {  	_ =	shalt  }
0x81: {  	_ =	shalt  }
0x82: {  	_ =	shalt  }
0x83: {  	_ =	shalt  }
0x84: {  	_ =	shalt  }
0x85: {  	_ =	shalt  }
0x86: {  	_ =	shalt  }
0x87: {  	_ =	shalt  }
.Lfunc_end0:
.L_simem_size_0:
called_computation.2_lowered:
.L_overlay_start_0:
0x88: {  	s2 =	sld [smem:$0x3FD9]  }
0x89: {  	s3 =	sld [smem:$0x3FFE];
	_ =	sdelay $0x1  }
0x8a: {  	s1 =	srdreg.scid  }
0x8b: {  	s0 =	sand.u32 $0x1, s1  }
0x8c: {  	s17 =	sshll.u32 s0, $0xA;
	s2 =	sadd.s32 s3, s2  }
0x8d: {  	s2 =	sadd.s32 s2, s17  }
0x8e: {  	[smem:$0x3FC2] =	sst s2  }
0x8f: {  	_ = 	snop  }
0x90: {  	s2 =	sld [smem:$0x3FD0];
	(tm) =	ssettm $0x1  }
0x91: {  	s18 =	sld [smem:$0x3FFB];
	_ =	sdelay $0x3  }
0x92: {  	_ =	strace s18  }
0x93: {  	s3 =	sld [smem:$0x3FFC];
	_ =	sdelay $0x3  }
0x94: {  	_ =	strace s3  }
0x95: {  	s3 =	sld [smem:$0x3FFD];
	_ =	sdelay $0x3  }
0x96: {  	_ =	strace s3  }
0x97: {  	_ =	strace $0x8FFFFFFF  }
0x98: {  	s19 =	sld [smem:$0x3FDB];
	_ =	sdelay $0x1  }
0x99: {  	s4 =	simm.s32 $_scs_section_size  }
0x9a: {  	s5 =	simm.s32 $_size__tile_overlayer_lowered;
	s6 =	simm.s32 $_tile_overlayer_lowered  }
0x9b: {  	s22 =	simm.s32 $0x1BFF;
	s21 =	sshll.u32 s6, $0x1;
	s3 =	sadd.s32 s4, s19  }
0x9c: {  	s7 =	simm.s32 $0x0;
	s20 =	sshll.u32 s5, $0x1;
	s5 =	sadd.s32 s21, s3  }
0x9d: {  	[timem:s7], [sflag:s22] =	dma.local [hbm:s5], s20  }
0x9e: {  	_ =	swait.ge [sflag:s22], s20  }
0x9f: {  	s4 =	ssub.s32 $0x0, s20;
	[sflag:s22] =	ssyncset.done $0x0  }
0xa0: {  	[sflag:s22] =	ssyncadd.s32 s4;
	_ =	sdelay $0x1  }
0xa1: {  	s23 =	simm.s32 $0x1B8B  }
0xa2: {  	_ =	swait.ge [sflag:s23], $0x1  }
0xa3: {  	[sflag:s23] =	ssyncset.done $0x0  }
0xa4: {  	s25 =	simm.s32 $0x1B8E;
	s24 =	sld [smem:$0x3FFE];
	[sflag:s23] =	ssyncadd.s32 $0xFFFFFFFF  }
0xa5: {  	s26 =	simm.s32 $execute0_lowered;
	[smem:$0x3FD2] =	sst s25  }
0xa6: {  	s5 =	sshll.u32 s26, $0x1;
	_ =	strace $0x8000004C;
	[dreg:$0x1] =	wrdreg $0xFFFFFFFF  }
0xa7: {  	s28 =	simm.s32 $_size_execute0_lowered;
	s3 =	sadd.s32 s3, s5;
	[dreg:$0x0] =	wrdreg $0x0  }
0xa8: {  	s5 =	sshll.u32 s28, $0x1;
	[dreg:$0x2] =	wrdreg s3  }
0xa9: {  	[dreg:$0x3] =	wrdreg s5  }
0xaa: {  	[dreg:$0x4] =	wrdreg $0xC0  }
0xab: {  	_ =	task [dreg:s7], $0x5FFFF  }
0xac: {  	[dreg:$0x1] =	wrdreg $0xFFFFFFFF  }
0xad: {  	[dreg:$0x0] =	wrdreg $0x60  }
0xae: {  	[dreg:$0x2] =	wrdreg s2  }
0xaf: {  	[dreg:$0x3] =	wrdreg s24  }
0xb0: {  	[dreg:$0x4] =	wrdreg $0xAF000  }
0xb1: {  	[dreg:$0x5] =	wrdreg $0x9  }
0xb2: {  	_ =	task.clear_ibuf [dreg:s7], $0x6FFFF;
	_ =	strace $0x9000004C  }
0xb3: {  	s29 =	simm.s32 $0x9;
	_ =	strace $0x8000004E  }
0xb4: {  	_ =	swait.ge [sflag:s29], $0x1  }
0xb5: {  	[sflag:s29] =	ssyncadd.s32 $0xFFFFFFFF  }
0xb6: {  	_ =	strace $0x9000004E  }
0xb7: {  	_ =	sfence  }
0xb8: {  	s30 =	sld [smem:$0x0];
	_ =	sdelay $0x2  }
0xb9: {  	s31 =	sshll.u32 s1, $0xD;
	s1 =	sshrl.u32 s1, $0x2  }
0xba: {  	s3 =	sand.u32 $0x4000, s31;
	s1 =	sadd.s32 s1, s30  }
0xbb: {  	s0 =	sor.u32 s3, s0;
	s1 =	sshll.u32 s1, $0x11  }
0xbc: {  	s0 =	sor.u32 s1, s0  }
0xbd: {  	s0 =	sadd.s32 $0x8F2B, s0  }
0xbe: {  	[sflag:s0] =	ssyncadd.remote.s32 $0x1  }
0xbf: {  	_ =	sfence.sel $0xFFFF  }
0xc0: {  	[dreg:$0x0] =	wrdreg $0xFFFFFFFF;
	(pc) =	sbr.abs _section_cstart, $3  }
0xc1: {  	[dreg:$0x1] =	wrdreg $0xFFFFFFFF  }
0xc2: {  	_ =	task.clear_ibuf [dreg:s7], $0x2FFFF;
	_ =	strace $0x9FFFFFFF  }
0xc3: {  	(tm) =	ssettm $0x7FFFFFFF  }
tec
execute0_lowered:
.L_overlay_start_1:
0x0: {  	(tag) =	ssettag $0x1  }
0x1: {  	s21 =	rddreg [dreg:$0x0]  }
0x2: {  	s0 =	rddreg [dreg:$0x1]  }
0x3: {  	s3 =	rddreg [dreg:$0x2];
	s1 =	srdreg.scid  }
0x4: {  	s2 =	stileid.u32;
	s7 =	simm.s32 $0x0;
	s17 =	simm.s32 $0x4F00  }
0x5: {  	s18 =	simm.s32 $0x5700;
	s28 =	simm.s32 $0x3;
	s30 =	simm.s32 $0x4  }
0x6: {  	s10 =	simm.s32 $0x5;
	s29 =	simm.s32 $0x6;
	s1 =	sand.u32 $0x1, s1  }
0x7: {  	s4 =	smul.u32 $0x2780, s2;
	s6 =	sshll.u32 s2, $0x1;
	[smem:$0x7FF] =	sst s7  }
0x8: {  	s8 =	sadd.s32 $0x2A00, s0;
	s9 =	sadd.s32 $0x16400, s0;
	p0 =	slt.u32 s2, $0x2  }
0x9: {  	s31 =	sshll.u32 s2, $0x6;
	s5 =	smul.u32 $0x27800, s1;
	s6 =	sor.u32 s1, s6  }
0xa: {  	_ =	strace $0x8000004D;
	[dreg:$0x4] =	wrdreg s9;
	s1 =	ssub.s32 $0x2, s1  }
0xb: {  	s7 =	sor.u32 $0x1C19, s31;
	s19 =	smul.u32 $0x2700, s6;
	s22 =	sshrl.u32 s1, $0x1  }
0xc: {  	s24 =	sshll.u32 s6, $0x4;
	s6 =	simm.s32 $0x19;
	[dreg:$0x11] =	wrdreg s7  }
0xd: {  	s5 =	sadd.s32 s4, s5;
	s1 =	ssub.s32 s1, s22;
	s4 =	sadd.s32 s4, s3  }
0xe: {  	s5 =	sshrl.u32 s5, $0x3;
	s20 =	sshrl.u32 s19, $0x3;
	s1 =	smax.u32 s1, $0x1  }
0xf: {  	s0 =	sadd.s32 s5, s0;
	s23 =	sadd.s32 s8, s20;
	[dreg:$0x10] =	wrdreg s1  }
0x10: {  	s5 =	sadd.s32 s24, s8;
	s8 =	sshrl.u32 s4, $0x3;
	[dreg:$0x5] =	wrdreg s23  }
0x11: {  	s22 =	simm.s32 $0x80;
	s25 =	sadd.s32 $0x9C40, s23;
	[dreg:$0x12] =	wrdreg s8  }
0x12: {  	s19 =	simm.s32 $0x5F00;
	s0 =	sadd.s32 $0x16A00, s0;
	[dreg:$0x6] =	wrdreg s25  }
0x13: {  	s26 =	sadd.s32 $0x9C00, s5;
	[dreg:$0x9] =	wrdreg s0;
	s0 =	simm.s32 $0xE  }
0x14: {  	s24 =	simm.s32 $0x6F00;
	[dreg:$0x7] =	wrdreg s26;
	s0 =	simm.s32 @!p0 $0xD  }
0x15: {  	s5 =	sadd.s32 $0x13840, s5;
	[dreg:$0xa] =	wrdreg s0;
	s0 =	simm.s32 $0xF  }
0x16: {  	[dreg:$0x8] =	wrdreg s5;
	s5 =	simm.s32 $0x10;
	s0 =	simm.s32 @!p0 $0xE  }
0x17: {  	s5 =	simm.s32 @!p0 $0xF;
	[dreg:$0xb] =	wrdreg s0;
	s0 =	simm.s32 $0x11  }
0x18: {  	s20 =	simm.s32 $0x7700;
	[dreg:$0xc] =	wrdreg s5;
	s0 =	simm.s32 @!p0 $0x10  }
0x19: {  	s5 =	simm.s32 $0x13;
	[dreg:$0xd] =	wrdreg s0;
	s0 =	simm.s32 $0x12  }
0x1a: {  	s5 =	simm.s32 @!p0 $0x12;
	s0 =	simm.s32 @!p0 $0x11;
	p0 =	sgt.u32 s2, $0x1  }
0x1b: {  	s1 =	simm.s32 $0x0;
	[dreg:$0xe] =	wrdreg s0;
	s0 =	simm.s32 @!p0 $0x0  }
0x1c: {  	s23 =	simm.s32 $0x6700;
	[dreg:$0xf] =	wrdreg s5;
	s0 =	simm.s32 @p0 $0x1  }
0x1d: {  	s25 =	simm.s32 $0x1;
	s26 =	simm.s32 $0x2;
	[smem:$0x7FD] =	sst s0  }
.LBB2_1:
0x1e: {  	[dreg:$0x13] =	wrdreg s1  }
0x1f: {  	s2 =	simm.s32 $0x0;
	s0 =	rddreg [dreg:$0x5]  }
0x20: {  	[tilespmem:s2], [sflag:$0x19] =	stream.linear.gather [hbm4b:s0+s2], $0x2700, $0x38;
	[tilespmem:$0xD680] =	vst v63  }
0x21: {  	_ =	swait.ge [sflag:s6], $0x2700  }
0x22: {  	[sflag:s6] =	ssyncset.done $0x0  }
0x23: {  	s9 =	simm.s32 $0x2780;
	s5 =	rddreg [dreg:$0x6];
	[sflag:s6] =	ssyncadd.s32 $0xFFFFD900  }
0x24: {  	[tilespmem:s9], [sflag:$0x19] =	stream.linear.gather [hbm4b:s5+s2], $0x2700, $0x38;
	[tilespmem:$0xD680] =	vst v63  }
0x25: {  	_ =	swait.ge [sflag:s6], $0x2700  }
0x26: {  	s11 =	sld [smem:$0x7FD];
	_ =	sdelay $0x2  }
0x27: {  	[sflag:s6] =	ssyncset.done $0x0;
	s4 =	rddreg [dreg:$0x7];
	p0 =	seq.s32 s11, $0x1  }
0x28: {  	[sflag:s6] =	ssyncadd.s32 $0xFFFFD900;
	s0 =	simm.s32 @!p0 $0x0;
	s1 =	simm.s32 @!p0 $0x2700  }
0x29: {  	[tilespmem:s1], [sflag:$0x19] =	stream.linear.gather @!p0 [hbm4b:s4+s0], $0x80, $0x38;
	[tilespmem:$0xD680] =	vst v63  }
0x2a: {  	s1 =	simm.s32 @!p0 $0x19  }
0x2b: {  	_ =	swait.ge @!p0 [sflag:s1], $0x80  }
0x2c: {  	[sflag:s1] =	ssyncset.done @!p0 $0x0  }
0x2d: {  	s4 =	simm.s32 @!p0 $0x4E80;
	s5 =	rddreg [dreg:$0x8];
	[sflag:s1] =	ssyncadd.s32 @!p0 $0xFFFFFF80  }
0x2e: {  	[tilespmem:s4], [sflag:$0x19] =	stream.linear.gather @!p0 [hbm4b:s5+s0], $0x80, $0x38;
	[tilespmem:$0xD680] =	vst v63  }
0x2f: {  	_ =	swait.ge @!p0 [sflag:s1], $0x80  }
0x30: {  	[sflag:s1] =	ssyncset.done @!p0 $0x0  }
0x31: {  	s12 =	rddreg [dreg:$0x4];
	[sflag:s1] =	ssyncadd.s32 @!p0 $0xFFFFFF80  }
0x32: {  	[spmem:s8], [sflag:s7] =	dma.local [hbm:s12], $0x4F0  }
0x33: {  	_ =	swait.ge [sflag:s6], $0x4F0  }
0x34: {  	[sflag:s6] =	ssyncset.done $0x0  }
0x35: {  	[sflag:s6] =	ssyncadd.s32 $0xFFFFFB10  }
0x36: {  	[bflag:$0x0] =	sbarrier.arrive $0xFFFF  }
0x37: {  	[tilespmem:s17], [sflag:$0x1] =	stream.indirect.gather [hbm4b:s21+s22], $0x10, s2, s22, $0xb8;
	[tilespmem:$0xD680] =	vst v63  }
0x38: {  	_ = 	snop  }
0x39: {  	[tilespmem:s18], [sflag:$0x2] =	stream.indirect.gather [hbm4b:s21+s22], $0x10, s22, s22, $0xb8;
	[tilespmem:$0xD680] =	vst v63  }
0x3a: {  	s13 =	simm.s32 $0x100  }
0x3b: {  	[tilespmem:s19], [sflag:$0x3] =	stream.indirect.gather [hbm4b:s21+s22], $0x10, s13, s22, $0xb8;
	[tilespmem:$0xD680] =	vst v63  }
0x3c: {  	s14 =	simm.s32 $0x180  }
0x3d: {  	[tilespmem:s23], [sflag:$0x4] =	stream.indirect.gather [hbm4b:s21+s22], $0x10, s14, s22, $0xb8;
	[tilespmem:$0xD680] =	vst v63  }
0x3e: {  	s15 =	simm.s32 $0x200  }
0x3f: {  	[tilespmem:s24], [sflag:$0x5] =	stream.indirect.gather [hbm4b:s21+s22], $0x10, s15, s22, $0xb8;
	[tilespmem:$0xD680] =	vst v63  }
0x40: {  	s16 =	simm.s32 $0x280  }
0x41: {  	[tilespmem:s20], [sflag:$0x6] =	stream.indirect.gather [hbm4b:s21+s22], $0x10, s16, s22, $0xb8;
	[tilespmem:$0xD680] =	vst v63  }
0x42: {  	p5 =	por $0x1, $0x1;
	_ =	swait.ge [sflag:s25], $0x800  }
0x43: {  	s31 =	simm.s32 $0x2780;
	s8 =	simm.s32 @!p0 $0x4F;
	[sflag:s25] =	ssyncset.done $0x0  }
0x44: {  	s1 =	simm.s32 @!p5 $0x13;
	s8 =	simm.s32 @p0 $0x4E;
	[sflag:s25] =	ssyncadd.s32 $0xFFFFF800  }
0x45: {  	[spmem:s3] =	stream.indirect.scatter.add.f32 [tilespmem:s17], [sflag:$0xD], $0x10, s31, s22, $0xb8;
	[tilespmem:$0xD680] =	vst v63  }
0x46: {  	p4 =	sle.u32 s8, $0x6;
	_ =	swait.ge @!p5 [sflag:s1], $0x800  }
0x47: {  	s0 =	simm.s32 @!p4 $0x300;
	[sflag:s1] =	ssyncset.done @!p5 $0x0  }
0x48: {  	s13 =	simm.s32 @!p4 $0x7F00;
	s16 =	simm.s32 @!p4 $0x80;
	[sflag:s1] =	ssyncadd.s32 @!p5 $0xFFFFF800  }
0x49: {  	[tilespmem:s13], [sflag:$0x7] =	stream.indirect.gather @!p4 [hbm4b:s21+s16], $0x10, s0, s16, $0xb8;
	[tilespmem:$0xD680] =	vst v63  }
0x4a: {  	_ =	swait.ge [sflag:s26], $0x800  }
0x4b: {  	[sflag:s26] =	ssyncset.done $0x0  }
0x4c: {  	s2 =	simm.s32 $0x2800;
	s1 =	simm.s32 @!p5 $0x14;
	[sflag:s26] =	ssyncadd.s32 $0xFFFFF800  }
0x4d: {  	[spmem:s3] =	stream.indirect.scatter.add.f32 [tilespmem:s18], [sflag:$0xE], $0x10, s2, s22, $0xb8;
	[tilespmem:$0xD680] =	vst v63  }
0x4e: {  	p3 =	sle.u32 s8, $0x7;
	_ =	swait.ge @!p5 [sflag:s1], $0x800  }
0x4f: {  	s11 =	simm.s32 @!p3 $0x80;
	[sflag:s1] =	ssyncset.done @!p5 $0x0  }
0x50: {  	s15 =	simm.s32 @!p3 $0x8700;
	s0 =	simm.s32 @!p3 $0x380;
	[sflag:s1] =	ssyncadd.s32 @!p5 $0xFFFFF800  }
0x51: {  	[tilespmem:s15], [sflag:$0x8] =	stream.indirect.gather @!p3 [hbm4b:s21+s11], $0x10, s0, s11, $0xb8;
	[tilespmem:$0xD680] =	vst v63  }
0x52: {  	_ =	swait.ge [sflag:s28], $0x800  }
0x53: {  	p0 =	por $0x1, $0x1;
	[sflag:s28] =	ssyncset.done $0x0  }
0x54: {  	s4 =	simm.s32 $0x2880;
	s1 =	simm.s32 @!p0 $0x15;
	[sflag:s28] =	ssyncadd.s32 $0xFFFFF800  }
0x55: {  	[spmem:s3] =	stream.indirect.scatter.add.f32 [tilespmem:s19], [sflag:$0xF], $0x10, s4, s22, $0xb8;
	[tilespmem:$0xD680] =	vst v63  }
0x56: {  	p2 =	sle.u32 s8, $0x8;
	_ =	swait.ge @!p0 [sflag:s1], $0x800  }
0x57: {  	s9 =	simm.s32 @!p2 $0x8F00;
	[sflag:s1] =	ssyncset.done @!p0 $0x0  }
0x58: {  	s14 =	simm.s32 @!p2 $0x80;
	s0 =	simm.s32 @!p2 $0x400;
	[sflag:s1] =	ssyncadd.s32 @!p0 $0xFFFFF800  }
0x59: {  	[tilespmem:s9], [sflag:$0x9] =	stream.indirect.gather @!p2 [hbm4b:s21+s14], $0x10, s0, s14, $0xb8;
	[tilespmem:$0xD680] =	vst v63  }
0x5a: {  	_ =	swait.ge [sflag:s30], $0x800  }
0x5b: {  	p0 =	por $0x1, $0x1;
	[sflag:s30] =	ssyncset.done $0x0  }
0x5c: {  	s5 =	simm.s32 $0x2900;
	s1 =	simm.s32 @!p0 $0x16;
	[sflag:s30] =	ssyncadd.s32 $0xFFFFF800  }
0x5d: {  	[spmem:s3] =	stream.indirect.scatter.add.f32 [tilespmem:s23], [sflag:$0x10], $0x10, s5, s22, $0xb8;
	[tilespmem:$0xD680] =	vst v63  }
0x5e: {  	p1 =	sle.u32 s8, $0x9;
	_ =	swait.ge @!p0 [sflag:s1], $0x800  }
0x5f: {  	s7 =	simm.s32 @!p1 $0x9700;
	[sflag:s1] =	ssyncset.done @!p0 $0x0  }
0x60: {  	s12 =	simm.s32 @!p1 $0x80;
	s0 =	simm.s32 @!p1 $0x480;
	[sflag:s1] =	ssyncadd.s32 @!p0 $0xFFFFF800  }
0x61: {  	[tilespmem:s7], [sflag:$0xA] =	stream.indirect.gather @!p1 [hbm4b:s21+s12], $0x10, s0, s12, $0xb8;
	[tilespmem:$0xD680] =	vst v63  }
0x62: {  	_ =	swait.ge [sflag:s10], $0x800  }
0x63: {  	[sflag:s10] =	ssyncset.done $0x0  }
0x64: {  	s6 =	simm.s32 $0x2980;
	s1 =	simm.s32 @!p5 $0x17;
	[sflag:s10] =	ssyncadd.s32 $0xFFFFF800  }
0x65: {  	[spmem:s3] =	stream.indirect.scatter.add.f32 [tilespmem:s24], [sflag:$0x11], $0x10, s6, s22, $0xb8;
	[tilespmem:$0xD680] =	vst v63  }
0x66: {  	p0 =	sle.u32 s8, $0xA;
	_ =	swait.ge @!p5 [sflag:s1], $0x800  }
0x67: {  	s4 =	simm.s32 @!p0 $0x9F00;
	[sflag:s1] =	ssyncset.done @!p5 $0x0  }
0x68: {  	s0 =	simm.s32 @!p0 $0x500;
	s10 =	simm.s32 @!p0 $0x80;
	[sflag:s1] =	ssyncadd.s32 @!p5 $0xFFFFF800  }
0x69: {  	[tilespmem:s4], [sflag:$0xB] =	stream.indirect.gather @!p0 [hbm4b:s21+s10], $0x10, s0, s10, $0xb8;
	[tilespmem:$0xD680] =	vst v63  }
0x6a: {  	_ =	swait.ge [sflag:s29], $0x800  }
0x6b: {  	[sflag:s29] =	ssyncset.done $0x0  }
0x6c: {  	s31 =	simm.s32 $0x2A00;
	s6 =	simm.s32 @!p5 $0x18;
	[sflag:s29] =	ssyncadd.s32 $0xFFFFF800  }
0x6d: {  	[spmem:s3] =	stream.indirect.scatter.add.f32 [tilespmem:s20], [sflag:$0x12], $0x10, s31, s22, $0xb8;
	[tilespmem:$0xD680] =	vst v63  }
0x6e: {  	p6 =	sle.u32 s8, $0xB;
	_ =	swait.ge @!p5 [sflag:s6], $0x800  }
0x6f: {  	s1 =	simm.s32 @!p6 $0x80;
	[sflag:s6] =	ssyncset.done @!p5 $0x0  }
0x70: {  	s0 =	simm.s32 @!p6 $0x580;
	[sflag:s6] =	ssyncadd.s32 @!p5 $0xFFFFF800;
	s6 =	simm.s32 @!p6 $0xA700  }
0x71: {  	[tilespmem:s6], [sflag:$0xC] =	stream.indirect.gather @!p6 [hbm4b:s21+s1], $0x10, s0, s1, $0xb8;
	[tilespmem:$0xD680] =	vst v63  }
0x72: {  	s0 =	simm.s32 @!p4 $0x7  }
0x73: {  	_ =	swait.ge @!p4 [sflag:s0], $0x800  }
0x74: {  	[sflag:s0] =	ssyncset.done @!p4 $0x0  }
0x75: {  	[sflag:s0] =	ssyncadd.s32 @!p4 $0xFFFFF800;
	s0 =	simm.s32 @!p4 $0x2A80  }
0x76: {  	[spmem:s3] =	stream.indirect.scatter.add.f32 @!p4 [tilespmem:s13], [sflag:$0x13], $0x10, s0, s16, $0xb8;
	[tilespmem:$0xD680] =	vst v63  }
0x77: {  	p5 =	sle.u32 @!p4 s8, $0xC;
	s0 =	simm.s32 @!p4 $0xD  }
0x78: {  	p5 =	por p5, p4;
	_ =	swait.ge @!p4 [sflag:s0], $0x800  }
0x79: {  	s13 =	simm.s32 @!p5 $0x4F00;
	[sflag:s0] =	ssyncset.done @!p4 $0x0  }
0x7a: {  	s16 =	simm.s32 @!p5 $0x80;
	[sflag:s0] =	ssyncadd.s32 @!p4 $0xFFFFF800;
	s0 =	simm.s32 @!p5 $0x600  }
0x7b: {  	[tilespmem:s13], [sflag:$0x1] =	stream.indirect.gather @!p5 [hbm4b:s21+s16], $0x10, s0, s16, $0xb8;
	[tilespmem:$0xD680] =	vst v63  }
0x7c: {  	s0 =	simm.s32 @!p3 $0x8  }
0x7d: {  	_ =	swait.ge @!p3 [sflag:s0], $0x800  }
0x7e: {  	[sflag:s0] =	ssyncset.done @!p3 $0x0  }
0x7f: {  	[sflag:s0] =	ssyncadd.s32 @!p3 $0xFFFFF800;
	s0 =	simm.s32 @!p3 $0x2B00  }
0x80: {  	[spmem:s3] =	stream.indirect.scatter.add.f32 @!p3 [tilespmem:s15], [sflag:$0x14], $0x10, s0, s11, $0xb8;
	[tilespmem:$0xD680] =	vst v63  }
0x81: {  	p4 =	sle.u32 @!p3 s8, $0xD;
	s0 =	simm.s32 @!p3 $0xE  }
0x82: {  	p4 =	por p4, p3;
	_ =	swait.ge @!p3 [sflag:s0], $0x800  }
0x83: {  	s13 =	simm.s32 @!p4 $0x80;
	[sflag:s0] =	ssyncset.done @!p3 $0x0  }
0x84: {  	s11 =	simm.s32 @!p4 $0x5700;
	[sflag:s0] =	ssyncadd.s32 @!p3 $0xFFFFF800;
	s0 =	simm.s32 @!p4 $0x680  }
0x85: {  	[tilespmem:s11], [sflag:$0x2] =	stream.indirect.gather @!p4 [hbm4b:s21+s13], $0x10, s0, s13, $0xb8;
	[tilespmem:$0xD680] =	vst v63  }
0x86: {  	s0 =	simm.s32 @!p2 $0x9  }
0x87: {  	_ =	swait.ge @!p2 [sflag:s0], $0x800  }
0x88: {  	[sflag:s0] =	ssyncset.done @!p2 $0x0  }
0x89: {  	[sflag:s0] =	ssyncadd.s32 @!p2 $0xFFFFF800;
	s0 =	simm.s32 @!p2 $0x2B80  }
0x8a: {  	[spmem:s3] =	stream.indirect.scatter.add.f32 @!p2 [tilespmem:s9], [sflag:$0x15], $0x10, s0, s14, $0xb8;
	[tilespmem:$0xD680] =	vst v63  }
0x8b: {  	p3 =	sle.u32 @!p2 s8, $0xE;
	s0 =	simm.s32 @!p2 $0xF  }
0x8c: {  	p3 =	por p3, p2;
	_ =	swait.ge @!p2 [sflag:s0], $0x800  }
0x8d: {  	s11 =	simm.s32 @!p3 $0x5F00;
	[sflag:s0] =	ssyncset.done @!p2 $0x0  }
0x8e: {  	s9 =	simm.s32 @!p3 $0x80;
	[sflag:s0] =	ssyncadd.s32 @!p2 $0xFFFFF800;
	s0 =	simm.s32 @!p3 $0x700  }
0x8f: {  	[tilespmem:s11], [sflag:$0x3] =	stream.indirect.gather @!p3 [hbm4b:s21+s9], $0x10, s0, s9, $0xb8;
	[tilespmem:$0xD680] =	vst v63  }
0x90: {  	s0 =	simm.s32 @!p1 $0xA  }
0x91: {  	_ =	swait.ge @!p1 [sflag:s0], $0x800  }
0x92: {  	[sflag:s0] =	ssyncset.done @!p1 $0x0  }
0x93: {  	[sflag:s0] =	ssyncadd.s32 @!p1 $0xFFFFF800;
	s0 =	simm.s32 @!p1 $0x2C00  }
0x94: {  	[spmem:s3] =	stream.indirect.scatter.add.f32 @!p1 [tilespmem:s7], [sflag:$0x16], $0x10, s0, s12, $0xb8;
	[tilespmem:$0xD680] =	vst v63  }
0x95: {  	p2 =	sle.u32 @!p1 s8, $0xF;
	s0 =	simm.s32 @!p1 $0x10  }
0x96: {  	p2 =	por p2, p1;
	_ =	swait.ge @!p1 [sflag:s0], $0x800  }
0x97: {  	s9 =	simm.s32 @!p2 $0x80;
	[sflag:s0] =	ssyncset.done @!p1 $0x0  }
0x98: {  	s7 =	simm.s32 @!p2 $0x6700;
	[sflag:s0] =	ssyncadd.s32 @!p1 $0xFFFFF800;
	s0 =	simm.s32 @!p2 $0x780  }
0x99: {  	[tilespmem:s7], [sflag:$0x4] =	stream.indirect.gather @!p2 [hbm4b:s21+s9], $0x10, s0, s9, $0xb8;
	[tilespmem:$0xD680] =	vst v63  }
0x9a: {  	s0 =	simm.s32 @!p0 $0xB  }
0x9b: {  	_ =	swait.ge @!p0 [sflag:s0], $0x800  }
0x9c: {  	[sflag:s0] =	ssyncset.done @!p0 $0x0  }
0x9d: {  	[sflag:s0] =	ssyncadd.s32 @!p0 $0xFFFFF800;
	s0 =	simm.s32 @!p0 $0x2C80  }
0x9e: {  	[spmem:s3] =	stream.indirect.scatter.add.f32 @!p0 [tilespmem:s4], [sflag:$0x17], $0x10, s0, s10, $0xb8;
	[tilespmem:$0xD680] =	vst v63  }
0x9f: {  	p1 =	sle.u32 @!p0 s8, $0x10;
	s0 =	simm.s32 @!p0 $0x11  }
0xa0: {  	p1 =	por p1, p0;
	_ =	swait.ge @!p0 [sflag:s0], $0x800  }
0xa1: {  	s7 =	simm.s32 @!p1 $0x6F00;
	[sflag:s0] =	ssyncset.done @!p0 $0x0  }
0xa2: {  	s4 =	simm.s32 @!p1 $0x80;
	[sflag:s0] =	ssyncadd.s32 @!p0 $0xFFFFF800;
	s0 =	simm.s32 @!p1 $0x800  }
0xa3: {  	[tilespmem:s7], [sflag:$0x5] =	stream.indirect.gather @!p1 [hbm4b:s21+s4], $0x10, s0, s4, $0xb8;
	[tilespmem:$0xD680] =	vst v63  }
0xa4: {  	s0 =	simm.s32 @!p6 $0xC  }
0xa5: {  	s9 =	simm.s32 $0x1800;
	s10 =	simm.s32 $0x11;
	_ =	swait.ge @!p6 [sflag:s0], $0x800  }
0xa6: {  	p0 =	sle.u32 @!p6 s8, $0x11;
	s4 =	simm.s32 @!p6 $0x2D00;
	[sflag:s0] =	ssyncset.done @!p6 $0x0  }
0xa7: {  	p0 =	por p0, p6;
	[sflag:s0] =	ssyncadd.s32 @!p6 $0xFFFFF800;
	s0 =	simm.s32 @!p6 $0x12  }
0xa8: {  	[spmem:s3] =	stream.indirect.scatter.add.f32 @!p6 [tilespmem:s6], [sflag:$0x18], $0x10, s4, s1, $0xb8;
	[tilespmem:$0xD680] =	vst v63  }
0xa9: {  	p1 =	por p6, p6;
	s1 =	simm.s32 @!p0 $0x880;
	_ =	swait.ge @!p6 [sflag:s0], $0x800  }
.LBB2_2:
0xaa: {  	[sflag:s0] =	ssyncset.done @!p1 $0x0;
	s10 =	sadd.s32 $0xC, s10;
	s6 =	smov.u32 s9  }
0xab: {  	s4 =	simm.s32 @!p0 $0x7700;
	[sflag:s0] =	ssyncadd.s32 @!p1 $0xFFFFF800;
	s0 =	simm.s32 @!p0 $0x80  }
0xac: {  	s7 =	sshra.s32 s6, $0x2;
	s16 =	sadd.s32 $0xFFFFFFF5, s10;
	s12 =	sadd.s32 $0xFFFFFFF6, s10  }
0xad: {  	[tilespmem:s4], [sflag:$0x6] =	stream.indirect.gather @!p0 [hbm4b:s21+s0], $0x10, s1, s0, $0xb8;
	[tilespmem:$0xD680] =	vst v63  }
0xae: {  	s31 =	sadd.s32 $0xFFFFFFF1, s10;
	s14 =	sadd.s32 $0xFFFFFFF7, s10;
	s20 =	sadd.s32 $0x2780, s7  }
0xaf: {  	p0 =	seq.s32 s6, $0x0;
	p2 =	sge.u32 s16, s8;
	s29 =	sadd.s32 $0x2800, s7  }
0xb0: {  	p3 =	sge.u32 s12, s8;
	s5 =	sadd.s32 $0x2880, s7;
	_ =	swait.ge [sflag:s25], $0x800  }
0xb1: {  	p5 =	slt.u32 s31, $0x6;
	s4 =	simm.s32 @!p0 $0x13;
	[sflag:s25] =	ssyncset.done $0x0  }
0xb2: {  	s0 =	sshra.s32 @!p2 s6, $0x2;
	s2 =	simm.s32 @!p2 $0x7F00;
	[sflag:s25] =	ssyncadd.s32 $0xFFFFF800  }
0xb3: {  	[spmem:s3] =	stream.indirect.scatter.add.f32 [tilespmem:s17], [sflag:$0xD], $0x10, s20, s22, $0xb8;
	[tilespmem:$0xD680] =	vst v63  }
0xb4: {  	s15 =	sshra.s32 @!p3 s6, $0x2;
	s13 =	simm.s32 @!p3 $0x8700;
	_ =	swait.ge @!p0 [sflag:s4], $0x800  }
0xb5: {  	s1 =	sadd.s32 @!p2 $0x300, s0;
	s11 =	sadd.s32 @!p2 $0x2A80, s0;
	[sflag:s4] =	ssyncset.done @!p0 $0x0  }
0xb6: {  	s0 =	sadd.s32 @!p2 $0xFFFFFFFB, s10;
	s17 =	simm.s32 @!p2 $0x80;
	[sflag:s4] =	ssyncadd.s32 @!p0 $0xFFFFF800  }
0xb7: {  	[tilespmem:s2], [sflag:$0x7] =	stream.indirect.gather @!p2 [hbm4b:s21+s17], $0x10, s1, s17, $0xb8;
	[tilespmem:$0xD680] =	vst v63  }
0xb8: {  	s12 =	sadd.s32 @!p3 $0xFFFFFFFC, s10;
	p1 =	sge.u32 @!p2 s0, s8;
	_ =	swait.ge [sflag:s26], $0x800  }
0xb9: {  	p6 =	sge.u32 @!p3 s12, s8;
	p1 =	por p1, p2;
	[sflag:s26] =	ssyncset.done $0x0  }
0xba: {  	s0 =	sshra.s32 @!p1 s6, $0x2;
	s1 =	simm.s32 @!p0 $0x14;
	[sflag:s26] =	ssyncadd.s32 $0xFFFFF800  }
0xbb: {  	[spmem:s3] =	stream.indirect.scatter.add.f32 [tilespmem:s18], [sflag:$0xE], $0x10, s29, s22, $0xb8;
	[tilespmem:$0xD680] =	vst v63  }
0xbc: {  	s18 =	sadd.s32 @!p1 $0x600, s0;
	s0 =	simm.s32 @!p1 $0x0;
	_ =	swait.ge @!p0 [sflag:s1], $0x800  }
0xbd: {  	s2 =	simm.s32 @!p3 $0x80;
	s0 =	simm.s32 @p1 $0x1;
	[sflag:s1] =	ssyncset.done @!p0 $0x0  }
0xbe: {  	[smem:$0x7F8] =	sst s0;
	[sflag:s1] =	ssyncadd.s32 @!p0 $0xFFFFF800;
	s1 =	sadd.s32 @!p3 $0x380, s15  }
0xbf: {  	[tilespmem:s13], [sflag:$0x8] =	stream.indirect.gather @!p3 [hbm4b:s21+s2], $0x10, s1, s2, $0xb8;
	[tilespmem:$0xD680] =	vst v63  }
0xc0: {  	p4 =	sge.u32 s14, s8;
	s2 =	simm.s32 @!p6 $0x0;
	_ =	swait.ge [sflag:s28], $0x800  }
0xc1: {  	s31 =	sshra.s32 @!p4 s6, $0x2;
	s2 =	simm.s32 @p6 $0x1;
	[sflag:s28] =	ssyncset.done $0x0  }
0xc2: {  	s0 =	simm.s32 @!p5 $0x15;
	[smem:$0x7F5] =	sst s2;
	[sflag:s28] =	ssyncadd.s32 $0xFFFFF800  }
0xc3: {  	[spmem:s3] =	stream.indirect.scatter.add.f32 [tilespmem:s19], [sflag:$0xF], $0x10, s5, s22, $0xb8;
	[tilespmem:$0xD680] =	vst v63  }
0xc4: {  	s14 =	simm.s32 @!p4 $0x80;
	s2 =	simm.s32 @!p3 $0x0;
	_ =	swait.ge @!p5 [sflag:s0], $0x800  }
0xc5: {  	s12 =	simm.s32 @!p4 $0x8F00;
	s2 =	simm.s32 @p3 $0x1;
	[sflag:s0] =	ssyncset.done @!p5 $0x0  }
0xc6: {  	s1 =	sadd.s32 @!p4 $0x400, s31;
	[smem:$0x7F7] =	sst s2;
	[sflag:s0] =	ssyncadd.s32 @!p5 $0xFFFFF800  }
0xc7: {  	[tilespmem:s12], [sflag:$0x9] =	stream.indirect.gather @!p4 [hbm4b:s21+s14], $0x10, s1, s14, $0xb8;
	[tilespmem:$0xD680] =	vst v63  }
0xc8: {  	s16 =	sadd.s32 $0xFFFFFFF2, s10;
	s25 =	sadd.s32 $0xFFFFFFF8, s10;
	_ =	swait.ge [sflag:s30], $0x800  }
0xc9: {  	p6 =	slt.u32 s16, $0x6;
	s19 =	sadd.s32 $0x2900, s7;
	[sflag:s30] =	ssyncset.done $0x0  }
0xca: {  	s0 =	simm.s32 @!p6 $0x16;
	p5 =	sge.u32 s25, s8;
	[sflag:s30] =	ssyncadd.s32 $0xFFFFF800  }
0xcb: {  	[spmem:s3] =	stream.indirect.scatter.add.f32 [tilespmem:s23], [sflag:$0x10], $0x10, s19, s22, $0xb8;
	[tilespmem:$0xD680] =	vst v63  }
0xcc: {  	s29 =	sadd.s32 @!p3 $0x2B00, s15;
	s25 =	sshra.s32 @!p5 s6, $0x2;
	_ =	swait.ge @!p6 [sflag:s0], $0x800  }
0xcd: {  	s15 =	simm.s32 @!p5 $0x9700;
	[sflag:s0] =	ssyncset.done @!p6 $0x0;
	s26 =	sld [smem:$0x7F5]  }
0xce: {  	s16 =	simm.s32 @!p5 $0x80;
	s19 =	sadd.s32 @!p5 $0x480, s25;
	[sflag:s0] =	ssyncadd.s32 @!p6 $0xFFFFF800  }
0xcf: {  	[tilespmem:s15], [sflag:$0xA] =	stream.indirect.gather @!p5 [hbm4b:s21+s16], $0x10, s19, s16, $0xb8;
	[tilespmem:$0xD680] =	vst v63  }
0xd0: {  	p6 =	seq.s32 s26, $0x1  }
0xd1: {  	p6 =	por p6, p3  }
0xd2: {  	s0 =	simm.s32 @!p6 $0x0  }
0xd3: {  	s0 =	simm.s32 @p6 $0x1  }
0xd4: {  	s20 =	simm.s32 @!p1 $0x4F00;
	[smem:$0x7F9] =	sst s0;
	s0 =	simm.s32 $0x5  }
0xd5: {  	s28 =	simm.s32 @!p1 $0x80;
	s5 =	sadd.s32 $0xFFFFFFF9, s10;
	_ =	swait.ge [sflag:s0], $0x800  }
0xd6: {  	p1 =	sge.u32 s5, s8;
	s2 =	sadd.s32 $0x2980, s7;
	[sflag:s0] =	ssyncset.done $0x0  }
0xd7: {  	s1 =	simm.s32 $0x6;
	s26 =	simm.s32 @!p0 $0x17;
	[sflag:s0] =	ssyncadd.s32 $0xFFFFF800  }
0xd8: {  	[spmem:s3] =	stream.indirect.scatter.add.f32 [tilespmem:s24], [sflag:$0x11], $0x10, s2, s22, $0xb8;
	[tilespmem:$0xD680] =	vst v63  }
0xd9: {  	s30 =	sshra.s32 @!p1 s6, $0x2;
	s23 =	simm.s32 @!p1 $0x9F00;
	_ =	swait.ge @!p0 [sflag:s26], $0x800  }
0xda: {  	s19 =	sshra.s32 @!p6 s6, $0x2;
	s0 =	sadd.s32 @!p1 $0x500, s30;
	[sflag:s26] =	ssyncset.done @!p0 $0x0  }
0xdb: {  	s24 =	simm.s32 @!p1 $0x80;
	[sflag:s26] =	ssyncadd.s32 @!p0 $0xFFFFF800;
	s26 =	sadd.s32 @!p4 $0xFFFFFFFD, s10  }
0xdc: {  	[tilespmem:s23], [sflag:$0xB] =	stream.indirect.gather @!p1 [hbm4b:s21+s24], $0x10, s0, s24, $0xb8;
	[tilespmem:$0xD680] =	vst v63  }
0xdd: {  	s19 =	sadd.s32 @!p6 $0x680, s19;
	p6 =	sge.u32 @!p4 s26, s8;
	_ =	swait.ge [sflag:s1], $0x800  }
0xde: {  	s2 =	sadd.s32 $0xFFFFFFFA, s10;
	p6 =	por p6, p4;
	[sflag:s1] =	ssyncset.done $0x0  }
0xdf: {  	p3 =	sge.u32 s2, s8;
	[sflag:s1] =	ssyncadd.s32 $0xFFFFF800;
	s1 =	simm.s32 @!p6 $0x0  }
0xe0: {  	s2 =	simm.s32 $0x7700;
	s0 =	sadd.s32 $0x2A00, s7;
	s1 =	simm.s32 @p6 $0x1  }
0xe1: {  	[spmem:s3] =	stream.indirect.scatter.add.f32 [tilespmem:s2], [sflag:$0x12], $0x10, s0, s22, $0xb8;
	[tilespmem:$0xD680] =	vst v63  }
0xe2: {  	s26 =	simm.s32 @!p0 $0x18;
	[smem:$0x7FA] =	sst s1  }
0xe3: {  	s7 =	simm.s32 @!p3 $0x80;
	_ =	swait.ge @!p0 [sflag:s26], $0x800  }
0xe4: {  	s22 =	sshra.s32 @!p3 s6, $0x2;
	[sflag:s26] =	ssyncset.done @!p0 $0x0;
	s2 =	sld [smem:$0x7FA]  }
0xe5: {  	s0 =	sadd.s32 @!p3 $0x580, s22;
	[sflag:s26] =	ssyncadd.s32 @!p0 $0xFFFFF800;
	s26 =	simm.s32 @!p3 $0xA700  }
0xe6: {  	[tilespmem:s26], [sflag:$0xC] =	stream.indirect.gather @!p3 [hbm4b:s21+s7], $0x10, s0, s7, $0xb8;
	[tilespmem:$0xD680] =	vst v63  }
0xe7: {  	p0 =	seq.s32 s2, $0x1  }
0xe8: {  	s5 =	sadd.s32 @!p5 $0xFFFFFFFE, s10;
	s2 =	sshra.s32 @!p0 s6, $0x2  }
0xe9: {  	s0 =	sadd.s32 @!p0 $0x700, s2;
	p0 =	sge.u32 @!p5 s5, s8  }
0xea: {  	s4 =	simm.s32 @!p2 $0xD;
	s2 =	sadd.s32 @!p1 $0xFFFFFFFF, s10;
	p0 =	por p0, p5  }
0xeb: {  	s1 =	simm.s32 @!p2 $0x7;
	p6 =	sge.u32 @!p1 s2, s8;
	s5 =	simm.s32 @!p0 $0x0  }
0xec: {  	_ =	swait.ge @!p2 [sflag:s1], $0x800;
	s2 =	simm.s32 @!p6 $0x0;
	s5 =	simm.s32 @p0 $0x1  }
0xed: {  	[sflag:s1] =	ssyncset.done @!p2 $0x0;
	s2 =	simm.s32 @p6 $0x1;
	[smem:$0x7FB] =	sst s5  }
0xee: {  	[sflag:s1] =	ssyncadd.s32 @!p2 $0xFFFFF800;
	[smem:$0x7F6] =	sst s2;
	s2 =	simm.s32 @!p2 $0x7F00  }
0xef: {  	[spmem:s3] =	stream.indirect.scatter.add.f32 @!p2 [tilespmem:s2], [sflag:$0x13], $0x10, s11, s17, $0xb8;
	[tilespmem:$0xD680] =	vst v63  }
0xf0: {  	_ =	swait.ge @!p2 [sflag:s4], $0x800  }
0xf1: {  	s5 =	sld [smem:$0x7F6]  }
0xf2: {  	s1 =	sshra.s32 @!p0 s6, $0x2  }
0xf3: {  	s17 =	sadd.s32 @!p0 $0x780, s1;
	[sflag:s4] =	ssyncset.done @!p2 $0x0  }
0xf4: {  	s11 =	sld [smem:$0x7F7];
	[sflag:s4] =	ssyncadd.s32 @!p2 $0xFFFFF800;
	p6 =	seq.s32 s5, $0x1  }
0xf5: {  	s4 =	sadd.s32 @!p3 $0x2D00, s22;
	s22 =	sld [smem:$0x7F8];
	p0 =	por p6, p1  }
0xf6: {  	s1 =	simm.s32 @!p0 $0x0;
	s2 =	sshra.s32 @!p0 s6, $0x2  }
0xf7: {  	p6 =	seq.s32 s11, $0x1;
	s1 =	simm.s32 @p0 $0x1;
	s11 =	sadd.s32 @!p0 $0x800, s2  }
0xf8: {  	p0 =	seq.s32 s22, $0x1;
	[smem:$0x7FC] =	sst s1;
	s1 =	simm.s32 @!p6 $0x8  }
0xf9: {  	[tilespmem:s20], [sflag:$0x1] =	stream.indirect.gather @!p0 [hbm4b:s21+s28], $0x10, s18, s28, $0xb8;
	[tilespmem:$0xD680] =	vst v63  }
0xfa: {  	_ =	swait.ge @!p6 [sflag:s1], $0x800  }
0xfb: {  	[sflag:s1] =	ssyncset.done @!p6 $0x0  }
0xfc: {  	s20 =	simm.s32 @!p6 $0x80;
	[sflag:s1] =	ssyncadd.s32 @!p6 $0xFFFFF800;
	s1 =	simm.s32 @!p6 $0xE  }
0xfd: {  	[spmem:s3] =	stream.indirect.scatter.add.f32 @!p6 [tilespmem:s13], [sflag:$0x14], $0x10, s29, s20, $0xb8;
	[tilespmem:$0xD680] =	vst v63  }
0xfe: {  	_ =	swait.ge @!p6 [sflag:s1], $0x800  }
0xff: {  	s2 =	sadd.s32 @!p4 $0x2B80, s31;
	s31 =	sld [smem:$0x7F9];
	_ =	sdelay $0x1  }
0x100: {  	s22 =	simm.s32 @!p4 $0x9  }
0x101: {  	p0 =	sge.u32 @!p3 s10, s8;
	[sflag:s1] =	ssyncset.done @!p6 $0x0;
	p2 =	seq.s32 s31, $0x1  }
0x102: {  	[sflag:s1] =	ssyncadd.s32 @!p6 $0xFFFFF800;
	s13 =	simm.s32 @!p2 $0x5700;
	s20 =	simm.s32 @!p2 $0x80  }
0x103: {  	[tilespmem:s13], [sflag:$0x2] =	stream.indirect.gather @!p2 [hbm4b:s21+s20], $0x10, s19, s20, $0xb8;
	[tilespmem:$0xD680] =	vst v63  }
0x104: {  	p0 =	por p0, p3;
	_ =	swait.ge @!p4 [sflag:s22], $0x800  }
0x105: {  	s6 =	sshra.s32 @!p0 s6, $0x2;
	[sflag:s22] =	ssyncset.done @!p4 $0x0  }
0x106: {  	s1 =	sadd.s32 @!p0 $0x880, s6;
	s6 =	simm.s32 @!p4 $0xF;
	[sflag:s22] =	ssyncadd.s32 @!p4 $0xFFFFF800  }
0x107: {  	[spmem:s3] =	stream.indirect.scatter.add.f32 @!p4 [tilespmem:s12], [sflag:$0x15], $0x10, s2, s14, $0xb8;
	[tilespmem:$0xD680] =	vst v63  }
0x108: {  	_ =	swait.ge @!p4 [sflag:s6], $0x800  }
0x109: {  	s20 =	sld [smem:$0x7FA];
	_ =	sdelay $0x2  }
0x10a: {  	s13 =	simm.s32 @!p5 $0xA;
	[sflag:s6] =	ssyncset.done @!p4 $0x0;
	p2 =	seq.s32 s20, $0x1  }
0x10b: {  	[sflag:s6] =	ssyncadd.s32 @!p4 $0xFFFFF800;
	s2 =	simm.s32 @!p2 $0x80;
	s12 =	simm.s32 @!p2 $0x5F00  }
0x10c: {  	[tilespmem:s12], [sflag:$0x3] =	stream.indirect.gather @!p2 [hbm4b:s21+s2], $0x10, s0, s2, $0xb8;
	[tilespmem:$0xD680] =	vst v63  }
0x10d: {  	_ =	swait.ge @!p5 [sflag:s13], $0x800  }
0x10e: {  	[sflag:s13] =	ssyncset.done @!p5 $0x0  }
0x10f: {  	s5 =	sadd.s32 @!p5 $0x2C00, s25;
	s0 =	simm.s32 @!p5 $0x10;
	[sflag:s13] =	ssyncadd.s32 @!p5 $0xFFFFF800  }
0x110: {  	[spmem:s3] =	stream.indirect.scatter.add.f32 @!p5 [tilespmem:s15], [sflag:$0x16], $0x10, s5, s16, $0xb8;
	[tilespmem:$0xD680] =	vst v63  }
0x111: {  	_ =	swait.ge @!p5 [sflag:s0], $0x800  }
0x112: {  	s29 =	sld [smem:$0x7FB];
	_ =	sdelay $0x2  }
0x113: {  	s6 =	simm.s32 @!p1 $0xB;
	[sflag:s0] =	ssyncset.done @!p5 $0x0;
	p2 =	seq.s32 s29, $0x1  }
0x114: {  	[sflag:s0] =	ssyncadd.s32 @!p5 $0xFFFFF800;
	s2 =	simm.s32 @!p2 $0x6700;
	s5 =	simm.s32 @!p2 $0x80  }
0x115: {  	[tilespmem:s2], [sflag:$0x4] =	stream.indirect.gather @!p2 [hbm4b:s21+s5], $0x10, s17, s5, $0xb8;
	[tilespmem:$0xD680] =	vst v63  }
0x116: {  	_ =	swait.ge @!p1 [sflag:s6], $0x800  }
0x117: {  	[sflag:s6] =	ssyncset.done @!p1 $0x0  }
0x118: {  	s18 =	sadd.s32 @!p1 $0x2C80, s30;
	s0 =	simm.s32 @!p1 $0x11;
	[sflag:s6] =	ssyncadd.s32 @!p1 $0xFFFFF800  }
0x119: {  	[spmem:s3] =	stream.indirect.scatter.add.f32 @!p1 [tilespmem:s23], [sflag:$0x17], $0x10, s18, s24, $0xb8;
	[tilespmem:$0xD680] =	vst v63  }
0x11a: {  	_ =	swait.ge @!p1 [sflag:s0], $0x800  }
0x11b: {  	s9 =	sadd.s32 $0x1800, s9;
	s31 =	sld [smem:$0x7FC]  }
0x11c: {  	s25 =	simm.s32 $0x1;
	s28 =	simm.s32 $0x3;
	s30 =	simm.s32 $0x4  }
0x11d: {  	p6 =	sne.s32 s9, $0xA800;
	s19 =	simm.s32 $0x5F00;
	[sflag:s0] =	ssyncset.done @!p1 $0x0  }
0x11e: {  	s22 =	simm.s32 $0x80;
	[sflag:s0] =	ssyncadd.s32 @!p1 $0xFFFFF800;
	p2 =	seq.s32 s31, $0x1  }
0x11f: {  	s0 =	simm.s32 @!p3 $0xC;
	s2 =	simm.s32 @!p2 $0x80;
	s5 =	simm.s32 @!p2 $0x6F00  }
0x120: {  	[tilespmem:s5], [sflag:$0x5] =	stream.indirect.gather @!p2 [hbm4b:s21+s2], $0x10, s11, s2, $0xb8;
	[tilespmem:$0xD680] =	vst v63  }
.Ltmp0:
0x121: {  	s17 =	simm.s32 $0x4F00;
	_ =	swait.ge @!p3 [sflag:s0], $0x800;
	(pc) =	sbr.rel @p6 .LBB2_2-.Ltmp0, $4  }
0x122: {  	s24 =	simm.s32 $0x6F00;
	s23 =	simm.s32 $0x6700;
	[sflag:s0] =	ssyncset.done @!p3 $0x0  }
0x123: {  	s18 =	simm.s32 $0x5700;
	[sflag:s0] =	ssyncadd.s32 @!p3 $0xFFFFF800;
	s0 =	simm.s32 @!p3 $0x12  }
0x124: {  	[spmem:s3] =	stream.indirect.scatter.add.f32 @!p3 [tilespmem:s26], [sflag:$0x18], $0x10, s4, s7, $0xb8;
	[tilespmem:$0xD680] =	vst v63  }
0x125: {  	p1 =	por p3, p3;
	s26 =	simm.s32 $0x2;
	_ =	swait.ge @!p3 [sflag:s0], $0x800  }
0x126: {  	[sflag:s0] =	ssyncset.done @!p1 $0x0;
	s2 =	simm.s32 @!p0 $0x7700  }
0x127: {  	s10 =	rddreg [dreg:$0xa];
	[sflag:s0] =	ssyncadd.s32 @!p1 $0xFFFFF800;
	s0 =	simm.s32 @!p0 $0x80  }
0x128: {  	[tilespmem:s2], [sflag:$0x6] =	stream.indirect.gather @!p0 [hbm4b:s21+s0], $0x10, s1, s0, $0xb8;
	[tilespmem:$0xD680] =	vst v63  }
0x129: {  	_ =	swait.ge [sflag:s10], $0x800  }
0x12a: {  	[sflag:s10] =	ssyncset.done $0x0  }
0x12b: {  	s11 =	rddreg [dreg:$0xb];
	[sflag:s10] =	ssyncadd.s32 $0xFFFFF800  }
0x12c: {  	_ =	swait.ge [sflag:s11], $0x800  }
0x12d: {  	[sflag:s11] =	ssyncset.done $0x0  }
0x12e: {  	s12 =	rddreg [dreg:$0xc];
	[sflag:s11] =	ssyncadd.s32 $0xFFFFF800  }
0x12f: {  	_ =	swait.ge [sflag:s12], $0x800  }
0x130: {  	[sflag:s12] =	ssyncset.done $0x0  }
0x131: {  	s13 =	rddreg [dreg:$0xd];
	[sflag:s12] =	ssyncadd.s32 $0xFFFFF800  }
0x132: {  	_ =	swait.ge [sflag:s13], $0x800  }
0x133: {  	[sflag:s13] =	ssyncset.done $0x0  }
0x134: {  	s14 =	rddreg [dreg:$0xe];
	[sflag:s13] =	ssyncadd.s32 $0xFFFFF800  }
0x135: {  	_ =	swait.ge [sflag:s14], $0x800  }
0x136: {  	[sflag:s14] =	ssyncset.done $0x0  }
0x137: {  	s15 =	rddreg [dreg:$0xf];
	[sflag:s14] =	ssyncadd.s32 $0xFFFFF800  }
0x138: {  	_ =	swait.ge [sflag:s15], $0x800  }
0x139: {  	[sflag:s15] =	ssyncset.done $0x0  }
0x13a: {  	[sflag:s15] =	ssyncadd.s32 $0xFFFFF800  }
0x13b: {  	[bflag:$0x0] =	sbarrier.arrive $0xFFFF  }
0x13c: {  	s16 =	rddreg [dreg:$0x9]  }
0x13d: {  	s7 =	rddreg [dreg:$0x11]  }
0x13e: {  	s6 =	simm.s32 $0x19;
	s8 =	rddreg [dreg:$0x12]  }
0x13f: {  	[hbm:s16], [sflag:s7] =	dma.local [spmem:s8], $0x4F0  }
0x140: {  	_ =	swait.ge [sflag:s6], $0x4F0  }
0x141: {  	s20 =	rddreg [dreg:$0x13]  }
0x142: {  	s31 =	rddreg [dreg:$0x10];
	s1 =	sadd.s32 $0x1, s20  }
0x143: {  	p0 =	sne.s32 s1, s31  }
.Ltmp1:
0x144: {  	_ = 	snop;
	(pc) =	sbr.rel @p0 .LBB2_1-.Ltmp1, $3  }
0x145: {  	_ =	sdelay $0x1  }
0x146: {  	s29 =	simm.s32 $0x6;
	[sflag:s6] =	ssyncset.done $0x0  }
0x147: {  	s10 =	simm.s32 $0x5;
	[sflag:s6] =	ssyncadd.s32 $0xFFFFFB10;
	s20 =	simm.s32 $0x7700  }
0x148: {  	_ =	sfence.sel $0x180000  }
0x149: {  	[bflag:$0x0] =	sbarrier.arrive $0xFFFF  }
0x14a: {  	_ =	strace $0x9000004D  }
0x14b: {  	s0 =	stileid.u32;
	[bflag:$0x2] =	sbarrier.arrive $0xFFFF  }
0x14c: {  	p0 =	sne.s32 s0, $0x0;
	s0 =	rddreg [dreg:$0x3]  }
0x14d: {  	s0 =	sadd.s32 @!p0 $0x100000, s0  }
0x14e: {  	[sflag:s0] =	ssyncadd.tile.s32 @!p0 $0x1;
	_ =	shalt  }
.Lfunc_end2:
_tile_overlayer_lowered:
.L_overlay_start_2:
0x14f: {  	(tag) =	ssettag $0x2  }
0x150: {  	s0 =	rddreg [dreg:$0x0];
	s2 =	stileid.u32  }
0x151: {  	s1 =	rddreg [dreg:$0x1];
	p0 =	sne.s32 s2, $0x0  }
0x152: {  	s3 =	rddreg [dreg:$0x2];
	[bflag:$0x3] =	sbarrier.arrive $0xFFFF;
	s2 =	simm.s32 @!p0 $0x1C19  }
0x153: {  	[timem:s3], [sflag:s2] =	dma.local @!p0 [hbm:s0], s1  }
0x154: {  	s0 =	simm.s32 @!p0 $0x19  }
0x155: {  	_ =	swait.ge @!p0 [sflag:s0], s1  }
0x156: {  	s1 =	ssub.s32 @!p0 $0x0, s1;
	[sflag:s0] =	ssyncset.done @!p0 $0x0  }
0x157: {  	[sflag:s0] =	ssyncadd.s32 @!p0 s1  }
0x158: {  	[bflag:$0x3] =	sbarrier.arrive $0xFFFF  }
0x159: {  	_ =	shalt  }

</sc_bundles>
